<compile_context>
chip_gen: v7x
topology: tpu7x:2x2x1
jax: 0.10.2.dev20260603
libtpu: 0.0.44.dev20260713+nightly
codegen_flags: <defaults>
</compile_context>

<pallas_src>
import functools

import jax
import jax.numpy as jnp
from jax import lax
from jax.experimental import pallas as pl
from jax.experimental.pallas import tpu as pltpu
from jax.experimental.pallas import tpu_sc as plsc

D = 128
B = 512
WL = 40
WIN = 5
NEG = 5
T = B * WL
NNEG = T * NEG
NPOS = B * 2 * sum(WL - d for d in range(1, WIN + 1))

NC = 2
NS = 16
NW = NC * NS
TPW = T // NW
NEGPW = NNEG // NW
CH = 128
NCH_TOK = TPW // CH

NTOK_CH = 16
NEG_CH = NTOK_CH * NEG
NCH_NEG = TPW // NTOK_CH
PPR = NEG_CH // 8
PPG = 4
PP_ROWS = NNEG // 8

_SC_MESH = dict(core_axis_name="c", subcore_axis_name="s",
                num_cores=NC, num_subcores=NS)


def _worker_id():
    return lax.axis_index("s") * NC + lax.axis_index("c")


def _sc_tok_body(walk_hbm, node_hbm, ctx_hbm, nodeg_hbm, ctxg_hbm,
                 walk_v, rows_v, gs0, gs1, gs2, gs3, os0, os1, os2, os3):
    gsems = (gs0, gs1, gs2, gs3)
    osems = (os0, os1, os2, os3)
    wid = _worker_id()
    tbase = wid * TPW

    pltpu.sync_copy(walk_hbm.at[pl.ds(tbase, TPW)], walk_v)

    def gather(j, b):
        idx = walk_v.at[pl.ds((j // 2) * CH, CH)]
        tab = node_hbm if j % 2 == 0 else ctx_hbm
        pltpu.async_copy(tab.at[idx], rows_v.at[b], gsems[b])

    def out(j, b):
        dst = nodeg_hbm if j % 2 == 0 else ctxg_hbm
        pltpu.async_copy(
            rows_v.at[b], dst.at[pl.ds(tbase + (j // 2) * CH, CH)], osems[b])

    for j in range(4):
        gather(j, j)
    for j in range(2 * NCH_TOK):
        b = j % 4
        pltpu.make_async_copy(
            node_hbm.at[pl.ds(0, CH)], rows_v.at[b], gsems[b]).wait()
        out(j, b)
        pltpu.make_async_copy(
            rows_v.at[b], nodeg_hbm.at[pl.ds(0, CH)], osems[b]).wait()
        if j + 4 < 2 * NCH_TOK:
            gather(j + 4, b)


@functools.cache
def _sc_tok():
    return pl.kernel(
        _sc_tok_body,
        out_type=(
            jax.ShapeDtypeStruct((T, D), jnp.float32),
            jax.ShapeDtypeStruct((T, D), jnp.float32),
        ),
        mesh=plsc.VectorSubcoreMesh(**_SC_MESH),
        scratch_types=(
            pltpu.VMEM((TPW,), jnp.int32),
            pltpu.VMEM((4, CH, D), jnp.float32),
        ) + (pltpu.SemaphoreType.DMA,) * 8,
    )


def _sc_neg_body(negidx_hbm, ctxg_hbm, nodeg_hbm, pp_hbm,
                 negidx_v, node_v, nrow_v, pp_v,
                 nsem, ng0, ng1, po0, po1):
    ngsems = (ng0, ng1)
    posems = (po0, po1)
    wid = _worker_id()
    tbase = wid * TPW
    nbase = wid * NEGPW

    pltpu.async_copy(nodeg_hbm.at[pl.ds(tbase, TPW)], node_v, nsem)

    pltpu.sync_copy(negidx_hbm.at[pl.ds(nbase, NEGPW)], negidx_v)

    def neg_gather(c, b):
        pltpu.async_copy(
            ctxg_hbm.at[negidx_v.at[pl.ds(c * NEG_CH, NEG_CH)]],
            nrow_v.at[b], ngsems[b])

    for c in range(2):
        neg_gather(c, c)

    pltpu.make_async_copy(
        nodeg_hbm.at[pl.ds(0, TPW)], node_v, nsem).wait()

    @pl.loop(0, NCH_NEG // 2)
    def _neg_group(g):
        for cc in range(2):
            c = g * 2 + cc
            pltpu.make_async_copy(
                ctxg_hbm.at[pl.ds(0, NEG_CH)], nrow_v.at[cc], ngsems[cc]).wait()

            @pl.when(g > 0)
            def _():
                pltpu.make_async_copy(
                    pp_v.at[cc], pp_hbm.at[pl.ds(0, NTOK_CH)],
                    posems[cc]).wait()

            @pl.loop(0, NTOK_CH, unroll=2)
            def _tok(tt):
                trow = c * NTOK_CH + tt
                nd = [node_v[trow, pl.ds(q * 16, 16)] for q in range(8)]
                for k in range(NEG):
                    r = tt * NEG + k
                    acc0 = nd[0] * nrow_v[cc, r, pl.ds(0, 16)]
                    acc1 = nd[1] * nrow_v[cc, r, pl.ds(16, 16)]
                    for q in range(2, 8, 2):
                        acc0 += nd[q] * nrow_v[cc, r, pl.ds(q * 16, 16)]
                        acc1 += nd[q + 1] * nrow_v[cc, r, pl.ds(q * 16 + 16, 16)]
                    pp_v[cc, tt, pl.ds(k * 16, 16)] = acc0 + acc1

            pltpu.async_copy(
                pp_v.at[cc],
                pp_hbm.at[pl.ds(tbase + c * NTOK_CH, NTOK_CH)], posems[cc])
            nc = c + 2

            @pl.when(nc < NCH_NEG)
            def _():
                neg_gather(nc, cc)

    for cc in range(2):
        pltpu.make_async_copy(
            pp_v.at[cc], pp_hbm.at[pl.ds(0, NTOK_CH)], posems[cc]).wait()


@functools.cache
def _sc_neg():
    return pl.kernel(
        _sc_neg_body,
        out_type=jax.ShapeDtypeStruct((T, D), jnp.float32),
        mesh=plsc.VectorSubcoreMesh(**_SC_MESH),
        scratch_types=(
            pltpu.VMEM((NEGPW,), jnp.int32),
            pltpu.VMEM((TPW, D), jnp.float32),
            pltpu.VMEM((2, NEG_CH, D), jnp.float32),
            pltpu.VMEM((2, NTOK_CH, D), jnp.float32),
        ) + (pltpu.SemaphoreType.DMA,) * 5,
    )


TC_GRID = 32
TB = T // TC_GRID
WPB = TB // WL
NEG_GRID = 8
PPB = T // NEG_GRID


def _nls(score):
    return jnp.log1p(jnp.exp(-jnp.clip(score, -6.0, 6.0)))


def _tc_pos_body(node_ref, ctx_ref, acc_ref):
    i = pl.program_id(0)
    nb = node_ref[...].astype(jnp.bfloat16)
    cb = ctx_ref[...].astype(jnp.bfloat16)
    jj = lax.broadcasted_iota(jnp.int32, (WL, WL), 0)
    ii = lax.broadcasted_iota(jnp.int32, (WL, WL), 1)
    dd = ii - jj
    band = (dd != 0) & (dd >= -WIN) & (dd <= WIN)
    pos_sum = jnp.float32(0.0)
    for w in range(WPB):
        a = nb[w * WL:(w + 1) * WL]
        b = cb[w * WL:(w + 1) * WL]
        g = lax.dot_general(a, b, (((1,), (1,)), ((), ())),
                            preferred_element_type=jnp.float32)
        pos_sum += jnp.sum(jnp.where(band, _nls(g), 0.0))

    @pl.when(i == 0)
    def _init():
        acc_ref[0, 0] = jnp.float32(0.0)

    acc_ref[0, 0] += pos_sum


_tc_pos = pl.pallas_call(
    _tc_pos_body,
    grid=(TC_GRID,),
    in_specs=[
        pl.BlockSpec((TB, D), lambda i: (i, 0)),
        pl.BlockSpec((TB, D), lambda i: (i, 0)),
    ],
    out_specs=pl.BlockSpec(memory_space=pltpu.SMEM),
    out_shape=jax.ShapeDtypeStruct((1, 1), jnp.float32),
)


def _tc_neg_body(pp_ref, acc_ref):
    i = pl.program_id(0)
    seg = (lax.broadcasted_iota(jnp.int32, (D, 8), 0) // 16
           == lax.broadcasted_iota(jnp.int32, (D, 8), 1)).astype(jnp.float32)
    s8 = lax.dot_general(pp_ref[...], seg, (((1,), (0,)), ((), ())),
                         preferred_element_type=jnp.float32)
    kk = lax.broadcasted_iota(jnp.int32, (PPB, 8), 1)
    neg_sum = jnp.sum(jnp.where(kk < NEG, _nls(-s8), 0.0))

    @pl.when(i == 0)
    def _init():
        acc_ref[0, 0] = jnp.float32(0.0)

    acc_ref[0, 0] += neg_sum


_tc_neg = pl.pallas_call(
    _tc_neg_body,
    grid=(NEG_GRID,),
    in_specs=[pl.BlockSpec((PPB, D), lambda i: (i, 0))],
    out_specs=pl.BlockSpec(memory_space=pltpu.SMEM),
    out_shape=jax.ShapeDtypeStruct((1, 1), jnp.float32),
)


def kernel(batch_walk, neg_idx_list_dst, node_embed_weight, context_embed_weight):
    flat_walk = batch_walk.reshape(-1)
    node_g, ctx_g = _sc_tok()(flat_walk, node_embed_weight, context_embed_weight)
    pp = _sc_neg()(neg_idx_list_dst, ctx_g, node_g)
    pos_acc = _tc_pos(node_g, ctx_g)
    neg_acc = _tc_neg(pp)
    pos_loss = pos_acc[0, 0] / NPOS
    neg_loss = neg_acc[0, 0] * (NEG * 1.0) / NNEG
    return pos_loss + neg_loss

# --- scband reference (transcript-rebuilt; emitter-appended) ---
"""Pipeline reference for scband-rai-dattentive-walk-50783693308065 (READ-ONLY COPY).

The authoritative reference and input builder live on the scoring server;
editing this copy changes nothing except your own understanding.
"""

import jax, jax.numpy as jnp
import numpy as np

NUM_NODES = 100000
EMB_DIM = 128
WALK_LENGTH = 40
WINDOW_SIZE = 5
NEG_WEIGHT = 1.0
NEGATIVE_SIZE = 5
BATCH_SIZE = 512


def _build_idx_lists():
    src, dst = [], []
    for i in range(WALK_LENGTH):
        for j in range(max(0, i - WINDOW_SIZE), i):
            src.append(j)
            dst.append(i)
        for j in range(i + 1, min(WALK_LENGTH, i + 1 + WINDOW_SIZE)):
            src.append(j)
            dst.append(i)
    return np.asarray(src, dtype=np.int32), np.asarray(dst, dtype=np.int32)


IDX_SRC, IDX_DST = _build_idx_lists()


def setup_inputs(seed: int = 0):
    key = jax.random.key(seed)
    k1, k2, k3, k4 = jax.random.split(key, 4)
    batch_walk = jax.random.randint(k1, (BATCH_SIZE, WALK_LENGTH), 0, NUM_NODES, dtype=jnp.int32)
    neg_idx_list_dst = jax.random.randint(
        k2, (BATCH_SIZE * WALK_LENGTH * NEGATIVE_SIZE,), 0, BATCH_SIZE * WALK_LENGTH, dtype=jnp.int32
    )
    init_range = 1.0 / EMB_DIM
    node_embed_weight = jax.random.uniform(
        k3, (NUM_NODES, EMB_DIM), dtype=jnp.float32, minval=-init_range, maxval=init_range
    )
    context_embed_weight = jax.random.normal(k4, (NUM_NODES, EMB_DIM), dtype=jnp.float32) * init_range
    return {
        "batch_walk": batch_walk,
        "neg_idx_list_dst": neg_idx_list_dst,
        "node_embed_weight": node_embed_weight,
        "context_embed_weight": context_embed_weight,
    }


def reference(batch_walk, neg_idx_list_dst, node_embed_weight, context_embed_weight):
    batch_size = batch_walk.shape[0]
    flat_walk = batch_walk.reshape(-1)
    # embedding lookups: node and context tables
    batch_node_embed = jnp.take(node_embed_weight, flat_walk, axis=0)
    batch_context_embed = jnp.take(context_embed_weight, flat_walk, axis=0)

    # positive (src, dst) pairs within the window of each walk
    offset = (jnp.arange(batch_size, dtype=jnp.int32) * WALK_LENGTH)[:, None]
    idx_list_src = (offset + jnp.asarray(IDX_SRC)[None, :]).reshape(-1)
    idx_list_dst = (offset + jnp.asarray(IDX_DST)[None, :]).reshape(-1)

    pos_src_emb = jnp.take(batch_node_embed, idx_list_src, axis=0)
    pos_dst_emb = jnp.take(batch_context_embed, idx_list_dst, axis=0)

    # fast_neg: negative dst sampled (precomputed, deterministic) from within-batch tokens;
    # each token serves as negative src negative_size times
    neg_idx_list_src = jnp.repeat(jnp.arange(batch_size * WALK_LENGTH, dtype=jnp.int32), NEGATIVE_SIZE)
    neg_src_emb = jnp.take(batch_node_embed, neg_idx_list_src, axis=0)
    neg_dst_emb = jnp.take(batch_context_embed, neg_idx_list_dst, axis=0)

    pos_score = jnp.clip(jnp.sum(pos_src_emb * pos_dst_emb, axis=1), -6.0, 6.0)
    pos_loss = jnp.mean(-jax.nn.log_sigmoid(pos_score))

    neg_score = jnp.clip(jnp.sum(neg_src_emb * neg_dst_emb, axis=1), -6.0, 6.0)
    neg_loss = jnp.mean(-jax.nn.log_sigmoid(-neg_score)) * NEGATIVE_SIZE * NEG_WEIGHT

    return pos_loss + neg_loss

if __name__ == "__main__":
    import jax
    _d = setup_inputs()
    print(jax.jit(kernel)(*tuple(_d.values())))

</pallas_src>

<mosaic_0001>
#map = affine_map<(d0, d1) -> (0)>
#map1 = affine_map<(d0, d1) -> (0, 0)>
module attributes {stable_mosaic.version = 14 : i64} {
  func.func @_sc_neg_body(%arg0: i32, %arg1: i32, %arg2: memref<102400xi32, #tpu.memory_space<hbm>>, %arg3: memref<20480x128xf32, #tpu.memory_space<hbm>>, %arg4: memref<20480x128xf32, #tpu.memory_space<hbm>>, %arg5: memref<20480x128xf32, #tpu.memory_space<hbm>>, %arg6: memref<3200xi32, #tpu.memory_space<vmem>>, %arg7: memref<640x128xf32, #tpu.memory_space<vmem>>, %arg8: memref<2x80x128xf32, #tpu.memory_space<vmem>>, %arg9: memref<2x16x128xf32, #tpu.memory_space<vmem>>, %arg10: memref<!tpu.dma_semaphore, #tpu.memory_space<semaphore_mem>>, %arg11: memref<!tpu.dma_semaphore, #tpu.memory_space<semaphore_mem>>, %arg12: memref<!tpu.dma_semaphore, #tpu.memory_space<semaphore_mem>>, %arg13: memref<!tpu.dma_semaphore, #tpu.memory_space<semaphore_mem>>, %arg14: memref<!tpu.dma_semaphore, #tpu.memory_space<semaphore_mem>>) attributes {dimension_semantics = [#tpu.dimension_semantics<core_parallel>, #tpu.dimension_semantics<subcore_parallel>], iteration_bounds = array<i64: 2, 16>, scalar_prefetch = 0 : i64, scratch_operands = 9 : i64, tpu.core_type = #tpu.core_type<sc_vector_subcore>, window_params = [{transform_indices = #map}, {transform_indices = #map1}, {transform_indices = #map1}, {transform_indices = #map1}]} {
    %mul3A = arith.constant 2 : i32
    %mul3A_0 = arith.muli %arg1, %mul3A : i32
    %add3A = arith.addi %mul3A_0, %arg0 : i32
    %mul3A_1 = arith.constant 640 : i32
    %mul3A_2 = arith.muli %add3A, %mul3A_1 : i32
    %mul3A_3 = arith.constant 3200 : i32
    %mul3A_4 = arith.muli %add3A, %mul3A_3 : i32
    %dma_start3A = arith.constant 0 : i32
    %dma_start3A_5 = tpu.memref_slice %arg4[%mul3A_2, %dma_start3A] : memref<20480x128xf32, #tpu.memory_space<hbm>> -> memref<640x128xf32, #tpu.memory_space<hbm>>
    %dma_start3A_6 = arith.constant 0 : i32
    %dma_start3A_7 = tpu.memref_slice %arg4[%mul3A_2, %dma_start3A_6] : memref<20480x128xf32, #tpu.memory_space<hbm>> -> memref<640x128xf32, #tpu.memory_space<hbm>>
    tpu.enqueue_dma source(%dma_start3A_7 : memref<640x128xf32, #tpu.memory_space<hbm>>) target(%arg7 : memref<640x128xf32, #tpu.memory_space<vmem>>) target_semaphore(%arg10 : memref<!tpu.dma_semaphore, #tpu.memory_space<semaphore_mem>>)
    "tpu.region"() ({
      %run_scoped3A = tpu.sem_alloc : memref<!tpu.dma_semaphore, #tpu.memory_space<semaphore_mem>>
      %dma_start3A_67 = tpu.memref_slice %arg2[%mul3A_4] : memref<102400xi32, #tpu.memory_space<hbm>> -> memref<3200xi32, #tpu.memory_space<hbm>>
      %dma_start3A_68 = tpu.memref_slice %arg2[%mul3A_4] : memref<102400xi32, #tpu.memory_space<hbm>> -> memref<3200xi32, #tpu.memory_space<hbm>>
      tpu.enqueue_dma source(%dma_start3A_68 : memref<3200xi32, #tpu.memory_space<hbm>>) target(%arg6 : memref<3200xi32, #tpu.memory_space<vmem>>) target_semaphore(%run_scoped3A : memref<!tpu.dma_semaphore, #tpu.memory_space<semaphore_mem>>)
      %dma_wait3A_69 = tpu.memref_slice %arg2[%mul3A_4] : memref<102400xi32, #tpu.memory_space<hbm>> -> memref<3200xi32, #tpu.memory_space<hbm>>
      %dma_wait3A_70 = tpu.memref_slice %arg2[%mul3A_4] : memref<102400xi32, #tpu.memory_space<hbm>> -> memref<3200xi32, #tpu.memory_space<hbm>>
      tpu.wait_dma2 semaphore(%run_scoped3A : memref<!tpu.dma_semaphore, #tpu.memory_space<semaphore_mem>>) src(%dma_wait3A_70 : memref<3200xi32, #tpu.memory_space<hbm>>) dst(%arg6 : memref<3200xi32, #tpu.memory_space<vmem>>)
      tpu.yield
    }) : () -> ()
    %dma_start3A_8 = arith.constant 0 : i32
    %dma_start3A_9 = arith.constant 0 : i32
    %dma_start3A_10 = arith.constant 0 : i32
    %dma_start3A_11 = tpu.memref_slice %arg8[%dma_start3A_8, %dma_start3A_9, %dma_start3A_10] : memref<2x80x128xf32, #tpu.memory_space<vmem>> -> memref<1x80x128xf32, #tpu.memory_space<vmem>>
    %dma_start3A_12 = tpu.memref_squeeze %dma_start3A_11 : memref<1x80x128xf32, #tpu.memory_space<vmem>> -> memref<80x128xf32, #tpu.memory_space<vmem>>
    %dma_start3A_13 = arith.constant 0 : i32
    %dma_start3A_14 = tpu.memref_slice %arg6[%dma_start3A_13] : memref<3200xi32, #tpu.memory_space<vmem>> -> memref<80xi32, #tpu.memory_space<vmem>>
    %dma_start3A_15 = arith.constant 0 : i32
    %dma_start3A_16 = arith.constant 0 : i32
    %dma_start3A_17 = tpu.memref_slice %arg3[%dma_start3A_15, %dma_start3A_16] : memref<20480x128xf32, #tpu.memory_space<hbm>> -> memref<20480x128xf32, #tpu.memory_space<hbm>>
    tpu.enqueue_indirect_dma source(%dma_start3A_17 : memref<20480x128xf32, #tpu.memory_space<hbm>>) target(%dma_start3A_12 : memref<80x128xf32, #tpu.memory_space<vmem>>) offsets(%dma_start3A_14 : memref<80xi32, #tpu.memory_space<vmem>>) semaphore(%arg11 : memref<!tpu.dma_semaphore, #tpu.memory_space<semaphore_mem>>)
    %dma_start3A_18 = arith.constant 1 : i32
    %dma_start3A_19 = arith.constant 0 : i32
    %dma_start3A_20 = arith.constant 0 : i32
    %dma_start3A_21 = tpu.memref_slice %arg8[%dma_start3A_18, %dma_start3A_19, %dma_start3A_20] : memref<2x80x128xf32, #tpu.memory_space<vmem>> -> memref<1x80x128xf32, #tpu.memory_space<vmem>>
    %dma_start3A_22 = tpu.memref_squeeze %dma_start3A_21 : memref<1x80x128xf32, #tpu.memory_space<vmem>> -> memref<80x128xf32, #tpu.memory_space<vmem>>
    %dma_start3A_23 = arith.constant 80 : i32
    %dma_start3A_24 = tpu.memref_slice %arg6[%dma_start3A_23] : memref<3200xi32, #tpu.memory_space<vmem>> -> memref<80xi32, #tpu.memory_space<vmem>>
    %dma_start3A_25 = arith.constant 0 : i32
    %dma_start3A_26 = arith.constant 0 : i32
    %dma_start3A_27 = tpu.memref_slice %arg3[%dma_start3A_25, %dma_start3A_26] : memref<20480x128xf32, #tpu.memory_space<hbm>> -> memref<20480x128xf32, #tpu.memory_space<hbm>>
    tpu.enqueue_indirect_dma source(%dma_start3A_27 : memref<20480x128xf32, #tpu.memory_space<hbm>>) target(%dma_start3A_22 : memref<80x128xf32, #tpu.memory_space<vmem>>) offsets(%dma_start3A_24 : memref<80xi32, #tpu.memory_space<vmem>>) semaphore(%arg12 : memref<!tpu.dma_semaphore, #tpu.memory_space<semaphore_mem>>)
    %dma_wait3A = arith.constant 0 : i32
    %dma_wait3A_28 = arith.constant 0 : i32
    %dma_wait3A_29 = tpu.memref_slice %arg4[%dma_wait3A, %dma_wait3A_28] : memref<20480x128xf32, #tpu.memory_space<hbm>> -> memref<640x128xf32, #tpu.memory_space<hbm>>
    %dma_wait3A_30 = arith.constant 0 : i32
    %dma_wait3A_31 = arith.constant 0 : i32
    %dma_wait3A_32 = tpu.memref_slice %arg4[%dma_wait3A_30, %dma_wait3A_31] : memref<20480x128xf32, #tpu.memory_space<hbm>> -> memref<640x128xf32, #tpu.memory_space<hbm>>
    tpu.wait_dma2 semaphore(%arg10 : memref<!tpu.dma_semaphore, #tpu.memory_space<semaphore_mem>>) src(%dma_wait3A_32 : memref<640x128xf32, #tpu.memory_space<hbm>>) dst(%arg7 : memref<640x128xf32, #tpu.memory_space<vmem>>)
    %scan3A = arith.constant 0 : i32
    %scan3A_33 = arith.constant 20 : i32
    %scan3A_34 = arith.addi %scan3A, %scan3A_33 : i32
    %scan3A_35 = arith.constant 1 : i32
    scf.for %scan3A_67 = %scan3A to %scan3A_34 step %scan3A_35  : i32 {
      %mul3A_68 = arith.constant 1 : i32
      %mul3A_69 = arith.muli %scan3A_67, %mul3A_68 : i32
      %add3A_70 = arith.constant 0 : i32
      %add3A_71 = arith.addi %add3A_70, %mul3A_69 : i32
      %mul3A_72 = arith.constant 2 : i32
      %mul3A_73 = arith.muli %add3A_71, %mul3A_72 : i32
      %add3A_74 = arith.constant 0 : i32
      %add3A_75 = arith.addi %mul3A_73, %add3A_74 : i32
      %dma_wait3A_76 = arith.constant 0 : i32
      %dma_wait3A_77 = arith.constant 0 : i32
      %dma_wait3A_78 = arith.constant 0 : i32
      %dma_wait3A_79 = tpu.memref_slice %arg8[%dma_wait3A_76, %dma_wait3A_77, %dma_wait3A_78] : memref<2x80x128xf32, #tpu.memory_space<vmem>> -> memref<1x80x128xf32, #tpu.memory_space<vmem>>
      %dma_wait3A_80 = tpu.memref_squeeze %dma_wait3A_79 : memref<1x80x128xf32, #tpu.memory_space<vmem>> -> memref<80x128xf32, #tpu.memory_space<vmem>>
      %dma_wait3A_81 = arith.constant 0 : i32
      %dma_wait3A_82 = arith.constant 0 : i32
      %dma_wait3A_83 = tpu.memref_slice %arg3[%dma_wait3A_81, %dma_wait3A_82] : memref<20480x128xf32, #tpu.memory_space<hbm>> -> memref<80x128xf32, #tpu.memory_space<hbm>>
      %dma_wait3A_84 = arith.constant 0 : i32
      %dma_wait3A_85 = arith.constant 0 : i32
      %dma_wait3A_86 = tpu.memref_slice %arg8[%dma_wait3A_76, %dma_wait3A_84, %dma_wait3A_85] : memref<2x80x128xf32, #tpu.memory_space<vmem>> -> memref<1x80x128xf32, #tpu.memory_space<vmem>>
      %dma_wait3A_87 = tpu.memref_squeeze %dma_wait3A_86 : memref<1x80x128xf32, #tpu.memory_space<vmem>> -> memref<80x128xf32, #tpu.memory_space<vmem>>
      %dma_wait3A_88 = arith.constant 0 : i32
      %dma_wait3A_89 = arith.constant 0 : i32
      %dma_wait3A_90 = tpu.memref_slice %arg3[%dma_wait3A_88, %dma_wait3A_89] : memref<20480x128xf32, #tpu.memory_space<hbm>> -> memref<80x128xf32, #tpu.memory_space<hbm>>
      tpu.wait_dma2 semaphore(%arg11 : memref<!tpu.dma_semaphore, #tpu.memory_space<semaphore_mem>>) src(%dma_wait3A_90 : memref<80x128xf32, #tpu.memory_space<hbm>>) dst(%dma_wait3A_87 : memref<80x128xf32, #tpu.memory_space<vmem>>)
      %gt3A = arith.constant 0 : i32
      %gt3A_91 = arith.cmpi sgt, %add3A_71, %gt3A : i32
      %convert_element_type3A = arith.extui %gt3A_91 : i1 to i32
      %cond3A = arith.constant 0 : i32
      %cond3A_92 = arith.cmpi ne, %convert_element_type3A, %cond3A : i32
      scf.if %cond3A_92 {
        %dma_wait3A_172 = arith.constant 0 : i32
        %dma_wait3A_173 = arith.constant 0 : i32
        %dma_wait3A_174 = arith.constant 0 : i32
        %dma_wait3A_175 = tpu.memref_slice %arg9[%dma_wait3A_172, %dma_wait3A_173, %dma_wait3A_174] : memref<2x16x128xf32, #tpu.memory_space<vmem>> -> memref<1x16x128xf32, #tpu.memory_space<vmem>>
        %dma_wait3A_176 = tpu.memref_squeeze %dma_wait3A_175 : memref<1x16x128xf32, #tpu.memory_space<vmem>> -> memref<16x128xf32, #tpu.memory_space<vmem>>
        %dma_wait3A_177 = arith.constant 0 : i32
        %dma_wait3A_178 = arith.constant 0 : i32
        %dma_wait3A_179 = tpu.memref_slice %arg5[%dma_wait3A_177, %dma_wait3A_178] : memref<20480x128xf32, #tpu.memory_space<hbm>> -> memref<16x128xf32, #tpu.memory_space<hbm>>
        %dma_wait3A_180 = arith.constant 0 : i32
        %dma_wait3A_181 = arith.constant 0 : i32
        %dma_wait3A_182 = tpu.memref_slice %arg5[%dma_wait3A_180, %dma_wait3A_181] : memref<20480x128xf32, #tpu.memory_space<hbm>> -> memref<16x128xf32, #tpu.memory_space<hbm>>
        %dma_wait3A_183 = arith.constant 0 : i32
        %dma_wait3A_184 = arith.constant 0 : i32
        %dma_wait3A_185 = tpu.memref_slice %arg9[%dma_wait3A_172, %dma_wait3A_183, %dma_wait3A_184] : memref<2x16x128xf32, #tpu.memory_space<vmem>> -> memref<1x16x128xf32, #tpu.memory_space<vmem>>
        %dma_wait3A_186 = tpu.memref_squeeze %dma_wait3A_185 : memref<1x16x128xf32, #tpu.memory_space<vmem>> -> memref<16x128xf32, #tpu.memory_space<vmem>>
        tpu.wait_dma2 semaphore(%arg13 : memref<!tpu.dma_semaphore, #tpu.memory_space<semaphore_mem>>) src(%dma_wait3A_186 : memref<16x128xf32, #tpu.memory_space<vmem>>) dst(%dma_wait3A_182 : memref<16x128xf32, #tpu.memory_space<hbm>>)
      } else {
      }
      %scan3A_93 = arith.constant 0 : i32
      %scan3A_94 = arith.constant 16 : i32
      %scan3A_95 = arith.addi %scan3A_93, %scan3A_94 : i32
      %scan3A_96 = arith.constant 2 : i32
      scf.for %scan3A_172 = %scan3A_93 to %scan3A_95 step %scan3A_96  : i32 {
        %mul3A_173 = arith.constant 1 : i32
        %mul3A_174 = arith.muli %scan3A_172, %mul3A_173 : i32
        %add3A_175 = arith.constant 0 : i32
        %add3A_176 = arith.addi %add3A_175, %mul3A_174 : i32
        %mul3A_177 = arith.constant 16 : i32
        %mul3A_178 = arith.muli %add3A_75, %mul3A_177 : i32
        %add3A_179 = arith.addi %mul3A_178, %add3A_176 : i32
        %get3A = arith.index_cast %add3A_179 : i32 to index
        %get3A_180 = arith.constant 0 : index
        %get3A_181 = tpu.vector_load %arg7[%get3A, %get3A_180] {strides = array<i32>} : memref<640x128xf32, #tpu.memory_space<vmem>>, vector<1x16xf32>,
        %get3A_182 = vector.shape_cast %get3A_181 : vector<1x16xf32> to vector<16xf32>
        %get3A_183 = arith.index_cast %add3A_179 : i32 to index
        %get3A_184 = arith.constant 16 : index
        %get3A_185 = tpu.vector_load %arg7[%get3A_183, %get3A_184] {strides = array<i32>} : memref<640x128xf32, #tpu.memory_space<vmem>>, vector<1x16xf32>,
        %get3A_186 = vector.shape_cast %get3A_185 : vector<1x16xf32> to vector<16xf32>
        %get3A_187 = arith.index_cast %add3A_179 : i32 to index
        %get3A_188 = arith.constant 32 : index
        %get3A_189 = tpu.vector_load %arg7[%get3A_187, %get3A_188] {strides = array<i32>} : memref<640x128xf32, #tpu.memory_space<vmem>>, vector<1x16xf32>,
        %get3A_190 = vector.shape_cast %get3A_189 : vector<1x16xf32> to vector<16xf32>
        %get3A_191 = arith.index_cast %add3A_179 : i32 to index
        %get3A_192 = arith.constant 48 : index
        %get3A_193 = tpu.vector_load %arg7[%get3A_191, %get3A_192] {strides = array<i32>} : memref<640x128xf32, #tpu.memory_space<vmem>>, vector<1x16xf32>,
        %get3A_194 = vector.shape_cast %get3A_193 : vector<1x16xf32> to vector<16xf32>
        %get3A_195 = arith.index_cast %add3A_179 : i32 to index
        %get3A_196 = arith.constant 64 : index
        %get3A_197 = tpu.vector_load %arg7[%get3A_195, %get3A_196] {strides = array<i32>} : memref<640x128xf32, #tpu.memory_space<vmem>>, vector<1x16xf32>,
        %get3A_198 = vector.shape_cast %get3A_197 : vector<1x16xf32> to vector<16xf32>
        %get3A_199 = arith.index_cast %add3A_179 : i32 to index
        %get3A_200 = arith.constant 80 : index
        %get3A_201 = tpu.vector_load %arg7[%get3A_199, %get3A_200] {strides = array<i32>} : memref<640x128xf32, #tpu.memory_space<vmem>>, vector<1x16xf32>,
        %get3A_202 = vector.shape_cast %get3A_201 : vector<1x16xf32> to vector<16xf32>
        %get3A_203 = arith.index_cast %add3A_179 : i32 to index
        %get3A_204 = arith.constant 96 : index
        %get3A_205 = tpu.vector_load %arg7[%get3A_203, %get3A_204] {strides = array<i32>} : memref<640x128xf32, #tpu.memory_space<vmem>>, vector<1x16xf32>,
        %get3A_206 = vector.shape_cast %get3A_205 : vector<1x16xf32> to vector<16xf32>
        %get3A_207 = arith.index_cast %add3A_179 : i32 to index
        %get3A_208 = arith.constant 112 : index
        %get3A_209 = tpu.vector_load %arg7[%get3A_207, %get3A_208] {strides = array<i32>} : memref<640x128xf32, #tpu.memory_space<vmem>>, vector<1x16xf32>,
        %get3A_210 = vector.shape_cast %get3A_209 : vector<1x16xf32> to vector<16xf32>
        %mul3A_211 = arith.constant 5 : i32
        %mul3A_212 = arith.muli %add3A_176, %mul3A_211 : i32
        %add3A_213 = arith.constant 0 : i32
        %add3A_214 = arith.addi %mul3A_212, %add3A_213 : i32
        %get3A_215 = arith.constant 0 : i32
        %get3A_216 = arith.index_cast %get3A_215 : i32 to index
        %get3A_217 = arith.index_cast %add3A_214 : i32 to index
        %get3A_218 = arith.constant 0 : index
        %get3A_219 = tpu.vector_load %arg8[%get3A_216, %get3A_217, %get3A_218] {strides = array<i32>} : memref<2x80x128xf32, #tpu.memory_space<vmem>>, vector<1x1x16xf32>,
        %get3A_220 = vector.shape_cast %get3A_219 : vector<1x1x16xf32> to vector<16xf32>
        %mul3A_221 = arith.mulf %get3A_182, %get3A_220 : vector<16xf32>
        %get3A_222 = arith.constant 0 : i32
        %get3A_223 = arith.index_cast %get3A_222 : i32 to index
        %get3A_224 = arith.index_cast %add3A_214 : i32 to index
        %get3A_225 = arith.constant 16 : index
        %get3A_226 = tpu.vector_load %arg8[%get3A_223, %get3A_224, %get3A_225] {strides = array<i32>} : memref<2x80x128xf32, #tpu.memory_space<vmem>>, vector<1x1x16xf32>,
        %get3A_227 = vector.shape_cast %get3A_226 : vector<1x1x16xf32> to vector<16xf32>
        %mul3A_228 = arith.mulf %get3A_186, %get3A_227 : vector<16xf32>
        %get3A_229 = arith.constant 0 : i32
        %get3A_230 = arith.index_cast %get3A_229 : i32 to index
        %get3A_231 = arith.index_cast %add3A_214 : i32 to index
        %get3A_232 = arith.constant 32 : index
        %get3A_233 = tpu.vector_load %arg8[%get3A_230, %get3A_231, %get3A_232] {strides = array<i32>} : memref<2x80x128xf32, #tpu.memory_space<vmem>>, vector<1x1x16xf32>,
        %get3A_234 = vector.shape_cast %get3A_233 : vector<1x1x16xf32> to vector<16xf32>
        %mul3A_235 = arith.mulf %get3A_190, %get3A_234 : vector<16xf32>
        %add3A_236 = arith.addf %mul3A_221, %mul3A_235 : vector<16xf32>
        %get3A_237 = arith.constant 0 : i32
        %get3A_238 = arith.index_cast %get3A_237 : i32 to index
        %get3A_239 = arith.index_cast %add3A_214 : i32 to index
        %get3A_240 = arith.constant 48 : index
        %get3A_241 = tpu.vector_load %arg8[%get3A_238, %get3A_239, %get3A_240] {strides = array<i32>} : memref<2x80x128xf32, #tpu.memory_space<vmem>>, vector<1x1x16xf32>,
        %get3A_242 = vector.shape_cast %get3A_241 : vector<1x1x16xf32> to vector<16xf32>
        %mul3A_243 = arith.mulf %get3A_194, %get3A_242 : vector<16xf32>
        %add3A_244 = arith.addf %mul3A_228, %mul3A_243 : vector<16xf32>
        %get3A_245 = arith.constant 0 : i32
        %get3A_246 = arith.index_cast %get3A_245 : i32 to index
        %get3A_247 = arith.index_cast %add3A_214 : i32 to index
        %get3A_248 = arith.constant 64 : index
        %get3A_249 = tpu.vector_load %arg8[%get3A_246, %get3A_247, %get3A_248] {strides = array<i32>} : memref<2x80x128xf32, #tpu.memory_space<vmem>>, vector<1x1x16xf32>,
        %get3A_250 = vector.shape_cast %get3A_249 : vector<1x1x16xf32> to vector<16xf32>
        %mul3A_251 = arith.mulf %get3A_198, %get3A_250 : vector<16xf32>
        %add3A_252 = arith.addf %add3A_236, %mul3A_251 : vector<16xf32>
        %get3A_253 = arith.constant 0 : i32
        %get3A_254 = arith.index_cast %get3A_253 : i32 to index
        %get3A_255 = arith.index_cast %add3A_214 : i32 to index
        %get3A_256 = arith.constant 80 : index
        %get3A_257 = tpu.vector_load %arg8[%get3A_254, %get3A_255, %get3A_256] {strides = array<i32>} : memref<2x80x128xf32, #tpu.memory_space<vmem>>, vector<1x1x16xf32>,
        %get3A_258 = vector.shape_cast %get3A_257 : vector<1x1x16xf32> to vector<16xf32>
        %mul3A_259 = arith.mulf %get3A_202, %get3A_258 : vector<16xf32>
        %add3A_260 = arith.addf %add3A_244, %mul3A_259 : vector<16xf32>
        %get3A_261 = arith.constant 0 : i32
        %get3A_262 = arith.index_cast %get3A_261 : i32 to index
        %get3A_263 = arith.index_cast %add3A_214 : i32 to index
        %get3A_264 = arith.constant 96 : index
        %get3A_265 = tpu.vector_load %arg8[%get3A_262, %get3A_263, %get3A_264] {strides = array<i32>} : memref<2x80x128xf32, #tpu.memory_space<vmem>>, vector<1x1x16xf32>,
        %get3A_266 = vector.shape_cast %get3A_265 : vector<1x1x16xf32> to vector<16xf32>
        %mul3A_267 = arith.mulf %get3A_206, %get3A_266 : vector<16xf32>
        %add3A_268 = arith.addf %add3A_252, %mul3A_267 : vector<16xf32>
        %get3A_269 = arith.constant 0 : i32
        %get3A_270 = arith.index_cast %get3A_269 : i32 to index
        %get3A_271 = arith.index_cast %add3A_214 : i32 to index
        %get3A_272 = arith.constant 112 : index
        %get3A_273 = tpu.vector_load %arg8[%get3A_270, %get3A_271, %get3A_272] {strides = array<i32>} : memref<2x80x128xf32, #tpu.memory_space<vmem>>, vector<1x1x16xf32>,
        %get3A_274 = vector.shape_cast %get3A_273 : vector<1x1x16xf32> to vector<16xf32>
        %mul3A_275 = arith.mulf %get3A_210, %get3A_274 : vector<16xf32>
        %add3A_276 = arith.addf %add3A_260, %mul3A_275 : vector<16xf32>
        %add3A_277 = arith.addf %add3A_268, %add3A_276 : vector<16xf32>
        %swap3A = arith.constant 0 : i32
        %swap3A_278 = arith.index_cast %swap3A : i32 to index
        %swap3A_279 = arith.index_cast %add3A_176 : i32 to index
        %swap3A_280 = arith.constant 0 : index
        %swap3A_281 = tpu.vector_load %arg9[%swap3A_278, %swap3A_279, %swap3A_280] {strides = array<i32>} : memref<2x16x128xf32, #tpu.memory_space<vmem>>, vector<1x1x16xf32>,
        %swap3A_282 = vector.shape_cast %swap3A_281 : vector<1x1x16xf32> to vector<16xf32>
        %swap3A_283 = vector.shape_cast %add3A_277 : vector<16xf32> to vector<1x1x16xf32>
        tpu.vector_store %arg9[%swap3A_278, %swap3A_279, %swap3A_280], %swap3A_283 {strides = array<i32>} : memref<2x16x128xf32, #tpu.memory_space<vmem>>, vector<1x1x16xf32>,
        %mul3A_284 = arith.constant 5 : i32
        %mul3A_285 = arith.muli %add3A_176, %mul3A_284 : i32
        %add3A_286 = arith.constant 1 : i32
        %add3A_287 = arith.addi %mul3A_285, %add3A_286 : i32
        %get3A_288 = arith.constant 0 : i32
        %get3A_289 = arith.index_cast %get3A_288 : i32 to index
        %get3A_290 = arith.index_cast %add3A_287 : i32 to index
        %get3A_291 = arith.constant 0 : index
        %get3A_292 = tpu.vector_load %arg8[%get3A_289, %get3A_290, %get3A_291] {strides = array<i32>} : memref<2x80x128xf32, #tpu.memory_space<vmem>>, vector<1x1x16xf32>,
        %get3A_293 = vector.shape_cast %get3A_292 : vector<1x1x16xf32> to vector<16xf32>
        %mul3A_294 = arith.mulf %get3A_182, %get3A_293 : vector<16xf32>
        %get3A_295 = arith.constant 0 : i32
        %get3A_296 = arith.index_cast %get3A_295 : i32 to index
        %get3A_297 = arith.index_cast %add3A_287 : i32 to index
        %get3A_298 = arith.constant 16 : index
        %get3A_299 = tpu.vector_load %arg8[%get3A_296, %get3A_297, %get3A_298] {strides = array<i32>} : memref<2x80x128xf32, #tpu.memory_space<vmem>>, vector<1x1x16xf32>,
        %get3A_300 = vector.shape_cast %get3A_299 : vector<1x1x16xf32> to vector<16xf32>
        %mul3A_301 = arith.mulf %get3A_186, %get3A_300 : vector<16xf32>
        %get3A_302 = arith.constant 0 : i32
        %get3A_303 = arith.index_cast %get3A_302 : i32 to index
        %get3A_304 = arith.index_cast %add3A_287 : i32 to index
        %get3A_305 = arith.constant 32 : index
        %get3A_306 = tpu.vector_load %arg8[%get3A_303, %get3A_304, %get3A_305] {strides = array<i32>} : memref<2x80x128xf32, #tpu.memory_space<vmem>>, vector<1x1x16xf32>,
        %get3A_307 = vector.shape_cast %get3A_306 : vector<1x1x16xf32> to vector<16xf32>
        %mul3A_308 = arith.mulf %get3A_190, %get3A_307 : vector<16xf32>
        %add3A_309 = arith.addf %mul3A_294, %mul3A_308 : vector<16xf32>
        %get3A_310 = arith.constant 0 : i32
        %get3A_311 = arith.index_cast %get3A_310 : i32 to index
        %get3A_312 = arith.index_cast %add3A_287 : i32 to index
        %get3A_313 = arith.constant 48 : index
        %get3A_314 = tpu.vector_load %arg8[%get3A_311, %get3A_312, %get3A_313] {strides = array<i32>} : memref<2x80x128xf32, #tpu.memory_space<vmem>>, vector<1x1x16xf32>,
        %get3A_315 = vector.shape_cast %get3A_314 : vector<1x1x16xf32> to vector<16xf32>
        %mul3A_316 = arith.mulf %get3A_194, %get3A_315 : vector<16xf32>
        %add3A_317 = arith.addf %mul3A_301, %mul3A_316 : vector<16xf32>
        %get3A_318 = arith.constant 0 : i32
        %get3A_319 = arith.index_cast %get3A_318 : i32 to index
        %get3A_320 = arith.index_cast %add3A_287 : i32 to index
        %get3A_321 = arith.constant 64 : index
        %get3A_322 = tpu.vector_load %arg8[%get3A_319, %get3A_320, %get3A_321] {strides = array<i32>} : memref<2x80x128xf32, #tpu.memory_space<vmem>>, vector<1x1x16xf32>,
        %get3A_323 = vector.shape_cast %get3A_322 : vector<1x1x16xf32> to vector<16xf32>
        %mul3A_324 = arith.mulf %get3A_198, %get3A_323 : vector<16xf32>
        %add3A_325 = arith.addf %add3A_309, %mul3A_324 : vector<16xf32>
        %get3A_326 = arith.constant 0 : i32
        %get3A_327 = arith.index_cast %get3A_326 : i32 to index
        %get3A_328 = arith.index_cast %add3A_287 : i32 to index
        %get3A_329 = arith.constant 80 : index
        %get3A_330 = tpu.vector_load %arg8[%get3A_327, %get3A_328, %get3A_329] {strides = array<i32>} : memref<2x80x128xf32, #tpu.memory_space<vmem>>, vector<1x1x16xf32>,
        %get3A_331 = vector.shape_cast %get3A_330 : vector<1x1x16xf32> to vector<16xf32>
        %mul3A_332 = arith.mulf %get3A_202, %get3A_331 : vector<16xf32>
        %add3A_333 = arith.addf %add3A_317, %mul3A_332 : vector<16xf32>
        %get3A_334 = arith.constant 0 : i32
        %get3A_335 = arith.index_cast %get3A_334 : i32 to index
        %get3A_336 = arith.index_cast %add3A_287 : i32 to index
        %get3A_337 = arith.constant 96 : index
        %get3A_338 = tpu.vector_load %arg8[%get3A_335, %get3A_336, %get3A_337] {strides = array<i32>} : memref<2x80x128xf32, #tpu.memory_space<vmem>>, vector<1x1x16xf32>,
        %get3A_339 = vector.shape_cast %get3A_338 : vector<1x1x16xf32> to vector<16xf32>
        %mul3A_340 = arith.mulf %get3A_206, %get3A_339 : vector<16xf32>
        %add3A_341 = arith.addf %add3A_325, %mul3A_340 : vector<16xf32>
        %get3A_342 = arith.constant 0 : i32
        %get3A_343 = arith.index_cast %get3A_342 : i32 to index
        %get3A_344 = arith.index_cast %add3A_287 : i32 to index
        %get3A_345 = arith.constant 112 : index
        %get3A_346 = tpu.vector_load %arg8[%get3A_343, %get3A_344, %get3A_345] {strides = array<i32>} : memref<2x80x128xf32, #tpu.memory_space<vmem>>, vector<1x1x16xf32>,
        %get3A_347 = vector.shape_cast %get3A_346 : vector<1x1x16xf32> to vector<16xf32>
        %mul3A_348 = arith.mulf %get3A_210, %get3A_347 : vector<16xf32>
        %add3A_349 = arith.addf %add3A_333, %mul3A_348 : vector<16xf32>
        %add3A_350 = arith.addf %add3A_341, %add3A_349 : vector<16xf32>
        %swap3A_351 = arith.constant 0 : i32
        %swap3A_352 = arith.index_cast %swap3A_351 : i32 to index
        %swap3A_353 = arith.index_cast %add3A_176 : i32 to index
        %swap3A_354 = arith.constant 16 : index
        %swap3A_355 = tpu.vector_load %arg9[%swap3A_352, %swap3A_353, %swap3A_354] {strides = array<i32>} : memref<2x16x128xf32, #tpu.memory_space<vmem>>, vector<1x1x16xf32>,
        %swap3A_356 = vector.shape_cast %swap3A_355 : vector<1x1x16xf32> to vector<16xf32>
        %swap3A_357 = vector.shape_cast %add3A_350 : vector<16xf32> to vector<1x1x16xf32>
        tpu.vector_store %arg9[%swap3A_352, %swap3A_353, %swap3A_354], %swap3A_357 {strides = array<i32>} : memref<2x16x128xf32, #tpu.memory_space<vmem>>, vector<1x1x16xf32>,
        %mul3A_358 = arith.constant 5 : i32
        %mul3A_359 = arith.muli %add3A_176, %mul3A_358 : i32
        %add3A_360 = arith.constant 2 : i32
        %add3A_361 = arith.addi %mul3A_359, %add3A_360 : i32
        %get3A_362 = arith.constant 0 : i32
        %get3A_363 = arith.index_cast %get3A_362 : i32 to index
        %get3A_364 = arith.index_cast %add3A_361 : i32 to index
        %get3A_365 = arith.constant 0 : index
        %get3A_366 = tpu.vector_load %arg8[%get3A_363, %get3A_364, %get3A_365] {strides = array<i32>} : memref<2x80x128xf32, #tpu.memory_space<vmem>>, vector<1x1x16xf32>,
        %get3A_367 = vector.shape_cast %get3A_366 : vector<1x1x16xf32> to vector<16xf32>
        %mul3A_368 = arith.mulf %get3A_182, %get3A_367 : vector<16xf32>
        %get3A_369 = arith.constant 0 : i32
        %get3A_370 = arith.index_cast %get3A_369 : i32 to index
        %get3A_371 = arith.index_cast %add3A_361 : i32 to index
        %get3A_372 = arith.constant 16 : index
        %get3A_373 = tpu.vector_load %arg8[%get3A_370, %get3A_371, %get3A_372] {strides = array<i32>} : memref<2x80x128xf32, #tpu.memory_space<vmem>>, vector<1x1x16xf32>,
        %get3A_374 = vector.shape_cast %get3A_373 : vector<1x1x16xf32> to vector<16xf32>
        %mul3A_375 = arith.mulf %get3A_186, %get3A_374 : vector<16xf32>
        %get3A_376 = arith.constant 0 : i32
        %get3A_377 = arith.index_cast %get3A_376 : i32 to index
        %get3A_378 = arith.index_cast %add3A_361 : i32 to index
        %get3A_379 = arith.constant 32 : index
        %get3A_380 = tpu.vector_load %arg8[%get3A_377, %get3A_378, %get3A_379] {strides = array<i32>} : memref<2x80x128xf32, #tpu.memory_space<vmem>>, vector<1x1x16xf32>,
        %get3A_381 = vector.shape_cast %get3A_380 : vector<1x1x16xf32> to vector<16xf32>
        %mul3A_382 = arith.mulf %get3A_190, %get3A_381 : vector<16xf32>
        %add3A_383 = arith.addf %mul3A_368, %mul3A_382 : vector<16xf32>
        %get3A_384 = arith.constant 0 : i32
        %get3A_385 = arith.index_cast %get3A_384 : i32 to index
        %get3A_386 = arith.index_cast %add3A_361 : i32 to index
        %get3A_387 = arith.constant 48 : index
        %get3A_388 = tpu.vector_load %arg8[%get3A_385, %get3A_386, %get3A_387] {strides = array<i32>} : memref<2x80x128xf32, #tpu.memory_space<vmem>>, vector<1x1x16xf32>,
        %get3A_389 = vector.shape_cast %get3A_388 : vector<1x1x16xf32> to vector<16xf32>
        %mul3A_390 = arith.mulf %get3A_194, %get3A_389 : vector<16xf32>
        %add3A_391 = arith.addf %mul3A_375, %mul3A_390 : vector<16xf32>
        %get3A_392 = arith.constant 0 : i32
        %get3A_393 = arith.index_cast %get3A_392 : i32 to index
        %get3A_394 = arith.index_cast %add3A_361 : i32 to index
        %get3A_395 = arith.constant 64 : index
        %get3A_396 = tpu.vector_load %arg8[%get3A_393, %get3A_394, %get3A_395] {strides = array<i32>} : memref<2x80x128xf32, #tpu.memory_space<vmem>>, vector<1x1x16xf32>,
        %get3A_397 = vector.shape_cast %get3A_396 : vector<1x1x16xf32> to vector<16xf32>
        %mul3A_398 = arith.mulf %get3A_198, %get3A_397 : vector<16xf32>
        %add3A_399 = arith.addf %add3A_383, %mul3A_398 : vector<16xf32>
        %get3A_400 = arith.constant 0 : i32
        %get3A_401 = arith.index_cast %get3A_400 : i32 to index
        %get3A_402 = arith.index_cast %add3A_361 : i32 to index
        %get3A_403 = arith.constant 80 : index
        %get3A_404 = tpu.vector_load %arg8[%get3A_401, %get3A_402, %get3A_403] {strides = array<i32>} : memref<2x80x128xf32, #tpu.memory_space<vmem>>, vector<1x1x16xf32>,
        %get3A_405 = vector.shape_cast %get3A_404 : vector<1x1x16xf32> to vector<16xf32>
        %mul3A_406 = arith.mulf %get3A_202, %get3A_405 : vector<16xf32>
        %add3A_407 = arith.addf %add3A_391, %mul3A_406 : vector<16xf32>
        %get3A_408 = arith.constant 0 : i32
        %get3A_409 = arith.index_cast %get3A_408 : i32 to index
        %get3A_410 = arith.index_cast %add3A_361 : i32 to index
        %get3A_411 = arith.constant 96 : index
        %get3A_412 = tpu.vector_load %arg8[%get3A_409, %get3A_410, %get3A_411] {strides = array<i32>} : memref<2x80x128xf32, #tpu.memory_space<vmem>>, vector<1x1x16xf32>,
        %get3A_413 = vector.shape_cast %get3A_412 : vector<1x1x16xf32> to vector<16xf32>
        %mul3A_414 = arith.mulf %get3A_206, %get3A_413 : vector<16xf32>
        %add3A_415 = arith.addf %add3A_399, %mul3A_414 : vector<16xf32>
        %get3A_416 = arith.constant 0 : i32
        %get3A_417 = arith.index_cast %get3A_416 : i32 to index
        %get3A_418 = arith.index_cast %add3A_361 : i32 to index
        %get3A_419 = arith.constant 112 : index
        %get3A_420 = tpu.vector_load %arg8[%get3A_417, %get3A_418, %get3A_419] {strides = array<i32>} : memref<2x80x128xf32, #tpu.memory_space<vmem>>, vector<1x1x16xf32>,
        %get3A_421 = vector.shape_cast %get3A_420 : vector<1x1x16xf32> to vector<16xf32>
        %mul3A_422 = arith.mulf %get3A_210, %get3A_421 : vector<16xf32>
        %add3A_423 = arith.addf %add3A_407, %mul3A_422 : vector<16xf32>
        %add3A_424 = arith.addf %add3A_415, %add3A_423 : vector<16xf32>
        %swap3A_425 = arith.constant 0 : i32
        %swap3A_426 = arith.index_cast %swap3A_425 : i32 to index
        %swap3A_427 = arith.index_cast %add3A_176 : i32 to index
        %swap3A_428 = arith.constant 32 : index
        %swap3A_429 = tpu.vector_load %arg9[%swap3A_426, %swap3A_427, %swap3A_428] {strides = array<i32>} : memref<2x16x128xf32, #tpu.memory_space<vmem>>, vector<1x1x16xf32>,
        %swap3A_430 = vector.shape_cast %swap3A_429 : vector<1x1x16xf32> to vector<16xf32>
        %swap3A_431 = vector.shape_cast %add3A_424 : vector<16xf32> to vector<1x1x16xf32>
        tpu.vector_store %arg9[%swap3A_426, %swap3A_427, %swap3A_428], %swap3A_431 {strides = array<i32>} : memref<2x16x128xf32, #tpu.memory_space<vmem>>, vector<1x1x16xf32>,
        %mul3A_432 = arith.constant 5 : i32
        %mul3A_433 = arith.muli %add3A_176, %mul3A_432 : i32
        %add3A_434 = arith.constant 3 : i32
        %add3A_435 = arith.addi %mul3A_433, %add3A_434 : i32
        %get3A_436 = arith.constant 0 : i32
        %get3A_437 = arith.index_cast %get3A_436 : i32 to index
        %get3A_438 = arith.index_cast %add3A_435 : i32 to index
        %get3A_439 = arith.constant 0 : index
        %get3A_440 = tpu.vector_load %arg8[%get3A_437, %get3A_438, %get3A_439] {strides = array<i32>} : memref<2x80x128xf32, #tpu.memory_space<vmem>>, vector<1x1x16xf32>,
        %get3A_441 = vector.shape_cast %get3A_440 : vector<1x1x16xf32> to vector<16xf32>
        %mul3A_442 = arith.mulf %get3A_182, %get3A_441 : vector<16xf32>
        %get3A_443 = arith.constant 0 : i32
        %get3A_444 = arith.index_cast %get3A_443 : i32 to index
        %get3A_445 = arith.index_cast %add3A_435 : i32 to index
        %get3A_446 = arith.constant 16 : index
        %get3A_447 = tpu.vector_load %arg8[%get3A_444, %get3A_445, %get3A_446] {strides = array<i32>} : memref<2x80x128xf32, #tpu.memory_space<vmem>>, vector<1x1x16xf32>,
        %get3A_448 = vector.shape_cast %get3A_447 : vector<1x1x16xf32> to vector<16xf32>
        %mul3A_449 = arith.mulf %get3A_186, %get3A_448 : vector<16xf32>
        %get3A_450 = arith.constant 0 : i32
        %get3A_451 = arith.index_cast %get3A_450 : i32 to index
        %get3A_452 = arith.index_cast %add3A_435 : i32 to index
        %get3A_453 = arith.constant 32 : index
        %get3A_454 = tpu.vector_load %arg8[%get3A_451, %get3A_452, %get3A_453] {strides = array<i32>} : memref<2x80x128xf32, #tpu.memory_space<vmem>>, vector<1x1x16xf32>,
        %get3A_455 = vector.shape_cast %get3A_454 : vector<1x1x16xf32> to vector<16xf32>
        %mul3A_456 = arith.mulf %get3A_190, %get3A_455 : vector<16xf32>
        %add3A_457 = arith.addf %mul3A_442, %mul3A_456 : vector<16xf32>
        %get3A_458 = arith.constant 0 : i32
        %get3A_459 = arith.index_cast %get3A_458 : i32 to index
        %get3A_460 = arith.index_cast %add3A_435 : i32 to index
        %get3A_461 = arith.constant 48 : index
        %get3A_462 = tpu.vector_load %arg8[%get3A_459, %get3A_460, %get3A_461] {strides = array<i32>} : memref<2x80x128xf32, #tpu.memory_space<vmem>>, vector<1x1x16xf32>,
        %get3A_463 = vector.shape_cast %get3A_462 : vector<1x1x16xf32> to vector<16xf32>
        %mul3A_464 = arith.mulf %get3A_194, %get3A_463 : vector<16xf32>
        %add3A_465 = arith.addf %mul3A_449, %mul3A_464 : vector<16xf32>
        %get3A_466 = arith.constant 0 : i32
        %get3A_467 = arith.index_cast %get3A_466 : i32 to index
        %get3A_468 = arith.index_cast %add3A_435 : i32 to index
        %get3A_469 = arith.constant 64 : index
        %get3A_470 = tpu.vector_load %arg8[%get3A_467, %get3A_468, %get3A_469] {strides = array<i32>} : memref<2x80x128xf32, #tpu.memory_space<vmem>>, vector<1x1x16xf32>,
        %get3A_471 = vector.shape_cast %get3A_470 : vector<1x1x16xf32> to vector<16xf32>
        %mul3A_472 = arith.mulf %get3A_198, %get3A_471 : vector<16xf32>
        %add3A_473 = arith.addf %add3A_457, %mul3A_472 : vector<16xf32>
        %get3A_474 = arith.constant 0 : i32
        %get3A_475 = arith.index_cast %get3A_474 : i32 to index
        %get3A_476 = arith.index_cast %add3A_435 : i32 to index
        %get3A_477 = arith.constant 80 : index
        %get3A_478 = tpu.vector_load %arg8[%get3A_475, %get3A_476, %get3A_477] {strides = array<i32>} : memref<2x80x128xf32, #tpu.memory_space<vmem>>, vector<1x1x16xf32>,
        %get3A_479 = vector.shape_cast %get3A_478 : vector<1x1x16xf32> to vector<16xf32>
        %mul3A_480 = arith.mulf %get3A_202, %get3A_479 : vector<16xf32>
        %add3A_481 = arith.addf %add3A_465, %mul3A_480 : vector<16xf32>
        %get3A_482 = arith.constant 0 : i32
        %get3A_483 = arith.index_cast %get3A_482 : i32 to index
        %get3A_484 = arith.index_cast %add3A_435 : i32 to index
        %get3A_485 = arith.constant 96 : index
        %get3A_486 = tpu.vector_load %arg8[%get3A_483, %get3A_484, %get3A_485] {strides = array<i32>} : memref<2x80x128xf32, #tpu.memory_space<vmem>>, vector<1x1x16xf32>,
        %get3A_487 = vector.shape_cast %get3A_486 : vector<1x1x16xf32> to vector<16xf32>
        %mul3A_488 = arith.mulf %get3A_206, %get3A_487 : vector<16xf32>
        %add3A_489 = arith.addf %add3A_473, %mul3A_488 : vector<16xf32>
        %get3A_490 = arith.constant 0 : i32
        %get3A_491 = arith.index_cast %get3A_490 : i32 to index
        %get3A_492 = arith.index_cast %add3A_435 : i32 to index
        %get3A_493 = arith.constant 112 : index
        %get3A_494 = tpu.vector_load %arg8[%get3A_491, %get3A_492, %get3A_493] {strides = array<i32>} : memref<2x80x128xf32, #tpu.memory_space<vmem>>, vector<1x1x16xf32>,
        %get3A_495 = vector.shape_cast %get3A_494 : vector<1x1x16xf32> to vector<16xf32>
        %mul3A_496 = arith.mulf %get3A_210, %get3A_495 : vector<16xf32>
        %add3A_497 = arith.addf %add3A_481, %mul3A_496 : vector<16xf32>
        %add3A_498 = arith.addf %add3A_489, %add3A_497 : vector<16xf32>
        %swap3A_499 = arith.constant 0 : i32
        %swap3A_500 = arith.index_cast %swap3A_499 : i32 to index
        %swap3A_501 = arith.index_cast %add3A_176 : i32 to index
        %swap3A_502 = arith.constant 48 : index
        %swap3A_503 = tpu.vector_load %arg9[%swap3A_500, %swap3A_501, %swap3A_502] {strides = array<i32>} : memref<2x16x128xf32, #tpu.memory_space<vmem>>, vector<1x1x16xf32>,
        %swap3A_504 = vector.shape_cast %swap3A_503 : vector<1x1x16xf32> to vector<16xf32>
        %swap3A_505 = vector.shape_cast %add3A_498 : vector<16xf32> to vector<1x1x16xf32>
        tpu.vector_store %arg9[%swap3A_500, %swap3A_501, %swap3A_502], %swap3A_505 {strides = array<i32>} : memref<2x16x128xf32, #tpu.memory_space<vmem>>, vector<1x1x16xf32>,
        %mul3A_506 = arith.constant 5 : i32
        %mul3A_507 = arith.muli %add3A_176, %mul3A_506 : i32
        %add3A_508 = arith.constant 4 : i32
        %add3A_509 = arith.addi %mul3A_507, %add3A_508 : i32
        %get3A_510 = arith.constant 0 : i32
        %get3A_511 = arith.index_cast %get3A_510 : i32 to index
        %get3A_512 = arith.index_cast %add3A_509 : i32 to index
        %get3A_513 = arith.constant 0 : index
        %get3A_514 = tpu.vector_load %arg8[%get3A_511, %get3A_512, %get3A_513] {strides = array<i32>} : memref<2x80x128xf32, #tpu.memory_space<vmem>>, vector<1x1x16xf32>,
        %get3A_515 = vector.shape_cast %get3A_514 : vector<1x1x16xf32> to vector<16xf32>
        %mul3A_516 = arith.mulf %get3A_182, %get3A_515 : vector<16xf32>
        %get3A_517 = arith.constant 0 : i32
        %get3A_518 = arith.index_cast %get3A_517 : i32 to index
        %get3A_519 = arith.index_cast %add3A_509 : i32 to index
        %get3A_520 = arith.constant 16 : index
        %get3A_521 = tpu.vector_load %arg8[%get3A_518, %get3A_519, %get3A_520] {strides = array<i32>} : memref<2x80x128xf32, #tpu.memory_space<vmem>>, vector<1x1x16xf32>,
        %get3A_522 = vector.shape_cast %get3A_521 : vector<1x1x16xf32> to vector<16xf32>
        %mul3A_523 = arith.mulf %get3A_186, %get3A_522 : vector<16xf32>
        %get3A_524 = arith.constant 0 : i32
        %get3A_525 = arith.index_cast %get3A_524 : i32 to index
        %get3A_526 = arith.index_cast %add3A_509 : i32 to index
        %get3A_527 = arith.constant 32 : index
        %get3A_528 = tpu.vector_load %arg8[%get3A_525, %get3A_526, %get3A_527] {strides = array<i32>} : memref<2x80x128xf32, #tpu.memory_space<vmem>>, vector<1x1x16xf32>,
        %get3A_529 = vector.shape_cast %get3A_528 : vector<1x1x16xf32> to vector<16xf32>
        %mul3A_530 = arith.mulf %get3A_190, %get3A_529 : vector<16xf32>
        %add3A_531 = arith.addf %mul3A_516, %mul3A_530 : vector<16xf32>
        %get3A_532 = arith.constant 0 : i32
        %get3A_533 = arith.index_cast %get3A_532 : i32 to index
        %get3A_534 = arith.index_cast %add3A_509 : i32 to index
        %get3A_535 = arith.constant 48 : index
        %get3A_536 = tpu.vector_load %arg8[%get3A_533, %get3A_534, %get3A_535] {strides = array<i32>} : memref<2x80x128xf32, #tpu.memory_space<vmem>>, vector<1x1x16xf32>,
        %get3A_537 = vector.shape_cast %get3A_536 : vector<1x1x16xf32> to vector<16xf32>
        %mul3A_538 = arith.mulf %get3A_194, %get3A_537 : vector<16xf32>
        %add3A_539 = arith.addf %mul3A_523, %mul3A_538 : vector<16xf32>
        %get3A_540 = arith.constant 0 : i32
        %get3A_541 = arith.index_cast %get3A_540 : i32 to index
        %get3A_542 = arith.index_cast %add3A_509 : i32 to index
        %get3A_543 = arith.constant 64 : index
        %get3A_544 = tpu.vector_load %arg8[%get3A_541, %get3A_542, %get3A_543] {strides = array<i32>} : memref<2x80x128xf32, #tpu.memory_space<vmem>>, vector<1x1x16xf32>,
        %get3A_545 = vector.shape_cast %get3A_544 : vector<1x1x16xf32> to vector<16xf32>
        %mul3A_546 = arith.mulf %get3A_198, %get3A_545 : vector<16xf32>
        %add3A_547 = arith.addf %add3A_531, %mul3A_546 : vector<16xf32>
        %get3A_548 = arith.constant 0 : i32
        %get3A_549 = arith.index_cast %get3A_548 : i32 to index
        %get3A_550 = arith.index_cast %add3A_509 : i32 to index
        %get3A_551 = arith.constant 80 : index
        %get3A_552 = tpu.vector_load %arg8[%get3A_549, %get3A_550, %get3A_551] {strides = array<i32>} : memref<2x80x128xf32, #tpu.memory_space<vmem>>, vector<1x1x16xf32>,
        %get3A_553 = vector.shape_cast %get3A_552 : vector<1x1x16xf32> to vector<16xf32>
        %mul3A_554 = arith.mulf %get3A_202, %get3A_553 : vector<16xf32>
        %add3A_555 = arith.addf %add3A_539, %mul3A_554 : vector<16xf32>
        %get3A_556 = arith.constant 0 : i32
        %get3A_557 = arith.index_cast %get3A_556 : i32 to index
        %get3A_558 = arith.index_cast %add3A_509 : i32 to index
        %get3A_559 = arith.constant 96 : index
        %get3A_560 = tpu.vector_load %arg8[%get3A_557, %get3A_558, %get3A_559] {strides = array<i32>} : memref<2x80x128xf32, #tpu.memory_space<vmem>>, vector<1x1x16xf32>,
        %get3A_561 = vector.shape_cast %get3A_560 : vector<1x1x16xf32> to vector<16xf32>
        %mul3A_562 = arith.mulf %get3A_206, %get3A_561 : vector<16xf32>
        %add3A_563 = arith.addf %add3A_547, %mul3A_562 : vector<16xf32>
        %get3A_564 = arith.constant 0 : i32
        %get3A_565 = arith.index_cast %get3A_564 : i32 to index
        %get3A_566 = arith.index_cast %add3A_509 : i32 to index
        %get3A_567 = arith.constant 112 : index
        %get3A_568 = tpu.vector_load %arg8[%get3A_565, %get3A_566, %get3A_567] {strides = array<i32>} : memref<2x80x128xf32, #tpu.memory_space<vmem>>, vector<1x1x16xf32>,
        %get3A_569 = vector.shape_cast %get3A_568 : vector<1x1x16xf32> to vector<16xf32>
        %mul3A_570 = arith.mulf %get3A_210, %get3A_569 : vector<16xf32>
        %add3A_571 = arith.addf %add3A_555, %mul3A_570 : vector<16xf32>
        %add3A_572 = arith.addf %add3A_563, %add3A_571 : vector<16xf32>
        %swap3A_573 = arith.constant 0 : i32
        %swap3A_574 = arith.index_cast %swap3A_573 : i32 to index
        %swap3A_575 = arith.index_cast %add3A_176 : i32 to index
        %swap3A_576 = arith.constant 64 : index
        %swap3A_577 = tpu.vector_load %arg9[%swap3A_574, %swap3A_575, %swap3A_576] {strides = array<i32>} : memref<2x16x128xf32, #tpu.memory_space<vmem>>, vector<1x1x16xf32>,
        %swap3A_578 = vector.shape_cast %swap3A_577 : vector<1x1x16xf32> to vector<16xf32>
        %swap3A_579 = vector.shape_cast %add3A_572 : vector<16xf32> to vector<1x1x16xf32>
        tpu.vector_store %arg9[%swap3A_574, %swap3A_575, %swap3A_576], %swap3A_579 {strides = array<i32>} : memref<2x16x128xf32, #tpu.memory_space<vmem>>, vector<1x1x16xf32>,
        %scan3A_580 = arith.constant 1 : i32
        %scan3A_581 = arith.addi %scan3A_172, %scan3A_580 : i32
        %mul3A_582 = arith.constant 1 : i32
        %mul3A_583 = arith.muli %scan3A_581, %mul3A_582 : i32
        %add3A_584 = arith.constant 0 : i32
        %add3A_585 = arith.addi %add3A_584, %mul3A_583 : i32
        %mul3A_586 = arith.constant 16 : i32
        %mul3A_587 = arith.muli %add3A_75, %mul3A_586 : i32
        %add3A_588 = arith.addi %mul3A_587, %add3A_585 : i32
        %get3A_589 = arith.index_cast %add3A_588 : i32 to index
        %get3A_590 = arith.constant 0 : index
        %get3A_591 = tpu.vector_load %arg7[%get3A_589, %get3A_590] {strides = array<i32>} : memref<640x128xf32, #tpu.memory_space<vmem>>, vector<1x16xf32>,
        %get3A_592 = vector.shape_cast %get3A_591 : vector<1x16xf32> to vector<16xf32>
        %get3A_593 = arith.index_cast %add3A_588 : i32 to index
        %get3A_594 = arith.constant 16 : index
        %get3A_595 = tpu.vector_load %arg7[%get3A_593, %get3A_594] {strides = array<i32>} : memref<640x128xf32, #tpu.memory_space<vmem>>, vector<1x16xf32>,
        %get3A_596 = vector.shape_cast %get3A_595 : vector<1x16xf32> to vector<16xf32>
        %get3A_597 = arith.index_cast %add3A_588 : i32 to index
        %get3A_598 = arith.constant 32 : index
        %get3A_599 = tpu.vector_load %arg7[%get3A_597, %get3A_598] {strides = array<i32>} : memref<640x128xf32, #tpu.memory_space<vmem>>, vector<1x16xf32>,
        %get3A_600 = vector.shape_cast %get3A_599 : vector<1x16xf32> to vector<16xf32>
        %get3A_601 = arith.index_cast %add3A_588 : i32 to index
        %get3A_602 = arith.constant 48 : index
        %get3A_603 = tpu.vector_load %arg7[%get3A_601, %get3A_602] {strides = array<i32>} : memref<640x128xf32, #tpu.memory_space<vmem>>, vector<1x16xf32>,
        %get3A_604 = vector.shape_cast %get3A_603 : vector<1x16xf32> to vector<16xf32>
        %get3A_605 = arith.index_cast %add3A_588 : i32 to index
        %get3A_606 = arith.constant 64 : index
        %get3A_607 = tpu.vector_load %arg7[%get3A_605, %get3A_606] {strides = array<i32>} : memref<640x128xf32, #tpu.memory_space<vmem>>, vector<1x16xf32>,
        %get3A_608 = vector.shape_cast %get3A_607 : vector<1x16xf32> to vector<16xf32>
        %get3A_609 = arith.index_cast %add3A_588 : i32 to index
        %get3A_610 = arith.constant 80 : index
        %get3A_611 = tpu.vector_load %arg7[%get3A_609, %get3A_610] {strides = array<i32>} : memref<640x128xf32, #tpu.memory_space<vmem>>, vector<1x16xf32>,
        %get3A_612 = vector.shape_cast %get3A_611 : vector<1x16xf32> to vector<16xf32>
        %get3A_613 = arith.index_cast %add3A_588 : i32 to index
        %get3A_614 = arith.constant 96 : index
        %get3A_615 = tpu.vector_load %arg7[%get3A_613, %get3A_614] {strides = array<i32>} : memref<640x128xf32, #tpu.memory_space<vmem>>, vector<1x16xf32>,
        %get3A_616 = vector.shape_cast %get3A_615 : vector<1x16xf32> to vector<16xf32>
        %get3A_617 = arith.index_cast %add3A_588 : i32 to index
        %get3A_618 = arith.constant 112 : index
        %get3A_619 = tpu.vector_load %arg7[%get3A_617, %get3A_618] {strides = array<i32>} : memref<640x128xf32, #tpu.memory_space<vmem>>, vector<1x16xf32>,
        %get3A_620 = vector.shape_cast %get3A_619 : vector<1x16xf32> to vector<16xf32>
        %mul3A_621 = arith.constant 5 : i32
        %mul3A_622 = arith.muli %add3A_585, %mul3A_621 : i32
        %add3A_623 = arith.constant 0 : i32
        %add3A_624 = arith.addi %mul3A_622, %add3A_623 : i32
        %get3A_625 = arith.constant 0 : i32
        %get3A_626 = arith.index_cast %get3A_625 : i32 to index
        %get3A_627 = arith.index_cast %add3A_624 : i32 to index
        %get3A_628 = arith.constant 0 : index
        %get3A_629 = tpu.vector_load %arg8[%get3A_626, %get3A_627, %get3A_628] {strides = array<i32>} : memref<2x80x128xf32, #tpu.memory_space<vmem>>, vector<1x1x16xf32>,
        %get3A_630 = vector.shape_cast %get3A_629 : vector<1x1x16xf32> to vector<16xf32>
        %mul3A_631 = arith.mulf %get3A_592, %get3A_630 : vector<16xf32>
        %get3A_632 = arith.constant 0 : i32
        %get3A_633 = arith.index_cast %get3A_632 : i32 to index
        %get3A_634 = arith.index_cast %add3A_624 : i32 to index
        %get3A_635 = arith.constant 16 : index
        %get3A_636 = tpu.vector_load %arg8[%get3A_633, %get3A_634, %get3A_635] {strides = array<i32>} : memref<2x80x128xf32, #tpu.memory_space<vmem>>, vector<1x1x16xf32>,
        %get3A_637 = vector.shape_cast %get3A_636 : vector<1x1x16xf32> to vector<16xf32>
        %mul3A_638 = arith.mulf %get3A_596, %get3A_637 : vector<16xf32>
        %get3A_639 = arith.constant 0 : i32
        %get3A_640 = arith.index_cast %get3A_639 : i32 to index
        %get3A_641 = arith.index_cast %add3A_624 : i32 to index
        %get3A_642 = arith.constant 32 : index
        %get3A_643 = tpu.vector_load %arg8[%get3A_640, %get3A_641, %get3A_642] {strides = array<i32>} : memref<2x80x128xf32, #tpu.memory_space<vmem>>, vector<1x1x16xf32>,
        %get3A_644 = vector.shape_cast %get3A_643 : vector<1x1x16xf32> to vector<16xf32>
        %mul3A_645 = arith.mulf %get3A_600, %get3A_644 : vector<16xf32>
        %add3A_646 = arith.addf %mul3A_631, %mul3A_645 : vector<16xf32>
        %get3A_647 = arith.constant 0 : i32
        %get3A_648 = arith.index_cast %get3A_647 : i32 to index
        %get3A_649 = arith.index_cast %add3A_624 : i32 to index
        %get3A_650 = arith.constant 48 : index
        %get3A_651 = tpu.vector_load %arg8[%get3A_648, %get3A_649, %get3A_650] {strides = array<i32>} : memref<2x80x128xf32, #tpu.memory_space<vmem>>, vector<1x1x16xf32>,
        %get3A_652 = vector.shape_cast %get3A_651 : vector<1x1x16xf32> to vector<16xf32>
        %mul3A_653 = arith.mulf %get3A_604, %get3A_652 : vector<16xf32>
        %add3A_654 = arith.addf %mul3A_638, %mul3A_653 : vector<16xf32>
        %get3A_655 = arith.constant 0 : i32
        %get3A_656 = arith.index_cast %get3A_655 : i32 to index
        %get3A_657 = arith.index_cast %add3A_624 : i32 to index
        %get3A_658 = arith.constant 64 : index
        %get3A_659 = tpu.vector_load %arg8[%get3A_656, %get3A_657, %get3A_658] {strides = array<i32>} : memref<2x80x128xf32, #tpu.memory_space<vmem>>, vector<1x1x16xf32>,
        %get3A_660 = vector.shape_cast %get3A_659 : vector<1x1x16xf32> to vector<16xf32>
        %mul3A_661 = arith.mulf %get3A_608, %get3A_660 : vector<16xf32>
        %add3A_662 = arith.addf %add3A_646, %mul3A_661 : vector<16xf32>
        %get3A_663 = arith.constant 0 : i32
        %get3A_664 = arith.index_cast %get3A_663 : i32 to index
        %get3A_665 = arith.index_cast %add3A_624 : i32 to index
        %get3A_666 = arith.constant 80 : index
        %get3A_667 = tpu.vector_load %arg8[%get3A_664, %get3A_665, %get3A_666] {strides = array<i32>} : memref<2x80x128xf32, #tpu.memory_space<vmem>>, vector<1x1x16xf32>,
        %get3A_668 = vector.shape_cast %get3A_667 : vector<1x1x16xf32> to vector<16xf32>
        %mul3A_669 = arith.mulf %get3A_612, %get3A_668 : vector<16xf32>
        %add3A_670 = arith.addf %add3A_654, %mul3A_669 : vector<16xf32>
        %get3A_671 = arith.constant 0 : i32
        %get3A_672 = arith.index_cast %get3A_671 : i32 to index
        %get3A_673 = arith.index_cast %add3A_624 : i32 to index
        %get3A_674 = arith.constant 96 : index
        %get3A_675 = tpu.vector_load %arg8[%get3A_672, %get3A_673, %get3A_674] {strides = array<i32>} : memref<2x80x128xf32, #tpu.memory_space<vmem>>, vector<1x1x16xf32>,
        %get3A_676 = vector.shape_cast %get3A_675 : vector<1x1x16xf32> to vector<16xf32>
        %mul3A_677 = arith.mulf %get3A_616, %get3A_676 : vector<16xf32>
        %add3A_678 = arith.addf %add3A_662, %mul3A_677 : vector<16xf32>
        %get3A_679 = arith.constant 0 : i32
        %get3A_680 = arith.index_cast %get3A_679 : i32 to index
        %get3A_681 = arith.index_cast %add3A_624 : i32 to index
        %get3A_682 = arith.constant 112 : index
        %get3A_683 = tpu.vector_load %arg8[%get3A_680, %get3A_681, %get3A_682] {strides = array<i32>} : memref<2x80x128xf32, #tpu.memory_space<vmem>>, vector<1x1x16xf32>,
        %get3A_684 = vector.shape_cast %get3A_683 : vector<1x1x16xf32> to vector<16xf32>
        %mul3A_685 = arith.mulf %get3A_620, %get3A_684 : vector<16xf32>
        %add3A_686 = arith.addf %add3A_670, %mul3A_685 : vector<16xf32>
        %add3A_687 = arith.addf %add3A_678, %add3A_686 : vector<16xf32>
        %swap3A_688 = arith.constant 0 : i32
        %swap3A_689 = arith.index_cast %swap3A_688 : i32 to index
        %swap3A_690 = arith.index_cast %add3A_585 : i32 to index
        %swap3A_691 = arith.constant 0 : index
        %swap3A_692 = tpu.vector_load %arg9[%swap3A_689, %swap3A_690, %swap3A_691] {strides = array<i32>} : memref<2x16x128xf32, #tpu.memory_space<vmem>>, vector<1x1x16xf32>,
        %swap3A_693 = vector.shape_cast %swap3A_692 : vector<1x1x16xf32> to vector<16xf32>
        %swap3A_694 = vector.shape_cast %add3A_687 : vector<16xf32> to vector<1x1x16xf32>
        tpu.vector_store %arg9[%swap3A_689, %swap3A_690, %swap3A_691], %swap3A_694 {strides = array<i32>} : memref<2x16x128xf32, #tpu.memory_space<vmem>>, vector<1x1x16xf32>,
        %mul3A_695 = arith.constant 5 : i32
        %mul3A_696 = arith.muli %add3A_585, %mul3A_695 : i32
        %add3A_697 = arith.constant 1 : i32
        %add3A_698 = arith.addi %mul3A_696, %add3A_697 : i32
        %get3A_699 = arith.constant 0 : i32
        %get3A_700 = arith.index_cast %get3A_699 : i32 to index
        %get3A_701 = arith.index_cast %add3A_698 : i32 to index
        %get3A_702 = arith.constant 0 : index
        %get3A_703 = tpu.vector_load %arg8[%get3A_700, %get3A_701, %get3A_702] {strides = array<i32>} : memref<2x80x128xf32, #tpu.memory_space<vmem>>, vector<1x1x16xf32>,
        %get3A_704 = vector.shape_cast %get3A_703 : vector<1x1x16xf32> to vector<16xf32>
        %mul3A_705 = arith.mulf %get3A_592, %get3A_704 : vector<16xf32>
        %get3A_706 = arith.constant 0 : i32
        %get3A_707 = arith.index_cast %get3A_706 : i32 to index
        %get3A_708 = arith.index_cast %add3A_698 : i32 to index
        %get3A_709 = arith.constant 16 : index
        %get3A_710 = tpu.vector_load %arg8[%get3A_707, %get3A_708, %get3A_709] {strides = array<i32>} : memref<2x80x128xf32, #tpu.memory_space<vmem>>, vector<1x1x16xf32>,
        %get3A_711 = vector.shape_cast %get3A_710 : vector<1x1x16xf32> to vector<16xf32>
        %mul3A_712 = arith.mulf %get3A_596, %get3A_711 : vector<16xf32>
        %get3A_713 = arith.constant 0 : i32
        %get3A_714 = arith.index_cast %get3A_713 : i32 to index
        %get3A_715 = arith.index_cast %add3A_698 : i32 to index
        %get3A_716 = arith.constant 32 : index
        %get3A_717 = tpu.vector_load %arg8[%get3A_714, %get3A_715, %get3A_716] {strides = array<i32>} : memref<2x80x128xf32, #tpu.memory_space<vmem>>, vector<1x1x16xf32>,
        %get3A_718 = vector.shape_cast %get3A_717 : vector<1x1x16xf32> to vector<16xf32>
        %mul3A_719 = arith.mulf %get3A_600, %get3A_718 : vector<16xf32>
        %add3A_720 = arith.addf %mul3A_705, %mul3A_719 : vector<16xf32>
        %get3A_721 = arith.constant 0 : i32
        %get3A_722 = arith.index_cast %get3A_721 : i32 to index
        %get3A_723 = arith.index_cast %add3A_698 : i32 to index
        %get3A_724 = arith.constant 48 : index
        %get3A_725 = tpu.vector_load %arg8[%get3A_722, %get3A_723, %get3A_724] {strides = array<i32>} : memref<2x80x128xf32, #tpu.memory_space<vmem>>, vector<1x1x16xf32>,
        %get3A_726 = vector.shape_cast %get3A_725 : vector<1x1x16xf32> to vector<16xf32>
        %mul3A_727 = arith.mulf %get3A_604, %get3A_726 : vector<16xf32>
        %add3A_728 = arith.addf %mul3A_712, %mul3A_727 : vector<16xf32>
        %get3A_729 = arith.constant 0 : i32
        %get3A_730 = arith.index_cast %get3A_729 : i32 to index
        %get3A_731 = arith.index_cast %add3A_698 : i32 to index
        %get3A_732 = arith.constant 64 : index
        %get3A_733 = tpu.vector_load %arg8[%get3A_730, %get3A_731, %get3A_732] {strides = array<i32>} : memref<2x80x128xf32, #tpu.memory_space<vmem>>, vector<1x1x16xf32>,
        %get3A_734 = vector.shape_cast %get3A_733 : vector<1x1x16xf32> to vector<16xf32>
        %mul3A_735 = arith.mulf %get3A_608, %get3A_734 : vector<16xf32>
        %add3A_736 = arith.addf %add3A_720, %mul3A_735 : vector<16xf32>
        %get3A_737 = arith.constant 0 : i32
        %get3A_738 = arith.index_cast %get3A_737 : i32 to index
        %get3A_739 = arith.index_cast %add3A_698 : i32 to index
        %get3A_740 = arith.constant 80 : index
        %get3A_741 = tpu.vector_load %arg8[%get3A_738, %get3A_739, %get3A_740] {strides = array<i32>} : memref<2x80x128xf32, #tpu.memory_space<vmem>>, vector<1x1x16xf32>,
        %get3A_742 = vector.shape_cast %get3A_741 : vector<1x1x16xf32> to vector<16xf32>
        %mul3A_743 = arith.mulf %get3A_612, %get3A_742 : vector<16xf32>
        %add3A_744 = arith.addf %add3A_728, %mul3A_743 : vector<16xf32>
        %get3A_745 = arith.constant 0 : i32
        %get3A_746 = arith.index_cast %get3A_745 : i32 to index
        %get3A_747 = arith.index_cast %add3A_698 : i32 to index
        %get3A_748 = arith.constant 96 : index
        %get3A_749 = tpu.vector_load %arg8[%get3A_746, %get3A_747, %get3A_748] {strides = array<i32>} : memref<2x80x128xf32, #tpu.memory_space<vmem>>, vector<1x1x16xf32>,
        %get3A_750 = vector.shape_cast %get3A_749 : vector<1x1x16xf32> to vector<16xf32>
        %mul3A_751 = arith.mulf %get3A_616, %get3A_750 : vector<16xf32>
        %add3A_752 = arith.addf %add3A_736, %mul3A_751 : vector<16xf32>
        %get3A_753 = arith.constant 0 : i32
        %get3A_754 = arith.index_cast %get3A_753 : i32 to index
        %get3A_755 = arith.index_cast %add3A_698 : i32 to index
        %get3A_756 = arith.constant 112 : index
        %get3A_757 = tpu.vector_load %arg8[%get3A_754, %get3A_755, %get3A_756] {strides = array<i32>} : memref<2x80x128xf32, #tpu.memory_space<vmem>>, vector<1x1x16xf32>,
        %get3A_758 = vector.shape_cast %get3A_757 : vector<1x1x16xf32> to vector<16xf32>
        %mul3A_759 = arith.mulf %get3A_620, %get3A_758 : vector<16xf32>
        %add3A_760 = arith.addf %add3A_744, %mul3A_759 : vector<16xf32>
        %add3A_761 = arith.addf %add3A_752, %add3A_760 : vector<16xf32>
        %swap3A_762 = arith.constant 0 : i32
        %swap3A_763 = arith.index_cast %swap3A_762 : i32 to index
        %swap3A_764 = arith.index_cast %add3A_585 : i32 to index
        %swap3A_765 = arith.constant 16 : index
        %swap3A_766 = tpu.vector_load %arg9[%swap3A_763, %swap3A_764, %swap3A_765] {strides = array<i32>} : memref<2x16x128xf32, #tpu.memory_space<vmem>>, vector<1x1x16xf32>,
        %swap3A_767 = vector.shape_cast %swap3A_766 : vector<1x1x16xf32> to vector<16xf32>
        %swap3A_768 = vector.shape_cast %add3A_761 : vector<16xf32> to vector<1x1x16xf32>
        tpu.vector_store %arg9[%swap3A_763, %swap3A_764, %swap3A_765], %swap3A_768 {strides = array<i32>} : memref<2x16x128xf32, #tpu.memory_space<vmem>>, vector<1x1x16xf32>,
        %mul3A_769 = arith.constant 5 : i32
        %mul3A_770 = arith.muli %add3A_585, %mul3A_769 : i32
        %add3A_771 = arith.constant 2 : i32
        %add3A_772 = arith.addi %mul3A_770, %add3A_771 : i32
        %get3A_773 = arith.constant 0 : i32
        %get3A_774 = arith.index_cast %get3A_773 : i32 to index
        %get3A_775 = arith.index_cast %add3A_772 : i32 to index
        %get3A_776 = arith.constant 0 : index
        %get3A_777 = tpu.vector_load %arg8[%get3A_774, %get3A_775, %get3A_776] {strides = array<i32>} : memref<2x80x128xf32, #tpu.memory_space<vmem>>, vector<1x1x16xf32>,
        %get3A_778 = vector.shape_cast %get3A_777 : vector<1x1x16xf32> to vector<16xf32>
        %mul3A_779 = arith.mulf %get3A_592, %get3A_778 : vector<16xf32>
        %get3A_780 = arith.constant 0 : i32
        %get3A_781 = arith.index_cast %get3A_780 : i32 to index
        %get3A_782 = arith.index_cast %add3A_772 : i32 to index
        %get3A_783 = arith.constant 16 : index
        %get3A_784 = tpu.vector_load %arg8[%get3A_781, %get3A_782, %get3A_783] {strides = array<i32>} : memref<2x80x128xf32, #tpu.memory_space<vmem>>, vector<1x1x16xf32>,
        %get3A_785 = vector.shape_cast %get3A_784 : vector<1x1x16xf32> to vector<16xf32>
        %mul3A_786 = arith.mulf %get3A_596, %get3A_785 : vector<16xf32>
        %get3A_787 = arith.constant 0 : i32
        %get3A_788 = arith.index_cast %get3A_787 : i32 to index
        %get3A_789 = arith.index_cast %add3A_772 : i32 to index
        %get3A_790 = arith.constant 32 : index
        %get3A_791 = tpu.vector_load %arg8[%get3A_788, %get3A_789, %get3A_790] {strides = array<i32>} : memref<2x80x128xf32, #tpu.memory_space<vmem>>, vector<1x1x16xf32>,
        %get3A_792 = vector.shape_cast %get3A_791 : vector<1x1x16xf32> to vector<16xf32>
        %mul3A_793 = arith.mulf %get3A_600, %get3A_792 : vector<16xf32>
        %add3A_794 = arith.addf %mul3A_779, %mul3A_793 : vector<16xf32>
        %get3A_795 = arith.constant 0 : i32
        %get3A_796 = arith.index_cast %get3A_795 : i32 to index
        %get3A_797 = arith.index_cast %add3A_772 : i32 to index
        %get3A_798 = arith.constant 48 : index
        %get3A_799 = tpu.vector_load %arg8[%get3A_796, %get3A_797, %get3A_798] {strides = array<i32>} : memref<2x80x128xf32, #tpu.memory_space<vmem>>, vector<1x1x16xf32>,
        %get3A_800 = vector.shape_cast %get3A_799 : vector<1x1x16xf32> to vector<16xf32>
        %mul3A_801 = arith.mulf %get3A_604, %get3A_800 : vector<16xf32>
        %add3A_802 = arith.addf %mul3A_786, %mul3A_801 : vector<16xf32>
        %get3A_803 = arith.constant 0 : i32
        %get3A_804 = arith.index_cast %get3A_803 : i32 to index
        %get3A_805 = arith.index_cast %add3A_772 : i32 to index
        %get3A_806 = arith.constant 64 : index
        %get3A_807 = tpu.vector_load %arg8[%get3A_804, %get3A_805, %get3A_806] {strides = array<i32>} : memref<2x80x128xf32, #tpu.memory_space<vmem>>, vector<1x1x16xf32>,
        %get3A_808 = vector.shape_cast %get3A_807 : vector<1x1x16xf32> to vector<16xf32>
        %mul3A_809 = arith.mulf %get3A_608, %get3A_808 : vector<16xf32>
        %add3A_810 = arith.addf %add3A_794, %mul3A_809 : vector<16xf32>
        %get3A_811 = arith.constant 0 : i32
        %get3A_812 = arith.index_cast %get3A_811 : i32 to index
        %get3A_813 = arith.index_cast %add3A_772 : i32 to index
        %get3A_814 = arith.constant 80 : index
        %get3A_815 = tpu.vector_load %arg8[%get3A_812, %get3A_813, %get3A_814] {strides = array<i32>} : memref<2x80x128xf32, #tpu.memory_space<vmem>>, vector<1x1x16xf32>,
        %get3A_816 = vector.shape_cast %get3A_815 : vector<1x1x16xf32> to vector<16xf32>
        %mul3A_817 = arith.mulf %get3A_612, %get3A_816 : vector<16xf32>
        %add3A_818 = arith.addf %add3A_802, %mul3A_817 : vector<16xf32>
        %get3A_819 = arith.constant 0 : i32
        %get3A_820 = arith.index_cast %get3A_819 : i32 to index
        %get3A_821 = arith.index_cast %add3A_772 : i32 to index
        %get3A_822 = arith.constant 96 : index
        %get3A_823 = tpu.vector_load %arg8[%get3A_820, %get3A_821, %get3A_822] {strides = array<i32>} : memref<2x80x128xf32, #tpu.memory_space<vmem>>, vector<1x1x16xf32>,
        %get3A_824 = vector.shape_cast %get3A_823 : vector<1x1x16xf32> to vector<16xf32>
        %mul3A_825 = arith.mulf %get3A_616, %get3A_824 : vector<16xf32>
        %add3A_826 = arith.addf %add3A_810, %mul3A_825 : vector<16xf32>
        %get3A_827 = arith.constant 0 : i32
        %get3A_828 = arith.index_cast %get3A_827 : i32 to index
        %get3A_829 = arith.index_cast %add3A_772 : i32 to index
        %get3A_830 = arith.constant 112 : index
        %get3A_831 = tpu.vector_load %arg8[%get3A_828, %get3A_829, %get3A_830] {strides = array<i32>} : memref<2x80x128xf32, #tpu.memory_space<vmem>>, vector<1x1x16xf32>,
        %get3A_832 = vector.shape_cast %get3A_831 : vector<1x1x16xf32> to vector<16xf32>
        %mul3A_833 = arith.mulf %get3A_620, %get3A_832 : vector<16xf32>
        %add3A_834 = arith.addf %add3A_818, %mul3A_833 : vector<16xf32>
        %add3A_835 = arith.addf %add3A_826, %add3A_834 : vector<16xf32>
        %swap3A_836 = arith.constant 0 : i32
        %swap3A_837 = arith.index_cast %swap3A_836 : i32 to index
        %swap3A_838 = arith.index_cast %add3A_585 : i32 to index
        %swap3A_839 = arith.constant 32 : index
        %swap3A_840 = tpu.vector_load %arg9[%swap3A_837, %swap3A_838, %swap3A_839] {strides = array<i32>} : memref<2x16x128xf32, #tpu.memory_space<vmem>>, vector<1x1x16xf32>,
        %swap3A_841 = vector.shape_cast %swap3A_840 : vector<1x1x16xf32> to vector<16xf32>
        %swap3A_842 = vector.shape_cast %add3A_835 : vector<16xf32> to vector<1x1x16xf32>
        tpu.vector_store %arg9[%swap3A_837, %swap3A_838, %swap3A_839], %swap3A_842 {strides = array<i32>} : memref<2x16x128xf32, #tpu.memory_space<vmem>>, vector<1x1x16xf32>,
        %mul3A_843 = arith.constant 5 : i32
        %mul3A_844 = arith.muli %add3A_585, %mul3A_843 : i32
        %add3A_845 = arith.constant 3 : i32
        %add3A_846 = arith.addi %mul3A_844, %add3A_845 : i32
        %get3A_847 = arith.constant 0 : i32
        %get3A_848 = arith.index_cast %get3A_847 : i32 to index
        %get3A_849 = arith.index_cast %add3A_846 : i32 to index
        %get3A_850 = arith.constant 0 : index
        %get3A_851 = tpu.vector_load %arg8[%get3A_848, %get3A_849, %get3A_850] {strides = array<i32>} : memref<2x80x128xf32, #tpu.memory_space<vmem>>, vector<1x1x16xf32>,
        %get3A_852 = vector.shape_cast %get3A_851 : vector<1x1x16xf32> to vector<16xf32>
        %mul3A_853 = arith.mulf %get3A_592, %get3A_852 : vector<16xf32>
        %get3A_854 = arith.constant 0 : i32
        %get3A_855 = arith.index_cast %get3A_854 : i32 to index
        %get3A_856 = arith.index_cast %add3A_846 : i32 to index
        %get3A_857 = arith.constant 16 : index
        %get3A_858 = tpu.vector_load %arg8[%get3A_855, %get3A_856, %get3A_857] {strides = array<i32>} : memref<2x80x128xf32, #tpu.memory_space<vmem>>, vector<1x1x16xf32>,
        %get3A_859 = vector.shape_cast %get3A_858 : vector<1x1x16xf32> to vector<16xf32>
        %mul3A_860 = arith.mulf %get3A_596, %get3A_859 : vector<16xf32>
        %get3A_861 = arith.constant 0 : i32
        %get3A_862 = arith.index_cast %get3A_861 : i32 to index
        %get3A_863 = arith.index_cast %add3A_846 : i32 to index
        %get3A_864 = arith.constant 32 : index
        %get3A_865 = tpu.vector_load %arg8[%get3A_862, %get3A_863, %get3A_864] {strides = array<i32>} : memref<2x80x128xf32, #tpu.memory_space<vmem>>, vector<1x1x16xf32>,
        %get3A_866 = vector.shape_cast %get3A_865 : vector<1x1x16xf32> to vector<16xf32>
        %mul3A_867 = arith.mulf %get3A_600, %get3A_866 : vector<16xf32>
        %add3A_868 = arith.addf %mul3A_853, %mul3A_867 : vector<16xf32>
        %get3A_869 = arith.constant 0 : i32
        %get3A_870 = arith.index_cast %get3A_869 : i32 to index
        %get3A_871 = arith.index_cast %add3A_846 : i32 to index
        %get3A_872 = arith.constant 48 : index
        %get3A_873 = tpu.vector_load %arg8[%get3A_870, %get3A_871, %get3A_872] {strides = array<i32>} : memref<2x80x128xf32, #tpu.memory_space<vmem>>, vector<1x1x16xf32>,
        %get3A_874 = vector.shape_cast %get3A_873 : vector<1x1x16xf32> to vector<16xf32>
        %mul3A_875 = arith.mulf %get3A_604, %get3A_874 : vector<16xf32>
        %add3A_876 = arith.addf %mul3A_860, %mul3A_875 : vector<16xf32>
        %get3A_877 = arith.constant 0 : i32
        %get3A_878 = arith.index_cast %get3A_877 : i32 to index
        %get3A_879 = arith.index_cast %add3A_846 : i32 to index
        %get3A_880 = arith.constant 64 : index
        %get3A_881 = tpu.vector_load %arg8[%get3A_878, %get3A_879, %get3A_880] {strides = array<i32>} : memref<2x80x128xf32, #tpu.memory_space<vmem>>, vector<1x1x16xf32>,
        %get3A_882 = vector.shape_cast %get3A_881 : vector<1x1x16xf32> to vector<16xf32>
        %mul3A_883 = arith.mulf %get3A_608, %get3A_882 : vector<16xf32>
        %add3A_884 = arith.addf %add3A_868, %mul3A_883 : vector<16xf32>
        %get3A_885 = arith.constant 0 : i32
        %get3A_886 = arith.index_cast %get3A_885 : i32 to index
        %get3A_887 = arith.index_cast %add3A_846 : i32 to index
        %get3A_888 = arith.constant 80 : index
        %get3A_889 = tpu.vector_load %arg8[%get3A_886, %get3A_887, %get3A_888] {strides = array<i32>} : memref<2x80x128xf32, #tpu.memory_space<vmem>>, vector<1x1x16xf32>,
        %get3A_890 = vector.shape_cast %get3A_889 : vector<1x1x16xf32> to vector<16xf32>
        %mul3A_891 = arith.mulf %get3A_612, %get3A_890 : vector<16xf32>
        %add3A_892 = arith.addf %add3A_876, %mul3A_891 : vector<16xf32>
        %get3A_893 = arith.constant 0 : i32
        %get3A_894 = arith.index_cast %get3A_893 : i32 to index
        %get3A_895 = arith.index_cast %add3A_846 : i32 to index
        %get3A_896 = arith.constant 96 : index
        %get3A_897 = tpu.vector_load %arg8[%get3A_894, %get3A_895, %get3A_896] {strides = array<i32>} : memref<2x80x128xf32, #tpu.memory_space<vmem>>, vector<1x1x16xf32>,
        %get3A_898 = vector.shape_cast %get3A_897 : vector<1x1x16xf32> to vector<16xf32>
        %mul3A_899 = arith.mulf %get3A_616, %get3A_898 : vector<16xf32>
        %add3A_900 = arith.addf %add3A_884, %mul3A_899 : vector<16xf32>
        %get3A_901 = arith.constant 0 : i32
        %get3A_902 = arith.index_cast %get3A_901 : i32 to index
        %get3A_903 = arith.index_cast %add3A_846 : i32 to index
        %get3A_904 = arith.constant 112 : index
        %get3A_905 = tpu.vector_load %arg8[%get3A_902, %get3A_903, %get3A_904] {strides = array<i32>} : memref<2x80x128xf32, #tpu.memory_space<vmem>>, vector<1x1x16xf32>,
        %get3A_906 = vector.shape_cast %get3A_905 : vector<1x1x16xf32> to vector<16xf32>
        %mul3A_907 = arith.mulf %get3A_620, %get3A_906 : vector<16xf32>
        %add3A_908 = arith.addf %add3A_892, %mul3A_907 : vector<16xf32>
        %add3A_909 = arith.addf %add3A_900, %add3A_908 : vector<16xf32>
        %swap3A_910 = arith.constant 0 : i32
        %swap3A_911 = arith.index_cast %swap3A_910 : i32 to index
        %swap3A_912 = arith.index_cast %add3A_585 : i32 to index
        %swap3A_913 = arith.constant 48 : index
        %swap3A_914 = tpu.vector_load %arg9[%swap3A_911, %swap3A_912, %swap3A_913] {strides = array<i32>} : memref<2x16x128xf32, #tpu.memory_space<vmem>>, vector<1x1x16xf32>,
        %swap3A_915 = vector.shape_cast %swap3A_914 : vector<1x1x16xf32> to vector<16xf32>
        %swap3A_916 = vector.shape_cast %add3A_909 : vector<16xf32> to vector<1x1x16xf32>
        tpu.vector_store %arg9[%swap3A_911, %swap3A_912, %swap3A_913], %swap3A_916 {strides = array<i32>} : memref<2x16x128xf32, #tpu.memory_space<vmem>>, vector<1x1x16xf32>,
        %mul3A_917 = arith.constant 5 : i32
        %mul3A_918 = arith.muli %add3A_585, %mul3A_917 : i32
        %add3A_919 = arith.constant 4 : i32
        %add3A_920 = arith.addi %mul3A_918, %add3A_919 : i32
        %get3A_921 = arith.constant 0 : i32
        %get3A_922 = arith.index_cast %get3A_921 : i32 to index
        %get3A_923 = arith.index_cast %add3A_920 : i32 to index
        %get3A_924 = arith.constant 0 : index
        %get3A_925 = tpu.vector_load %arg8[%get3A_922, %get3A_923, %get3A_924] {strides = array<i32>} : memref<2x80x128xf32, #tpu.memory_space<vmem>>, vector<1x1x16xf32>,
        %get3A_926 = vector.shape_cast %get3A_925 : vector<1x1x16xf32> to vector<16xf32>
        %mul3A_927 = arith.mulf %get3A_592, %get3A_926 : vector<16xf32>
        %get3A_928 = arith.constant 0 : i32
        %get3A_929 = arith.index_cast %get3A_928 : i32 to index
        %get3A_930 = arith.index_cast %add3A_920 : i32 to index
        %get3A_931 = arith.constant 16 : index
        %get3A_932 = tpu.vector_load %arg8[%get3A_929, %get3A_930, %get3A_931] {strides = array<i32>} : memref<2x80x128xf32, #tpu.memory_space<vmem>>, vector<1x1x16xf32>,
        %get3A_933 = vector.shape_cast %get3A_932 : vector<1x1x16xf32> to vector<16xf32>
        %mul3A_934 = arith.mulf %get3A_596, %get3A_933 : vector<16xf32>
        %get3A_935 = arith.constant 0 : i32
        %get3A_936 = arith.index_cast %get3A_935 : i32 to index
        %get3A_937 = arith.index_cast %add3A_920 : i32 to index
        %get3A_938 = arith.constant 32 : index
        %get3A_939 = tpu.vector_load %arg8[%get3A_936, %get3A_937, %get3A_938] {strides = array<i32>} : memref<2x80x128xf32, #tpu.memory_space<vmem>>, vector<1x1x16xf32>,
        %get3A_940 = vector.shape_cast %get3A_939 : vector<1x1x16xf32> to vector<16xf32>
        %mul3A_941 = arith.mulf %get3A_600, %get3A_940 : vector<16xf32>
        %add3A_942 = arith.addf %mul3A_927, %mul3A_941 : vector<16xf32>
        %get3A_943 = arith.constant 0 : i32
        %get3A_944 = arith.index_cast %get3A_943 : i32 to index
        %get3A_945 = arith.index_cast %add3A_920 : i32 to index
        %get3A_946 = arith.constant 48 : index
        %get3A_947 = tpu.vector_load %arg8[%get3A_944, %get3A_945, %get3A_946] {strides = array<i32>} : memref<2x80x128xf32, #tpu.memory_space<vmem>>, vector<1x1x16xf32>,
        %get3A_948 = vector.shape_cast %get3A_947 : vector<1x1x16xf32> to vector<16xf32>
        %mul3A_949 = arith.mulf %get3A_604, %get3A_948 : vector<16xf32>
        %add3A_950 = arith.addf %mul3A_934, %mul3A_949 : vector<16xf32>
        %get3A_951 = arith.constant 0 : i32
        %get3A_952 = arith.index_cast %get3A_951 : i32 to index
        %get3A_953 = arith.index_cast %add3A_920 : i32 to index
        %get3A_954 = arith.constant 64 : index
        %get3A_955 = tpu.vector_load %arg8[%get3A_952, %get3A_953, %get3A_954] {strides = array<i32>} : memref<2x80x128xf32, #tpu.memory_space<vmem>>, vector<1x1x16xf32>,
        %get3A_956 = vector.shape_cast %get3A_955 : vector<1x1x16xf32> to vector<16xf32>
        %mul3A_957 = arith.mulf %get3A_608, %get3A_956 : vector<16xf32>
        %add3A_958 = arith.addf %add3A_942, %mul3A_957 : vector<16xf32>
        %get3A_959 = arith.constant 0 : i32
        %get3A_960 = arith.index_cast %get3A_959 : i32 to index
        %get3A_961 = arith.index_cast %add3A_920 : i32 to index
        %get3A_962 = arith.constant 80 : index
        %get3A_963 = tpu.vector_load %arg8[%get3A_960, %get3A_961, %get3A_962] {strides = array<i32>} : memref<2x80x128xf32, #tpu.memory_space<vmem>>, vector<1x1x16xf32>,
        %get3A_964 = vector.shape_cast %get3A_963 : vector<1x1x16xf32> to vector<16xf32>
        %mul3A_965 = arith.mulf %get3A_612, %get3A_964 : vector<16xf32>
        %add3A_966 = arith.addf %add3A_950, %mul3A_965 : vector<16xf32>
        %get3A_967 = arith.constant 0 : i32
        %get3A_968 = arith.index_cast %get3A_967 : i32 to index
        %get3A_969 = arith.index_cast %add3A_920 : i32 to index
        %get3A_970 = arith.constant 96 : index
        %get3A_971 = tpu.vector_load %arg8[%get3A_968, %get3A_969, %get3A_970] {strides = array<i32>} : memref<2x80x128xf32, #tpu.memory_space<vmem>>, vector<1x1x16xf32>,
        %get3A_972 = vector.shape_cast %get3A_971 : vector<1x1x16xf32> to vector<16xf32>
        %mul3A_973 = arith.mulf %get3A_616, %get3A_972 : vector<16xf32>
        %add3A_974 = arith.addf %add3A_958, %mul3A_973 : vector<16xf32>
        %get3A_975 = arith.constant 0 : i32
        %get3A_976 = arith.index_cast %get3A_975 : i32 to index
        %get3A_977 = arith.index_cast %add3A_920 : i32 to index
        %get3A_978 = arith.constant 112 : index
        %get3A_979 = tpu.vector_load %arg8[%get3A_976, %get3A_977, %get3A_978] {strides = array<i32>} : memref<2x80x128xf32, #tpu.memory_space<vmem>>, vector<1x1x16xf32>,
        %get3A_980 = vector.shape_cast %get3A_979 : vector<1x1x16xf32> to vector<16xf32>
        %mul3A_981 = arith.mulf %get3A_620, %get3A_980 : vector<16xf32>
        %add3A_982 = arith.addf %add3A_966, %mul3A_981 : vector<16xf32>
        %add3A_983 = arith.addf %add3A_974, %add3A_982 : vector<16xf32>
        %swap3A_984 = arith.constant 0 : i32
        %swap3A_985 = arith.index_cast %swap3A_984 : i32 to index
        %swap3A_986 = arith.index_cast %add3A_585 : i32 to index
        %swap3A_987 = arith.constant 64 : index
        %swap3A_988 = tpu.vector_load %arg9[%swap3A_985, %swap3A_986, %swap3A_987] {strides = array<i32>} : memref<2x16x128xf32, #tpu.memory_space<vmem>>, vector<1x1x16xf32>,
        %swap3A_989 = vector.shape_cast %swap3A_988 : vector<1x1x16xf32> to vector<16xf32>
        %swap3A_990 = vector.shape_cast %add3A_983 : vector<16xf32> to vector<1x1x16xf32>
        tpu.vector_store %arg9[%swap3A_985, %swap3A_986, %swap3A_987], %swap3A_990 {strides = array<i32>} : memref<2x16x128xf32, #tpu.memory_space<vmem>>, vector<1x1x16xf32>,
      }
      %scan3A_97 = arith.constant 16 : i32
      %mul3A_98 = arith.constant 16 : i32
      %mul3A_99 = arith.muli %add3A_75, %mul3A_98 : i32
      %add3A_100 = arith.addi %mul3A_2, %mul3A_99 : i32
      %dma_start3A_101 = arith.constant 0 : i32
      %dma_start3A_102 = arith.constant 0 : i32
      %dma_start3A_103 = arith.constant 0 : i32
      %dma_start3A_104 = tpu.memref_slice %arg9[%dma_start3A_101, %dma_start3A_102, %dma_start3A_103] : memref<2x16x128xf32, #tpu.memory_space<vmem>> -> memref<1x16x128xf32, #tpu.memory_space<vmem>>
      %dma_start3A_105 = tpu.memref_squeeze %dma_start3A_104 : memref<1x16x128xf32, #tpu.memory_space<vmem>> -> memref<16x128xf32, #tpu.memory_space<vmem>>
      %dma_start3A_106 = arith.constant 0 : i32
      %dma_start3A_107 = tpu.memref_slice %arg5[%add3A_100, %dma_start3A_106] : memref<20480x128xf32, #tpu.memory_space<hbm>> -> memref<16x128xf32, #tpu.memory_space<hbm>>
      %dma_start3A_108 = arith.constant 0 : i32
      %dma_start3A_109 = tpu.memref_slice %arg5[%add3A_100, %dma_start3A_108] : memref<20480x128xf32, #tpu.memory_space<hbm>> -> memref<16x128xf32, #tpu.memory_space<hbm>>
      %dma_start3A_110 = arith.constant 0 : i32
      %dma_start3A_111 = arith.constant 0 : i32
      %dma_start3A_112 = tpu.memref_slice %arg9[%dma_start3A_101, %dma_start3A_110, %dma_start3A_111] : memref<2x16x128xf32, #tpu.memory_space<vmem>> -> memref<1x16x128xf32, #tpu.memory_space<vmem>>
      %dma_start3A_113 = tpu.memref_squeeze %dma_start3A_112 : memref<1x16x128xf32, #tpu.memory_space<vmem>> -> memref<16x128xf32, #tpu.memory_space<vmem>>
      tpu.enqueue_dma source(%dma_start3A_113 : memref<16x128xf32, #tpu.memory_space<vmem>>) target(%dma_start3A_109 : memref<16x128xf32, #tpu.memory_space<hbm>>) target_semaphore(%arg13 : memref<!tpu.dma_semaphore, #tpu.memory_space<semaphore_mem>>)
      %add3A_114 = arith.constant 2 : i32
      %add3A_115 = arith.addi %add3A_75, %add3A_114 : i32
      %lt3A = arith.constant 40 : i32
      %lt3A_116 = arith.cmpi slt, %add3A_115, %lt3A : i32
      %convert_element_type3A_117 = arith.extui %lt3A_116 : i1 to i32
      %cond3A_118 = arith.constant 0 : i32
      %cond3A_119 = arith.cmpi ne, %convert_element_type3A_117, %cond3A_118 : i32
      scf.if %cond3A_119 {
        %mul3A_172 = arith.constant 80 : i32
        %mul3A_173 = arith.muli %add3A_115, %mul3A_172 : i32
        %dma_start3A_174 = arith.constant 0 : i32
        %dma_start3A_175 = arith.constant 0 : i32
        %dma_start3A_176 = arith.constant 0 : i32
        %dma_start3A_177 = tpu.memref_slice %arg8[%dma_start3A_174, %dma_start3A_175, %dma_start3A_176] : memref<2x80x128xf32, #tpu.memory_space<vmem>> -> memref<1x80x128xf32, #tpu.memory_space<vmem>>
        %dma_start3A_178 = tpu.memref_squeeze %dma_start3A_177 : memref<1x80x128xf32, #tpu.memory_space<vmem>> -> memref<80x128xf32, #tpu.memory_space<vmem>>
        %dma_start3A_179 = tpu.memref_slice %arg6[%mul3A_173] : memref<3200xi32, #tpu.memory_space<vmem>> -> memref<80xi32, #tpu.memory_space<vmem>>
        %dma_start3A_180 = arith.constant 0 : i32
        %dma_start3A_181 = arith.constant 0 : i32
        %dma_start3A_182 = tpu.memref_slice %arg3[%dma_start3A_180, %dma_start3A_181] : memref<20480x128xf32, #tpu.memory_space<hbm>> -> memref<20480x128xf32, #tpu.memory_space<hbm>>
        tpu.enqueue_indirect_dma source(%dma_start3A_182 : memref<20480x128xf32, #tpu.memory_space<hbm>>) target(%dma_start3A_178 : memref<80x128xf32, #tpu.memory_space<vmem>>) offsets(%dma_start3A_179 : memref<80xi32, #tpu.memory_space<vmem>>) semaphore(%arg11 : memref<!tpu.dma_semaphore, #tpu.memory_space<semaphore_mem>>)
      } else {
      }
      %mul3A_120 = arith.constant 2 : i32
      %mul3A_121 = arith.muli %add3A_71, %mul3A_120 : i32
      %add3A_122 = arith.constant 1 : i32
      %add3A_123 = arith.addi %mul3A_121, %add3A_122 : i32
      %dma_wait3A_124 = arith.constant 1 : i32
      %dma_wait3A_125 = arith.constant 0 : i32
      %dma_wait3A_126 = arith.constant 0 : i32
      %dma_wait3A_127 = tpu.memref_slice %arg8[%dma_wait3A_124, %dma_wait3A_125, %dma_wait3A_126] : memref<2x80x128xf32, #tpu.memory_space<vmem>> -> memref<1x80x128xf32, #tpu.memory_space<vmem>>
      %dma_wait3A_128 = tpu.memref_squeeze %dma_wait3A_127 : memref<1x80x128xf32, #tpu.memory_space<vmem>> -> memref<80x128xf32, #tpu.memory_space<vmem>>
      %dma_wait3A_129 = arith.constant 0 : i32
      %dma_wait3A_130 = arith.constant 0 : i32
      %dma_wait3A_131 = tpu.memref_slice %arg3[%dma_wait3A_129, %dma_wait3A_130] : memref<20480x128xf32, #tpu.memory_space<hbm>> -> memref<80x128xf32, #tpu.memory_space<hbm>>
      %dma_wait3A_132 = arith.constant 0 : i32
      %dma_wait3A_133 = arith.constant 0 : i32
      %dma_wait3A_134 = tpu.memref_slice %arg8[%dma_wait3A_124, %dma_wait3A_132, %dma_wait3A_133] : memref<2x80x128xf32, #tpu.memory_space<vmem>> -> memref<1x80x128xf32, #tpu.memory_space<vmem>>
      %dma_wait3A_135 = tpu.memref_squeeze %dma_wait3A_134 : memref<1x80x128xf32, #tpu.memory_space<vmem>> -> memref<80x128xf32, #tpu.memory_space<vmem>>
      %dma_wait3A_136 = arith.constant 0 : i32
      %dma_wait3A_137 = arith.constant 0 : i32
      %dma_wait3A_138 = tpu.memref_slice %arg3[%dma_wait3A_136, %dma_wait3A_137] : memref<20480x128xf32, #tpu.memory_space<hbm>> -> memref<80x128xf32, #tpu.memory_space<hbm>>
      tpu.wait_dma2 semaphore(%arg12 : memref<!tpu.dma_semaphore, #tpu.memory_space<semaphore_mem>>) src(%dma_wait3A_138 : memref<80x128xf32, #tpu.memory_space<hbm>>) dst(%dma_wait3A_135 : memref<80x128xf32, #tpu.memory_space<vmem>>)
      %gt3A_139 = arith.constant 0 : i32
      %gt3A_140 = arith.cmpi sgt, %add3A_71, %gt3A_139 : i32
      %convert_element_type3A_141 = arith.extui %gt3A_140 : i1 to i32
      %cond3A_142 = arith.constant 0 : i32
      %cond3A_143 = arith.cmpi ne, %convert_element_type3A_141, %cond3A_142 : i32
      scf.if %cond3A_143 {
        %dma_wait3A_172 = arith.constant 1 : i32
        %dma_wait3A_173 = arith.constant 0 : i32
        %dma_wait3A_174 = arith.constant 0 : i32
        %dma_wait3A_175 = tpu.memref_slice %arg9[%dma_wait3A_172, %dma_wait3A_173, %dma_wait3A_174] : memref<2x16x128xf32, #tpu.memory_space<vmem>> -> memref<1x16x128xf32, #tpu.memory_space<vmem>>
        %dma_wait3A_176 = tpu.memref_squeeze %dma_wait3A_175 : memref<1x16x128xf32, #tpu.memory_space<vmem>> -> memref<16x128xf32, #tpu.memory_space<vmem>>
        %dma_wait3A_177 = arith.constant 0 : i32
        %dma_wait3A_178 = arith.constant 0 : i32
        %dma_wait3A_179 = tpu.memref_slice %arg5[%dma_wait3A_177, %dma_wait3A_178] : memref<20480x128xf32, #tpu.memory_space<hbm>> -> memref<16x128xf32, #tpu.memory_space<hbm>>
        %dma_wait3A_180 = arith.constant 0 : i32
        %dma_wait3A_181 = arith.constant 0 : i32
        %dma_wait3A_182 = tpu.memref_slice %arg5[%dma_wait3A_180, %dma_wait3A_181] : memref<20480x128xf32, #tpu.memory_space<hbm>> -> memref<16x128xf32, #tpu.memory_space<hbm>>
        %dma_wait3A_183 = arith.constant 0 : i32
        %dma_wait3A_184 = arith.constant 0 : i32
        %dma_wait3A_185 = tpu.memref_slice %arg9[%dma_wait3A_172, %dma_wait3A_183, %dma_wait3A_184] : memref<2x16x128xf32, #tpu.memory_space<vmem>> -> memref<1x16x128xf32, #tpu.memory_space<vmem>>
        %dma_wait3A_186 = tpu.memref_squeeze %dma_wait3A_185 : memref<1x16x128xf32, #tpu.memory_space<vmem>> -> memref<16x128xf32, #tpu.memory_space<vmem>>
        tpu.wait_dma2 semaphore(%arg14 : memref<!tpu.dma_semaphore, #tpu.memory_space<semaphore_mem>>) src(%dma_wait3A_186 : memref<16x128xf32, #tpu.memory_space<vmem>>) dst(%dma_wait3A_182 : memref<16x128xf32, #tpu.memory_space<hbm>>)
      } else {
      }
      %scan3A_144 = arith.constant 0 : i32
      %scan3A_145 = arith.constant 16 : i32
      %scan3A_146 = arith.addi %scan3A_144, %scan3A_145 : i32
      %scan3A_147 = arith.constant 2 : i32
      scf.for %scan3A_172 = %scan3A_144 to %scan3A_146 step %scan3A_147  : i32 {
        %mul3A_173 = arith.constant 1 : i32
        %mul3A_174 = arith.muli %scan3A_172, %mul3A_173 : i32
        %add3A_175 = arith.constant 0 : i32
        %add3A_176 = arith.addi %add3A_175, %mul3A_174 : i32
        %mul3A_177 = arith.constant 16 : i32
        %mul3A_178 = arith.muli %add3A_123, %mul3A_177 : i32
        %add3A_179 = arith.addi %mul3A_178, %add3A_176 : i32
        %get3A = arith.index_cast %add3A_179 : i32 to index
        %get3A_180 = arith.constant 0 : index
        %get3A_181 = tpu.vector_load %arg7[%get3A, %get3A_180] {strides = array<i32>} : memref<640x128xf32, #tpu.memory_space<vmem>>, vector<1x16xf32>,
        %get3A_182 = vector.shape_cast %get3A_181 : vector<1x16xf32> to vector<16xf32>
        %get3A_183 = arith.index_cast %add3A_179 : i32 to index
        %get3A_184 = arith.constant 16 : index
        %get3A_185 = tpu.vector_load %arg7[%get3A_183, %get3A_184] {strides = array<i32>} : memref<640x128xf32, #tpu.memory_space<vmem>>, vector<1x16xf32>,
        %get3A_186 = vector.shape_cast %get3A_185 : vector<1x16xf32> to vector<16xf32>
        %get3A_187 = arith.index_cast %add3A_179 : i32 to index
        %get3A_188 = arith.constant 32 : index
        %get3A_189 = tpu.vector_load %arg7[%get3A_187, %get3A_188] {strides = array<i32>} : memref<640x128xf32, #tpu.memory_space<vmem>>, vector<1x16xf32>,
        %get3A_190 = vector.shape_cast %get3A_189 : vector<1x16xf32> to vector<16xf32>
        %get3A_191 = arith.index_cast %add3A_179 : i32 to index
        %get3A_192 = arith.constant 48 : index
        %get3A_193 = tpu.vector_load %arg7[%get3A_191, %get3A_192] {strides = array<i32>} : memref<640x128xf32, #tpu.memory_space<vmem>>, vector<1x16xf32>,
        %get3A_194 = vector.shape_cast %get3A_193 : vector<1x16xf32> to vector<16xf32>
        %get3A_195 = arith.index_cast %add3A_179 : i32 to index
        %get3A_196 = arith.constant 64 : index
        %get3A_197 = tpu.vector_load %arg7[%get3A_195, %get3A_196] {strides = array<i32>} : memref<640x128xf32, #tpu.memory_space<vmem>>, vector<1x16xf32>,
        %get3A_198 = vector.shape_cast %get3A_197 : vector<1x16xf32> to vector<16xf32>
        %get3A_199 = arith.index_cast %add3A_179 : i32 to index
        %get3A_200 = arith.constant 80 : index
        %get3A_201 = tpu.vector_load %arg7[%get3A_199, %get3A_200] {strides = array<i32>} : memref<640x128xf32, #tpu.memory_space<vmem>>, vector<1x16xf32>,
        %get3A_202 = vector.shape_cast %get3A_201 : vector<1x16xf32> to vector<16xf32>
        %get3A_203 = arith.index_cast %add3A_179 : i32 to index
        %get3A_204 = arith.constant 96 : index
        %get3A_205 = tpu.vector_load %arg7[%get3A_203, %get3A_204] {strides = array<i32>} : memref<640x128xf32, #tpu.memory_space<vmem>>, vector<1x16xf32>,
        %get3A_206 = vector.shape_cast %get3A_205 : vector<1x16xf32> to vector<16xf32>
        %get3A_207 = arith.index_cast %add3A_179 : i32 to index
        %get3A_208 = arith.constant 112 : index
        %get3A_209 = tpu.vector_load %arg7[%get3A_207, %get3A_208] {strides = array<i32>} : memref<640x128xf32, #tpu.memory_space<vmem>>, vector<1x16xf32>,
        %get3A_210 = vector.shape_cast %get3A_209 : vector<1x16xf32> to vector<16xf32>
        %mul3A_211 = arith.constant 5 : i32
        %mul3A_212 = arith.muli %add3A_176, %mul3A_211 : i32
        %add3A_213 = arith.constant 0 : i32
        %add3A_214 = arith.addi %mul3A_212, %add3A_213 : i32
        %get3A_215 = arith.constant 1 : i32
        %get3A_216 = arith.index_cast %get3A_215 : i32 to index
        %get3A_217 = arith.index_cast %add3A_214 : i32 to index
        %get3A_218 = arith.constant 0 : index
        %get3A_219 = tpu.vector_load %arg8[%get3A_216, %get3A_217, %get3A_218] {strides = array<i32>} : memref<2x80x128xf32, #tpu.memory_space<vmem>>, vector<1x1x16xf32>,
        %get3A_220 = vector.shape_cast %get3A_219 : vector<1x1x16xf32> to vector<16xf32>
        %mul3A_221 = arith.mulf %get3A_182, %get3A_220 : vector<16xf32>
        %get3A_222 = arith.constant 1 : i32
        %get3A_223 = arith.index_cast %get3A_222 : i32 to index
        %get3A_224 = arith.index_cast %add3A_214 : i32 to index
        %get3A_225 = arith.constant 16 : index
        %get3A_226 = tpu.vector_load %arg8[%get3A_223, %get3A_224, %get3A_225] {strides = array<i32>} : memref<2x80x128xf32, #tpu.memory_space<vmem>>, vector<1x1x16xf32>,
        %get3A_227 = vector.shape_cast %get3A_226 : vector<1x1x16xf32> to vector<16xf32>
        %mul3A_228 = arith.mulf %get3A_186, %get3A_227 : vector<16xf32>
        %get3A_229 = arith.constant 1 : i32
        %get3A_230 = arith.index_cast %get3A_229 : i32 to index
        %get3A_231 = arith.index_cast %add3A_214 : i32 to index
        %get3A_232 = arith.constant 32 : index
        %get3A_233 = tpu.vector_load %arg8[%get3A_230, %get3A_231, %get3A_232] {strides = array<i32>} : memref<2x80x128xf32, #tpu.memory_space<vmem>>, vector<1x1x16xf32>,
        %get3A_234 = vector.shape_cast %get3A_233 : vector<1x1x16xf32> to vector<16xf32>
        %mul3A_235 = arith.mulf %get3A_190, %get3A_234 : vector<16xf32>
        %add3A_236 = arith.addf %mul3A_221, %mul3A_235 : vector<16xf32>
        %get3A_237 = arith.constant 1 : i32
        %get3A_238 = arith.index_cast %get3A_237 : i32 to index
        %get3A_239 = arith.index_cast %add3A_214 : i32 to index
        %get3A_240 = arith.constant 48 : index
        %get3A_241 = tpu.vector_load %arg8[%get3A_238, %get3A_239, %get3A_240] {strides = array<i32>} : memref<2x80x128xf32, #tpu.memory_space<vmem>>, vector<1x1x16xf32>,
        %get3A_242 = vector.shape_cast %get3A_241 : vector<1x1x16xf32> to vector<16xf32>
        %mul3A_243 = arith.mulf %get3A_194, %get3A_242 : vector<16xf32>
        %add3A_244 = arith.addf %mul3A_228, %mul3A_243 : vector<16xf32>
        %get3A_245 = arith.constant 1 : i32
        %get3A_246 = arith.index_cast %get3A_245 : i32 to index
        %get3A_247 = arith.index_cast %add3A_214 : i32 to index
        %get3A_248 = arith.constant 64 : index
        %get3A_249 = tpu.vector_load %arg8[%get3A_246, %get3A_247, %get3A_248] {strides = array<i32>} : memref<2x80x128xf32, #tpu.memory_space<vmem>>, vector<1x1x16xf32>,
        %get3A_250 = vector.shape_cast %get3A_249 : vector<1x1x16xf32> to vector<16xf32>
        %mul3A_251 = arith.mulf %get3A_198, %get3A_250 : vector<16xf32>
        %add3A_252 = arith.addf %add3A_236, %mul3A_251 : vector<16xf32>
        %get3A_253 = arith.constant 1 : i32
        %get3A_254 = arith.index_cast %get3A_253 : i32 to index
        %get3A_255 = arith.index_cast %add3A_214 : i32 to index
        %get3A_256 = arith.constant 80 : index
        %get3A_257 = tpu.vector_load %arg8[%get3A_254, %get3A_255, %get3A_256] {strides = array<i32>} : memref<2x80x128xf32, #tpu.memory_space<vmem>>, vector<1x1x16xf32>,
        %get3A_258 = vector.shape_cast %get3A_257 : vector<1x1x16xf32> to vector<16xf32>
        %mul3A_259 = arith.mulf %get3A_202, %get3A_258 : vector<16xf32>
        %add3A_260 = arith.addf %add3A_244, %mul3A_259 : vector<16xf32>
        %get3A_261 = arith.constant 1 : i32
        %get3A_262 = arith.index_cast %get3A_261 : i32 to index
        %get3A_263 = arith.index_cast %add3A_214 : i32 to index
        %get3A_264 = arith.constant 96 : index
        %get3A_265 = tpu.vector_load %arg8[%get3A_262, %get3A_263, %get3A_264] {strides = array<i32>} : memref<2x80x128xf32, #tpu.memory_space<vmem>>, vector<1x1x16xf32>,
        %get3A_266 = vector.shape_cast %get3A_265 : vector<1x1x16xf32> to vector<16xf32>
        %mul3A_267 = arith.mulf %get3A_206, %get3A_266 : vector<16xf32>
        %add3A_268 = arith.addf %add3A_252, %mul3A_267 : vector<16xf32>
        %get3A_269 = arith.constant 1 : i32
        %get3A_270 = arith.index_cast %get3A_269 : i32 to index
        %get3A_271 = arith.index_cast %add3A_214 : i32 to index
        %get3A_272 = arith.constant 112 : index
        %get3A_273 = tpu.vector_load %arg8[%get3A_270, %get3A_271, %get3A_272] {strides = array<i32>} : memref<2x80x128xf32, #tpu.memory_space<vmem>>, vector<1x1x16xf32>,
        %get3A_274 = vector.shape_cast %get3A_273 : vector<1x1x16xf32> to vector<16xf32>
        %mul3A_275 = arith.mulf %get3A_210, %get3A_274 : vector<16xf32>
        %add3A_276 = arith.addf %add3A_260, %mul3A_275 : vector<16xf32>
        %add3A_277 = arith.addf %add3A_268, %add3A_276 : vector<16xf32>
        %swap3A = arith.constant 1 : i32
        %swap3A_278 = arith.index_cast %swap3A : i32 to index
        %swap3A_279 = arith.index_cast %add3A_176 : i32 to index
        %swap3A_280 = arith.constant 0 : index
        %swap3A_281 = tpu.vector_load %arg9[%swap3A_278, %swap3A_279, %swap3A_280] {strides = array<i32>} : memref<2x16x128xf32, #tpu.memory_space<vmem>>, vector<1x1x16xf32>,
        %swap3A_282 = vector.shape_cast %swap3A_281 : vector<1x1x16xf32> to vector<16xf32>
        %swap3A_283 = vector.shape_cast %add3A_277 : vector<16xf32> to vector<1x1x16xf32>
        tpu.vector_store %arg9[%swap3A_278, %swap3A_279, %swap3A_280], %swap3A_283 {strides = array<i32>} : memref<2x16x128xf32, #tpu.memory_space<vmem>>, vector<1x1x16xf32>,
        %mul3A_284 = arith.constant 5 : i32
        %mul3A_285 = arith.muli %add3A_176, %mul3A_284 : i32
        %add3A_286 = arith.constant 1 : i32
        %add3A_287 = arith.addi %mul3A_285, %add3A_286 : i32
        %get3A_288 = arith.constant 1 : i32
        %get3A_289 = arith.index_cast %get3A_288 : i32 to index
        %get3A_290 = arith.index_cast %add3A_287 : i32 to index
        %get3A_291 = arith.constant 0 : index
        %get3A_292 = tpu.vector_load %arg8[%get3A_289, %get3A_290, %get3A_291] {strides = array<i32>} : memref<2x80x128xf32, #tpu.memory_space<vmem>>, vector<1x1x16xf32>,
        %get3A_293 = vector.shape_cast %get3A_292 : vector<1x1x16xf32> to vector<16xf32>
        %mul3A_294 = arith.mulf %get3A_182, %get3A_293 : vector<16xf32>
        %get3A_295 = arith.constant 1 : i32
        %get3A_296 = arith.index_cast %get3A_295 : i32 to index
        %get3A_297 = arith.index_cast %add3A_287 : i32 to index
        %get3A_298 = arith.constant 16 : index
        %get3A_299 = tpu.vector_load %arg8[%get3A_296, %get3A_297, %get3A_298] {strides = array<i32>} : memref<2x80x128xf32, #tpu.memory_space<vmem>>, vector<1x1x16xf32>,
        %get3A_300 = vector.shape_cast %get3A_299 : vector<1x1x16xf32> to vector<16xf32>
        %mul3A_301 = arith.mulf %get3A_186, %get3A_300 : vector<16xf32>
        %get3A_302 = arith.constant 1 : i32
        %get3A_303 = arith.index_cast %get3A_302 : i32 to index
        %get3A_304 = arith.index_cast %add3A_287 : i32 to index
        %get3A_305 = arith.constant 32 : index
        %get3A_306 = tpu.vector_load %arg8[%get3A_303, %get3A_304, %get3A_305] {strides = array<i32>} : memref<2x80x128xf32, #tpu.memory_space<vmem>>, vector<1x1x16xf32>,
        %get3A_307 = vector.shape_cast %get3A_306 : vector<1x1x16xf32> to vector<16xf32>
        %mul3A_308 = arith.mulf %get3A_190, %get3A_307 : vector<16xf32>
        %add3A_309 = arith.addf %mul3A_294, %mul3A_308 : vector<16xf32>
        %get3A_310 = arith.constant 1 : i32
        %get3A_311 = arith.index_cast %get3A_310 : i32 to index
        %get3A_312 = arith.index_cast %add3A_287 : i32 to index
        %get3A_313 = arith.constant 48 : index
        %get3A_314 = tpu.vector_load %arg8[%get3A_311, %get3A_312, %get3A_313] {strides = array<i32>} : memref<2x80x128xf32, #tpu.memory_space<vmem>>, vector<1x1x16xf32>,
        %get3A_315 = vector.shape_cast %get3A_314 : vector<1x1x16xf32> to vector<16xf32>
        %mul3A_316 = arith.mulf %get3A_194, %get3A_315 : vector<16xf32>
        %add3A_317 = arith.addf %mul3A_301, %mul3A_316 : vector<16xf32>
        %get3A_318 = arith.constant 1 : i32
        %get3A_319 = arith.index_cast %get3A_318 : i32 to index
        %get3A_320 = arith.index_cast %add3A_287 : i32 to index
        %get3A_321 = arith.constant 64 : index
        %get3A_322 = tpu.vector_load %arg8[%get3A_319, %get3A_320, %get3A_321] {strides = array<i32>} : memref<2x80x128xf32, #tpu.memory_space<vmem>>, vector<1x1x16xf32>,
        %get3A_323 = vector.shape_cast %get3A_322 : vector<1x1x16xf32> to vector<16xf32>
        %mul3A_324 = arith.mulf %get3A_198, %get3A_323 : vector<16xf32>
        %add3A_325 = arith.addf %add3A_309, %mul3A_324 : vector<16xf32>
        %get3A_326 = arith.constant 1 : i32
        %get3A_327 = arith.index_cast %get3A_326 : i32 to index
        %get3A_328 = arith.index_cast %add3A_287 : i32 to index
        %get3A_329 = arith.constant 80 : index
        %get3A_330 = tpu.vector_load %arg8[%get3A_327, %get3A_328, %get3A_329] {strides = array<i32>} : memref<2x80x128xf32, #tpu.memory_space<vmem>>, vector<1x1x16xf32>,
        %get3A_331 = vector.shape_cast %get3A_330 : vector<1x1x16xf32> to vector<16xf32>
        %mul3A_332 = arith.mulf %get3A_202, %get3A_331 : vector<16xf32>
        %add3A_333 = arith.addf %add3A_317, %mul3A_332 : vector<16xf32>
        %get3A_334 = arith.constant 1 : i32
        %get3A_335 = arith.index_cast %get3A_334 : i32 to index
        %get3A_336 = arith.index_cast %add3A_287 : i32 to index
        %get3A_337 = arith.constant 96 : index
        %get3A_338 = tpu.vector_load %arg8[%get3A_335, %get3A_336, %get3A_337] {strides = array<i32>} : memref<2x80x128xf32, #tpu.memory_space<vmem>>, vector<1x1x16xf32>,
        %get3A_339 = vector.shape_cast %get3A_338 : vector<1x1x16xf32> to vector<16xf32>
        %mul3A_340 = arith.mulf %get3A_206, %get3A_339 : vector<16xf32>
        %add3A_341 = arith.addf %add3A_325, %mul3A_340 : vector<16xf32>
        %get3A_342 = arith.constant 1 : i32
        %get3A_343 = arith.index_cast %get3A_342 : i32 to index
        %get3A_344 = arith.index_cast %add3A_287 : i32 to index
        %get3A_345 = arith.constant 112 : index
        %get3A_346 = tpu.vector_load %arg8[%get3A_343, %get3A_344, %get3A_345] {strides = array<i32>} : memref<2x80x128xf32, #tpu.memory_space<vmem>>, vector<1x1x16xf32>,
        %get3A_347 = vector.shape_cast %get3A_346 : vector<1x1x16xf32> to vector<16xf32>
        %mul3A_348 = arith.mulf %get3A_210, %get3A_347 : vector<16xf32>
        %add3A_349 = arith.addf %add3A_333, %mul3A_348 : vector<16xf32>
        %add3A_350 = arith.addf %add3A_341, %add3A_349 : vector<16xf32>
        %swap3A_351 = arith.constant 1 : i32
        %swap3A_352 = arith.index_cast %swap3A_351 : i32 to index
        %swap3A_353 = arith.index_cast %add3A_176 : i32 to index
        %swap3A_354 = arith.constant 16 : index
        %swap3A_355 = tpu.vector_load %arg9[%swap3A_352, %swap3A_353, %swap3A_354] {strides = array<i32>} : memref<2x16x128xf32, #tpu.memory_space<vmem>>, vector<1x1x16xf32>,
        %swap3A_356 = vector.shape_cast %swap3A_355 : vector<1x1x16xf32> to vector<16xf32>
        %swap3A_357 = vector.shape_cast %add3A_350 : vector<16xf32> to vector<1x1x16xf32>
        tpu.vector_store %arg9[%swap3A_352, %swap3A_353, %swap3A_354], %swap3A_357 {strides = array<i32>} : memref<2x16x128xf32, #tpu.memory_space<vmem>>, vector<1x1x16xf32>,
        %mul3A_358 = arith.constant 5 : i32
        %mul3A_359 = arith.muli %add3A_176, %mul3A_358 : i32
        %add3A_360 = arith.constant 2 : i32
        %add3A_361 = arith.addi %mul3A_359, %add3A_360 : i32
        %get3A_362 = arith.constant 1 : i32
        %get3A_363 = arith.index_cast %get3A_362 : i32 to index
        %get3A_364 = arith.index_cast %add3A_361 : i32 to index
        %get3A_365 = arith.constant 0 : index
        %get3A_366 = tpu.vector_load %arg8[%get3A_363, %get3A_364, %get3A_365] {strides = array<i32>} : memref<2x80x128xf32, #tpu.memory_space<vmem>>, vector<1x1x16xf32>,
        %get3A_367 = vector.shape_cast %get3A_366 : vector<1x1x16xf32> to vector<16xf32>
        %mul3A_368 = arith.mulf %get3A_182, %get3A_367 : vector<16xf32>
        %get3A_369 = arith.constant 1 : i32
        %get3A_370 = arith.index_cast %get3A_369 : i32 to index
        %get3A_371 = arith.index_cast %add3A_361 : i32 to index
        %get3A_372 = arith.constant 16 : index
        %get3A_373 = tpu.vector_load %arg8[%get3A_370, %get3A_371, %get3A_372] {strides = array<i32>} : memref<2x80x128xf32, #tpu.memory_space<vmem>>, vector<1x1x16xf32>,
        %get3A_374 = vector.shape_cast %get3A_373 : vector<1x1x16xf32> to vector<16xf32>
        %mul3A_375 = arith.mulf %get3A_186, %get3A_374 : vector<16xf32>
        %get3A_376 = arith.constant 1 : i32
        %get3A_377 = arith.index_cast %get3A_376 : i32 to index
        %get3A_378 = arith.index_cast %add3A_361 : i32 to index
        %get3A_379 = arith.constant 32 : index
        %get3A_380 = tpu.vector_load %arg8[%get3A_377, %get3A_378, %get3A_379] {strides = array<i32>} : memref<2x80x128xf32, #tpu.memory_space<vmem>>, vector<1x1x16xf32>,
        %get3A_381 = vector.shape_cast %get3A_380 : vector<1x1x16xf32> to vector<16xf32>
        %mul3A_382 = arith.mulf %get3A_190, %get3A_381 : vector<16xf32>
        %add3A_383 = arith.addf %mul3A_368, %mul3A_382 : vector<16xf32>
        %get3A_384 = arith.constant 1 : i32
        %get3A_385 = arith.index_cast %get3A_384 : i32 to index
        %get3A_386 = arith.index_cast %add3A_361 : i32 to index
        %get3A_387 = arith.constant 48 : index
        %get3A_388 = tpu.vector_load %arg8[%get3A_385, %get3A_386, %get3A_387] {strides = array<i32>} : memref<2x80x128xf32, #tpu.memory_space<vmem>>, vector<1x1x16xf32>,
        %get3A_389 = vector.shape_cast %get3A_388 : vector<1x1x16xf32> to vector<16xf32>
        %mul3A_390 = arith.mulf %get3A_194, %get3A_389 : vector<16xf32>
        %add3A_391 = arith.addf %mul3A_375, %mul3A_390 : vector<16xf32>
        %get3A_392 = arith.constant 1 : i32
        %get3A_393 = arith.index_cast %get3A_392 : i32 to index
        %get3A_394 = arith.index_cast %add3A_361 : i32 to index
        %get3A_395 = arith.constant 64 : index
        %get3A_396 = tpu.vector_load %arg8[%get3A_393, %get3A_394, %get3A_395] {strides = array<i32>} : memref<2x80x128xf32, #tpu.memory_space<vmem>>, vector<1x1x16xf32>,
        %get3A_397 = vector.shape_cast %get3A_396 : vector<1x1x16xf32> to vector<16xf32>
        %mul3A_398 = arith.mulf %get3A_198, %get3A_397 : vector<16xf32>
        %add3A_399 = arith.addf %add3A_383, %mul3A_398 : vector<16xf32>
        %get3A_400 = arith.constant 1 : i32
        %get3A_401 = arith.index_cast %get3A_400 : i32 to index
        %get3A_402 = arith.index_cast %add3A_361 : i32 to index
        %get3A_403 = arith.constant 80 : index
        %get3A_404 = tpu.vector_load %arg8[%get3A_401, %get3A_402, %get3A_403] {strides = array<i32>} : memref<2x80x128xf32, #tpu.memory_space<vmem>>, vector<1x1x16xf32>,
        %get3A_405 = vector.shape_cast %get3A_404 : vector<1x1x16xf32> to vector<16xf32>
        %mul3A_406 = arith.mulf %get3A_202, %get3A_405 : vector<16xf32>
        %add3A_407 = arith.addf %add3A_391, %mul3A_406 : vector<16xf32>
        %get3A_408 = arith.constant 1 : i32
        %get3A_409 = arith.index_cast %get3A_408 : i32 to index
        %get3A_410 = arith.index_cast %add3A_361 : i32 to index
        %get3A_411 = arith.constant 96 : index
        %get3A_412 = tpu.vector_load %arg8[%get3A_409, %get3A_410, %get3A_411] {strides = array<i32>} : memref<2x80x128xf32, #tpu.memory_space<vmem>>, vector<1x1x16xf32>,
        %get3A_413 = vector.shape_cast %get3A_412 : vector<1x1x16xf32> to vector<16xf32>
        %mul3A_414 = arith.mulf %get3A_206, %get3A_413 : vector<16xf32>
        %add3A_415 = arith.addf %add3A_399, %mul3A_414 : vector<16xf32>
        %get3A_416 = arith.constant 1 : i32
        %get3A_417 = arith.index_cast %get3A_416 : i32 to index
        %get3A_418 = arith.index_cast %add3A_361 : i32 to index
        %get3A_419 = arith.constant 112 : index
        %get3A_420 = tpu.vector_load %arg8[%get3A_417, %get3A_418, %get3A_419] {strides = array<i32>} : memref<2x80x128xf32, #tpu.memory_space<vmem>>, vector<1x1x16xf32>,
        %get3A_421 = vector.shape_cast %get3A_420 : vector<1x1x16xf32> to vector<16xf32>
        %mul3A_422 = arith.mulf %get3A_210, %get3A_421 : vector<16xf32>
        %add3A_423 = arith.addf %add3A_407, %mul3A_422 : vector<16xf32>
        %add3A_424 = arith.addf %add3A_415, %add3A_423 : vector<16xf32>
        %swap3A_425 = arith.constant 1 : i32
        %swap3A_426 = arith.index_cast %swap3A_425 : i32 to index
        %swap3A_427 = arith.index_cast %add3A_176 : i32 to index
        %swap3A_428 = arith.constant 32 : index
        %swap3A_429 = tpu.vector_load %arg9[%swap3A_426, %swap3A_427, %swap3A_428] {strides = array<i32>} : memref<2x16x128xf32, #tpu.memory_space<vmem>>, vector<1x1x16xf32>,
        %swap3A_430 = vector.shape_cast %swap3A_429 : vector<1x1x16xf32> to vector<16xf32>
        %swap3A_431 = vector.shape_cast %add3A_424 : vector<16xf32> to vector<1x1x16xf32>
        tpu.vector_store %arg9[%swap3A_426, %swap3A_427, %swap3A_428], %swap3A_431 {strides = array<i32>} : memref<2x16x128xf32, #tpu.memory_space<vmem>>, vector<1x1x16xf32>,
        %mul3A_432 = arith.constant 5 : i32
        %mul3A_433 = arith.muli %add3A_176, %mul3A_432 : i32
        %add3A_434 = arith.constant 3 : i32
        %add3A_435 = arith.addi %mul3A_433, %add3A_434 : i32
        %get3A_436 = arith.constant 1 : i32
        %get3A_437 = arith.index_cast %get3A_436 : i32 to index
        %get3A_438 = arith.index_cast %add3A_435 : i32 to index
        %get3A_439 = arith.constant 0 : index
        %get3A_440 = tpu.vector_load %arg8[%get3A_437, %get3A_438, %get3A_439] {strides = array<i32>} : memref<2x80x128xf32, #tpu.memory_space<vmem>>, vector<1x1x16xf32>,
        %get3A_441 = vector.shape_cast %get3A_440 : vector<1x1x16xf32> to vector<16xf32>
        %mul3A_442 = arith.mulf %get3A_182, %get3A_441 : vector<16xf32>
        %get3A_443 = arith.constant 1 : i32
        %get3A_444 = arith.index_cast %get3A_443 : i32 to index
        %get3A_445 = arith.index_cast %add3A_435 : i32 to index
        %get3A_446 = arith.constant 16 : index
        %get3A_447 = tpu.vector_load %arg8[%get3A_444, %get3A_445, %get3A_446] {strides = array<i32>} : memref<2x80x128xf32, #tpu.memory_space<vmem>>, vector<1x1x16xf32>,
        %get3A_448 = vector.shape_cast %get3A_447 : vector<1x1x16xf32> to vector<16xf32>
        %mul3A_449 = arith.mulf %get3A_186, %get3A_448 : vector<16xf32>
        %get3A_450 = arith.constant 1 : i32
        %get3A_451 = arith.index_cast %get3A_450 : i32 to index
        %get3A_452 = arith.index_cast %add3A_435 : i32 to index
        %get3A_453 = arith.constant 32 : index
        %get3A_454 = tpu.vector_load %arg8[%get3A_451, %get3A_452, %get3A_453] {strides = array<i32>} : memref<2x80x128xf32, #tpu.memory_space<vmem>>, vector<1x1x16xf32>,
        %get3A_455 = vector.shape_cast %get3A_454 : vector<1x1x16xf32> to vector<16xf32>
        %mul3A_456 = arith.mulf %get3A_190, %get3A_455 : vector<16xf32>
        %add3A_457 = arith.addf %mul3A_442, %mul3A_456 : vector<16xf32>
        %get3A_458 = arith.constant 1 : i32
        %get3A_459 = arith.index_cast %get3A_458 : i32 to index
        %get3A_460 = arith.index_cast %add3A_435 : i32 to index
        %get3A_461 = arith.constant 48 : index
        %get3A_462 = tpu.vector_load %arg8[%get3A_459, %get3A_460, %get3A_461] {strides = array<i32>} : memref<2x80x128xf32, #tpu.memory_space<vmem>>, vector<1x1x16xf32>,
        %get3A_463 = vector.shape_cast %get3A_462 : vector<1x1x16xf32> to vector<16xf32>
        %mul3A_464 = arith.mulf %get3A_194, %get3A_463 : vector<16xf32>
        %add3A_465 = arith.addf %mul3A_449, %mul3A_464 : vector<16xf32>
        %get3A_466 = arith.constant 1 : i32
        %get3A_467 = arith.index_cast %get3A_466 : i32 to index
        %get3A_468 = arith.index_cast %add3A_435 : i32 to index
        %get3A_469 = arith.constant 64 : index
        %get3A_470 = tpu.vector_load %arg8[%get3A_467, %get3A_468, %get3A_469] {strides = array<i32>} : memref<2x80x128xf32, #tpu.memory_space<vmem>>, vector<1x1x16xf32>,
        %get3A_471 = vector.shape_cast %get3A_470 : vector<1x1x16xf32> to vector<16xf32>
        %mul3A_472 = arith.mulf %get3A_198, %get3A_471 : vector<16xf32>
        %add3A_473 = arith.addf %add3A_457, %mul3A_472 : vector<16xf32>
        %get3A_474 = arith.constant 1 : i32
        %get3A_475 = arith.index_cast %get3A_474 : i32 to index
        %get3A_476 = arith.index_cast %add3A_435 : i32 to index
        %get3A_477 = arith.constant 80 : index
        %get3A_478 = tpu.vector_load %arg8[%get3A_475, %get3A_476, %get3A_477] {strides = array<i32>} : memref<2x80x128xf32, #tpu.memory_space<vmem>>, vector<1x1x16xf32>,
        %get3A_479 = vector.shape_cast %get3A_478 : vector<1x1x16xf32> to vector<16xf32>
        %mul3A_480 = arith.mulf %get3A_202, %get3A_479 : vector<16xf32>
        %add3A_481 = arith.addf %add3A_465, %mul3A_480 : vector<16xf32>
        %get3A_482 = arith.constant 1 : i32
        %get3A_483 = arith.index_cast %get3A_482 : i32 to index
        %get3A_484 = arith.index_cast %add3A_435 : i32 to index
        %get3A_485 = arith.constant 96 : index
        %get3A_486 = tpu.vector_load %arg8[%get3A_483, %get3A_484, %get3A_485] {strides = array<i32>} : memref<2x80x128xf32, #tpu.memory_space<vmem>>, vector<1x1x16xf32>,
        %get3A_487 = vector.shape_cast %get3A_486 : vector<1x1x16xf32> to vector<16xf32>
        %mul3A_488 = arith.mulf %get3A_206, %get3A_487 : vector<16xf32>
        %add3A_489 = arith.addf %add3A_473, %mul3A_488 : vector<16xf32>
        %get3A_490 = arith.constant 1 : i32
        %get3A_491 = arith.index_cast %get3A_490 : i32 to index
        %get3A_492 = arith.index_cast %add3A_435 : i32 to index
        %get3A_493 = arith.constant 112 : index
        %get3A_494 = tpu.vector_load %arg8[%get3A_491, %get3A_492, %get3A_493] {strides = array<i32>} : memref<2x80x128xf32, #tpu.memory_space<vmem>>, vector<1x1x16xf32>,
        %get3A_495 = vector.shape_cast %get3A_494 : vector<1x1x16xf32> to vector<16xf32>
        %mul3A_496 = arith.mulf %get3A_210, %get3A_495 : vector<16xf32>
        %add3A_497 = arith.addf %add3A_481, %mul3A_496 : vector<16xf32>
        %add3A_498 = arith.addf %add3A_489, %add3A_497 : vector<16xf32>
        %swap3A_499 = arith.constant 1 : i32
        %swap3A_500 = arith.index_cast %swap3A_499 : i32 to index
        %swap3A_501 = arith.index_cast %add3A_176 : i32 to index
        %swap3A_502 = arith.constant 48 : index
        %swap3A_503 = tpu.vector_load %arg9[%swap3A_500, %swap3A_501, %swap3A_502] {strides = array<i32>} : memref<2x16x128xf32, #tpu.memory_space<vmem>>, vector<1x1x16xf32>,
        %swap3A_504 = vector.shape_cast %swap3A_503 : vector<1x1x16xf32> to vector<16xf32>
        %swap3A_505 = vector.shape_cast %add3A_498 : vector<16xf32> to vector<1x1x16xf32>
        tpu.vector_store %arg9[%swap3A_500, %swap3A_501, %swap3A_502], %swap3A_505 {strides = array<i32>} : memref<2x16x128xf32, #tpu.memory_space<vmem>>, vector<1x1x16xf32>,
        %mul3A_506 = arith.constant 5 : i32
        %mul3A_507 = arith.muli %add3A_176, %mul3A_506 : i32
        %add3A_508 = arith.constant 4 : i32
        %add3A_509 = arith.addi %mul3A_507, %add3A_508 : i32
        %get3A_510 = arith.constant 1 : i32
        %get3A_511 = arith.index_cast %get3A_510 : i32 to index
        %get3A_512 = arith.index_cast %add3A_509 : i32 to index
        %get3A_513 = arith.constant 0 : index
        %get3A_514 = tpu.vector_load %arg8[%get3A_511, %get3A_512, %get3A_513] {strides = array<i32>} : memref<2x80x128xf32, #tpu.memory_space<vmem>>, vector<1x1x16xf32>,
        %get3A_515 = vector.shape_cast %get3A_514 : vector<1x1x16xf32> to vector<16xf32>
        %mul3A_516 = arith.mulf %get3A_182, %get3A_515 : vector<16xf32>
        %get3A_517 = arith.constant 1 : i32
        %get3A_518 = arith.index_cast %get3A_517 : i32 to index
        %get3A_519 = arith.index_cast %add3A_509 : i32 to index
        %get3A_520 = arith.constant 16 : index
        %get3A_521 = tpu.vector_load %arg8[%get3A_518, %get3A_519, %get3A_520] {strides = array<i32>} : memref<2x80x128xf32, #tpu.memory_space<vmem>>, vector<1x1x16xf32>,
        %get3A_522 = vector.shape_cast %get3A_521 : vector<1x1x16xf32> to vector<16xf32>
        %mul3A_523 = arith.mulf %get3A_186, %get3A_522 : vector<16xf32>
        %get3A_524 = arith.constant 1 : i32
        %get3A_525 = arith.index_cast %get3A_524 : i32 to index
        %get3A_526 = arith.index_cast %add3A_509 : i32 to index
        %get3A_527 = arith.constant 32 : index
        %get3A_528 = tpu.vector_load %arg8[%get3A_525, %get3A_526, %get3A_527] {strides = array<i32>} : memref<2x80x128xf32, #tpu.memory_space<vmem>>, vector<1x1x16xf32>,
        %get3A_529 = vector.shape_cast %get3A_528 : vector<1x1x16xf32> to vector<16xf32>
        %mul3A_530 = arith.mulf %get3A_190, %get3A_529 : vector<16xf32>
        %add3A_531 = arith.addf %mul3A_516, %mul3A_530 : vector<16xf32>
        %get3A_532 = arith.constant 1 : i32
        %get3A_533 = arith.index_cast %get3A_532 : i32 to index
        %get3A_534 = arith.index_cast %add3A_509 : i32 to index
        %get3A_535 = arith.constant 48 : index
        %get3A_536 = tpu.vector_load %arg8[%get3A_533, %get3A_534, %get3A_535] {strides = array<i32>} : memref<2x80x128xf32, #tpu.memory_space<vmem>>, vector<1x1x16xf32>,
        %get3A_537 = vector.shape_cast %get3A_536 : vector<1x1x16xf32> to vector<16xf32>
        %mul3A_538 = arith.mulf %get3A_194, %get3A_537 : vector<16xf32>
        %add3A_539 = arith.addf %mul3A_523, %mul3A_538 : vector<16xf32>
        %get3A_540 = arith.constant 1 : i32
        %get3A_541 = arith.index_cast %get3A_540 : i32 to index
        %get3A_542 = arith.index_cast %add3A_509 : i32 to index
        %get3A_543 = arith.constant 64 : index
        %get3A_544 = tpu.vector_load %arg8[%get3A_541, %get3A_542, %get3A_543] {strides = array<i32>} : memref<2x80x128xf32, #tpu.memory_space<vmem>>, vector<1x1x16xf32>,
        %get3A_545 = vector.shape_cast %get3A_544 : vector<1x1x16xf32> to vector<16xf32>
        %mul3A_546 = arith.mulf %get3A_198, %get3A_545 : vector<16xf32>
        %add3A_547 = arith.addf %add3A_531, %mul3A_546 : vector<16xf32>
        %get3A_548 = arith.constant 1 : i32
        %get3A_549 = arith.index_cast %get3A_548 : i32 to index
        %get3A_550 = arith.index_cast %add3A_509 : i32 to index
        %get3A_551 = arith.constant 80 : index
        %get3A_552 = tpu.vector_load %arg8[%get3A_549, %get3A_550, %get3A_551] {strides = array<i32>} : memref<2x80x128xf32, #tpu.memory_space<vmem>>, vector<1x1x16xf32>,
        %get3A_553 = vector.shape_cast %get3A_552 : vector<1x1x16xf32> to vector<16xf32>
        %mul3A_554 = arith.mulf %get3A_202, %get3A_553 : vector<16xf32>
        %add3A_555 = arith.addf %add3A_539, %mul3A_554 : vector<16xf32>
        %get3A_556 = arith.constant 1 : i32
        %get3A_557 = arith.index_cast %get3A_556 : i32 to index
        %get3A_558 = arith.index_cast %add3A_509 : i32 to index
        %get3A_559 = arith.constant 96 : index
        %get3A_560 = tpu.vector_load %arg8[%get3A_557, %get3A_558, %get3A_559] {strides = array<i32>} : memref<2x80x128xf32, #tpu.memory_space<vmem>>, vector<1x1x16xf32>,
        %get3A_561 = vector.shape_cast %get3A_560 : vector<1x1x16xf32> to vector<16xf32>
        %mul3A_562 = arith.mulf %get3A_206, %get3A_561 : vector<16xf32>
        %add3A_563 = arith.addf %add3A_547, %mul3A_562 : vector<16xf32>
        %get3A_564 = arith.constant 1 : i32
        %get3A_565 = arith.index_cast %get3A_564 : i32 to index
        %get3A_566 = arith.index_cast %add3A_509 : i32 to index
        %get3A_567 = arith.constant 112 : index
        %get3A_568 = tpu.vector_load %arg8[%get3A_565, %get3A_566, %get3A_567] {strides = array<i32>} : memref<2x80x128xf32, #tpu.memory_space<vmem>>, vector<1x1x16xf32>,
        %get3A_569 = vector.shape_cast %get3A_568 : vector<1x1x16xf32> to vector<16xf32>
        %mul3A_570 = arith.mulf %get3A_210, %get3A_569 : vector<16xf32>
        %add3A_571 = arith.addf %add3A_555, %mul3A_570 : vector<16xf32>
        %add3A_572 = arith.addf %add3A_563, %add3A_571 : vector<16xf32>
        %swap3A_573 = arith.constant 1 : i32
        %swap3A_574 = arith.index_cast %swap3A_573 : i32 to index
        %swap3A_575 = arith.index_cast %add3A_176 : i32 to index
        %swap3A_576 = arith.constant 64 : index
        %swap3A_577 = tpu.vector_load %arg9[%swap3A_574, %swap3A_575, %swap3A_576] {strides = array<i32>} : memref<2x16x128xf32, #tpu.memory_space<vmem>>, vector<1x1x16xf32>,
        %swap3A_578 = vector.shape_cast %swap3A_577 : vector<1x1x16xf32> to vector<16xf32>
        %swap3A_579 = vector.shape_cast %add3A_572 : vector<16xf32> to vector<1x1x16xf32>
        tpu.vector_store %arg9[%swap3A_574, %swap3A_575, %swap3A_576], %swap3A_579 {strides = array<i32>} : memref<2x16x128xf32, #tpu.memory_space<vmem>>, vector<1x1x16xf32>,
        %scan3A_580 = arith.constant 1 : i32
        %scan3A_581 = arith.addi %scan3A_172, %scan3A_580 : i32
        %mul3A_582 = arith.constant 1 : i32
        %mul3A_583 = arith.muli %scan3A_581, %mul3A_582 : i32
        %add3A_584 = arith.constant 0 : i32
        %add3A_585 = arith.addi %add3A_584, %mul3A_583 : i32
        %mul3A_586 = arith.constant 16 : i32
        %mul3A_587 = arith.muli %add3A_123, %mul3A_586 : i32
        %add3A_588 = arith.addi %mul3A_587, %add3A_585 : i32
        %get3A_589 = arith.index_cast %add3A_588 : i32 to index
        %get3A_590 = arith.constant 0 : index
        %get3A_591 = tpu.vector_load %arg7[%get3A_589, %get3A_590] {strides = array<i32>} : memref<640x128xf32, #tpu.memory_space<vmem>>, vector<1x16xf32>,
        %get3A_592 = vector.shape_cast %get3A_591 : vector<1x16xf32> to vector<16xf32>
        %get3A_593 = arith.index_cast %add3A_588 : i32 to index
        %get3A_594 = arith.constant 16 : index
        %get3A_595 = tpu.vector_load %arg7[%get3A_593, %get3A_594] {strides = array<i32>} : memref<640x128xf32, #tpu.memory_space<vmem>>, vector<1x16xf32>,
        %get3A_596 = vector.shape_cast %get3A_595 : vector<1x16xf32> to vector<16xf32>
        %get3A_597 = arith.index_cast %add3A_588 : i32 to index
        %get3A_598 = arith.constant 32 : index
        %get3A_599 = tpu.vector_load %arg7[%get3A_597, %get3A_598] {strides = array<i32>} : memref<640x128xf32, #tpu.memory_space<vmem>>, vector<1x16xf32>,
        %get3A_600 = vector.shape_cast %get3A_599 : vector<1x16xf32> to vector<16xf32>
        %get3A_601 = arith.index_cast %add3A_588 : i32 to index
        %get3A_602 = arith.constant 48 : index
        %get3A_603 = tpu.vector_load %arg7[%get3A_601, %get3A_602] {strides = array<i32>} : memref<640x128xf32, #tpu.memory_space<vmem>>, vector<1x16xf32>,
        %get3A_604 = vector.shape_cast %get3A_603 : vector<1x16xf32> to vector<16xf32>
        %get3A_605 = arith.index_cast %add3A_588 : i32 to index
        %get3A_606 = arith.constant 64 : index
        %get3A_607 = tpu.vector_load %arg7[%get3A_605, %get3A_606] {strides = array<i32>} : memref<640x128xf32, #tpu.memory_space<vmem>>, vector<1x16xf32>,
        %get3A_608 = vector.shape_cast %get3A_607 : vector<1x16xf32> to vector<16xf32>
        %get3A_609 = arith.index_cast %add3A_588 : i32 to index
        %get3A_610 = arith.constant 80 : index
        %get3A_611 = tpu.vector_load %arg7[%get3A_609, %get3A_610] {strides = array<i32>} : memref<640x128xf32, #tpu.memory_space<vmem>>, vector<1x16xf32>,
        %get3A_612 = vector.shape_cast %get3A_611 : vector<1x16xf32> to vector<16xf32>
        %get3A_613 = arith.index_cast %add3A_588 : i32 to index
        %get3A_614 = arith.constant 96 : index
        %get3A_615 = tpu.vector_load %arg7[%get3A_613, %get3A_614] {strides = array<i32>} : memref<640x128xf32, #tpu.memory_space<vmem>>, vector<1x16xf32>,
        %get3A_616 = vector.shape_cast %get3A_615 : vector<1x16xf32> to vector<16xf32>
        %get3A_617 = arith.index_cast %add3A_588 : i32 to index
        %get3A_618 = arith.constant 112 : index
        %get3A_619 = tpu.vector_load %arg7[%get3A_617, %get3A_618] {strides = array<i32>} : memref<640x128xf32, #tpu.memory_space<vmem>>, vector<1x16xf32>,
        %get3A_620 = vector.shape_cast %get3A_619 : vector<1x16xf32> to vector<16xf32>
        %mul3A_621 = arith.constant 5 : i32
        %mul3A_622 = arith.muli %add3A_585, %mul3A_621 : i32
        %add3A_623 = arith.constant 0 : i32
        %add3A_624 = arith.addi %mul3A_622, %add3A_623 : i32
        %get3A_625 = arith.constant 1 : i32
        %get3A_626 = arith.index_cast %get3A_625 : i32 to index
        %get3A_627 = arith.index_cast %add3A_624 : i32 to index
        %get3A_628 = arith.constant 0 : index
        %get3A_629 = tpu.vector_load %arg8[%get3A_626, %get3A_627, %get3A_628] {strides = array<i32>} : memref<2x80x128xf32, #tpu.memory_space<vmem>>, vector<1x1x16xf32>,
        %get3A_630 = vector.shape_cast %get3A_629 : vector<1x1x16xf32> to vector<16xf32>
        %mul3A_631 = arith.mulf %get3A_592, %get3A_630 : vector<16xf32>
        %get3A_632 = arith.constant 1 : i32
        %get3A_633 = arith.index_cast %get3A_632 : i32 to index
        %get3A_634 = arith.index_cast %add3A_624 : i32 to index
        %get3A_635 = arith.constant 16 : index
        %get3A_636 = tpu.vector_load %arg8[%get3A_633, %get3A_634, %get3A_635] {strides = array<i32>} : memref<2x80x128xf32, #tpu.memory_space<vmem>>, vector<1x1x16xf32>,
        %get3A_637 = vector.shape_cast %get3A_636 : vector<1x1x16xf32> to vector<16xf32>
        %mul3A_638 = arith.mulf %get3A_596, %get3A_637 : vector<16xf32>
        %get3A_639 = arith.constant 1 : i32
        %get3A_640 = arith.index_cast %get3A_639 : i32 to index
        %get3A_641 = arith.index_cast %add3A_624 : i32 to index
        %get3A_642 = arith.constant 32 : index
        %get3A_643 = tpu.vector_load %arg8[%get3A_640, %get3A_641, %get3A_642] {strides = array<i32>} : memref<2x80x128xf32, #tpu.memory_space<vmem>>, vector<1x1x16xf32>,
        %get3A_644 = vector.shape_cast %get3A_643 : vector<1x1x16xf32> to vector<16xf32>
        %mul3A_645 = arith.mulf %get3A_600, %get3A_644 : vector<16xf32>
        %add3A_646 = arith.addf %mul3A_631, %mul3A_645 : vector<16xf32>
        %get3A_647 = arith.constant 1 : i32
        %get3A_648 = arith.index_cast %get3A_647 : i32 to index
        %get3A_649 = arith.index_cast %add3A_624 : i32 to index
        %get3A_650 = arith.constant 48 : index
        %get3A_651 = tpu.vector_load %arg8[%get3A_648, %get3A_649, %get3A_650] {strides = array<i32>} : memref<2x80x128xf32, #tpu.memory_space<vmem>>, vector<1x1x16xf32>,
        %get3A_652 = vector.shape_cast %get3A_651 : vector<1x1x16xf32> to vector<16xf32>
        %mul3A_653 = arith.mulf %get3A_604, %get3A_652 : vector<16xf32>
        %add3A_654 = arith.addf %mul3A_638, %mul3A_653 : vector<16xf32>
        %get3A_655 = arith.constant 1 : i32
        %get3A_656 = arith.index_cast %get3A_655 : i32 to index
        %get3A_657 = arith.index_cast %add3A_624 : i32 to index
        %get3A_658 = arith.constant 64 : index
        %get3A_659 = tpu.vector_load %arg8[%get3A_656, %get3A_657, %get3A_658] {strides = array<i32>} : memref<2x80x128xf32, #tpu.memory_space<vmem>>, vector<1x1x16xf32>,
        %get3A_660 = vector.shape_cast %get3A_659 : vector<1x1x16xf32> to vector<16xf32>
        %mul3A_661 = arith.mulf %get3A_608, %get3A_660 : vector<16xf32>
        %add3A_662 = arith.addf %add3A_646, %mul3A_661 : vector<16xf32>
        %get3A_663 = arith.constant 1 : i32
        %get3A_664 = arith.index_cast %get3A_663 : i32 to index
        %get3A_665 = arith.index_cast %add3A_624 : i32 to index
        %get3A_666 = arith.constant 80 : index
        %get3A_667 = tpu.vector_load %arg8[%get3A_664, %get3A_665, %get3A_666] {strides = array<i32>} : memref<2x80x128xf32, #tpu.memory_space<vmem>>, vector<1x1x16xf32>,
        %get3A_668 = vector.shape_cast %get3A_667 : vector<1x1x16xf32> to vector<16xf32>
        %mul3A_669 = arith.mulf %get3A_612, %get3A_668 : vector<16xf32>
        %add3A_670 = arith.addf %add3A_654, %mul3A_669 : vector<16xf32>
        %get3A_671 = arith.constant 1 : i32
        %get3A_672 = arith.index_cast %get3A_671 : i32 to index
        %get3A_673 = arith.index_cast %add3A_624 : i32 to index
        %get3A_674 = arith.constant 96 : index
        %get3A_675 = tpu.vector_load %arg8[%get3A_672, %get3A_673, %get3A_674] {strides = array<i32>} : memref<2x80x128xf32, #tpu.memory_space<vmem>>, vector<1x1x16xf32>,
        %get3A_676 = vector.shape_cast %get3A_675 : vector<1x1x16xf32> to vector<16xf32>
        %mul3A_677 = arith.mulf %get3A_616, %get3A_676 : vector<16xf32>
        %add3A_678 = arith.addf %add3A_662, %mul3A_677 : vector<16xf32>
        %get3A_679 = arith.constant 1 : i32
        %get3A_680 = arith.index_cast %get3A_679 : i32 to index
        %get3A_681 = arith.index_cast %add3A_624 : i32 to index
        %get3A_682 = arith.constant 112 : index
        %get3A_683 = tpu.vector_load %arg8[%get3A_680, %get3A_681, %get3A_682] {strides = array<i32>} : memref<2x80x128xf32, #tpu.memory_space<vmem>>, vector<1x1x16xf32>,
        %get3A_684 = vector.shape_cast %get3A_683 : vector<1x1x16xf32> to vector<16xf32>
        %mul3A_685 = arith.mulf %get3A_620, %get3A_684 : vector<16xf32>
        %add3A_686 = arith.addf %add3A_670, %mul3A_685 : vector<16xf32>
        %add3A_687 = arith.addf %add3A_678, %add3A_686 : vector<16xf32>
        %swap3A_688 = arith.constant 1 : i32
        %swap3A_689 = arith.index_cast %swap3A_688 : i32 to index
        %swap3A_690 = arith.index_cast %add3A_585 : i32 to index
        %swap3A_691 = arith.constant 0 : index
        %swap3A_692 = tpu.vector_load %arg9[%swap3A_689, %swap3A_690, %swap3A_691] {strides = array<i32>} : memref<2x16x128xf32, #tpu.memory_space<vmem>>, vector<1x1x16xf32>,
        %swap3A_693 = vector.shape_cast %swap3A_692 : vector<1x1x16xf32> to vector<16xf32>
        %swap3A_694 = vector.shape_cast %add3A_687 : vector<16xf32> to vector<1x1x16xf32>
        tpu.vector_store %arg9[%swap3A_689, %swap3A_690, %swap3A_691], %swap3A_694 {strides = array<i32>} : memref<2x16x128xf32, #tpu.memory_space<vmem>>, vector<1x1x16xf32>,
        %mul3A_695 = arith.constant 5 : i32
        %mul3A_696 = arith.muli %add3A_585, %mul3A_695 : i32
        %add3A_697 = arith.constant 1 : i32
        %add3A_698 = arith.addi %mul3A_696, %add3A_697 : i32
        %get3A_699 = arith.constant 1 : i32
        %get3A_700 = arith.index_cast %get3A_699 : i32 to index
        %get3A_701 = arith.index_cast %add3A_698 : i32 to index
        %get3A_702 = arith.constant 0 : index
        %get3A_703 = tpu.vector_load %arg8[%get3A_700, %get3A_701, %get3A_702] {strides = array<i32>} : memref<2x80x128xf32, #tpu.memory_space<vmem>>, vector<1x1x16xf32>,
        %get3A_704 = vector.shape_cast %get3A_703 : vector<1x1x16xf32> to vector<16xf32>
        %mul3A_705 = arith.mulf %get3A_592, %get3A_704 : vector<16xf32>
        %get3A_706 = arith.constant 1 : i32
        %get3A_707 = arith.index_cast %get3A_706 : i32 to index
        %get3A_708 = arith.index_cast %add3A_698 : i32 to index
        %get3A_709 = arith.constant 16 : index
        %get3A_710 = tpu.vector_load %arg8[%get3A_707, %get3A_708, %get3A_709] {strides = array<i32>} : memref<2x80x128xf32, #tpu.memory_space<vmem>>, vector<1x1x16xf32>,
        %get3A_711 = vector.shape_cast %get3A_710 : vector<1x1x16xf32> to vector<16xf32>
        %mul3A_712 = arith.mulf %get3A_596, %get3A_711 : vector<16xf32>
        %get3A_713 = arith.constant 1 : i32
        %get3A_714 = arith.index_cast %get3A_713 : i32 to index
        %get3A_715 = arith.index_cast %add3A_698 : i32 to index
        %get3A_716 = arith.constant 32 : index
        %get3A_717 = tpu.vector_load %arg8[%get3A_714, %get3A_715, %get3A_716] {strides = array<i32>} : memref<2x80x128xf32, #tpu.memory_space<vmem>>, vector<1x1x16xf32>,
        %get3A_718 = vector.shape_cast %get3A_717 : vector<1x1x16xf32> to vector<16xf32>
        %mul3A_719 = arith.mulf %get3A_600, %get3A_718 : vector<16xf32>
        %add3A_720 = arith.addf %mul3A_705, %mul3A_719 : vector<16xf32>
        %get3A_721 = arith.constant 1 : i32
        %get3A_722 = arith.index_cast %get3A_721 : i32 to index
        %get3A_723 = arith.index_cast %add3A_698 : i32 to index
        %get3A_724 = arith.constant 48 : index
        %get3A_725 = tpu.vector_load %arg8[%get3A_722, %get3A_723, %get3A_724] {strides = array<i32>} : memref<2x80x128xf32, #tpu.memory_space<vmem>>, vector<1x1x16xf32>,
        %get3A_726 = vector.shape_cast %get3A_725 : vector<1x1x16xf32> to vector<16xf32>
        %mul3A_727 = arith.mulf %get3A_604, %get3A_726 : vector<16xf32>
        %add3A_728 = arith.addf %mul3A_712, %mul3A_727 : vector<16xf32>
        %get3A_729 = arith.constant 1 : i32
        %get3A_730 = arith.index_cast %get3A_729 : i32 to index
        %get3A_731 = arith.index_cast %add3A_698 : i32 to index
        %get3A_732 = arith.constant 64 : index
        %get3A_733 = tpu.vector_load %arg8[%get3A_730, %get3A_731, %get3A_732] {strides = array<i32>} : memref<2x80x128xf32, #tpu.memory_space<vmem>>, vector<1x1x16xf32>,
        %get3A_734 = vector.shape_cast %get3A_733 : vector<1x1x16xf32> to vector<16xf32>
        %mul3A_735 = arith.mulf %get3A_608, %get3A_734 : vector<16xf32>
        %add3A_736 = arith.addf %add3A_720, %mul3A_735 : vector<16xf32>
        %get3A_737 = arith.constant 1 : i32
        %get3A_738 = arith.index_cast %get3A_737 : i32 to index
        %get3A_739 = arith.index_cast %add3A_698 : i32 to index
        %get3A_740 = arith.constant 80 : index
        %get3A_741 = tpu.vector_load %arg8[%get3A_738, %get3A_739, %get3A_740] {strides = array<i32>} : memref<2x80x128xf32, #tpu.memory_space<vmem>>, vector<1x1x16xf32>,
        %get3A_742 = vector.shape_cast %get3A_741 : vector<1x1x16xf32> to vector<16xf32>
        %mul3A_743 = arith.mulf %get3A_612, %get3A_742 : vector<16xf32>
        %add3A_744 = arith.addf %add3A_728, %mul3A_743 : vector<16xf32>
        %get3A_745 = arith.constant 1 : i32
        %get3A_746 = arith.index_cast %get3A_745 : i32 to index
        %get3A_747 = arith.index_cast %add3A_698 : i32 to index
        %get3A_748 = arith.constant 96 : index
        %get3A_749 = tpu.vector_load %arg8[%get3A_746, %get3A_747, %get3A_748] {strides = array<i32>} : memref<2x80x128xf32, #tpu.memory_space<vmem>>, vector<1x1x16xf32>,
        %get3A_750 = vector.shape_cast %get3A_749 : vector<1x1x16xf32> to vector<16xf32>
        %mul3A_751 = arith.mulf %get3A_616, %get3A_750 : vector<16xf32>
        %add3A_752 = arith.addf %add3A_736, %mul3A_751 : vector<16xf32>
        %get3A_753 = arith.constant 1 : i32
        %get3A_754 = arith.index_cast %get3A_753 : i32 to index
        %get3A_755 = arith.index_cast %add3A_698 : i32 to index
        %get3A_756 = arith.constant 112 : index
        %get3A_757 = tpu.vector_load %arg8[%get3A_754, %get3A_755, %get3A_756] {strides = array<i32>} : memref<2x80x128xf32, #tpu.memory_space<vmem>>, vector<1x1x16xf32>,
        %get3A_758 = vector.shape_cast %get3A_757 : vector<1x1x16xf32> to vector<16xf32>
        %mul3A_759 = arith.mulf %get3A_620, %get3A_758 : vector<16xf32>
        %add3A_760 = arith.addf %add3A_744, %mul3A_759 : vector<16xf32>
        %add3A_761 = arith.addf %add3A_752, %add3A_760 : vector<16xf32>
        %swap3A_762 = arith.constant 1 : i32
        %swap3A_763 = arith.index_cast %swap3A_762 : i32 to index
        %swap3A_764 = arith.index_cast %add3A_585 : i32 to index
        %swap3A_765 = arith.constant 16 : index
        %swap3A_766 = tpu.vector_load %arg9[%swap3A_763, %swap3A_764, %swap3A_765] {strides = array<i32>} : memref<2x16x128xf32, #tpu.memory_space<vmem>>, vector<1x1x16xf32>,
        %swap3A_767 = vector.shape_cast %swap3A_766 : vector<1x1x16xf32> to vector<16xf32>
        %swap3A_768 = vector.shape_cast %add3A_761 : vector<16xf32> to vector<1x1x16xf32>
        tpu.vector_store %arg9[%swap3A_763, %swap3A_764, %swap3A_765], %swap3A_768 {strides = array<i32>} : memref<2x16x128xf32, #tpu.memory_space<vmem>>, vector<1x1x16xf32>,
        %mul3A_769 = arith.constant 5 : i32
        %mul3A_770 = arith.muli %add3A_585, %mul3A_769 : i32
        %add3A_771 = arith.constant 2 : i32
        %add3A_772 = arith.addi %mul3A_770, %add3A_771 : i32
        %get3A_773 = arith.constant 1 : i32
        %get3A_774 = arith.index_cast %get3A_773 : i32 to index
        %get3A_775 = arith.index_cast %add3A_772 : i32 to index
        %get3A_776 = arith.constant 0 : index
        %get3A_777 = tpu.vector_load %arg8[%get3A_774, %get3A_775, %get3A_776] {strides = array<i32>} : memref<2x80x128xf32, #tpu.memory_space<vmem>>, vector<1x1x16xf32>,
        %get3A_778 = vector.shape_cast %get3A_777 : vector<1x1x16xf32> to vector<16xf32>
        %mul3A_779 = arith.mulf %get3A_592, %get3A_778 : vector<16xf32>
        %get3A_780 = arith.constant 1 : i32
        %get3A_781 = arith.index_cast %get3A_780 : i32 to index
        %get3A_782 = arith.index_cast %add3A_772 : i32 to index
        %get3A_783 = arith.constant 16 : index
        %get3A_784 = tpu.vector_load %arg8[%get3A_781, %get3A_782, %get3A_783] {strides = array<i32>} : memref<2x80x128xf32, #tpu.memory_space<vmem>>, vector<1x1x16xf32>,
        %get3A_785 = vector.shape_cast %get3A_784 : vector<1x1x16xf32> to vector<16xf32>
        %mul3A_786 = arith.mulf %get3A_596, %get3A_785 : vector<16xf32>
        %get3A_787 = arith.constant 1 : i32
        %get3A_788 = arith.index_cast %get3A_787 : i32 to index
        %get3A_789 = arith.index_cast %add3A_772 : i32 to index
        %get3A_790 = arith.constant 32 : index
        %get3A_791 = tpu.vector_load %arg8[%get3A_788, %get3A_789, %get3A_790] {strides = array<i32>} : memref<2x80x128xf32, #tpu.memory_space<vmem>>, vector<1x1x16xf32>,
        %get3A_792 = vector.shape_cast %get3A_791 : vector<1x1x16xf32> to vector<16xf32>
        %mul3A_793 = arith.mulf %get3A_600, %get3A_792 : vector<16xf32>
        %add3A_794 = arith.addf %mul3A_779, %mul3A_793 : vector<16xf32>
        %get3A_795 = arith.constant 1 : i32
        %get3A_796 = arith.index_cast %get3A_795 : i32 to index
        %get3A_797 = arith.index_cast %add3A_772 : i32 to index
        %get3A_798 = arith.constant 48 : index
        %get3A_799 = tpu.vector_load %arg8[%get3A_796, %get3A_797, %get3A_798] {strides = array<i32>} : memref<2x80x128xf32, #tpu.memory_space<vmem>>, vector<1x1x16xf32>,
        %get3A_800 = vector.shape_cast %get3A_799 : vector<1x1x16xf32> to vector<16xf32>
        %mul3A_801 = arith.mulf %get3A_604, %get3A_800 : vector<16xf32>
        %add3A_802 = arith.addf %mul3A_786, %mul3A_801 : vector<16xf32>
        %get3A_803 = arith.constant 1 : i32
        %get3A_804 = arith.index_cast %get3A_803 : i32 to index
        %get3A_805 = arith.index_cast %add3A_772 : i32 to index
        %get3A_806 = arith.constant 64 : index
        %get3A_807 = tpu.vector_load %arg8[%get3A_804, %get3A_805, %get3A_806] {strides = array<i32>} : memref<2x80x128xf32, #tpu.memory_space<vmem>>, vector<1x1x16xf32>,
        %get3A_808 = vector.shape_cast %get3A_807 : vector<1x1x16xf32> to vector<16xf32>
        %mul3A_809 = arith.mulf %get3A_608, %get3A_808 : vector<16xf32>
        %add3A_810 = arith.addf %add3A_794, %mul3A_809 : vector<16xf32>
        %get3A_811 = arith.constant 1 : i32
        %get3A_812 = arith.index_cast %get3A_811 : i32 to index
        %get3A_813 = arith.index_cast %add3A_772 : i32 to index
        %get3A_814 = arith.constant 80 : index
        %get3A_815 = tpu.vector_load %arg8[%get3A_812, %get3A_813, %get3A_814] {strides = array<i32>} : memref<2x80x128xf32, #tpu.memory_space<vmem>>, vector<1x1x16xf32>,
        %get3A_816 = vector.shape_cast %get3A_815 : vector<1x1x16xf32> to vector<16xf32>
        %mul3A_817 = arith.mulf %get3A_612, %get3A_816 : vector<16xf32>
        %add3A_818 = arith.addf %add3A_802, %mul3A_817 : vector<16xf32>
        %get3A_819 = arith.constant 1 : i32
        %get3A_820 = arith.index_cast %get3A_819 : i32 to index
        %get3A_821 = arith.index_cast %add3A_772 : i32 to index
        %get3A_822 = arith.constant 96 : index
        %get3A_823 = tpu.vector_load %arg8[%get3A_820, %get3A_821, %get3A_822] {strides = array<i32>} : memref<2x80x128xf32, #tpu.memory_space<vmem>>, vector<1x1x16xf32>,
        %get3A_824 = vector.shape_cast %get3A_823 : vector<1x1x16xf32> to vector<16xf32>
        %mul3A_825 = arith.mulf %get3A_616, %get3A_824 : vector<16xf32>
        %add3A_826 = arith.addf %add3A_810, %mul3A_825 : vector<16xf32>
        %get3A_827 = arith.constant 1 : i32
        %get3A_828 = arith.index_cast %get3A_827 : i32 to index
        %get3A_829 = arith.index_cast %add3A_772 : i32 to index
        %get3A_830 = arith.constant 112 : index
        %get3A_831 = tpu.vector_load %arg8[%get3A_828, %get3A_829, %get3A_830] {strides = array<i32>} : memref<2x80x128xf32, #tpu.memory_space<vmem>>, vector<1x1x16xf32>,
        %get3A_832 = vector.shape_cast %get3A_831 : vector<1x1x16xf32> to vector<16xf32>
        %mul3A_833 = arith.mulf %get3A_620, %get3A_832 : vector<16xf32>
        %add3A_834 = arith.addf %add3A_818, %mul3A_833 : vector<16xf32>
        %add3A_835 = arith.addf %add3A_826, %add3A_834 : vector<16xf32>
        %swap3A_836 = arith.constant 1 : i32
        %swap3A_837 = arith.index_cast %swap3A_836 : i32 to index
        %swap3A_838 = arith.index_cast %add3A_585 : i32 to index
        %swap3A_839 = arith.constant 32 : index
        %swap3A_840 = tpu.vector_load %arg9[%swap3A_837, %swap3A_838, %swap3A_839] {strides = array<i32>} : memref<2x16x128xf32, #tpu.memory_space<vmem>>, vector<1x1x16xf32>,
        %swap3A_841 = vector.shape_cast %swap3A_840 : vector<1x1x16xf32> to vector<16xf32>
        %swap3A_842 = vector.shape_cast %add3A_835 : vector<16xf32> to vector<1x1x16xf32>
        tpu.vector_store %arg9[%swap3A_837, %swap3A_838, %swap3A_839], %swap3A_842 {strides = array<i32>} : memref<2x16x128xf32, #tpu.memory_space<vmem>>, vector<1x1x16xf32>,
        %mul3A_843 = arith.constant 5 : i32
        %mul3A_844 = arith.muli %add3A_585, %mul3A_843 : i32
        %add3A_845 = arith.constant 3 : i32
        %add3A_846 = arith.addi %mul3A_844, %add3A_845 : i32
        %get3A_847 = arith.constant 1 : i32
        %get3A_848 = arith.index_cast %get3A_847 : i32 to index
        %get3A_849 = arith.index_cast %add3A_846 : i32 to index
        %get3A_850 = arith.constant 0 : index
        %get3A_851 = tpu.vector_load %arg8[%get3A_848, %get3A_849, %get3A_850] {strides = array<i32>} : memref<2x80x128xf32, #tpu.memory_space<vmem>>, vector<1x1x16xf32>,
        %get3A_852 = vector.shape_cast %get3A_851 : vector<1x1x16xf32> to vector<16xf32>
        %mul3A_853 = arith.mulf %get3A_592, %get3A_852 : vector<16xf32>
        %get3A_854 = arith.constant 1 : i32
        %get3A_855 = arith.index_cast %get3A_854 : i32 to index
        %get3A_856 = arith.index_cast %add3A_846 : i32 to index
        %get3A_857 = arith.constant 16 : index
        %get3A_858 = tpu.vector_load %arg8[%get3A_855, %get3A_856, %get3A_857] {strides = array<i32>} : memref<2x80x128xf32, #tpu.memory_space<vmem>>, vector<1x1x16xf32>,
        %get3A_859 = vector.shape_cast %get3A_858 : vector<1x1x16xf32> to vector<16xf32>
        %mul3A_860 = arith.mulf %get3A_596, %get3A_859 : vector<16xf32>
        %get3A_861 = arith.constant 1 : i32
        %get3A_862 = arith.index_cast %get3A_861 : i32 to index
        %get3A_863 = arith.index_cast %add3A_846 : i32 to index
        %get3A_864 = arith.constant 32 : index
        %get3A_865 = tpu.vector_load %arg8[%get3A_862, %get3A_863, %get3A_864] {strides = array<i32>} : memref<2x80x128xf32, #tpu.memory_space<vmem>>, vector<1x1x16xf32>,
        %get3A_866 = vector.shape_cast %get3A_865 : vector<1x1x16xf32> to vector<16xf32>
        %mul3A_867 = arith.mulf %get3A_600, %get3A_866 : vector<16xf32>
        %add3A_868 = arith.addf %mul3A_853, %mul3A_867 : vector<16xf32>
        %get3A_869 = arith.constant 1 : i32
        %get3A_870 = arith.index_cast %get3A_869 : i32 to index
        %get3A_871 = arith.index_cast %add3A_846 : i32 to index
        %get3A_872 = arith.constant 48 : index
        %get3A_873 = tpu.vector_load %arg8[%get3A_870, %get3A_871, %get3A_872] {strides = array<i32>} : memref<2x80x128xf32, #tpu.memory_space<vmem>>, vector<1x1x16xf32>,
        %get3A_874 = vector.shape_cast %get3A_873 : vector<1x1x16xf32> to vector<16xf32>
        %mul3A_875 = arith.mulf %get3A_604, %get3A_874 : vector<16xf32>
        %add3A_876 = arith.addf %mul3A_860, %mul3A_875 : vector<16xf32>
        %get3A_877 = arith.constant 1 : i32
        %get3A_878 = arith.index_cast %get3A_877 : i32 to index
        %get3A_879 = arith.index_cast %add3A_846 : i32 to index
        %get3A_880 = arith.constant 64 : index
        %get3A_881 = tpu.vector_load %arg8[%get3A_878, %get3A_879, %get3A_880] {strides = array<i32>} : memref<2x80x128xf32, #tpu.memory_space<vmem>>, vector<1x1x16xf32>,
        %get3A_882 = vector.shape_cast %get3A_881 : vector<1x1x16xf32> to vector<16xf32>
        %mul3A_883 = arith.mulf %get3A_608, %get3A_882 : vector<16xf32>
        %add3A_884 = arith.addf %add3A_868, %mul3A_883 : vector<16xf32>
        %get3A_885 = arith.constant 1 : i32
        %get3A_886 = arith.index_cast %get3A_885 : i32 to index
        %get3A_887 = arith.index_cast %add3A_846 : i32 to index
        %get3A_888 = arith.constant 80 : index
        %get3A_889 = tpu.vector_load %arg8[%get3A_886, %get3A_887, %get3A_888] {strides = array<i32>} : memref<2x80x128xf32, #tpu.memory_space<vmem>>, vector<1x1x16xf32>,
        %get3A_890 = vector.shape_cast %get3A_889 : vector<1x1x16xf32> to vector<16xf32>
        %mul3A_891 = arith.mulf %get3A_612, %get3A_890 : vector<16xf32>
        %add3A_892 = arith.addf %add3A_876, %mul3A_891 : vector<16xf32>
        %get3A_893 = arith.constant 1 : i32
        %get3A_894 = arith.index_cast %get3A_893 : i32 to index
        %get3A_895 = arith.index_cast %add3A_846 : i32 to index
        %get3A_896 = arith.constant 96 : index
        %get3A_897 = tpu.vector_load %arg8[%get3A_894, %get3A_895, %get3A_896] {strides = array<i32>} : memref<2x80x128xf32, #tpu.memory_space<vmem>>, vector<1x1x16xf32>,
        %get3A_898 = vector.shape_cast %get3A_897 : vector<1x1x16xf32> to vector<16xf32>
        %mul3A_899 = arith.mulf %get3A_616, %get3A_898 : vector<16xf32>
        %add3A_900 = arith.addf %add3A_884, %mul3A_899 : vector<16xf32>
        %get3A_901 = arith.constant 1 : i32
        %get3A_902 = arith.index_cast %get3A_901 : i32 to index
        %get3A_903 = arith.index_cast %add3A_846 : i32 to index
        %get3A_904 = arith.constant 112 : index
        %get3A_905 = tpu.vector_load %arg8[%get3A_902, %get3A_903, %get3A_904] {strides = array<i32>} : memref<2x80x128xf32, #tpu.memory_space<vmem>>, vector<1x1x16xf32>,
        %get3A_906 = vector.shape_cast %get3A_905 : vector<1x1x16xf32> to vector<16xf32>
        %mul3A_907 = arith.mulf %get3A_620, %get3A_906 : vector<16xf32>
        %add3A_908 = arith.addf %add3A_892, %mul3A_907 : vector<16xf32>
        %add3A_909 = arith.addf %add3A_900, %add3A_908 : vector<16xf32>
        %swap3A_910 = arith.constant 1 : i32
        %swap3A_911 = arith.index_cast %swap3A_910 : i32 to index
        %swap3A_912 = arith.index_cast %add3A_585 : i32 to index
        %swap3A_913 = arith.constant 48 : index
        %swap3A_914 = tpu.vector_load %arg9[%swap3A_911, %swap3A_912, %swap3A_913] {strides = array<i32>} : memref<2x16x128xf32, #tpu.memory_space<vmem>>, vector<1x1x16xf32>,
        %swap3A_915 = vector.shape_cast %swap3A_914 : vector<1x1x16xf32> to vector<16xf32>
        %swap3A_916 = vector.shape_cast %add3A_909 : vector<16xf32> to vector<1x1x16xf32>
        tpu.vector_store %arg9[%swap3A_911, %swap3A_912, %swap3A_913], %swap3A_916 {strides = array<i32>} : memref<2x16x128xf32, #tpu.memory_space<vmem>>, vector<1x1x16xf32>,
        %mul3A_917 = arith.constant 5 : i32
        %mul3A_918 = arith.muli %add3A_585, %mul3A_917 : i32
        %add3A_919 = arith.constant 4 : i32
        %add3A_920 = arith.addi %mul3A_918, %add3A_919 : i32
        %get3A_921 = arith.constant 1 : i32
        %get3A_922 = arith.index_cast %get3A_921 : i32 to index
        %get3A_923 = arith.index_cast %add3A_920 : i32 to index
        %get3A_924 = arith.constant 0 : index
        %get3A_925 = tpu.vector_load %arg8[%get3A_922, %get3A_923, %get3A_924] {strides = array<i32>} : memref<2x80x128xf32, #tpu.memory_space<vmem>>, vector<1x1x16xf32>,
        %get3A_926 = vector.shape_cast %get3A_925 : vector<1x1x16xf32> to vector<16xf32>
        %mul3A_927 = arith.mulf %get3A_592, %get3A_926 : vector<16xf32>
        %get3A_928 = arith.constant 1 : i32
        %get3A_929 = arith.index_cast %get3A_928 : i32 to index
        %get3A_930 = arith.index_cast %add3A_920 : i32 to index
        %get3A_931 = arith.constant 16 : index
        %get3A_932 = tpu.vector_load %arg8[%get3A_929, %get3A_930, %get3A_931] {strides = array<i32>} : memref<2x80x128xf32, #tpu.memory_space<vmem>>, vector<1x1x16xf32>,
        %get3A_933 = vector.shape_cast %get3A_932 : vector<1x1x16xf32> to vector<16xf32>
        %mul3A_934 = arith.mulf %get3A_596, %get3A_933 : vector<16xf32>
        %get3A_935 = arith.constant 1 : i32
        %get3A_936 = arith.index_cast %get3A_935 : i32 to index
        %get3A_937 = arith.index_cast %add3A_920 : i32 to index
        %get3A_938 = arith.constant 32 : index
        %get3A_939 = tpu.vector_load %arg8[%get3A_936, %get3A_937, %get3A_938] {strides = array<i32>} : memref<2x80x128xf32, #tpu.memory_space<vmem>>, vector<1x1x16xf32>,
        %get3A_940 = vector.shape_cast %get3A_939 : vector<1x1x16xf32> to vector<16xf32>
        %mul3A_941 = arith.mulf %get3A_600, %get3A_940 : vector<16xf32>
        %add3A_942 = arith.addf %mul3A_927, %mul3A_941 : vector<16xf32>
        %get3A_943 = arith.constant 1 : i32
        %get3A_944 = arith.index_cast %get3A_943 : i32 to index
        %get3A_945 = arith.index_cast %add3A_920 : i32 to index
        %get3A_946 = arith.constant 48 : index
        %get3A_947 = tpu.vector_load %arg8[%get3A_944, %get3A_945, %get3A_946] {strides = array<i32>} : memref<2x80x128xf32, #tpu.memory_space<vmem>>, vector<1x1x16xf32>,
        %get3A_948 = vector.shape_cast %get3A_947 : vector<1x1x16xf32> to vector<16xf32>
        %mul3A_949 = arith.mulf %get3A_604, %get3A_948 : vector<16xf32>
        %add3A_950 = arith.addf %mul3A_934, %mul3A_949 : vector<16xf32>
        %get3A_951 = arith.constant 1 : i32
        %get3A_952 = arith.index_cast %get3A_951 : i32 to index
        %get3A_953 = arith.index_cast %add3A_920 : i32 to index
        %get3A_954 = arith.constant 64 : index
        %get3A_955 = tpu.vector_load %arg8[%get3A_952, %get3A_953, %get3A_954] {strides = array<i32>} : memref<2x80x128xf32, #tpu.memory_space<vmem>>, vector<1x1x16xf32>,
        %get3A_956 = vector.shape_cast %get3A_955 : vector<1x1x16xf32> to vector<16xf32>
        %mul3A_957 = arith.mulf %get3A_608, %get3A_956 : vector<16xf32>
        %add3A_958 = arith.addf %add3A_942, %mul3A_957 : vector<16xf32>
        %get3A_959 = arith.constant 1 : i32
        %get3A_960 = arith.index_cast %get3A_959 : i32 to index
        %get3A_961 = arith.index_cast %add3A_920 : i32 to index
        %get3A_962 = arith.constant 80 : index
        %get3A_963 = tpu.vector_load %arg8[%get3A_960, %get3A_961, %get3A_962] {strides = array<i32>} : memref<2x80x128xf32, #tpu.memory_space<vmem>>, vector<1x1x16xf32>,
        %get3A_964 = vector.shape_cast %get3A_963 : vector<1x1x16xf32> to vector<16xf32>
        %mul3A_965 = arith.mulf %get3A_612, %get3A_964 : vector<16xf32>
        %add3A_966 = arith.addf %add3A_950, %mul3A_965 : vector<16xf32>
        %get3A_967 = arith.constant 1 : i32
        %get3A_968 = arith.index_cast %get3A_967 : i32 to index
        %get3A_969 = arith.index_cast %add3A_920 : i32 to index
        %get3A_970 = arith.constant 96 : index
        %get3A_971 = tpu.vector_load %arg8[%get3A_968, %get3A_969, %get3A_970] {strides = array<i32>} : memref<2x80x128xf32, #tpu.memory_space<vmem>>, vector<1x1x16xf32>,
        %get3A_972 = vector.shape_cast %get3A_971 : vector<1x1x16xf32> to vector<16xf32>
        %mul3A_973 = arith.mulf %get3A_616, %get3A_972 : vector<16xf32>
        %add3A_974 = arith.addf %add3A_958, %mul3A_973 : vector<16xf32>
        %get3A_975 = arith.constant 1 : i32
        %get3A_976 = arith.index_cast %get3A_975 : i32 to index
        %get3A_977 = arith.index_cast %add3A_920 : i32 to index
        %get3A_978 = arith.constant 112 : index
        %get3A_979 = tpu.vector_load %arg8[%get3A_976, %get3A_977, %get3A_978] {strides = array<i32>} : memref<2x80x128xf32, #tpu.memory_space<vmem>>, vector<1x1x16xf32>,
        %get3A_980 = vector.shape_cast %get3A_979 : vector<1x1x16xf32> to vector<16xf32>
        %mul3A_981 = arith.mulf %get3A_620, %get3A_980 : vector<16xf32>
        %add3A_982 = arith.addf %add3A_966, %mul3A_981 : vector<16xf32>
        %add3A_983 = arith.addf %add3A_974, %add3A_982 : vector<16xf32>
        %swap3A_984 = arith.constant 1 : i32
        %swap3A_985 = arith.index_cast %swap3A_984 : i32 to index
        %swap3A_986 = arith.index_cast %add3A_585 : i32 to index
        %swap3A_987 = arith.constant 64 : index
        %swap3A_988 = tpu.vector_load %arg9[%swap3A_985, %swap3A_986, %swap3A_987] {strides = array<i32>} : memref<2x16x128xf32, #tpu.memory_space<vmem>>, vector<1x1x16xf32>,
        %swap3A_989 = vector.shape_cast %swap3A_988 : vector<1x1x16xf32> to vector<16xf32>
        %swap3A_990 = vector.shape_cast %add3A_983 : vector<16xf32> to vector<1x1x16xf32>
        tpu.vector_store %arg9[%swap3A_985, %swap3A_986, %swap3A_987], %swap3A_990 {strides = array<i32>} : memref<2x16x128xf32, #tpu.memory_space<vmem>>, vector<1x1x16xf32>,
      }
      %scan3A_148 = arith.constant 16 : i32
      %mul3A_149 = arith.constant 16 : i32
      %mul3A_150 = arith.muli %add3A_123, %mul3A_149 : i32
      %add3A_151 = arith.addi %mul3A_2, %mul3A_150 : i32
      %dma_start3A_152 = arith.constant 1 : i32
      %dma_start3A_153 = arith.constant 0 : i32
      %dma_start3A_154 = arith.constant 0 : i32
      %dma_start3A_155 = tpu.memref_slice %arg9[%dma_start3A_152, %dma_start3A_153, %dma_start3A_154] : memref<2x16x128xf32, #tpu.memory_space<vmem>> -> memref<1x16x128xf32, #tpu.memory_space<vmem>>
      %dma_start3A_156 = tpu.memref_squeeze %dma_start3A_155 : memref<1x16x128xf32, #tpu.memory_space<vmem>> -> memref<16x128xf32, #tpu.memory_space<vmem>>
      %dma_start3A_157 = arith.constant 0 : i32
      %dma_start3A_158 = tpu.memref_slice %arg5[%add3A_151, %dma_start3A_157] : memref<20480x128xf32, #tpu.memory_space<hbm>> -> memref<16x128xf32, #tpu.memory_space<hbm>>
      %dma_start3A_159 = arith.constant 0 : i32
      %dma_start3A_160 = tpu.memref_slice %arg5[%add3A_151, %dma_start3A_159] : memref<20480x128xf32, #tpu.memory_space<hbm>> -> memref<16x128xf32, #tpu.memory_space<hbm>>
      %dma_start3A_161 = arith.constant 0 : i32
      %dma_start3A_162 = arith.constant 0 : i32
      %dma_start3A_163 = tpu.memref_slice %arg9[%dma_start3A_152, %dma_start3A_161, %dma_start3A_162] : memref<2x16x128xf32, #tpu.memory_space<vmem>> -> memref<1x16x128xf32, #tpu.memory_space<vmem>>
      %dma_start3A_164 = tpu.memref_squeeze %dma_start3A_163 : memref<1x16x128xf32, #tpu.memory_space<vmem>> -> memref<16x128xf32, #tpu.memory_space<vmem>>
      tpu.enqueue_dma source(%dma_start3A_164 : memref<16x128xf32, #tpu.memory_space<vmem>>) target(%dma_start3A_160 : memref<16x128xf32, #tpu.memory_space<hbm>>) target_semaphore(%arg14 : memref<!tpu.dma_semaphore, #tpu.memory_space<semaphore_mem>>)
      %add3A_165 = arith.constant 2 : i32
      %add3A_166 = arith.addi %add3A_123, %add3A_165 : i32
      %lt3A_167 = arith.constant 40 : i32
      %lt3A_168 = arith.cmpi slt, %add3A_166, %lt3A_167 : i32
      %convert_element_type3A_169 = arith.extui %lt3A_168 : i1 to i32
      %cond3A_170 = arith.constant 0 : i32
      %cond3A_171 = arith.cmpi ne, %convert_element_type3A_169, %cond3A_170 : i32
      scf.if %cond3A_171 {
        %mul3A_172 = arith.constant 80 : i32
        %mul3A_173 = arith.muli %add3A_166, %mul3A_172 : i32
        %dma_start3A_174 = arith.constant 1 : i32
        %dma_start3A_175 = arith.constant 0 : i32
        %dma_start3A_176 = arith.constant 0 : i32
        %dma_start3A_177 = tpu.memref_slice %arg8[%dma_start3A_174, %dma_start3A_175, %dma_start3A_176] : memref<2x80x128xf32, #tpu.memory_space<vmem>> -> memref<1x80x128xf32, #tpu.memory_space<vmem>>
        %dma_start3A_178 = tpu.memref_squeeze %dma_start3A_177 : memref<1x80x128xf32, #tpu.memory_space<vmem>> -> memref<80x128xf32, #tpu.memory_space<vmem>>
        %dma_start3A_179 = tpu.memref_slice %arg6[%mul3A_173] : memref<3200xi32, #tpu.memory_space<vmem>> -> memref<80xi32, #tpu.memory_space<vmem>>
        %dma_start3A_180 = arith.constant 0 : i32
        %dma_start3A_181 = arith.constant 0 : i32
        %dma_start3A_182 = tpu.memref_slice %arg3[%dma_start3A_180, %dma_start3A_181] : memref<20480x128xf32, #tpu.memory_space<hbm>> -> memref<20480x128xf32, #tpu.memory_space<hbm>>
        tpu.enqueue_indirect_dma source(%dma_start3A_182 : memref<20480x128xf32, #tpu.memory_space<hbm>>) target(%dma_start3A_178 : memref<80x128xf32, #tpu.memory_space<vmem>>) offsets(%dma_start3A_179 : memref<80xi32, #tpu.memory_space<vmem>>) semaphore(%arg12 : memref<!tpu.dma_semaphore, #tpu.memory_space<semaphore_mem>>)
      } else {
      }
    }
    %scan3A_36 = arith.constant 20 : i32
    %dma_wait3A_37 = arith.constant 0 : i32
    %dma_wait3A_38 = arith.constant 0 : i32
    %dma_wait3A_39 = arith.constant 0 : i32
    %dma_wait3A_40 = tpu.memref_slice %arg9[%dma_wait3A_37, %dma_wait3A_38, %dma_wait3A_39] : memref<2x16x128xf32, #tpu.memory_space<vmem>> -> memref<1x16x128xf32, #tpu.memory_space<vmem>>
    %dma_wait3A_41 = tpu.memref_squeeze %dma_wait3A_40 : memref<1x16x128xf32, #tpu.memory_space<vmem>> -> memref<16x128xf32, #tpu.memory_space<vmem>>
    %dma_wait3A_42 = arith.constant 0 : i32
    %dma_wait3A_43 = arith.constant 0 : i32
    %dma_wait3A_44 = tpu.memref_slice %arg5[%dma_wait3A_42, %dma_wait3A_43] : memref<20480x128xf32, #tpu.memory_space<hbm>> -> memref<16x128xf32, #tpu.memory_space<hbm>>
    %dma_wait3A_45 = arith.constant 0 : i32
    %dma_wait3A_46 = arith.constant 0 : i32
    %dma_wait3A_47 = tpu.memref_slice %arg5[%dma_wait3A_45, %dma_wait3A_46] : memref<20480x128xf32, #tpu.memory_space<hbm>> -> memref<16x128xf32, #tpu.memory_space<hbm>>
    %dma_wait3A_48 = arith.constant 0 : i32
    %dma_wait3A_49 = arith.constant 0 : i32
    %dma_wait3A_50 = tpu.memref_slice %arg9[%dma_wait3A_37, %dma_wait3A_48, %dma_wait3A_49] : memref<2x16x128xf32, #tpu.memory_space<vmem>> -> memref<1x16x128xf32, #tpu.memory_space<vmem>>
    %dma_wait3A_51 = tpu.memref_squeeze %dma_wait3A_50 : memref<1x16x128xf32, #tpu.memory_space<vmem>> -> memref<16x128xf32, #tpu.memory_space<vmem>>
    tpu.wait_dma2 semaphore(%arg13 : memref<!tpu.dma_semaphore, #tpu.memory_space<semaphore_mem>>) src(%dma_wait3A_51 : memref<16x128xf32, #tpu.memory_space<vmem>>) dst(%dma_wait3A_47 : memref<16x128xf32, #tpu.memory_space<hbm>>)
    %dma_wait3A_52 = arith.constant 1 : i32
    %dma_wait3A_53 = arith.constant 0 : i32
    %dma_wait3A_54 = arith.constant 0 : i32
    %dma_wait3A_55 = tpu.memref_slice %arg9[%dma_wait3A_52, %dma_wait3A_53, %dma_wait3A_54] : memref<2x16x128xf32, #tpu.memory_space<vmem>> -> memref<1x16x128xf32, #tpu.memory_space<vmem>>
    %dma_wait3A_56 = tpu.memref_squeeze %dma_wait3A_55 : memref<1x16x128xf32, #tpu.memory_space<vmem>> -> memref<16x128xf32, #tpu.memory_space<vmem>>
    %dma_wait3A_57 = arith.constant 0 : i32
    %dma_wait3A_58 = arith.constant 0 : i32
    %dma_wait3A_59 = tpu.memref_slice %arg5[%dma_wait3A_57, %dma_wait3A_58] : memref<20480x128xf32, #tpu.memory_space<hbm>> -> memref<16x128xf32, #tpu.memory_space<hbm>>
    %dma_wait3A_60 = arith.constant 0 : i32
    %dma_wait3A_61 = arith.constant 0 : i32
    %dma_wait3A_62 = tpu.memref_slice %arg5[%dma_wait3A_60, %dma_wait3A_61] : memref<20480x128xf32, #tpu.memory_space<hbm>> -> memref<16x128xf32, #tpu.memory_space<hbm>>
    %dma_wait3A_63 = arith.constant 0 : i32
    %dma_wait3A_64 = arith.constant 0 : i32
    %dma_wait3A_65 = tpu.memref_slice %arg9[%dma_wait3A_52, %dma_wait3A_63, %dma_wait3A_64] : memref<2x16x128xf32, #tpu.memory_space<vmem>> -> memref<1x16x128xf32, #tpu.memory_space<vmem>>
    %dma_wait3A_66 = tpu.memref_squeeze %dma_wait3A_65 : memref<1x16x128xf32, #tpu.memory_space<vmem>> -> memref<16x128xf32, #tpu.memory_space<vmem>>
    tpu.wait_dma2 semaphore(%arg14 : memref<!tpu.dma_semaphore, #tpu.memory_space<semaphore_mem>>) src(%dma_wait3A_66 : memref<16x128xf32, #tpu.memory_space<vmem>>) dst(%dma_wait3A_62 : memref<16x128xf32, #tpu.memory_space<hbm>>)
    return
  }
}

#map = affine_map<(d0, d1) -> (0)>
#map1 = affine_map<(d0, d1) -> (0, 0)>
module attributes {stable_mosaic.version = 14 : i64} {
  func.func @_sc_tok_body(%arg0: i32, %arg1: i32, %arg2: memref<20480xi32, #tpu.memory_space<hbm>>, %arg3: memref<100000x128xf32, #tpu.memory_space<hbm>>, %arg4: memref<100000x128xf32, #tpu.memory_space<hbm>>, %arg5: memref<20480x128xf32, #tpu.memory_space<hbm>>, %arg6: memref<20480x128xf32, #tpu.memory_space<hbm>>, %arg7: memref<640xi32, #tpu.memory_space<vmem>>, %arg8: memref<4x128x128xf32, #tpu.memory_space<vmem>>, %arg9: memref<!tpu.dma_semaphore, #tpu.memory_space<semaphore_mem>>, %arg10: memref<!tpu.dma_semaphore, #tpu.memory_space<semaphore_mem>>, %arg11: memref<!tpu.dma_semaphore, #tpu.memory_space<semaphore_mem>>, %arg12: memref<!tpu.dma_semaphore, #tpu.memory_space<semaphore_mem>>, %arg13: memref<!tpu.dma_semaphore, #tpu.memory_space<semaphore_mem>>, %arg14: memref<!tpu.dma_semaphore, #tpu.memory_space<semaphore_mem>>, %arg15: memref<!tpu.dma_semaphore, #tpu.memory_space<semaphore_mem>>, %arg16: memref<!tpu.dma_semaphore, #tpu.memory_space<semaphore_mem>>) attributes {dimension_semantics = [#tpu.dimension_semantics<core_parallel>, #tpu.dimension_semantics<subcore_parallel>], iteration_bounds = array<i64: 2, 16>, scalar_prefetch = 0 : i64, scratch_operands = 10 : i64, tpu.core_type = #tpu.core_type<sc_vector_subcore>, window_params = [{transform_indices = #map}, {transform_indices = #map1}, {transform_indices = #map1}, {transform_indices = #map1}, {transform_indices = #map1}]} {
    %mul3A = arith.constant 2 : i32
    %mul3A_0 = arith.muli %arg1, %mul3A : i32
    %add3A = arith.addi %mul3A_0, %arg0 : i32
    %mul3A_1 = arith.constant 640 : i32
    %mul3A_2 = arith.muli %add3A, %mul3A_1 : i32
    "tpu.region"() ({
      %run_scoped3A = tpu.sem_alloc : memref<!tpu.dma_semaphore, #tpu.memory_space<semaphore_mem>>
      %dma_start3A_551 = tpu.memref_slice %arg2[%mul3A_2] : memref<20480xi32, #tpu.memory_space<hbm>> -> memref<640xi32, #tpu.memory_space<hbm>>
      %dma_start3A_552 = tpu.memref_slice %arg2[%mul3A_2] : memref<20480xi32, #tpu.memory_space<hbm>> -> memref<640xi32, #tpu.memory_space<hbm>>
      tpu.enqueue_dma source(%dma_start3A_552 : memref<640xi32, #tpu.memory_space<hbm>>) target(%arg7 : memref<640xi32, #tpu.memory_space<vmem>>) target_semaphore(%run_scoped3A : memref<!tpu.dma_semaphore, #tpu.memory_space<semaphore_mem>>)
      %dma_wait3A_553 = tpu.memref_slice %arg2[%mul3A_2] : memref<20480xi32, #tpu.memory_space<hbm>> -> memref<640xi32, #tpu.memory_space<hbm>>
      %dma_wait3A_554 = tpu.memref_slice %arg2[%mul3A_2] : memref<20480xi32, #tpu.memory_space<hbm>> -> memref<640xi32, #tpu.memory_space<hbm>>
      tpu.wait_dma2 semaphore(%run_scoped3A : memref<!tpu.dma_semaphore, #tpu.memory_space<semaphore_mem>>) src(%dma_wait3A_554 : memref<640xi32, #tpu.memory_space<hbm>>) dst(%arg7 : memref<640xi32, #tpu.memory_space<vmem>>)
      tpu.yield
    }) : () -> ()
    %dma_start3A = arith.constant 0 : i32
    %dma_start3A_3 = arith.constant 0 : i32
    %dma_start3A_4 = arith.constant 0 : i32
    %dma_start3A_5 = tpu.memref_slice %arg8[%dma_start3A, %dma_start3A_3, %dma_start3A_4] : memref<4x128x128xf32, #tpu.memory_space<vmem>> -> memref<1x128x128xf32, #tpu.memory_space<vmem>>
    %dma_start3A_6 = tpu.memref_squeeze %dma_start3A_5 : memref<1x128x128xf32, #tpu.memory_space<vmem>> -> memref<128x128xf32, #tpu.memory_space<vmem>>
    %dma_start3A_7 = arith.constant 0 : i32
    %dma_start3A_8 = tpu.memref_slice %arg7[%dma_start3A_7] : memref<640xi32, #tpu.memory_space<vmem>> -> memref<128xi32, #tpu.memory_space<vmem>>
    %dma_start3A_9 = arith.constant 0 : i32
    %dma_start3A_10 = arith.constant 0 : i32
    %dma_start3A_11 = tpu.memref_slice %arg3[%dma_start3A_9, %dma_start3A_10] : memref<100000x128xf32, #tpu.memory_space<hbm>> -> memref<100000x128xf32, #tpu.memory_space<hbm>>
    tpu.enqueue_indirect_dma source(%dma_start3A_11 : memref<100000x128xf32, #tpu.memory_space<hbm>>) target(%dma_start3A_6 : memref<128x128xf32, #tpu.memory_space<vmem>>) offsets(%dma_start3A_8 : memref<128xi32, #tpu.memory_space<vmem>>) semaphore(%arg9 : memref<!tpu.dma_semaphore, #tpu.memory_space<semaphore_mem>>)
    %dma_start3A_12 = arith.constant 1 : i32
    %dma_start3A_13 = arith.constant 0 : i32
    %dma_start3A_14 = arith.constant 0 : i32
    %dma_start3A_15 = tpu.memref_slice %arg8[%dma_start3A_12, %dma_start3A_13, %dma_start3A_14] : memref<4x128x128xf32, #tpu.memory_space<vmem>> -> memref<1x128x128xf32, #tpu.memory_space<vmem>>
    %dma_start3A_16 = tpu.memref_squeeze %dma_start3A_15 : memref<1x128x128xf32, #tpu.memory_space<vmem>> -> memref<128x128xf32, #tpu.memory_space<vmem>>
    %dma_start3A_17 = arith.constant 0 : i32
    %dma_start3A_18 = tpu.memref_slice %arg7[%dma_start3A_17] : memref<640xi32, #tpu.memory_space<vmem>> -> memref<128xi32, #tpu.memory_space<vmem>>
    %dma_start3A_19 = arith.constant 0 : i32
    %dma_start3A_20 = arith.constant 0 : i32
    %dma_start3A_21 = tpu.memref_slice %arg4[%dma_start3A_19, %dma_start3A_20] : memref<100000x128xf32, #tpu.memory_space<hbm>> -> memref<100000x128xf32, #tpu.memory_space<hbm>>
    tpu.enqueue_indirect_dma source(%dma_start3A_21 : memref<100000x128xf32, #tpu.memory_space<hbm>>) target(%dma_start3A_16 : memref<128x128xf32, #tpu.memory_space<vmem>>) offsets(%dma_start3A_18 : memref<128xi32, #tpu.memory_space<vmem>>) semaphore(%arg10 : memref<!tpu.dma_semaphore, #tpu.memory_space<semaphore_mem>>)
    %dma_start3A_22 = arith.constant 2 : i32
    %dma_start3A_23 = arith.constant 0 : i32
    %dma_start3A_24 = arith.constant 0 : i32
    %dma_start3A_25 = tpu.memref_slice %arg8[%dma_start3A_22, %dma_start3A_23, %dma_start3A_24] : memref<4x128x128xf32, #tpu.memory_space<vmem>> -> memref<1x128x128xf32, #tpu.memory_space<vmem>>
    %dma_start3A_26 = tpu.memref_squeeze %dma_start3A_25 : memref<1x128x128xf32, #tpu.memory_space<vmem>> -> memref<128x128xf32, #tpu.memory_space<vmem>>
    %dma_start3A_27 = arith.constant 128 : i32
    %dma_start3A_28 = tpu.memref_slice %arg7[%dma_start3A_27] : memref<640xi32, #tpu.memory_space<vmem>> -> memref<128xi32, #tpu.memory_space<vmem>>
    %dma_start3A_29 = arith.constant 0 : i32
    %dma_start3A_30 = arith.constant 0 : i32
    %dma_start3A_31 = tpu.memref_slice %arg3[%dma_start3A_29, %dma_start3A_30] : memref<100000x128xf32, #tpu.memory_space<hbm>> -> memref<100000x128xf32, #tpu.memory_space<hbm>>
    tpu.enqueue_indirect_dma source(%dma_start3A_31 : memref<100000x128xf32, #tpu.memory_space<hbm>>) target(%dma_start3A_26 : memref<128x128xf32, #tpu.memory_space<vmem>>) offsets(%dma_start3A_28 : memref<128xi32, #tpu.memory_space<vmem>>) semaphore(%arg11 : memref<!tpu.dma_semaphore, #tpu.memory_space<semaphore_mem>>)
    %dma_start3A_32 = arith.constant 3 : i32
    %dma_start3A_33 = arith.constant 0 : i32
    %dma_start3A_34 = arith.constant 0 : i32
    %dma_start3A_35 = tpu.memref_slice %arg8[%dma_start3A_32, %dma_start3A_33, %dma_start3A_34] : memref<4x128x128xf32, #tpu.memory_space<vmem>> -> memref<1x128x128xf32, #tpu.memory_space<vmem>>
    %dma_start3A_36 = tpu.memref_squeeze %dma_start3A_35 : memref<1x128x128xf32, #tpu.memory_space<vmem>> -> memref<128x128xf32, #tpu.memory_space<vmem>>
    %dma_start3A_37 = arith.constant 128 : i32
    %dma_start3A_38 = tpu.memref_slice %arg7[%dma_start3A_37] : memref<640xi32, #tpu.memory_space<vmem>> -> memref<128xi32, #tpu.memory_space<vmem>>
    %dma_start3A_39 = arith.constant 0 : i32
    %dma_start3A_40 = arith.constant 0 : i32
    %dma_start3A_41 = tpu.memref_slice %arg4[%dma_start3A_39, %dma_start3A_40] : memref<100000x128xf32, #tpu.memory_space<hbm>> -> memref<100000x128xf32, #tpu.memory_space<hbm>>
    tpu.enqueue_indirect_dma source(%dma_start3A_41 : memref<100000x128xf32, #tpu.memory_space<hbm>>) target(%dma_start3A_36 : memref<128x128xf32, #tpu.memory_space<vmem>>) offsets(%dma_start3A_38 : memref<128xi32, #tpu.memory_space<vmem>>) semaphore(%arg12 : memref<!tpu.dma_semaphore, #tpu.memory_space<semaphore_mem>>)
    %dma_wait3A = arith.constant 0 : i32
    %dma_wait3A_42 = arith.constant 0 : i32
    %dma_wait3A_43 = arith.constant 0 : i32
    %dma_wait3A_44 = tpu.memref_slice %arg8[%dma_wait3A, %dma_wait3A_42, %dma_wait3A_43] : memref<4x128x128xf32, #tpu.memory_space<vmem>> -> memref<1x128x128xf32, #tpu.memory_space<vmem>>
    %dma_wait3A_45 = tpu.memref_squeeze %dma_wait3A_44 : memref<1x128x128xf32, #tpu.memory_space<vmem>> -> memref<128x128xf32, #tpu.memory_space<vmem>>
    %dma_wait3A_46 = arith.constant 0 : i32
    %dma_wait3A_47 = arith.constant 0 : i32
    %dma_wait3A_48 = tpu.memref_slice %arg3[%dma_wait3A_46, %dma_wait3A_47] : memref<100000x128xf32, #tpu.memory_space<hbm>> -> memref<128x128xf32, #tpu.memory_space<hbm>>
    %dma_wait3A_49 = arith.constant 0 : i32
    %dma_wait3A_50 = arith.constant 0 : i32
    %dma_wait3A_51 = tpu.memref_slice %arg8[%dma_wait3A, %dma_wait3A_49, %dma_wait3A_50] : memref<4x128x128xf32, #tpu.memory_space<vmem>> -> memref<1x128x128xf32, #tpu.memory_space<vmem>>
    %dma_wait3A_52 = tpu.memref_squeeze %dma_wait3A_51 : memref<1x128x128xf32, #tpu.memory_space<vmem>> -> memref<128x128xf32, #tpu.memory_space<vmem>>
    %dma_wait3A_53 = arith.constant 0 : i32
    %dma_wait3A_54 = arith.constant 0 : i32
    %dma_wait3A_55 = tpu.memref_slice %arg3[%dma_wait3A_53, %dma_wait3A_54] : memref<100000x128xf32, #tpu.memory_space<hbm>> -> memref<128x128xf32, #tpu.memory_space<hbm>>
    tpu.wait_dma2 semaphore(%arg9 : memref<!tpu.dma_semaphore, #tpu.memory_space<semaphore_mem>>) src(%dma_wait3A_55 : memref<128x128xf32, #tpu.memory_space<hbm>>) dst(%dma_wait3A_52 : memref<128x128xf32, #tpu.memory_space<vmem>>)
    %add3A_56 = arith.constant 0 : i32
    %add3A_57 = arith.addi %mul3A_2, %add3A_56 : i32
    %dma_start3A_58 = arith.constant 0 : i32
    %dma_start3A_59 = arith.constant 0 : i32
    %dma_start3A_60 = arith.constant 0 : i32
    %dma_start3A_61 = tpu.memref_slice %arg8[%dma_start3A_58, %dma_start3A_59, %dma_start3A_60] : memref<4x128x128xf32, #tpu.memory_space<vmem>> -> memref<1x128x128xf32, #tpu.memory_space<vmem>>
    %dma_start3A_62 = tpu.memref_squeeze %dma_start3A_61 : memref<1x128x128xf32, #tpu.memory_space<vmem>> -> memref<128x128xf32, #tpu.memory_space<vmem>>
    %dma_start3A_63 = arith.constant 0 : i32
    %dma_start3A_64 = tpu.memref_slice %arg5[%add3A_57, %dma_start3A_63] : memref<20480x128xf32, #tpu.memory_space<hbm>> -> memref<128x128xf32, #tpu.memory_space<hbm>>
    %dma_start3A_65 = arith.constant 0 : i32
    %dma_start3A_66 = tpu.memref_slice %arg5[%add3A_57, %dma_start3A_65] : memref<20480x128xf32, #tpu.memory_space<hbm>> -> memref<128x128xf32, #tpu.memory_space<hbm>>
    %dma_start3A_67 = arith.constant 0 : i32
    %dma_start3A_68 = arith.constant 0 : i32
    %dma_start3A_69 = tpu.memref_slice %arg8[%dma_start3A_58, %dma_start3A_67, %dma_start3A_68] : memref<4x128x128xf32, #tpu.memory_space<vmem>> -> memref<1x128x128xf32, #tpu.memory_space<vmem>>
    %dma_start3A_70 = tpu.memref_squeeze %dma_start3A_69 : memref<1x128x128xf32, #tpu.memory_space<vmem>> -> memref<128x128xf32, #tpu.memory_space<vmem>>
    tpu.enqueue_dma source(%dma_start3A_70 : memref<128x128xf32, #tpu.memory_space<vmem>>) target(%dma_start3A_66 : memref<128x128xf32, #tpu.memory_space<hbm>>) target_semaphore(%arg13 : memref<!tpu.dma_semaphore, #tpu.memory_space<semaphore_mem>>)
    %dma_wait3A_71 = arith.constant 0 : i32
    %dma_wait3A_72 = arith.constant 0 : i32
    %dma_wait3A_73 = arith.constant 0 : i32
    %dma_wait3A_74 = tpu.memref_slice %arg8[%dma_wait3A_71, %dma_wait3A_72, %dma_wait3A_73] : memref<4x128x128xf32, #tpu.memory_space<vmem>> -> memref<1x128x128xf32, #tpu.memory_space<vmem>>
    %dma_wait3A_75 = tpu.memref_squeeze %dma_wait3A_74 : memref<1x128x128xf32, #tpu.memory_space<vmem>> -> memref<128x128xf32, #tpu.memory_space<vmem>>
    %dma_wait3A_76 = arith.constant 0 : i32
    %dma_wait3A_77 = arith.constant 0 : i32
    %dma_wait3A_78 = tpu.memref_slice %arg5[%dma_wait3A_76, %dma_wait3A_77] : memref<20480x128xf32, #tpu.memory_space<hbm>> -> memref<128x128xf32, #tpu.memory_space<hbm>>
    %dma_wait3A_79 = arith.constant 0 : i32
    %dma_wait3A_80 = arith.constant 0 : i32
    %dma_wait3A_81 = tpu.memref_slice %arg5[%dma_wait3A_79, %dma_wait3A_80] : memref<20480x128xf32, #tpu.memory_space<hbm>> -> memref<128x128xf32, #tpu.memory_space<hbm>>
    %dma_wait3A_82 = arith.constant 0 : i32
    %dma_wait3A_83 = arith.constant 0 : i32
    %dma_wait3A_84 = tpu.memref_slice %arg8[%dma_wait3A_71, %dma_wait3A_82, %dma_wait3A_83] : memref<4x128x128xf32, #tpu.memory_space<vmem>> -> memref<1x128x128xf32, #tpu.memory_space<vmem>>
    %dma_wait3A_85 = tpu.memref_squeeze %dma_wait3A_84 : memref<1x128x128xf32, #tpu.memory_space<vmem>> -> memref<128x128xf32, #tpu.memory_space<vmem>>
    tpu.wait_dma2 semaphore(%arg13 : memref<!tpu.dma_semaphore, #tpu.memory_space<semaphore_mem>>) src(%dma_wait3A_85 : memref<128x128xf32, #tpu.memory_space<vmem>>) dst(%dma_wait3A_81 : memref<128x128xf32, #tpu.memory_space<hbm>>)
    %dma_start3A_86 = arith.constant 0 : i32
    %dma_start3A_87 = arith.constant 0 : i32
    %dma_start3A_88 = arith.constant 0 : i32
    %dma_start3A_89 = tpu.memref_slice %arg8[%dma_start3A_86, %dma_start3A_87, %dma_start3A_88] : memref<4x128x128xf32, #tpu.memory_space<vmem>> -> memref<1x128x128xf32, #tpu.memory_space<vmem>>
    %dma_start3A_90 = tpu.memref_squeeze %dma_start3A_89 : memref<1x128x128xf32, #tpu.memory_space<vmem>> -> memref<128x128xf32, #tpu.memory_space<vmem>>
    %dma_start3A_91 = arith.constant 256 : i32
    %dma_start3A_92 = tpu.memref_slice %arg7[%dma_start3A_91] : memref<640xi32, #tpu.memory_space<vmem>> -> memref<128xi32, #tpu.memory_space<vmem>>
    %dma_start3A_93 = arith.constant 0 : i32
    %dma_start3A_94 = arith.constant 0 : i32
    %dma_start3A_95 = tpu.memref_slice %arg3[%dma_start3A_93, %dma_start3A_94] : memref<100000x128xf32, #tpu.memory_space<hbm>> -> memref<100000x128xf32, #tpu.memory_space<hbm>>
    tpu.enqueue_indirect_dma source(%dma_start3A_95 : memref<100000x128xf32, #tpu.memory_space<hbm>>) target(%dma_start3A_90 : memref<128x128xf32, #tpu.memory_space<vmem>>) offsets(%dma_start3A_92 : memref<128xi32, #tpu.memory_space<vmem>>) semaphore(%arg9 : memref<!tpu.dma_semaphore, #tpu.memory_space<semaphore_mem>>)
    %dma_wait3A_96 = arith.constant 1 : i32
    %dma_wait3A_97 = arith.constant 0 : i32
    %dma_wait3A_98 = arith.constant 0 : i32
    %dma_wait3A_99 = tpu.memref_slice %arg8[%dma_wait3A_96, %dma_wait3A_97, %dma_wait3A_98] : memref<4x128x128xf32, #tpu.memory_space<vmem>> -> memref<1x128x128xf32, #tpu.memory_space<vmem>>
    %dma_wait3A_100 = tpu.memref_squeeze %dma_wait3A_99 : memref<1x128x128xf32, #tpu.memory_space<vmem>> -> memref<128x128xf32, #tpu.memory_space<vmem>>
    %dma_wait3A_101 = arith.constant 0 : i32
    %dma_wait3A_102 = arith.constant 0 : i32
    %dma_wait3A_103 = tpu.memref_slice %arg3[%dma_wait3A_101, %dma_wait3A_102] : memref<100000x128xf32, #tpu.memory_space<hbm>> -> memref<128x128xf32, #tpu.memory_space<hbm>>
    %dma_wait3A_104 = arith.constant 0 : i32
    %dma_wait3A_105 = arith.constant 0 : i32
    %dma_wait3A_106 = tpu.memref_slice %arg8[%dma_wait3A_96, %dma_wait3A_104, %dma_wait3A_105] : memref<4x128x128xf32, #tpu.memory_space<vmem>> -> memref<1x128x128xf32, #tpu.memory_space<vmem>>
    %dma_wait3A_107 = tpu.memref_squeeze %dma_wait3A_106 : memref<1x128x128xf32, #tpu.memory_space<vmem>> -> memref<128x128xf32, #tpu.memory_space<vmem>>
    %dma_wait3A_108 = arith.constant 0 : i32
    %dma_wait3A_109 = arith.constant 0 : i32
    %dma_wait3A_110 = tpu.memref_slice %arg3[%dma_wait3A_108, %dma_wait3A_109] : memref<100000x128xf32, #tpu.memory_space<hbm>> -> memref<128x128xf32, #tpu.memory_space<hbm>>
    tpu.wait_dma2 semaphore(%arg10 : memref<!tpu.dma_semaphore, #tpu.memory_space<semaphore_mem>>) src(%dma_wait3A_110 : memref<128x128xf32, #tpu.memory_space<hbm>>) dst(%dma_wait3A_107 : memref<128x128xf32, #tpu.memory_space<vmem>>)
    %add3A_111 = arith.constant 0 : i32
    %add3A_112 = arith.addi %mul3A_2, %add3A_111 : i32
    %dma_start3A_113 = arith.constant 1 : i32
    %dma_start3A_114 = arith.constant 0 : i32
    %dma_start3A_115 = arith.constant 0 : i32
    %dma_start3A_116 = tpu.memref_slice %arg8[%dma_start3A_113, %dma_start3A_114, %dma_start3A_115] : memref<4x128x128xf32, #tpu.memory_space<vmem>> -> memref<1x128x128xf32, #tpu.memory_space<vmem>>
    %dma_start3A_117 = tpu.memref_squeeze %dma_start3A_116 : memref<1x128x128xf32, #tpu.memory_space<vmem>> -> memref<128x128xf32, #tpu.memory_space<vmem>>
    %dma_start3A_118 = arith.constant 0 : i32
    %dma_start3A_119 = tpu.memref_slice %arg6[%add3A_112, %dma_start3A_118] : memref<20480x128xf32, #tpu.memory_space<hbm>> -> memref<128x128xf32, #tpu.memory_space<hbm>>
    %dma_start3A_120 = arith.constant 0 : i32
    %dma_start3A_121 = tpu.memref_slice %arg6[%add3A_112, %dma_start3A_120] : memref<20480x128xf32, #tpu.memory_space<hbm>> -> memref<128x128xf32, #tpu.memory_space<hbm>>
    %dma_start3A_122 = arith.constant 0 : i32
    %dma_start3A_123 = arith.constant 0 : i32
    %dma_start3A_124 = tpu.memref_slice %arg8[%dma_start3A_113, %dma_start3A_122, %dma_start3A_123] : memref<4x128x128xf32, #tpu.memory_space<vmem>> -> memref<1x128x128xf32, #tpu.memory_space<vmem>>
    %dma_start3A_125 = tpu.memref_squeeze %dma_start3A_124 : memref<1x128x128xf32, #tpu.memory_space<vmem>> -> memref<128x128xf32, #tpu.memory_space<vmem>>
    tpu.enqueue_dma source(%dma_start3A_125 : memref<128x128xf32, #tpu.memory_space<vmem>>) target(%dma_start3A_121 : memref<128x128xf32, #tpu.memory_space<hbm>>) target_semaphore(%arg14 : memref<!tpu.dma_semaphore, #tpu.memory_space<semaphore_mem>>)
    %dma_wait3A_126 = arith.constant 1 : i32
    %dma_wait3A_127 = arith.constant 0 : i32
    %dma_wait3A_128 = arith.constant 0 : i32
    %dma_wait3A_129 = tpu.memref_slice %arg8[%dma_wait3A_126, %dma_wait3A_127, %dma_wait3A_128] : memref<4x128x128xf32, #tpu.memory_space<vmem>> -> memref<1x128x128xf32, #tpu.memory_space<vmem>>
    %dma_wait3A_130 = tpu.memref_squeeze %dma_wait3A_129 : memref<1x128x128xf32, #tpu.memory_space<vmem>> -> memref<128x128xf32, #tpu.memory_space<vmem>>
    %dma_wait3A_131 = arith.constant 0 : i32
    %dma_wait3A_132 = arith.constant 0 : i32
    %dma_wait3A_133 = tpu.memref_slice %arg5[%dma_wait3A_131, %dma_wait3A_132] : memref<20480x128xf32, #tpu.memory_space<hbm>> -> memref<128x128xf32, #tpu.memory_space<hbm>>
    %dma_wait3A_134 = arith.constant 0 : i32
    %dma_wait3A_135 = arith.constant 0 : i32
    %dma_wait3A_136 = tpu.memref_slice %arg5[%dma_wait3A_134, %dma_wait3A_135] : memref<20480x128xf32, #tpu.memory_space<hbm>> -> memref<128x128xf32, #tpu.memory_space<hbm>>
    %dma_wait3A_137 = arith.constant 0 : i32
    %dma_wait3A_138 = arith.constant 0 : i32
    %dma_wait3A_139 = tpu.memref_slice %arg8[%dma_wait3A_126, %dma_wait3A_137, %dma_wait3A_138] : memref<4x128x128xf32, #tpu.memory_space<vmem>> -> memref<1x128x128xf32, #tpu.memory_space<vmem>>
    %dma_wait3A_140 = tpu.memref_squeeze %dma_wait3A_139 : memref<1x128x128xf32, #tpu.memory_space<vmem>> -> memref<128x128xf32, #tpu.memory_space<vmem>>
    tpu.wait_dma2 semaphore(%arg14 : memref<!tpu.dma_semaphore, #tpu.memory_space<semaphore_mem>>) src(%dma_wait3A_140 : memref<128x128xf32, #tpu.memory_space<vmem>>) dst(%dma_wait3A_136 : memref<128x128xf32, #tpu.memory_space<hbm>>)
    %dma_start3A_141 = arith.constant 1 : i32
    %dma_start3A_142 = arith.constant 0 : i32
    %dma_start3A_143 = arith.constant 0 : i32
    %dma_start3A_144 = tpu.memref_slice %arg8[%dma_start3A_141, %dma_start3A_142, %dma_start3A_143] : memref<4x128x128xf32, #tpu.memory_space<vmem>> -> memref<1x128x128xf32, #tpu.memory_space<vmem>>
    %dma_start3A_145 = tpu.memref_squeeze %dma_start3A_144 : memref<1x128x128xf32, #tpu.memory_space<vmem>> -> memref<128x128xf32, #tpu.memory_space<vmem>>
    %dma_start3A_146 = arith.constant 256 : i32
    %dma_start3A_147 = tpu.memref_slice %arg7[%dma_start3A_146] : memref<640xi32, #tpu.memory_space<vmem>> -> memref<128xi32, #tpu.memory_space<vmem>>
    %dma_start3A_148 = arith.constant 0 : i32
    %dma_start3A_149 = arith.constant 0 : i32
    %dma_start3A_150 = tpu.memref_slice %arg4[%dma_start3A_148, %dma_start3A_149] : memref<100000x128xf32, #tpu.memory_space<hbm>> -> memref<100000x128xf32, #tpu.memory_space<hbm>>
    tpu.enqueue_indirect_dma source(%dma_start3A_150 : memref<100000x128xf32, #tpu.memory_space<hbm>>) target(%dma_start3A_145 : memref<128x128xf32, #tpu.memory_space<vmem>>) offsets(%dma_start3A_147 : memref<128xi32, #tpu.memory_space<vmem>>) semaphore(%arg10 : memref<!tpu.dma_semaphore, #tpu.memory_space<semaphore_mem>>)
    %dma_wait3A_151 = arith.constant 2 : i32
    %dma_wait3A_152 = arith.constant 0 : i32
    %dma_wait3A_153 = arith.constant 0 : i32
    %dma_wait3A_154 = tpu.memref_slice %arg8[%dma_wait3A_151, %dma_wait3A_152, %dma_wait3A_153] : memref<4x128x128xf32, #tpu.memory_space<vmem>> -> memref<1x128x128xf32, #tpu.memory_space<vmem>>
    %dma_wait3A_155 = tpu.memref_squeeze %dma_wait3A_154 : memref<1x128x128xf32, #tpu.memory_space<vmem>> -> memref<128x128xf32, #tpu.memory_space<vmem>>
    %dma_wait3A_156 = arith.constant 0 : i32
    %dma_wait3A_157 = arith.constant 0 : i32
    %dma_wait3A_158 = tpu.memref_slice %arg3[%dma_wait3A_156, %dma_wait3A_157] : memref<100000x128xf32, #tpu.memory_space<hbm>> -> memref<128x128xf32, #tpu.memory_space<hbm>>
    %dma_wait3A_159 = arith.constant 0 : i32
    %dma_wait3A_160 = arith.constant 0 : i32
    %dma_wait3A_161 = tpu.memref_slice %arg8[%dma_wait3A_151, %dma_wait3A_159, %dma_wait3A_160] : memref<4x128x128xf32, #tpu.memory_space<vmem>> -> memref<1x128x128xf32, #tpu.memory_space<vmem>>
    %dma_wait3A_162 = tpu.memref_squeeze %dma_wait3A_161 : memref<1x128x128xf32, #tpu.memory_space<vmem>> -> memref<128x128xf32, #tpu.memory_space<vmem>>
    %dma_wait3A_163 = arith.constant 0 : i32
    %dma_wait3A_164 = arith.constant 0 : i32
    %dma_wait3A_165 = tpu.memref_slice %arg3[%dma_wait3A_163, %dma_wait3A_164] : memref<100000x128xf32, #tpu.memory_space<hbm>> -> memref<128x128xf32, #tpu.memory_space<hbm>>
    tpu.wait_dma2 semaphore(%arg11 : memref<!tpu.dma_semaphore, #tpu.memory_space<semaphore_mem>>) src(%dma_wait3A_165 : memref<128x128xf32, #tpu.memory_space<hbm>>) dst(%dma_wait3A_162 : memref<128x128xf32, #tpu.memory_space<vmem>>)
    %add3A_166 = arith.constant 128 : i32
    %add3A_167 = arith.addi %mul3A_2, %add3A_166 : i32
    %dma_start3A_168 = arith.constant 2 : i32
    %dma_start3A_169 = arith.constant 0 : i32
    %dma_start3A_170 = arith.constant 0 : i32
    %dma_start3A_171 = tpu.memref_slice %arg8[%dma_start3A_168, %dma_start3A_169, %dma_start3A_170] : memref<4x128x128xf32, #tpu.memory_space<vmem>> -> memref<1x128x128xf32, #tpu.memory_space<vmem>>
    %dma_start3A_172 = tpu.memref_squeeze %dma_start3A_171 : memref<1x128x128xf32, #tpu.memory_space<vmem>> -> memref<128x128xf32, #tpu.memory_space<vmem>>
    %dma_start3A_173 = arith.constant 0 : i32
    %dma_start3A_174 = tpu.memref_slice %arg5[%add3A_167, %dma_start3A_173] : memref<20480x128xf32, #tpu.memory_space<hbm>> -> memref<128x128xf32, #tpu.memory_space<hbm>>
    %dma_start3A_175 = arith.constant 0 : i32
    %dma_start3A_176 = tpu.memref_slice %arg5[%add3A_167, %dma_start3A_175] : memref<20480x128xf32, #tpu.memory_space<hbm>> -> memref<128x128xf32, #tpu.memory_space<hbm>>
    %dma_start3A_177 = arith.constant 0 : i32
    %dma_start3A_178 = arith.constant 0 : i32
    %dma_start3A_179 = tpu.memref_slice %arg8[%dma_start3A_168, %dma_start3A_177, %dma_start3A_178] : memref<4x128x128xf32, #tpu.memory_space<vmem>> -> memref<1x128x128xf32, #tpu.memory_space<vmem>>
    %dma_start3A_180 = tpu.memref_squeeze %dma_start3A_179 : memref<1x128x128xf32, #tpu.memory_space<vmem>> -> memref<128x128xf32, #tpu.memory_space<vmem>>
    tpu.enqueue_dma source(%dma_start3A_180 : memref<128x128xf32, #tpu.memory_space<vmem>>) target(%dma_start3A_176 : memref<128x128xf32, #tpu.memory_space<hbm>>) target_semaphore(%arg15 : memref<!tpu.dma_semaphore, #tpu.memory_space<semaphore_mem>>)
    %dma_wait3A_181 = arith.constant 2 : i32
    %dma_wait3A_182 = arith.constant 0 : i32
    %dma_wait3A_183 = arith.constant 0 : i32
    %dma_wait3A_184 = tpu.memref_slice %arg8[%dma_wait3A_181, %dma_wait3A_182, %dma_wait3A_183] : memref<4x128x128xf32, #tpu.memory_space<vmem>> -> memref<1x128x128xf32, #tpu.memory_space<vmem>>
    %dma_wait3A_185 = tpu.memref_squeeze %dma_wait3A_184 : memref<1x128x128xf32, #tpu.memory_space<vmem>> -> memref<128x128xf32, #tpu.memory_space<vmem>>
    %dma_wait3A_186 = arith.constant 0 : i32
    %dma_wait3A_187 = arith.constant 0 : i32
    %dma_wait3A_188 = tpu.memref_slice %arg5[%dma_wait3A_186, %dma_wait3A_187] : memref<20480x128xf32, #tpu.memory_space<hbm>> -> memref<128x128xf32, #tpu.memory_space<hbm>>
    %dma_wait3A_189 = arith.constant 0 : i32
    %dma_wait3A_190 = arith.constant 0 : i32
    %dma_wait3A_191 = tpu.memref_slice %arg5[%dma_wait3A_189, %dma_wait3A_190] : memref<20480x128xf32, #tpu.memory_space<hbm>> -> memref<128x128xf32, #tpu.memory_space<hbm>>
    %dma_wait3A_192 = arith.constant 0 : i32
    %dma_wait3A_193 = arith.constant 0 : i32
    %dma_wait3A_194 = tpu.memref_slice %arg8[%dma_wait3A_181, %dma_wait3A_192, %dma_wait3A_193] : memref<4x128x128xf32, #tpu.memory_space<vmem>> -> memref<1x128x128xf32, #tpu.memory_space<vmem>>
    %dma_wait3A_195 = tpu.memref_squeeze %dma_wait3A_194 : memref<1x128x128xf32, #tpu.memory_space<vmem>> -> memref<128x128xf32, #tpu.memory_space<vmem>>
    tpu.wait_dma2 semaphore(%arg15 : memref<!tpu.dma_semaphore, #tpu.memory_space<semaphore_mem>>) src(%dma_wait3A_195 : memref<128x128xf32, #tpu.memory_space<vmem>>) dst(%dma_wait3A_191 : memref<128x128xf32, #tpu.memory_space<hbm>>)
    %dma_start3A_196 = arith.constant 2 : i32
    %dma_start3A_197 = arith.constant 0 : i32
    %dma_start3A_198 = arith.constant 0 : i32
    %dma_start3A_199 = tpu.memref_slice %arg8[%dma_start3A_196, %dma_start3A_197, %dma_start3A_198] : memref<4x128x128xf32, #tpu.memory_space<vmem>> -> memref<1x128x128xf32, #tpu.memory_space<vmem>>
    %dma_start3A_200 = tpu.memref_squeeze %dma_start3A_199 : memref<1x128x128xf32, #tpu.memory_space<vmem>> -> memref<128x128xf32, #tpu.memory_space<vmem>>
    %dma_start3A_201 = arith.constant 384 : i32
    %dma_start3A_202 = tpu.memref_slice %arg7[%dma_start3A_201] : memref<640xi32, #tpu.memory_space<vmem>> -> memref<128xi32, #tpu.memory_space<vmem>>
    %dma_start3A_203 = arith.constant 0 : i32
    %dma_start3A_204 = arith.constant 0 : i32
    %dma_start3A_205 = tpu.memref_slice %arg3[%dma_start3A_203, %dma_start3A_204] : memref<100000x128xf32, #tpu.memory_space<hbm>> -> memref<100000x128xf32, #tpu.memory_space<hbm>>
    tpu.enqueue_indirect_dma source(%dma_start3A_205 : memref<100000x128xf32, #tpu.memory_space<hbm>>) target(%dma_start3A_200 : memref<128x128xf32, #tpu.memory_space<vmem>>) offsets(%dma_start3A_202 : memref<128xi32, #tpu.memory_space<vmem>>) semaphore(%arg11 : memref<!tpu.dma_semaphore, #tpu.memory_space<semaphore_mem>>)
    %dma_wait3A_206 = arith.constant 3 : i32
    %dma_wait3A_207 = arith.constant 0 : i32
    %dma_wait3A_208 = arith.constant 0 : i32
    %dma_wait3A_209 = tpu.memref_slice %arg8[%dma_wait3A_206, %dma_wait3A_207, %dma_wait3A_208] : memref<4x128x128xf32, #tpu.memory_space<vmem>> -> memref<1x128x128xf32, #tpu.memory_space<vmem>>
    %dma_wait3A_210 = tpu.memref_squeeze %dma_wait3A_209 : memref<1x128x128xf32, #tpu.memory_space<vmem>> -> memref<128x128xf32, #tpu.memory_space<vmem>>
    %dma_wait3A_211 = arith.constant 0 : i32
    %dma_wait3A_212 = arith.constant 0 : i32
    %dma_wait3A_213 = tpu.memref_slice %arg3[%dma_wait3A_211, %dma_wait3A_212] : memref<100000x128xf32, #tpu.memory_space<hbm>> -> memref<128x128xf32, #tpu.memory_space<hbm>>
    %dma_wait3A_214 = arith.constant 0 : i32
    %dma_wait3A_215 = arith.constant 0 : i32
    %dma_wait3A_216 = tpu.memref_slice %arg8[%dma_wait3A_206, %dma_wait3A_214, %dma_wait3A_215] : memref<4x128x128xf32, #tpu.memory_space<vmem>> -> memref<1x128x128xf32, #tpu.memory_space<vmem>>
    %dma_wait3A_217 = tpu.memref_squeeze %dma_wait3A_216 : memref<1x128x128xf32, #tpu.memory_space<vmem>> -> memref<128x128xf32, #tpu.memory_space<vmem>>
    %dma_wait3A_218 = arith.constant 0 : i32
    %dma_wait3A_219 = arith.constant 0 : i32
    %dma_wait3A_220 = tpu.memref_slice %arg3[%dma_wait3A_218, %dma_wait3A_219] : memref<100000x128xf32, #tpu.memory_space<hbm>> -> memref<128x128xf32, #tpu.memory_space<hbm>>
    tpu.wait_dma2 semaphore(%arg12 : memref<!tpu.dma_semaphore, #tpu.memory_space<semaphore_mem>>) src(%dma_wait3A_220 : memref<128x128xf32, #tpu.memory_space<hbm>>) dst(%dma_wait3A_217 : memref<128x128xf32, #tpu.memory_space<vmem>>)
    %add3A_221 = arith.constant 128 : i32
    %add3A_222 = arith.addi %mul3A_2, %add3A_221 : i32
    %dma_start3A_223 = arith.constant 3 : i32
    %dma_start3A_224 = arith.constant 0 : i32
    %dma_start3A_225 = arith.constant 0 : i32
    %dma_start3A_226 = tpu.memref_slice %arg8[%dma_start3A_223, %dma_start3A_224, %dma_start3A_225] : memref<4x128x128xf32, #tpu.memory_space<vmem>> -> memref<1x128x128xf32, #tpu.memory_space<vmem>>
    %dma_start3A_227 = tpu.memref_squeeze %dma_start3A_226 : memref<1x128x128xf32, #tpu.memory_space<vmem>> -> memref<128x128xf32, #tpu.memory_space<vmem>>
    %dma_start3A_228 = arith.constant 0 : i32
    %dma_start3A_229 = tpu.memref_slice %arg6[%add3A_222, %dma_start3A_228] : memref<20480x128xf32, #tpu.memory_space<hbm>> -> memref<128x128xf32, #tpu.memory_space<hbm>>
    %dma_start3A_230 = arith.constant 0 : i32
    %dma_start3A_231 = tpu.memref_slice %arg6[%add3A_222, %dma_start3A_230] : memref<20480x128xf32, #tpu.memory_space<hbm>> -> memref<128x128xf32, #tpu.memory_space<hbm>>
    %dma_start3A_232 = arith.constant 0 : i32
    %dma_start3A_233 = arith.constant 0 : i32
    %dma_start3A_234 = tpu.memref_slice %arg8[%dma_start3A_223, %dma_start3A_232, %dma_start3A_233] : memref<4x128x128xf32, #tpu.memory_space<vmem>> -> memref<1x128x128xf32, #tpu.memory_space<vmem>>
    %dma_start3A_235 = tpu.memref_squeeze %dma_start3A_234 : memref<1x128x128xf32, #tpu.memory_space<vmem>> -> memref<128x128xf32, #tpu.memory_space<vmem>>
    tpu.enqueue_dma source(%dma_start3A_235 : memref<128x128xf32, #tpu.memory_space<vmem>>) target(%dma_start3A_231 : memref<128x128xf32, #tpu.memory_space<hbm>>) target_semaphore(%arg16 : memref<!tpu.dma_semaphore, #tpu.memory_space<semaphore_mem>>)
    %dma_wait3A_236 = arith.constant 3 : i32
    %dma_wait3A_237 = arith.constant 0 : i32
    %dma_wait3A_238 = arith.constant 0 : i32
    %dma_wait3A_239 = tpu.memref_slice %arg8[%dma_wait3A_236, %dma_wait3A_237, %dma_wait3A_238] : memref<4x128x128xf32, #tpu.memory_space<vmem>> -> memref<1x128x128xf32, #tpu.memory_space<vmem>>
    %dma_wait3A_240 = tpu.memref_squeeze %dma_wait3A_239 : memref<1x128x128xf32, #tpu.memory_space<vmem>> -> memref<128x128xf32, #tpu.memory_space<vmem>>
    %dma_wait3A_241 = arith.constant 0 : i32
    %dma_wait3A_242 = arith.constant 0 : i32
    %dma_wait3A_243 = tpu.memref_slice %arg5[%dma_wait3A_241, %dma_wait3A_242] : memref<20480x128xf32, #tpu.memory_space<hbm>> -> memref<128x128xf32, #tpu.memory_space<hbm>>
    %dma_wait3A_244 = arith.constant 0 : i32
    %dma_wait3A_245 = arith.constant 0 : i32
    %dma_wait3A_246 = tpu.memref_slice %arg5[%dma_wait3A_244, %dma_wait3A_245] : memref<20480x128xf32, #tpu.memory_space<hbm>> -> memref<128x128xf32, #tpu.memory_space<hbm>>
    %dma_wait3A_247 = arith.constant 0 : i32
    %dma_wait3A_248 = arith.constant 0 : i32
    %dma_wait3A_249 = tpu.memref_slice %arg8[%dma_wait3A_236, %dma_wait3A_247, %dma_wait3A_248] : memref<4x128x128xf32, #tpu.memory_space<vmem>> -> memref<1x128x128xf32, #tpu.memory_space<vmem>>
    %dma_wait3A_250 = tpu.memref_squeeze %dma_wait3A_249 : memref<1x128x128xf32, #tpu.memory_space<vmem>> -> memref<128x128xf32, #tpu.memory_space<vmem>>
    tpu.wait_dma2 semaphore(%arg16 : memref<!tpu.dma_semaphore, #tpu.memory_space<semaphore_mem>>) src(%dma_wait3A_250 : memref<128x128xf32, #tpu.memory_space<vmem>>) dst(%dma_wait3A_246 : memref<128x128xf32, #tpu.memory_space<hbm>>)
    %dma_start3A_251 = arith.constant 3 : i32
    %dma_start3A_252 = arith.constant 0 : i32
    %dma_start3A_253 = arith.constant 0 : i32
    %dma_start3A_254 = tpu.memref_slice %arg8[%dma_start3A_251, %dma_start3A_252, %dma_start3A_253] : memref<4x128x128xf32, #tpu.memory_space<vmem>> -> memref<1x128x128xf32, #tpu.memory_space<vmem>>
    %dma_start3A_255 = tpu.memref_squeeze %dma_start3A_254 : memref<1x128x128xf32, #tpu.memory_space<vmem>> -> memref<128x128xf32, #tpu.memory_space<vmem>>
    %dma_start3A_256 = arith.constant 384 : i32
    %dma_start3A_257 = tpu.memref_slice %arg7[%dma_start3A_256] : memref<640xi32, #tpu.memory_space<vmem>> -> memref<128xi32, #tpu.memory_space<vmem>>
    %dma_start3A_258 = arith.constant 0 : i32
    %dma_start3A_259 = arith.constant 0 : i32
    %dma_start3A_260 = tpu.memref_slice %arg4[%dma_start3A_258, %dma_start3A_259] : memref<100000x128xf32, #tpu.memory_space<hbm>> -> memref<100000x128xf32, #tpu.memory_space<hbm>>
    tpu.enqueue_indirect_dma source(%dma_start3A_260 : memref<100000x128xf32, #tpu.memory_space<hbm>>) target(%dma_start3A_255 : memref<128x128xf32, #tpu.memory_space<vmem>>) offsets(%dma_start3A_257 : memref<128xi32, #tpu.memory_space<vmem>>) semaphore(%arg12 : memref<!tpu.dma_semaphore, #tpu.memory_space<semaphore_mem>>)
    %dma_wait3A_261 = arith.constant 0 : i32
    %dma_wait3A_262 = arith.constant 0 : i32
    %dma_wait3A_263 = arith.constant 0 : i32
    %dma_wait3A_264 = tpu.memref_slice %arg8[%dma_wait3A_261, %dma_wait3A_262, %dma_wait3A_263] : memref<4x128x128xf32, #tpu.memory_space<vmem>> -> memref<1x128x128xf32, #tpu.memory_space<vmem>>
    %dma_wait3A_265 = tpu.memref_squeeze %dma_wait3A_264 : memref<1x128x128xf32, #tpu.memory_space<vmem>> -> memref<128x128xf32, #tpu.memory_space<vmem>>
    %dma_wait3A_266 = arith.constant 0 : i32
    %dma_wait3A_267 = arith.constant 0 : i32
    %dma_wait3A_268 = tpu.memref_slice %arg3[%dma_wait3A_266, %dma_wait3A_267] : memref<100000x128xf32, #tpu.memory_space<hbm>> -> memref<128x128xf32, #tpu.memory_space<hbm>>
    %dma_wait3A_269 = arith.constant 0 : i32
    %dma_wait3A_270 = arith.constant 0 : i32
    %dma_wait3A_271 = tpu.memref_slice %arg8[%dma_wait3A_261, %dma_wait3A_269, %dma_wait3A_270] : memref<4x128x128xf32, #tpu.memory_space<vmem>> -> memref<1x128x128xf32, #tpu.memory_space<vmem>>
    %dma_wait3A_272 = tpu.memref_squeeze %dma_wait3A_271 : memref<1x128x128xf32, #tpu.memory_space<vmem>> -> memref<128x128xf32, #tpu.memory_space<vmem>>
    %dma_wait3A_273 = arith.constant 0 : i32
    %dma_wait3A_274 = arith.constant 0 : i32
    %dma_wait3A_275 = tpu.memref_slice %arg3[%dma_wait3A_273, %dma_wait3A_274] : memref<100000x128xf32, #tpu.memory_space<hbm>> -> memref<128x128xf32, #tpu.memory_space<hbm>>
    tpu.wait_dma2 semaphore(%arg9 : memref<!tpu.dma_semaphore, #tpu.memory_space<semaphore_mem>>) src(%dma_wait3A_275 : memref<128x128xf32, #tpu.memory_space<hbm>>) dst(%dma_wait3A_272 : memref<128x128xf32, #tpu.memory_space<vmem>>)
    %add3A_276 = arith.constant 256 : i32
    %add3A_277 = arith.addi %mul3A_2, %add3A_276 : i32
    %dma_start3A_278 = arith.constant 0 : i32
    %dma_start3A_279 = arith.constant 0 : i32
    %dma_start3A_280 = arith.constant 0 : i32
    %dma_start3A_281 = tpu.memref_slice %arg8[%dma_start3A_278, %dma_start3A_279, %dma_start3A_280] : memref<4x128x128xf32, #tpu.memory_space<vmem>> -> memref<1x128x128xf32, #tpu.memory_space<vmem>>
    %dma_start3A_282 = tpu.memref_squeeze %dma_start3A_281 : memref<1x128x128xf32, #tpu.memory_space<vmem>> -> memref<128x128xf32, #tpu.memory_space<vmem>>
    %dma_start3A_283 = arith.constant 0 : i32
    %dma_start3A_284 = tpu.memref_slice %arg5[%add3A_277, %dma_start3A_283] : memref<20480x128xf32, #tpu.memory_space<hbm>> -> memref<128x128xf32, #tpu.memory_space<hbm>>
    %dma_start3A_285 = arith.constant 0 : i32
    %dma_start3A_286 = tpu.memref_slice %arg5[%add3A_277, %dma_start3A_285] : memref<20480x128xf32, #tpu.memory_space<hbm>> -> memref<128x128xf32, #tpu.memory_space<hbm>>
    %dma_start3A_287 = arith.constant 0 : i32
    %dma_start3A_288 = arith.constant 0 : i32
    %dma_start3A_289 = tpu.memref_slice %arg8[%dma_start3A_278, %dma_start3A_287, %dma_start3A_288] : memref<4x128x128xf32, #tpu.memory_space<vmem>> -> memref<1x128x128xf32, #tpu.memory_space<vmem>>
    %dma_start3A_290 = tpu.memref_squeeze %dma_start3A_289 : memref<1x128x128xf32, #tpu.memory_space<vmem>> -> memref<128x128xf32, #tpu.memory_space<vmem>>
    tpu.enqueue_dma source(%dma_start3A_290 : memref<128x128xf32, #tpu.memory_space<vmem>>) target(%dma_start3A_286 : memref<128x128xf32, #tpu.memory_space<hbm>>) target_semaphore(%arg13 : memref<!tpu.dma_semaphore, #tpu.memory_space<semaphore_mem>>)
    %dma_wait3A_291 = arith.constant 0 : i32
    %dma_wait3A_292 = arith.constant 0 : i32
    %dma_wait3A_293 = arith.constant 0 : i32
    %dma_wait3A_294 = tpu.memref_slice %arg8[%dma_wait3A_291, %dma_wait3A_292, %dma_wait3A_293] : memref<4x128x128xf32, #tpu.memory_space<vmem>> -> memref<1x128x128xf32, #tpu.memory_space<vmem>>
    %dma_wait3A_295 = tpu.memref_squeeze %dma_wait3A_294 : memref<1x128x128xf32, #tpu.memory_space<vmem>> -> memref<128x128xf32, #tpu.memory_space<vmem>>
    %dma_wait3A_296 = arith.constant 0 : i32
    %dma_wait3A_297 = arith.constant 0 : i32
    %dma_wait3A_298 = tpu.memref_slice %arg5[%dma_wait3A_296, %dma_wait3A_297] : memref<20480x128xf32, #tpu.memory_space<hbm>> -> memref<128x128xf32, #tpu.memory_space<hbm>>
    %dma_wait3A_299 = arith.constant 0 : i32
    %dma_wait3A_300 = arith.constant 0 : i32
    %dma_wait3A_301 = tpu.memref_slice %arg5[%dma_wait3A_299, %dma_wait3A_300] : memref<20480x128xf32, #tpu.memory_space<hbm>> -> memref<128x128xf32, #tpu.memory_space<hbm>>
    %dma_wait3A_302 = arith.constant 0 : i32
    %dma_wait3A_303 = arith.constant 0 : i32
    %dma_wait3A_304 = tpu.memref_slice %arg8[%dma_wait3A_291, %dma_wait3A_302, %dma_wait3A_303] : memref<4x128x128xf32, #tpu.memory_space<vmem>> -> memref<1x128x128xf32, #tpu.memory_space<vmem>>
    %dma_wait3A_305 = tpu.memref_squeeze %dma_wait3A_304 : memref<1x128x128xf32, #tpu.memory_space<vmem>> -> memref<128x128xf32, #tpu.memory_space<vmem>>
    tpu.wait_dma2 semaphore(%arg13 : memref<!tpu.dma_semaphore, #tpu.memory_space<semaphore_mem>>) src(%dma_wait3A_305 : memref<128x128xf32, #tpu.memory_space<vmem>>) dst(%dma_wait3A_301 : memref<128x128xf32, #tpu.memory_space<hbm>>)
    %dma_start3A_306 = arith.constant 0 : i32
    %dma_start3A_307 = arith.constant 0 : i32
    %dma_start3A_308 = arith.constant 0 : i32
    %dma_start3A_309 = tpu.memref_slice %arg8[%dma_start3A_306, %dma_start3A_307, %dma_start3A_308] : memref<4x128x128xf32, #tpu.memory_space<vmem>> -> memref<1x128x128xf32, #tpu.memory_space<vmem>>
    %dma_start3A_310 = tpu.memref_squeeze %dma_start3A_309 : memref<1x128x128xf32, #tpu.memory_space<vmem>> -> memref<128x128xf32, #tpu.memory_space<vmem>>
    %dma_start3A_311 = arith.constant 512 : i32
    %dma_start3A_312 = tpu.memref_slice %arg7[%dma_start3A_311] : memref<640xi32, #tpu.memory_space<vmem>> -> memref<128xi32, #tpu.memory_space<vmem>>
    %dma_start3A_313 = arith.constant 0 : i32
    %dma_start3A_314 = arith.constant 0 : i32
    %dma_start3A_315 = tpu.memref_slice %arg3[%dma_start3A_313, %dma_start3A_314] : memref<100000x128xf32, #tpu.memory_space<hbm>> -> memref<100000x128xf32, #tpu.memory_space<hbm>>
    tpu.enqueue_indirect_dma source(%dma_start3A_315 : memref<100000x128xf32, #tpu.memory_space<hbm>>) target(%dma_start3A_310 : memref<128x128xf32, #tpu.memory_space<vmem>>) offsets(%dma_start3A_312 : memref<128xi32, #tpu.memory_space<vmem>>) semaphore(%arg9 : memref<!tpu.dma_semaphore, #tpu.memory_space<semaphore_mem>>)
    %dma_wait3A_316 = arith.constant 1 : i32
    %dma_wait3A_317 = arith.constant 0 : i32
    %dma_wait3A_318 = arith.constant 0 : i32
    %dma_wait3A_319 = tpu.memref_slice %arg8[%dma_wait3A_316, %dma_wait3A_317, %dma_wait3A_318] : memref<4x128x128xf32, #tpu.memory_space<vmem>> -> memref<1x128x128xf32, #tpu.memory_space<vmem>>
    %dma_wait3A_320 = tpu.memref_squeeze %dma_wait3A_319 : memref<1x128x128xf32, #tpu.memory_space<vmem>> -> memref<128x128xf32, #tpu.memory_space<vmem>>
    %dma_wait3A_321 = arith.constant 0 : i32
    %dma_wait3A_322 = arith.constant 0 : i32
    %dma_wait3A_323 = tpu.memref_slice %arg3[%dma_wait3A_321, %dma_wait3A_322] : memref<100000x128xf32, #tpu.memory_space<hbm>> -> memref<128x128xf32, #tpu.memory_space<hbm>>
    %dma_wait3A_324 = arith.constant 0 : i32
    %dma_wait3A_325 = arith.constant 0 : i32
    %dma_wait3A_326 = tpu.memref_slice %arg8[%dma_wait3A_316, %dma_wait3A_324, %dma_wait3A_325] : memref<4x128x128xf32, #tpu.memory_space<vmem>> -> memref<1x128x128xf32, #tpu.memory_space<vmem>>
    %dma_wait3A_327 = tpu.memref_squeeze %dma_wait3A_326 : memref<1x128x128xf32, #tpu.memory_space<vmem>> -> memref<128x128xf32, #tpu.memory_space<vmem>>
    %dma_wait3A_328 = arith.constant 0 : i32
    %dma_wait3A_329 = arith.constant 0 : i32
    %dma_wait3A_330 = tpu.memref_slice %arg3[%dma_wait3A_328, %dma_wait3A_329] : memref<100000x128xf32, #tpu.memory_space<hbm>> -> memref<128x128xf32, #tpu.memory_space<hbm>>
    tpu.wait_dma2 semaphore(%arg10 : memref<!tpu.dma_semaphore, #tpu.memory_space<semaphore_mem>>) src(%dma_wait3A_330 : memref<128x128xf32, #tpu.memory_space<hbm>>) dst(%dma_wait3A_327 : memref<128x128xf32, #tpu.memory_space<vmem>>)
    %add3A_331 = arith.constant 256 : i32
    %add3A_332 = arith.addi %mul3A_2, %add3A_331 : i32
    %dma_start3A_333 = arith.constant 1 : i32
    %dma_start3A_334 = arith.constant 0 : i32
    %dma_start3A_335 = arith.constant 0 : i32
    %dma_start3A_336 = tpu.memref_slice %arg8[%dma_start3A_333, %dma_start3A_334, %dma_start3A_335] : memref<4x128x128xf32, #tpu.memory_space<vmem>> -> memref<1x128x128xf32, #tpu.memory_space<vmem>>
    %dma_start3A_337 = tpu.memref_squeeze %dma_start3A_336 : memref<1x128x128xf32, #tpu.memory_space<vmem>> -> memref<128x128xf32, #tpu.memory_space<vmem>>
    %dma_start3A_338 = arith.constant 0 : i32
    %dma_start3A_339 = tpu.memref_slice %arg6[%add3A_332, %dma_start3A_338] : memref<20480x128xf32, #tpu.memory_space<hbm>> -> memref<128x128xf32, #tpu.memory_space<hbm>>
    %dma_start3A_340 = arith.constant 0 : i32
    %dma_start3A_341 = tpu.memref_slice %arg6[%add3A_332, %dma_start3A_340] : memref<20480x128xf32, #tpu.memory_space<hbm>> -> memref<128x128xf32, #tpu.memory_space<hbm>>
    %dma_start3A_342 = arith.constant 0 : i32
    %dma_start3A_343 = arith.constant 0 : i32
    %dma_start3A_344 = tpu.memref_slice %arg8[%dma_start3A_333, %dma_start3A_342, %dma_start3A_343] : memref<4x128x128xf32, #tpu.memory_space<vmem>> -> memref<1x128x128xf32, #tpu.memory_space<vmem>>
    %dma_start3A_345 = tpu.memref_squeeze %dma_start3A_344 : memref<1x128x128xf32, #tpu.memory_space<vmem>> -> memref<128x128xf32, #tpu.memory_space<vmem>>
    tpu.enqueue_dma source(%dma_start3A_345 : memref<128x128xf32, #tpu.memory_space<vmem>>) target(%dma_start3A_341 : memref<128x128xf32, #tpu.memory_space<hbm>>) target_semaphore(%arg14 : memref<!tpu.dma_semaphore, #tpu.memory_space<semaphore_mem>>)
    %dma_wait3A_346 = arith.constant 1 : i32
    %dma_wait3A_347 = arith.constant 0 : i32
    %dma_wait3A_348 = arith.constant 0 : i32
    %dma_wait3A_349 = tpu.memref_slice %arg8[%dma_wait3A_346, %dma_wait3A_347, %dma_wait3A_348] : memref<4x128x128xf32, #tpu.memory_space<vmem>> -> memref<1x128x128xf32, #tpu.memory_space<vmem>>
    %dma_wait3A_350 = tpu.memref_squeeze %dma_wait3A_349 : memref<1x128x128xf32, #tpu.memory_space<vmem>> -> memref<128x128xf32, #tpu.memory_space<vmem>>
    %dma_wait3A_351 = arith.constant 0 : i32
    %dma_wait3A_352 = arith.constant 0 : i32
    %dma_wait3A_353 = tpu.memref_slice %arg5[%dma_wait3A_351, %dma_wait3A_352] : memref<20480x128xf32, #tpu.memory_space<hbm>> -> memref<128x128xf32, #tpu.memory_space<hbm>>
    %dma_wait3A_354 = arith.constant 0 : i32
    %dma_wait3A_355 = arith.constant 0 : i32
    %dma_wait3A_356 = tpu.memref_slice %arg5[%dma_wait3A_354, %dma_wait3A_355] : memref<20480x128xf32, #tpu.memory_space<hbm>> -> memref<128x128xf32, #tpu.memory_space<hbm>>
    %dma_wait3A_357 = arith.constant 0 : i32
    %dma_wait3A_358 = arith.constant 0 : i32
    %dma_wait3A_359 = tpu.memref_slice %arg8[%dma_wait3A_346, %dma_wait3A_357, %dma_wait3A_358] : memref<4x128x128xf32, #tpu.memory_space<vmem>> -> memref<1x128x128xf32, #tpu.memory_space<vmem>>
    %dma_wait3A_360 = tpu.memref_squeeze %dma_wait3A_359 : memref<1x128x128xf32, #tpu.memory_space<vmem>> -> memref<128x128xf32, #tpu.memory_space<vmem>>
    tpu.wait_dma2 semaphore(%arg14 : memref<!tpu.dma_semaphore, #tpu.memory_space<semaphore_mem>>) src(%dma_wait3A_360 : memref<128x128xf32, #tpu.memory_space<vmem>>) dst(%dma_wait3A_356 : memref<128x128xf32, #tpu.memory_space<hbm>>)
    %dma_start3A_361 = arith.constant 1 : i32
    %dma_start3A_362 = arith.constant 0 : i32
    %dma_start3A_363 = arith.constant 0 : i32
    %dma_start3A_364 = tpu.memref_slice %arg8[%dma_start3A_361, %dma_start3A_362, %dma_start3A_363] : memref<4x128x128xf32, #tpu.memory_space<vmem>> -> memref<1x128x128xf32, #tpu.memory_space<vmem>>
    %dma_start3A_365 = tpu.memref_squeeze %dma_start3A_364 : memref<1x128x128xf32, #tpu.memory_space<vmem>> -> memref<128x128xf32, #tpu.memory_space<vmem>>
    %dma_start3A_366 = arith.constant 512 : i32
    %dma_start3A_367 = tpu.memref_slice %arg7[%dma_start3A_366] : memref<640xi32, #tpu.memory_space<vmem>> -> memref<128xi32, #tpu.memory_space<vmem>>
    %dma_start3A_368 = arith.constant 0 : i32
    %dma_start3A_369 = arith.constant 0 : i32
    %dma_start3A_370 = tpu.memref_slice %arg4[%dma_start3A_368, %dma_start3A_369] : memref<100000x128xf32, #tpu.memory_space<hbm>> -> memref<100000x128xf32, #tpu.memory_space<hbm>>
    tpu.enqueue_indirect_dma source(%dma_start3A_370 : memref<100000x128xf32, #tpu.memory_space<hbm>>) target(%dma_start3A_365 : memref<128x128xf32, #tpu.memory_space<vmem>>) offsets(%dma_start3A_367 : memref<128xi32, #tpu.memory_space<vmem>>) semaphore(%arg10 : memref<!tpu.dma_semaphore, #tpu.memory_space<semaphore_mem>>)
    %dma_wait3A_371 = arith.constant 2 : i32
    %dma_wait3A_372 = arith.constant 0 : i32
    %dma_wait3A_373 = arith.constant 0 : i32
    %dma_wait3A_374 = tpu.memref_slice %arg8[%dma_wait3A_371, %dma_wait3A_372, %dma_wait3A_373] : memref<4x128x128xf32, #tpu.memory_space<vmem>> -> memref<1x128x128xf32, #tpu.memory_space<vmem>>
    %dma_wait3A_375 = tpu.memref_squeeze %dma_wait3A_374 : memref<1x128x128xf32, #tpu.memory_space<vmem>> -> memref<128x128xf32, #tpu.memory_space<vmem>>
    %dma_wait3A_376 = arith.constant 0 : i32
    %dma_wait3A_377 = arith.constant 0 : i32
    %dma_wait3A_378 = tpu.memref_slice %arg3[%dma_wait3A_376, %dma_wait3A_377] : memref<100000x128xf32, #tpu.memory_space<hbm>> -> memref<128x128xf32, #tpu.memory_space<hbm>>
    %dma_wait3A_379 = arith.constant 0 : i32
    %dma_wait3A_380 = arith.constant 0 : i32
    %dma_wait3A_381 = tpu.memref_slice %arg8[%dma_wait3A_371, %dma_wait3A_379, %dma_wait3A_380] : memref<4x128x128xf32, #tpu.memory_space<vmem>> -> memref<1x128x128xf32, #tpu.memory_space<vmem>>
    %dma_wait3A_382 = tpu.memref_squeeze %dma_wait3A_381 : memref<1x128x128xf32, #tpu.memory_space<vmem>> -> memref<128x128xf32, #tpu.memory_space<vmem>>
    %dma_wait3A_383 = arith.constant 0 : i32
    %dma_wait3A_384 = arith.constant 0 : i32
    %dma_wait3A_385 = tpu.memref_slice %arg3[%dma_wait3A_383, %dma_wait3A_384] : memref<100000x128xf32, #tpu.memory_space<hbm>> -> memref<128x128xf32, #tpu.memory_space<hbm>>
    tpu.wait_dma2 semaphore(%arg11 : memref<!tpu.dma_semaphore, #tpu.memory_space<semaphore_mem>>) src(%dma_wait3A_385 : memref<128x128xf32, #tpu.memory_space<hbm>>) dst(%dma_wait3A_382 : memref<128x128xf32, #tpu.memory_space<vmem>>)
    %add3A_386 = arith.constant 384 : i32
    %add3A_387 = arith.addi %mul3A_2, %add3A_386 : i32
    %dma_start3A_388 = arith.constant 2 : i32
    %dma_start3A_389 = arith.constant 0 : i32
    %dma_start3A_390 = arith.constant 0 : i32
    %dma_start3A_391 = tpu.memref_slice %arg8[%dma_start3A_388, %dma_start3A_389, %dma_start3A_390] : memref<4x128x128xf32, #tpu.memory_space<vmem>> -> memref<1x128x128xf32, #tpu.memory_space<vmem>>
    %dma_start3A_392 = tpu.memref_squeeze %dma_start3A_391 : memref<1x128x128xf32, #tpu.memory_space<vmem>> -> memref<128x128xf32, #tpu.memory_space<vmem>>
    %dma_start3A_393 = arith.constant 0 : i32
    %dma_start3A_394 = tpu.memref_slice %arg5[%add3A_387, %dma_start3A_393] : memref<20480x128xf32, #tpu.memory_space<hbm>> -> memref<128x128xf32, #tpu.memory_space<hbm>>
    %dma_start3A_395 = arith.constant 0 : i32
    %dma_start3A_396 = tpu.memref_slice %arg5[%add3A_387, %dma_start3A_395] : memref<20480x128xf32, #tpu.memory_space<hbm>> -> memref<128x128xf32, #tpu.memory_space<hbm>>
    %dma_start3A_397 = arith.constant 0 : i32
    %dma_start3A_398 = arith.constant 0 : i32
    %dma_start3A_399 = tpu.memref_slice %arg8[%dma_start3A_388, %dma_start3A_397, %dma_start3A_398] : memref<4x128x128xf32, #tpu.memory_space<vmem>> -> memref<1x128x128xf32, #tpu.memory_space<vmem>>
    %dma_start3A_400 = tpu.memref_squeeze %dma_start3A_399 : memref<1x128x128xf32, #tpu.memory_space<vmem>> -> memref<128x128xf32, #tpu.memory_space<vmem>>
    tpu.enqueue_dma source(%dma_start3A_400 : memref<128x128xf32, #tpu.memory_space<vmem>>) target(%dma_start3A_396 : memref<128x128xf32, #tpu.memory_space<hbm>>) target_semaphore(%arg15 : memref<!tpu.dma_semaphore, #tpu.memory_space<semaphore_mem>>)
    %dma_wait3A_401 = arith.constant 2 : i32
    %dma_wait3A_402 = arith.constant 0 : i32
    %dma_wait3A_403 = arith.constant 0 : i32
    %dma_wait3A_404 = tpu.memref_slice %arg8[%dma_wait3A_401, %dma_wait3A_402, %dma_wait3A_403] : memref<4x128x128xf32, #tpu.memory_space<vmem>> -> memref<1x128x128xf32, #tpu.memory_space<vmem>>
    %dma_wait3A_405 = tpu.memref_squeeze %dma_wait3A_404 : memref<1x128x128xf32, #tpu.memory_space<vmem>> -> memref<128x128xf32, #tpu.memory_space<vmem>>
    %dma_wait3A_406 = arith.constant 0 : i32
    %dma_wait3A_407 = arith.constant 0 : i32
    %dma_wait3A_408 = tpu.memref_slice %arg5[%dma_wait3A_406, %dma_wait3A_407] : memref<20480x128xf32, #tpu.memory_space<hbm>> -> memref<128x128xf32, #tpu.memory_space<hbm>>
    %dma_wait3A_409 = arith.constant 0 : i32
    %dma_wait3A_410 = arith.constant 0 : i32
    %dma_wait3A_411 = tpu.memref_slice %arg5[%dma_wait3A_409, %dma_wait3A_410] : memref<20480x128xf32, #tpu.memory_space<hbm>> -> memref<128x128xf32, #tpu.memory_space<hbm>>
    %dma_wait3A_412 = arith.constant 0 : i32
    %dma_wait3A_413 = arith.constant 0 : i32
    %dma_wait3A_414 = tpu.memref_slice %arg8[%dma_wait3A_401, %dma_wait3A_412, %dma_wait3A_413] : memref<4x128x128xf32, #tpu.memory_space<vmem>> -> memref<1x128x128xf32, #tpu.memory_space<vmem>>
    %dma_wait3A_415 = tpu.memref_squeeze %dma_wait3A_414 : memref<1x128x128xf32, #tpu.memory_space<vmem>> -> memref<128x128xf32, #tpu.memory_space<vmem>>
    tpu.wait_dma2 semaphore(%arg15 : memref<!tpu.dma_semaphore, #tpu.memory_space<semaphore_mem>>) src(%dma_wait3A_415 : memref<128x128xf32, #tpu.memory_space<vmem>>) dst(%dma_wait3A_411 : memref<128x128xf32, #tpu.memory_space<hbm>>)
    %dma_wait3A_416 = arith.constant 3 : i32
    %dma_wait3A_417 = arith.constant 0 : i32
    %dma_wait3A_418 = arith.constant 0 : i32
    %dma_wait3A_419 = tpu.memref_slice %arg8[%dma_wait3A_416, %dma_wait3A_417, %dma_wait3A_418] : memref<4x128x128xf32, #tpu.memory_space<vmem>> -> memref<1x128x128xf32, #tpu.memory_space<vmem>>
    %dma_wait3A_420 = tpu.memref_squeeze %dma_wait3A_419 : memref<1x128x128xf32, #tpu.memory_space<vmem>> -> memref<128x128xf32, #tpu.memory_space<vmem>>
    %dma_wait3A_421 = arith.constant 0 : i32
    %dma_wait3A_422 = arith.constant 0 : i32
    %dma_wait3A_423 = tpu.memref_slice %arg3[%dma_wait3A_421, %dma_wait3A_422] : memref<100000x128xf32, #tpu.memory_space<hbm>> -> memref<128x128xf32, #tpu.memory_space<hbm>>
    %dma_wait3A_424 = arith.constant 0 : i32
    %dma_wait3A_425 = arith.constant 0 : i32
    %dma_wait3A_426 = tpu.memref_slice %arg8[%dma_wait3A_416, %dma_wait3A_424, %dma_wait3A_425] : memref<4x128x128xf32, #tpu.memory_space<vmem>> -> memref<1x128x128xf32, #tpu.memory_space<vmem>>
    %dma_wait3A_427 = tpu.memref_squeeze %dma_wait3A_426 : memref<1x128x128xf32, #tpu.memory_space<vmem>> -> memref<128x128xf32, #tpu.memory_space<vmem>>
    %dma_wait3A_428 = arith.constant 0 : i32
    %dma_wait3A_429 = arith.constant 0 : i32
    %dma_wait3A_430 = tpu.memref_slice %arg3[%dma_wait3A_428, %dma_wait3A_429] : memref<100000x128xf32, #tpu.memory_space<hbm>> -> memref<128x128xf32, #tpu.memory_space<hbm>>
    tpu.wait_dma2 semaphore(%arg12 : memref<!tpu.dma_semaphore, #tpu.memory_space<semaphore_mem>>) src(%dma_wait3A_430 : memref<128x128xf32, #tpu.memory_space<hbm>>) dst(%dma_wait3A_427 : memref<128x128xf32, #tpu.memory_space<vmem>>)
    %add3A_431 = arith.constant 384 : i32
    %add3A_432 = arith.addi %mul3A_2, %add3A_431 : i32
    %dma_start3A_433 = arith.constant 3 : i32
    %dma_start3A_434 = arith.constant 0 : i32
    %dma_start3A_435 = arith.constant 0 : i32
    %dma_start3A_436 = tpu.memref_slice %arg8[%dma_start3A_433, %dma_start3A_434, %dma_start3A_435] : memref<4x128x128xf32, #tpu.memory_space<vmem>> -> memref<1x128x128xf32, #tpu.memory_space<vmem>>
    %dma_start3A_437 = tpu.memref_squeeze %dma_start3A_436 : memref<1x128x128xf32, #tpu.memory_space<vmem>> -> memref<128x128xf32, #tpu.memory_space<vmem>>
    %dma_start3A_438 = arith.constant 0 : i32
    %dma_start3A_439 = tpu.memref_slice %arg6[%add3A_432, %dma_start3A_438] : memref<20480x128xf32, #tpu.memory_space<hbm>> -> memref<128x128xf32, #tpu.memory_space<hbm>>
    %dma_start3A_440 = arith.constant 0 : i32
    %dma_start3A_441 = tpu.memref_slice %arg6[%add3A_432, %dma_start3A_440] : memref<20480x128xf32, #tpu.memory_space<hbm>> -> memref<128x128xf32, #tpu.memory_space<hbm>>
    %dma_start3A_442 = arith.constant 0 : i32
    %dma_start3A_443 = arith.constant 0 : i32
    %dma_start3A_444 = tpu.memref_slice %arg8[%dma_start3A_433, %dma_start3A_442, %dma_start3A_443] : memref<4x128x128xf32, #tpu.memory_space<vmem>> -> memref<1x128x128xf32, #tpu.memory_space<vmem>>
    %dma_start3A_445 = tpu.memref_squeeze %dma_start3A_444 : memref<1x128x128xf32, #tpu.memory_space<vmem>> -> memref<128x128xf32, #tpu.memory_space<vmem>>
    tpu.enqueue_dma source(%dma_start3A_445 : memref<128x128xf32, #tpu.memory_space<vmem>>) target(%dma_start3A_441 : memref<128x128xf32, #tpu.memory_space<hbm>>) target_semaphore(%arg16 : memref<!tpu.dma_semaphore, #tpu.memory_space<semaphore_mem>>)
    %dma_wait3A_446 = arith.constant 3 : i32
    %dma_wait3A_447 = arith.constant 0 : i32
    %dma_wait3A_448 = arith.constant 0 : i32
    %dma_wait3A_449 = tpu.memref_slice %arg8[%dma_wait3A_446, %dma_wait3A_447, %dma_wait3A_448] : memref<4x128x128xf32, #tpu.memory_space<vmem>> -> memref<1x128x128xf32, #tpu.memory_space<vmem>>
    %dma_wait3A_450 = tpu.memref_squeeze %dma_wait3A_449 : memref<1x128x128xf32, #tpu.memory_space<vmem>> -> memref<128x128xf32, #tpu.memory_space<vmem>>
    %dma_wait3A_451 = arith.constant 0 : i32
    %dma_wait3A_452 = arith.constant 0 : i32
    %dma_wait3A_453 = tpu.memref_slice %arg5[%dma_wait3A_451, %dma_wait3A_452] : memref<20480x128xf32, #tpu.memory_space<hbm>> -> memref<128x128xf32, #tpu.memory_space<hbm>>
    %dma_wait3A_454 = arith.constant 0 : i32
    %dma_wait3A_455 = arith.constant 0 : i32
    %dma_wait3A_456 = tpu.memref_slice %arg5[%dma_wait3A_454, %dma_wait3A_455] : memref<20480x128xf32, #tpu.memory_space<hbm>> -> memref<128x128xf32, #tpu.memory_space<hbm>>
    %dma_wait3A_457 = arith.constant 0 : i32
    %dma_wait3A_458 = arith.constant 0 : i32
    %dma_wait3A_459 = tpu.memref_slice %arg8[%dma_wait3A_446, %dma_wait3A_457, %dma_wait3A_458] : memref<4x128x128xf32, #tpu.memory_space<vmem>> -> memref<1x128x128xf32, #tpu.memory_space<vmem>>
    %dma_wait3A_460 = tpu.memref_squeeze %dma_wait3A_459 : memref<1x128x128xf32, #tpu.memory_space<vmem>> -> memref<128x128xf32, #tpu.memory_space<vmem>>
    tpu.wait_dma2 semaphore(%arg16 : memref<!tpu.dma_semaphore, #tpu.memory_space<semaphore_mem>>) src(%dma_wait3A_460 : memref<128x128xf32, #tpu.memory_space<vmem>>) dst(%dma_wait3A_456 : memref<128x128xf32, #tpu.memory_space<hbm>>)
    %dma_wait3A_461 = arith.constant 0 : i32
    %dma_wait3A_462 = arith.constant 0 : i32
    %dma_wait3A_463 = arith.constant 0 : i32
    %dma_wait3A_464 = tpu.memref_slice %arg8[%dma_wait3A_461, %dma_wait3A_462, %dma_wait3A_463] : memref<4x128x128xf32, #tpu.memory_space<vmem>> -> memref<1x128x128xf32, #tpu.memory_space<vmem>>
    %dma_wait3A_465 = tpu.memref_squeeze %dma_wait3A_464 : memref<1x128x128xf32, #tpu.memory_space<vmem>> -> memref<128x128xf32, #tpu.memory_space<vmem>>
    %dma_wait3A_466 = arith.constant 0 : i32
    %dma_wait3A_467 = arith.constant 0 : i32
    %dma_wait3A_468 = tpu.memref_slice %arg3[%dma_wait3A_466, %dma_wait3A_467] : memref<100000x128xf32, #tpu.memory_space<hbm>> -> memref<128x128xf32, #tpu.memory_space<hbm>>
    %dma_wait3A_469 = arith.constant 0 : i32
    %dma_wait3A_470 = arith.constant 0 : i32
    %dma_wait3A_471 = tpu.memref_slice %arg8[%dma_wait3A_461, %dma_wait3A_469, %dma_wait3A_470] : memref<4x128x128xf32, #tpu.memory_space<vmem>> -> memref<1x128x128xf32, #tpu.memory_space<vmem>>
    %dma_wait3A_472 = tpu.memref_squeeze %dma_wait3A_471 : memref<1x128x128xf32, #tpu.memory_space<vmem>> -> memref<128x128xf32, #tpu.memory_space<vmem>>
    %dma_wait3A_473 = arith.constant 0 : i32
    %dma_wait3A_474 = arith.constant 0 : i32
    %dma_wait3A_475 = tpu.memref_slice %arg3[%dma_wait3A_473, %dma_wait3A_474] : memref<100000x128xf32, #tpu.memory_space<hbm>> -> memref<128x128xf32, #tpu.memory_space<hbm>>
    tpu.wait_dma2 semaphore(%arg9 : memref<!tpu.dma_semaphore, #tpu.memory_space<semaphore_mem>>) src(%dma_wait3A_475 : memref<128x128xf32, #tpu.memory_space<hbm>>) dst(%dma_wait3A_472 : memref<128x128xf32, #tpu.memory_space<vmem>>)
    %add3A_476 = arith.constant 512 : i32
    %add3A_477 = arith.addi %mul3A_2, %add3A_476 : i32
    %dma_start3A_478 = arith.constant 0 : i32
    %dma_start3A_479 = arith.constant 0 : i32
    %dma_start3A_480 = arith.constant 0 : i32
    %dma_start3A_481 = tpu.memref_slice %arg8[%dma_start3A_478, %dma_start3A_479, %dma_start3A_480] : memref<4x128x128xf32, #tpu.memory_space<vmem>> -> memref<1x128x128xf32, #tpu.memory_space<vmem>>
    %dma_start3A_482 = tpu.memref_squeeze %dma_start3A_481 : memref<1x128x128xf32, #tpu.memory_space<vmem>> -> memref<128x128xf32, #tpu.memory_space<vmem>>
    %dma_start3A_483 = arith.constant 0 : i32
    %dma_start3A_484 = tpu.memref_slice %arg5[%add3A_477, %dma_start3A_483] : memref<20480x128xf32, #tpu.memory_space<hbm>> -> memref<128x128xf32, #tpu.memory_space<hbm>>
    %dma_start3A_485 = arith.constant 0 : i32
    %dma_start3A_486 = tpu.memref_slice %arg5[%add3A_477, %dma_start3A_485] : memref<20480x128xf32, #tpu.memory_space<hbm>> -> memref<128x128xf32, #tpu.memory_space<hbm>>
    %dma_start3A_487 = arith.constant 0 : i32
    %dma_start3A_488 = arith.constant 0 : i32
    %dma_start3A_489 = tpu.memref_slice %arg8[%dma_start3A_478, %dma_start3A_487, %dma_start3A_488] : memref<4x128x128xf32, #tpu.memory_space<vmem>> -> memref<1x128x128xf32, #tpu.memory_space<vmem>>
    %dma_start3A_490 = tpu.memref_squeeze %dma_start3A_489 : memref<1x128x128xf32, #tpu.memory_space<vmem>> -> memref<128x128xf32, #tpu.memory_space<vmem>>
    tpu.enqueue_dma source(%dma_start3A_490 : memref<128x128xf32, #tpu.memory_space<vmem>>) target(%dma_start3A_486 : memref<128x128xf32, #tpu.memory_space<hbm>>) target_semaphore(%arg13 : memref<!tpu.dma_semaphore, #tpu.memory_space<semaphore_mem>>)
    %dma_wait3A_491 = arith.constant 0 : i32
    %dma_wait3A_492 = arith.constant 0 : i32
    %dma_wait3A_493 = arith.constant 0 : i32
    %dma_wait3A_494 = tpu.memref_slice %arg8[%dma_wait3A_491, %dma_wait3A_492, %dma_wait3A_493] : memref<4x128x128xf32, #tpu.memory_space<vmem>> -> memref<1x128x128xf32, #tpu.memory_space<vmem>>
    %dma_wait3A_495 = tpu.memref_squeeze %dma_wait3A_494 : memref<1x128x128xf32, #tpu.memory_space<vmem>> -> memref<128x128xf32, #tpu.memory_space<vmem>>
    %dma_wait3A_496 = arith.constant 0 : i32
    %dma_wait3A_497 = arith.constant 0 : i32
    %dma_wait3A_498 = tpu.memref_slice %arg5[%dma_wait3A_496, %dma_wait3A_497] : memref<20480x128xf32, #tpu.memory_space<hbm>> -> memref<128x128xf32, #tpu.memory_space<hbm>>
    %dma_wait3A_499 = arith.constant 0 : i32
    %dma_wait3A_500 = arith.constant 0 : i32
    %dma_wait3A_501 = tpu.memref_slice %arg5[%dma_wait3A_499, %dma_wait3A_500] : memref<20480x128xf32, #tpu.memory_space<hbm>> -> memref<128x128xf32, #tpu.memory_space<hbm>>
    %dma_wait3A_502 = arith.constant 0 : i32
    %dma_wait3A_503 = arith.constant 0 : i32
    %dma_wait3A_504 = tpu.memref_slice %arg8[%dma_wait3A_491, %dma_wait3A_502, %dma_wait3A_503] : memref<4x128x128xf32, #tpu.memory_space<vmem>> -> memref<1x128x128xf32, #tpu.memory_space<vmem>>
    %dma_wait3A_505 = tpu.memref_squeeze %dma_wait3A_504 : memref<1x128x128xf32, #tpu.memory_space<vmem>> -> memref<128x128xf32, #tpu.memory_space<vmem>>
    tpu.wait_dma2 semaphore(%arg13 : memref<!tpu.dma_semaphore, #tpu.memory_space<semaphore_mem>>) src(%dma_wait3A_505 : memref<128x128xf32, #tpu.memory_space<vmem>>) dst(%dma_wait3A_501 : memref<128x128xf32, #tpu.memory_space<hbm>>)
    %dma_wait3A_506 = arith.constant 1 : i32
    %dma_wait3A_507 = arith.constant 0 : i32
    %dma_wait3A_508 = arith.constant 0 : i32
    %dma_wait3A_509 = tpu.memref_slice %arg8[%dma_wait3A_506, %dma_wait3A_507, %dma_wait3A_508] : memref<4x128x128xf32, #tpu.memory_space<vmem>> -> memref<1x128x128xf32, #tpu.memory_space<vmem>>
    %dma_wait3A_510 = tpu.memref_squeeze %dma_wait3A_509 : memref<1x128x128xf32, #tpu.memory_space<vmem>> -> memref<128x128xf32, #tpu.memory_space<vmem>>
    %dma_wait3A_511 = arith.constant 0 : i32
    %dma_wait3A_512 = arith.constant 0 : i32
    %dma_wait3A_513 = tpu.memref_slice %arg3[%dma_wait3A_511, %dma_wait3A_512] : memref<100000x128xf32, #tpu.memory_space<hbm>> -> memref<128x128xf32, #tpu.memory_space<hbm>>
    %dma_wait3A_514 = arith.constant 0 : i32
    %dma_wait3A_515 = arith.constant 0 : i32
    %dma_wait3A_516 = tpu.memref_slice %arg8[%dma_wait3A_506, %dma_wait3A_514, %dma_wait3A_515] : memref<4x128x128xf32, #tpu.memory_space<vmem>> -> memref<1x128x128xf32, #tpu.memory_space<vmem>>
    %dma_wait3A_517 = tpu.memref_squeeze %dma_wait3A_516 : memref<1x128x128xf32, #tpu.memory_space<vmem>> -> memref<128x128xf32, #tpu.memory_space<vmem>>
    %dma_wait3A_518 = arith.constant 0 : i32
    %dma_wait3A_519 = arith.constant 0 : i32
    %dma_wait3A_520 = tpu.memref_slice %arg3[%dma_wait3A_518, %dma_wait3A_519] : memref<100000x128xf32, #tpu.memory_space<hbm>> -> memref<128x128xf32, #tpu.memory_space<hbm>>
    tpu.wait_dma2 semaphore(%arg10 : memref<!tpu.dma_semaphore, #tpu.memory_space<semaphore_mem>>) src(%dma_wait3A_520 : memref<128x128xf32, #tpu.memory_space<hbm>>) dst(%dma_wait3A_517 : memref<128x128xf32, #tpu.memory_space<vmem>>)
    %add3A_521 = arith.constant 512 : i32
    %add3A_522 = arith.addi %mul3A_2, %add3A_521 : i32
    %dma_start3A_523 = arith.constant 1 : i32
    %dma_start3A_524 = arith.constant 0 : i32
    %dma_start3A_525 = arith.constant 0 : i32
    %dma_start3A_526 = tpu.memref_slice %arg8[%dma_start3A_523, %dma_start3A_524, %dma_start3A_525] : memref<4x128x128xf32, #tpu.memory_space<vmem>> -> memref<1x128x128xf32, #tpu.memory_space<vmem>>
    %dma_start3A_527 = tpu.memref_squeeze %dma_start3A_526 : memref<1x128x128xf32, #tpu.memory_space<vmem>> -> memref<128x128xf32, #tpu.memory_space<vmem>>
    %dma_start3A_528 = arith.constant 0 : i32
    %dma_start3A_529 = tpu.memref_slice %arg6[%add3A_522, %dma_start3A_528] : memref<20480x128xf32, #tpu.memory_space<hbm>> -> memref<128x128xf32, #tpu.memory_space<hbm>>
    %dma_start3A_530 = arith.constant 0 : i32
    %dma_start3A_531 = tpu.memref_slice %arg6[%add3A_522, %dma_start3A_530] : memref<20480x128xf32, #tpu.memory_space<hbm>> -> memref<128x128xf32, #tpu.memory_space<hbm>>
    %dma_start3A_532 = arith.constant 0 : i32
    %dma_start3A_533 = arith.constant 0 : i32
    %dma_start3A_534 = tpu.memref_slice %arg8[%dma_start3A_523, %dma_start3A_532, %dma_start3A_533] : memref<4x128x128xf32, #tpu.memory_space<vmem>> -> memref<1x128x128xf32, #tpu.memory_space<vmem>>
    %dma_start3A_535 = tpu.memref_squeeze %dma_start3A_534 : memref<1x128x128xf32, #tpu.memory_space<vmem>> -> memref<128x128xf32, #tpu.memory_space<vmem>>
    tpu.enqueue_dma source(%dma_start3A_535 : memref<128x128xf32, #tpu.memory_space<vmem>>) target(%dma_start3A_531 : memref<128x128xf32, #tpu.memory_space<hbm>>) target_semaphore(%arg14 : memref<!tpu.dma_semaphore, #tpu.memory_space<semaphore_mem>>)
    %dma_wait3A_536 = arith.constant 1 : i32
    %dma_wait3A_537 = arith.constant 0 : i32
    %dma_wait3A_538 = arith.constant 0 : i32
    %dma_wait3A_539 = tpu.memref_slice %arg8[%dma_wait3A_536, %dma_wait3A_537, %dma_wait3A_538] : memref<4x128x128xf32, #tpu.memory_space<vmem>> -> memref<1x128x128xf32, #tpu.memory_space<vmem>>
    %dma_wait3A_540 = tpu.memref_squeeze %dma_wait3A_539 : memref<1x128x128xf32, #tpu.memory_space<vmem>> -> memref<128x128xf32, #tpu.memory_space<vmem>>
    %dma_wait3A_541 = arith.constant 0 : i32
    %dma_wait3A_542 = arith.constant 0 : i32
    %dma_wait3A_543 = tpu.memref_slice %arg5[%dma_wait3A_541, %dma_wait3A_542] : memref<20480x128xf32, #tpu.memory_space<hbm>> -> memref<128x128xf32, #tpu.memory_space<hbm>>
    %dma_wait3A_544 = arith.constant 0 : i32
    %dma_wait3A_545 = arith.constant 0 : i32
    %dma_wait3A_546 = tpu.memref_slice %arg5[%dma_wait3A_544, %dma_wait3A_545] : memref<20480x128xf32, #tpu.memory_space<hbm>> -> memref<128x128xf32, #tpu.memory_space<hbm>>
    %dma_wait3A_547 = arith.constant 0 : i32
    %dma_wait3A_548 = arith.constant 0 : i32
    %dma_wait3A_549 = tpu.memref_slice %arg8[%dma_wait3A_536, %dma_wait3A_547, %dma_wait3A_548] : memref<4x128x128xf32, #tpu.memory_space<vmem>> -> memref<1x128x128xf32, #tpu.memory_space<vmem>>
    %dma_wait3A_550 = tpu.memref_squeeze %dma_wait3A_549 : memref<1x128x128xf32, #tpu.memory_space<vmem>> -> memref<128x128xf32, #tpu.memory_space<vmem>>
    tpu.wait_dma2 semaphore(%arg14 : memref<!tpu.dma_semaphore, #tpu.memory_space<semaphore_mem>>) src(%dma_wait3A_550 : memref<128x128xf32, #tpu.memory_space<vmem>>) dst(%dma_wait3A_546 : memref<128x128xf32, #tpu.memory_space<hbm>>)
    return
  }
}

module attributes {stable_mosaic.version = 14 : i64} {
  func.func @_tc_pos_body(%arg0: i32, %arg1: memref<640x128xf32, #tpu.memory_space<vmem>>, %arg2: memref<640x128xf32, #tpu.memory_space<vmem>>, %arg3: memref<1x1xf32, #tpu.memory_space<smem>>) attributes {dimension_semantics = [#tpu.dimension_semantics<arbitrary>], iteration_bounds = array<i64: 32>, scalar_prefetch = 0 : i64, scratch_operands = 0 : i64, tpu.core_type = #tpu.core_type<tc>, window_params = [{transform_indices = @transform_0, window_bounds = array<i64: 640, 128>}, {transform_indices = @transform_1, window_bounds = array<i64: 640, 128>}, {transform_indices = @transform_2, window_bounds = array<i64: 1, 1>}]} {
    %get3A = arith.constant 0 : index
    %get3A_0 = arith.constant 0 : index
    %get3A_1 = vector.load %arg1[%get3A, %get3A_0] : memref<640x128xf32, #tpu.memory_space<vmem>>, vector<640x128xf32>
    %convert_element_type3A = arith.truncf %get3A_1 : vector<640x128xf32> to vector<640x128xbf16>
    %get3A_2 = arith.constant 0 : index
    %get3A_3 = arith.constant 0 : index
    %get3A_4 = vector.load %arg2[%get3A_2, %get3A_3] : memref<640x128xf32, #tpu.memory_space<vmem>>, vector<640x128xf32>
    %convert_element_type3A_5 = arith.truncf %get3A_4 : vector<640x128xf32> to vector<640x128xbf16>
    %iota3A = tpu.iota {dimensions = array<i32: 0>} : vector<40x40xi32>
    %iota3A_6 = tpu.iota {dimensions = array<i32: 1>} : vector<40x40xi32>
    %sub3A = arith.subi %iota3A_6, %iota3A : vector<40x40xi32>
    %ne3A = arith.constant 0 : i32
    %ne3A_7 = vector.broadcast %ne3A : i32 to vector<40x40xi32>
    %ne3A_8 = arith.cmpi ne, %sub3A, %ne3A_7 : vector<40x40xi32>
    %ge3A = arith.constant -5 : i32
    %ge3A_9 = vector.broadcast %ge3A : i32 to vector<40x40xi32>
    %ge3A_10 = arith.cmpi sge, %sub3A, %ge3A_9 : vector<40x40xi32>
    %and3A = arith.andi %ne3A_8, %ge3A_10 : vector<40x40xi1>
    %le3A = arith.constant 5 : i32
    %le3A_11 = vector.broadcast %le3A : i32 to vector<40x40xi32>
    %le3A_12 = arith.cmpi sle, %sub3A, %le3A_11 : vector<40x40xi32>
    %and3A_13 = arith.andi %and3A, %le3A_12 : vector<40x40xi1>
    %slice3A = vector.extract_strided_slice %convert_element_type3A {offsets = [0, 0], sizes = [40, 128], strides = [1, 1]} : vector<640x128xbf16> to vector<40x128xbf16>
    %slice3A_14 = vector.extract_strided_slice %convert_element_type3A_5 {offsets = [0, 0], sizes = [40, 128], strides = [1, 1]} : vector<640x128xbf16> to vector<40x128xbf16>
    %dot_general3A = arith.constant dense<0.000000e+00> : vector<40x40xf32>
    %dot_general3A_15 = tpu.matmul %slice3A, %slice3A_14, %dot_general3A {dimension_numbers = #tpu.dot_dimension_numbers<[1], [1], [0], [0], [0, 0, 1, 0], [], []>, transpose_lhs_hint = false} : vector<40x128xbf16>, vector<40x128xbf16>, vector<40x40xf32> -> vector<40x40xf32>
    %jit3A = arith.constant -6.000000e+00 : f32
    %jit3A_16 = arith.constant 6.000000e+00 : f32
    %max3A = vector.broadcast %jit3A : f32 to vector<40x40xf32>
    %max3A_17 = arith.maximumf %max3A, %dot_general3A_15 : vector<40x40xf32>
    %min3A = vector.broadcast %jit3A_16 : f32 to vector<40x40xf32>
    %min3A_18 = arith.minimumf %min3A, %max3A_17 : vector<40x40xf32>
    %neg3A = arith.constant 0.000000e+00 : f32
    %neg3A_19 = vector.broadcast %neg3A : f32 to vector<40x40xf32>
    %neg3A_20 = arith.subf %neg3A_19, %min3A_18 : vector<40x40xf32>
    %exp3A = math.exp %neg3A_20 : vector<40x40xf32>
    %log1p3A = math.log1p %exp3A : vector<40x40xf32>
    %jit3A_21 = arith.constant 0.000000e+00 : f32
    %broadcast_in_dim3A = vector.broadcast %jit3A_21 : f32 to vector<40x40xf32>
    %select_n3A = arith.select %and3A_13, %log1p3A, %broadcast_in_dim3A : vector<40x40xi1>, vector<40x40xf32>
    %reduce_sum3A = vector.shape_cast %select_n3A : vector<40x40xf32> to vector<1x40x40xf32>
    %reduce_sum3A_22 = arith.constant dense<0.000000e+00> : vector<1xf32>
    %reduce_sum3A_23 = vector.multi_reduction <add>, %reduce_sum3A, %reduce_sum3A_22 [1, 2] : vector<1x40x40xf32> to vector<1xf32>
    %reduce_sum3A_24 = vector.shape_cast %reduce_sum3A_23 : vector<1xf32> to vector<1x1x1xf32>
    %reduce_sum3A_25 = vector.extract %reduce_sum3A_24[0, 0, 0] : f32 from vector<1x1x1xf32>
    %add3A = arith.constant 0.000000e+00 : f32
    %add3A_26 = arith.addf %add3A, %reduce_sum3A_25 : f32
    %slice3A_27 = vector.extract_strided_slice %convert_element_type3A {offsets = [40, 0], sizes = [40, 128], strides = [1, 1]} : vector<640x128xbf16> to vector<40x128xbf16>
    %slice3A_28 = vector.extract_strided_slice %convert_element_type3A_5 {offsets = [40, 0], sizes = [40, 128], strides = [1, 1]} : vector<640x128xbf16> to vector<40x128xbf16>
    %dot_general3A_29 = arith.constant dense<0.000000e+00> : vector<40x40xf32>
    %dot_general3A_30 = tpu.matmul %slice3A_27, %slice3A_28, %dot_general3A_29 {dimension_numbers = #tpu.dot_dimension_numbers<[1], [1], [0], [0], [0, 0, 1, 0], [], []>, transpose_lhs_hint = false} : vector<40x128xbf16>, vector<40x128xbf16>, vector<40x40xf32> -> vector<40x40xf32>
    %jit3A_31 = arith.constant -6.000000e+00 : f32
    %jit3A_32 = arith.constant 6.000000e+00 : f32
    %max3A_33 = vector.broadcast %jit3A_31 : f32 to vector<40x40xf32>
    %max3A_34 = arith.maximumf %max3A_33, %dot_general3A_30 : vector<40x40xf32>
    %min3A_35 = vector.broadcast %jit3A_32 : f32 to vector<40x40xf32>
    %min3A_36 = arith.minimumf %min3A_35, %max3A_34 : vector<40x40xf32>
    %neg3A_37 = arith.constant 0.000000e+00 : f32
    %neg3A_38 = vector.broadcast %neg3A_37 : f32 to vector<40x40xf32>
    %neg3A_39 = arith.subf %neg3A_38, %min3A_36 : vector<40x40xf32>
    %exp3A_40 = math.exp %neg3A_39 : vector<40x40xf32>
    %log1p3A_41 = math.log1p %exp3A_40 : vector<40x40xf32>
    %jit3A_42 = arith.constant 0.000000e+00 : f32
    %broadcast_in_dim3A_43 = vector.broadcast %jit3A_42 : f32 to vector<40x40xf32>
    %select_n3A_44 = arith.select %and3A_13, %log1p3A_41, %broadcast_in_dim3A_43 : vector<40x40xi1>, vector<40x40xf32>
    %reduce_sum3A_45 = vector.shape_cast %select_n3A_44 : vector<40x40xf32> to vector<1x40x40xf32>
    %reduce_sum3A_46 = arith.constant dense<0.000000e+00> : vector<1xf32>
    %reduce_sum3A_47 = vector.multi_reduction <add>, %reduce_sum3A_45, %reduce_sum3A_46 [1, 2] : vector<1x40x40xf32> to vector<1xf32>
    %reduce_sum3A_48 = vector.shape_cast %reduce_sum3A_47 : vector<1xf32> to vector<1x1x1xf32>
    %reduce_sum3A_49 = vector.extract %reduce_sum3A_48[0, 0, 0] : f32 from vector<1x1x1xf32>
    %add3A_50 = arith.addf %add3A_26, %reduce_sum3A_49 : f32
    %slice3A_51 = vector.extract_strided_slice %convert_element_type3A {offsets = [80, 0], sizes = [40, 128], strides = [1, 1]} : vector<640x128xbf16> to vector<40x128xbf16>
    %slice3A_52 = vector.extract_strided_slice %convert_element_type3A_5 {offsets = [80, 0], sizes = [40, 128], strides = [1, 1]} : vector<640x128xbf16> to vector<40x128xbf16>
    %dot_general3A_53 = arith.constant dense<0.000000e+00> : vector<40x40xf32>
    %dot_general3A_54 = tpu.matmul %slice3A_51, %slice3A_52, %dot_general3A_53 {dimension_numbers = #tpu.dot_dimension_numbers<[1], [1], [0], [0], [0, 0, 1, 0], [], []>, transpose_lhs_hint = false} : vector<40x128xbf16>, vector<40x128xbf16>, vector<40x40xf32> -> vector<40x40xf32>
    %jit3A_55 = arith.constant -6.000000e+00 : f32
    %jit3A_56 = arith.constant 6.000000e+00 : f32
    %max3A_57 = vector.broadcast %jit3A_55 : f32 to vector<40x40xf32>
    %max3A_58 = arith.maximumf %max3A_57, %dot_general3A_54 : vector<40x40xf32>
    %min3A_59 = vector.broadcast %jit3A_56 : f32 to vector<40x40xf32>
    %min3A_60 = arith.minimumf %min3A_59, %max3A_58 : vector<40x40xf32>
    %neg3A_61 = arith.constant 0.000000e+00 : f32
    %neg3A_62 = vector.broadcast %neg3A_61 : f32 to vector<40x40xf32>
    %neg3A_63 = arith.subf %neg3A_62, %min3A_60 : vector<40x40xf32>
    %exp3A_64 = math.exp %neg3A_63 : vector<40x40xf32>
    %log1p3A_65 = math.log1p %exp3A_64 : vector<40x40xf32>
    %jit3A_66 = arith.constant 0.000000e+00 : f32
    %broadcast_in_dim3A_67 = vector.broadcast %jit3A_66 : f32 to vector<40x40xf32>
    %select_n3A_68 = arith.select %and3A_13, %log1p3A_65, %broadcast_in_dim3A_67 : vector<40x40xi1>, vector<40x40xf32>
    %reduce_sum3A_69 = vector.shape_cast %select_n3A_68 : vector<40x40xf32> to vector<1x40x40xf32>
    %reduce_sum3A_70 = arith.constant dense<0.000000e+00> : vector<1xf32>
    %reduce_sum3A_71 = vector.multi_reduction <add>, %reduce_sum3A_69, %reduce_sum3A_70 [1, 2] : vector<1x40x40xf32> to vector<1xf32>
    %reduce_sum3A_72 = vector.shape_cast %reduce_sum3A_71 : vector<1xf32> to vector<1x1x1xf32>
    %reduce_sum3A_73 = vector.extract %reduce_sum3A_72[0, 0, 0] : f32 from vector<1x1x1xf32>
    %add3A_74 = arith.addf %add3A_50, %reduce_sum3A_73 : f32
    %slice3A_75 = vector.extract_strided_slice %convert_element_type3A {offsets = [120, 0], sizes = [40, 128], strides = [1, 1]} : vector<640x128xbf16> to vector<40x128xbf16>
    %slice3A_76 = vector.extract_strided_slice %convert_element_type3A_5 {offsets = [120, 0], sizes = [40, 128], strides = [1, 1]} : vector<640x128xbf16> to vector<40x128xbf16>
    %dot_general3A_77 = arith.constant dense<0.000000e+00> : vector<40x40xf32>
    %dot_general3A_78 = tpu.matmul %slice3A_75, %slice3A_76, %dot_general3A_77 {dimension_numbers = #tpu.dot_dimension_numbers<[1], [1], [0], [0], [0, 0, 1, 0], [], []>, transpose_lhs_hint = false} : vector<40x128xbf16>, vector<40x128xbf16>, vector<40x40xf32> -> vector<40x40xf32>
    %jit3A_79 = arith.constant -6.000000e+00 : f32
    %jit3A_80 = arith.constant 6.000000e+00 : f32
    %max3A_81 = vector.broadcast %jit3A_79 : f32 to vector<40x40xf32>
    %max3A_82 = arith.maximumf %max3A_81, %dot_general3A_78 : vector<40x40xf32>
    %min3A_83 = vector.broadcast %jit3A_80 : f32 to vector<40x40xf32>
    %min3A_84 = arith.minimumf %min3A_83, %max3A_82 : vector<40x40xf32>
    %neg3A_85 = arith.constant 0.000000e+00 : f32
    %neg3A_86 = vector.broadcast %neg3A_85 : f32 to vector<40x40xf32>
    %neg3A_87 = arith.subf %neg3A_86, %min3A_84 : vector<40x40xf32>
    %exp3A_88 = math.exp %neg3A_87 : vector<40x40xf32>
    %log1p3A_89 = math.log1p %exp3A_88 : vector<40x40xf32>
    %jit3A_90 = arith.constant 0.000000e+00 : f32
    %broadcast_in_dim3A_91 = vector.broadcast %jit3A_90 : f32 to vector<40x40xf32>
    %select_n3A_92 = arith.select %and3A_13, %log1p3A_89, %broadcast_in_dim3A_91 : vector<40x40xi1>, vector<40x40xf32>
    %reduce_sum3A_93 = vector.shape_cast %select_n3A_92 : vector<40x40xf32> to vector<1x40x40xf32>
    %reduce_sum3A_94 = arith.constant dense<0.000000e+00> : vector<1xf32>
    %reduce_sum3A_95 = vector.multi_reduction <add>, %reduce_sum3A_93, %reduce_sum3A_94 [1, 2] : vector<1x40x40xf32> to vector<1xf32>
    %reduce_sum3A_96 = vector.shape_cast %reduce_sum3A_95 : vector<1xf32> to vector<1x1x1xf32>
    %reduce_sum3A_97 = vector.extract %reduce_sum3A_96[0, 0, 0] : f32 from vector<1x1x1xf32>
    %add3A_98 = arith.addf %add3A_74, %reduce_sum3A_97 : f32
    %slice3A_99 = vector.extract_strided_slice %convert_element_type3A {offsets = [160, 0], sizes = [40, 128], strides = [1, 1]} : vector<640x128xbf16> to vector<40x128xbf16>
    %slice3A_100 = vector.extract_strided_slice %convert_element_type3A_5 {offsets = [160, 0], sizes = [40, 128], strides = [1, 1]} : vector<640x128xbf16> to vector<40x128xbf16>
    %dot_general3A_101 = arith.constant dense<0.000000e+00> : vector<40x40xf32>
    %dot_general3A_102 = tpu.matmul %slice3A_99, %slice3A_100, %dot_general3A_101 {dimension_numbers = #tpu.dot_dimension_numbers<[1], [1], [0], [0], [0, 0, 1, 0], [], []>, transpose_lhs_hint = false} : vector<40x128xbf16>, vector<40x128xbf16>, vector<40x40xf32> -> vector<40x40xf32>
    %jit3A_103 = arith.constant -6.000000e+00 : f32
    %jit3A_104 = arith.constant 6.000000e+00 : f32
    %max3A_105 = vector.broadcast %jit3A_103 : f32 to vector<40x40xf32>
    %max3A_106 = arith.maximumf %max3A_105, %dot_general3A_102 : vector<40x40xf32>
    %min3A_107 = vector.broadcast %jit3A_104 : f32 to vector<40x40xf32>
    %min3A_108 = arith.minimumf %min3A_107, %max3A_106 : vector<40x40xf32>
    %neg3A_109 = arith.constant 0.000000e+00 : f32
    %neg3A_110 = vector.broadcast %neg3A_109 : f32 to vector<40x40xf32>
    %neg3A_111 = arith.subf %neg3A_110, %min3A_108 : vector<40x40xf32>
    %exp3A_112 = math.exp %neg3A_111 : vector<40x40xf32>
    %log1p3A_113 = math.log1p %exp3A_112 : vector<40x40xf32>
    %jit3A_114 = arith.constant 0.000000e+00 : f32
    %broadcast_in_dim3A_115 = vector.broadcast %jit3A_114 : f32 to vector<40x40xf32>
    %select_n3A_116 = arith.select %and3A_13, %log1p3A_113, %broadcast_in_dim3A_115 : vector<40x40xi1>, vector<40x40xf32>
    %reduce_sum3A_117 = vector.shape_cast %select_n3A_116 : vector<40x40xf32> to vector<1x40x40xf32>
    %reduce_sum3A_118 = arith.constant dense<0.000000e+00> : vector<1xf32>
    %reduce_sum3A_119 = vector.multi_reduction <add>, %reduce_sum3A_117, %reduce_sum3A_118 [1, 2] : vector<1x40x40xf32> to vector<1xf32>
    %reduce_sum3A_120 = vector.shape_cast %reduce_sum3A_119 : vector<1xf32> to vector<1x1x1xf32>
    %reduce_sum3A_121 = vector.extract %reduce_sum3A_120[0, 0, 0] : f32 from vector<1x1x1xf32>
    %add3A_122 = arith.addf %add3A_98, %reduce_sum3A_121 : f32
    %slice3A_123 = vector.extract_strided_slice %convert_element_type3A {offsets = [200, 0], sizes = [40, 128], strides = [1, 1]} : vector<640x128xbf16> to vector<40x128xbf16>
    %slice3A_124 = vector.extract_strided_slice %convert_element_type3A_5 {offsets = [200, 0], sizes = [40, 128], strides = [1, 1]} : vector<640x128xbf16> to vector<40x128xbf16>
    %dot_general3A_125 = arith.constant dense<0.000000e+00> : vector<40x40xf32>
    %dot_general3A_126 = tpu.matmul %slice3A_123, %slice3A_124, %dot_general3A_125 {dimension_numbers = #tpu.dot_dimension_numbers<[1], [1], [0], [0], [0, 0, 1, 0], [], []>, transpose_lhs_hint = false} : vector<40x128xbf16>, vector<40x128xbf16>, vector<40x40xf32> -> vector<40x40xf32>
    %jit3A_127 = arith.constant -6.000000e+00 : f32
    %jit3A_128 = arith.constant 6.000000e+00 : f32
    %max3A_129 = vector.broadcast %jit3A_127 : f32 to vector<40x40xf32>
    %max3A_130 = arith.maximumf %max3A_129, %dot_general3A_126 : vector<40x40xf32>
    %min3A_131 = vector.broadcast %jit3A_128 : f32 to vector<40x40xf32>
    %min3A_132 = arith.minimumf %min3A_131, %max3A_130 : vector<40x40xf32>
    %neg3A_133 = arith.constant 0.000000e+00 : f32
    %neg3A_134 = vector.broadcast %neg3A_133 : f32 to vector<40x40xf32>
    %neg3A_135 = arith.subf %neg3A_134, %min3A_132 : vector<40x40xf32>
    %exp3A_136 = math.exp %neg3A_135 : vector<40x40xf32>
    %log1p3A_137 = math.log1p %exp3A_136 : vector<40x40xf32>
    %jit3A_138 = arith.constant 0.000000e+00 : f32
    %broadcast_in_dim3A_139 = vector.broadcast %jit3A_138 : f32 to vector<40x40xf32>
    %select_n3A_140 = arith.select %and3A_13, %log1p3A_137, %broadcast_in_dim3A_139 : vector<40x40xi1>, vector<40x40xf32>
    %reduce_sum3A_141 = vector.shape_cast %select_n3A_140 : vector<40x40xf32> to vector<1x40x40xf32>
    %reduce_sum3A_142 = arith.constant dense<0.000000e+00> : vector<1xf32>
    %reduce_sum3A_143 = vector.multi_reduction <add>, %reduce_sum3A_141, %reduce_sum3A_142 [1, 2] : vector<1x40x40xf32> to vector<1xf32>
    %reduce_sum3A_144 = vector.shape_cast %reduce_sum3A_143 : vector<1xf32> to vector<1x1x1xf32>
    %reduce_sum3A_145 = vector.extract %reduce_sum3A_144[0, 0, 0] : f32 from vector<1x1x1xf32>
    %add3A_146 = arith.addf %add3A_122, %reduce_sum3A_145 : f32
    %slice3A_147 = vector.extract_strided_slice %convert_element_type3A {offsets = [240, 0], sizes = [40, 128], strides = [1, 1]} : vector<640x128xbf16> to vector<40x128xbf16>
    %slice3A_148 = vector.extract_strided_slice %convert_element_type3A_5 {offsets = [240, 0], sizes = [40, 128], strides = [1, 1]} : vector<640x128xbf16> to vector<40x128xbf16>
    %dot_general3A_149 = arith.constant dense<0.000000e+00> : vector<40x40xf32>
    %dot_general3A_150 = tpu.matmul %slice3A_147, %slice3A_148, %dot_general3A_149 {dimension_numbers = #tpu.dot_dimension_numbers<[1], [1], [0], [0], [0, 0, 1, 0], [], []>, transpose_lhs_hint = false} : vector<40x128xbf16>, vector<40x128xbf16>, vector<40x40xf32> -> vector<40x40xf32>
    %jit3A_151 = arith.constant -6.000000e+00 : f32
    %jit3A_152 = arith.constant 6.000000e+00 : f32
    %max3A_153 = vector.broadcast %jit3A_151 : f32 to vector<40x40xf32>
    %max3A_154 = arith.maximumf %max3A_153, %dot_general3A_150 : vector<40x40xf32>
    %min3A_155 = vector.broadcast %jit3A_152 : f32 to vector<40x40xf32>
    %min3A_156 = arith.minimumf %min3A_155, %max3A_154 : vector<40x40xf32>
    %neg3A_157 = arith.constant 0.000000e+00 : f32
    %neg3A_158 = vector.broadcast %neg3A_157 : f32 to vector<40x40xf32>
    %neg3A_159 = arith.subf %neg3A_158, %min3A_156 : vector<40x40xf32>
    %exp3A_160 = math.exp %neg3A_159 : vector<40x40xf32>
    %log1p3A_161 = math.log1p %exp3A_160 : vector<40x40xf32>
    %jit3A_162 = arith.constant 0.000000e+00 : f32
    %broadcast_in_dim3A_163 = vector.broadcast %jit3A_162 : f32 to vector<40x40xf32>
    %select_n3A_164 = arith.select %and3A_13, %log1p3A_161, %broadcast_in_dim3A_163 : vector<40x40xi1>, vector<40x40xf32>
    %reduce_sum3A_165 = vector.shape_cast %select_n3A_164 : vector<40x40xf32> to vector<1x40x40xf32>
    %reduce_sum3A_166 = arith.constant dense<0.000000e+00> : vector<1xf32>
    %reduce_sum3A_167 = vector.multi_reduction <add>, %reduce_sum3A_165, %reduce_sum3A_166 [1, 2] : vector<1x40x40xf32> to vector<1xf32>
    %reduce_sum3A_168 = vector.shape_cast %reduce_sum3A_167 : vector<1xf32> to vector<1x1x1xf32>
    %reduce_sum3A_169 = vector.extract %reduce_sum3A_168[0, 0, 0] : f32 from vector<1x1x1xf32>
    %add3A_170 = arith.addf %add3A_146, %reduce_sum3A_169 : f32
    %slice3A_171 = vector.extract_strided_slice %convert_element_type3A {offsets = [280, 0], sizes = [40, 128], strides = [1, 1]} : vector<640x128xbf16> to vector<40x128xbf16>
    %slice3A_172 = vector.extract_strided_slice %convert_element_type3A_5 {offsets = [280, 0], sizes = [40, 128], strides = [1, 1]} : vector<640x128xbf16> to vector<40x128xbf16>
    %dot_general3A_173 = arith.constant dense<0.000000e+00> : vector<40x40xf32>
    %dot_general3A_174 = tpu.matmul %slice3A_171, %slice3A_172, %dot_general3A_173 {dimension_numbers = #tpu.dot_dimension_numbers<[1], [1], [0], [0], [0, 0, 1, 0], [], []>, transpose_lhs_hint = false} : vector<40x128xbf16>, vector<40x128xbf16>, vector<40x40xf32> -> vector<40x40xf32>
    %jit3A_175 = arith.constant -6.000000e+00 : f32
    %jit3A_176 = arith.constant 6.000000e+00 : f32
    %max3A_177 = vector.broadcast %jit3A_175 : f32 to vector<40x40xf32>
    %max3A_178 = arith.maximumf %max3A_177, %dot_general3A_174 : vector<40x40xf32>
    %min3A_179 = vector.broadcast %jit3A_176 : f32 to vector<40x40xf32>
    %min3A_180 = arith.minimumf %min3A_179, %max3A_178 : vector<40x40xf32>
    %neg3A_181 = arith.constant 0.000000e+00 : f32
    %neg3A_182 = vector.broadcast %neg3A_181 : f32 to vector<40x40xf32>
    %neg3A_183 = arith.subf %neg3A_182, %min3A_180 : vector<40x40xf32>
    %exp3A_184 = math.exp %neg3A_183 : vector<40x40xf32>
    %log1p3A_185 = math.log1p %exp3A_184 : vector<40x40xf32>
    %jit3A_186 = arith.constant 0.000000e+00 : f32
    %broadcast_in_dim3A_187 = vector.broadcast %jit3A_186 : f32 to vector<40x40xf32>
    %select_n3A_188 = arith.select %and3A_13, %log1p3A_185, %broadcast_in_dim3A_187 : vector<40x40xi1>, vector<40x40xf32>
    %reduce_sum3A_189 = vector.shape_cast %select_n3A_188 : vector<40x40xf32> to vector<1x40x40xf32>
    %reduce_sum3A_190 = arith.constant dense<0.000000e+00> : vector<1xf32>
    %reduce_sum3A_191 = vector.multi_reduction <add>, %reduce_sum3A_189, %reduce_sum3A_190 [1, 2] : vector<1x40x40xf32> to vector<1xf32>
    %reduce_sum3A_192 = vector.shape_cast %reduce_sum3A_191 : vector<1xf32> to vector<1x1x1xf32>
    %reduce_sum3A_193 = vector.extract %reduce_sum3A_192[0, 0, 0] : f32 from vector<1x1x1xf32>
    %add3A_194 = arith.addf %add3A_170, %reduce_sum3A_193 : f32
    %slice3A_195 = vector.extract_strided_slice %convert_element_type3A {offsets = [320, 0], sizes = [40, 128], strides = [1, 1]} : vector<640x128xbf16> to vector<40x128xbf16>
    %slice3A_196 = vector.extract_strided_slice %convert_element_type3A_5 {offsets = [320, 0], sizes = [40, 128], strides = [1, 1]} : vector<640x128xbf16> to vector<40x128xbf16>
    %dot_general3A_197 = arith.constant dense<0.000000e+00> : vector<40x40xf32>
    %dot_general3A_198 = tpu.matmul %slice3A_195, %slice3A_196, %dot_general3A_197 {dimension_numbers = #tpu.dot_dimension_numbers<[1], [1], [0], [0], [0, 0, 1, 0], [], []>, transpose_lhs_hint = false} : vector<40x128xbf16>, vector<40x128xbf16>, vector<40x40xf32> -> vector<40x40xf32>
    %jit3A_199 = arith.constant -6.000000e+00 : f32
    %jit3A_200 = arith.constant 6.000000e+00 : f32
    %max3A_201 = vector.broadcast %jit3A_199 : f32 to vector<40x40xf32>
    %max3A_202 = arith.maximumf %max3A_201, %dot_general3A_198 : vector<40x40xf32>
    %min3A_203 = vector.broadcast %jit3A_200 : f32 to vector<40x40xf32>
    %min3A_204 = arith.minimumf %min3A_203, %max3A_202 : vector<40x40xf32>
    %neg3A_205 = arith.constant 0.000000e+00 : f32
    %neg3A_206 = vector.broadcast %neg3A_205 : f32 to vector<40x40xf32>
    %neg3A_207 = arith.subf %neg3A_206, %min3A_204 : vector<40x40xf32>
    %exp3A_208 = math.exp %neg3A_207 : vector<40x40xf32>
    %log1p3A_209 = math.log1p %exp3A_208 : vector<40x40xf32>
    %jit3A_210 = arith.constant 0.000000e+00 : f32
    %broadcast_in_dim3A_211 = vector.broadcast %jit3A_210 : f32 to vector<40x40xf32>
    %select_n3A_212 = arith.select %and3A_13, %log1p3A_209, %broadcast_in_dim3A_211 : vector<40x40xi1>, vector<40x40xf32>
    %reduce_sum3A_213 = vector.shape_cast %select_n3A_212 : vector<40x40xf32> to vector<1x40x40xf32>
    %reduce_sum3A_214 = arith.constant dense<0.000000e+00> : vector<1xf32>
    %reduce_sum3A_215 = vector.multi_reduction <add>, %reduce_sum3A_213, %reduce_sum3A_214 [1, 2] : vector<1x40x40xf32> to vector<1xf32>
    %reduce_sum3A_216 = vector.shape_cast %reduce_sum3A_215 : vector<1xf32> to vector<1x1x1xf32>
    %reduce_sum3A_217 = vector.extract %reduce_sum3A_216[0, 0, 0] : f32 from vector<1x1x1xf32>
    %add3A_218 = arith.addf %add3A_194, %reduce_sum3A_217 : f32
    %slice3A_219 = vector.extract_strided_slice %convert_element_type3A {offsets = [360, 0], sizes = [40, 128], strides = [1, 1]} : vector<640x128xbf16> to vector<40x128xbf16>
    %slice3A_220 = vector.extract_strided_slice %convert_element_type3A_5 {offsets = [360, 0], sizes = [40, 128], strides = [1, 1]} : vector<640x128xbf16> to vector<40x128xbf16>
    %dot_general3A_221 = arith.constant dense<0.000000e+00> : vector<40x40xf32>
    %dot_general3A_222 = tpu.matmul %slice3A_219, %slice3A_220, %dot_general3A_221 {dimension_numbers = #tpu.dot_dimension_numbers<[1], [1], [0], [0], [0, 0, 1, 0], [], []>, transpose_lhs_hint = false} : vector<40x128xbf16>, vector<40x128xbf16>, vector<40x40xf32> -> vector<40x40xf32>
    %jit3A_223 = arith.constant -6.000000e+00 : f32
    %jit3A_224 = arith.constant 6.000000e+00 : f32
    %max3A_225 = vector.broadcast %jit3A_223 : f32 to vector<40x40xf32>
    %max3A_226 = arith.maximumf %max3A_225, %dot_general3A_222 : vector<40x40xf32>
    %min3A_227 = vector.broadcast %jit3A_224 : f32 to vector<40x40xf32>
    %min3A_228 = arith.minimumf %min3A_227, %max3A_226 : vector<40x40xf32>
    %neg3A_229 = arith.constant 0.000000e+00 : f32
    %neg3A_230 = vector.broadcast %neg3A_229 : f32 to vector<40x40xf32>
    %neg3A_231 = arith.subf %neg3A_230, %min3A_228 : vector<40x40xf32>
    %exp3A_232 = math.exp %neg3A_231 : vector<40x40xf32>
    %log1p3A_233 = math.log1p %exp3A_232 : vector<40x40xf32>
    %jit3A_234 = arith.constant 0.000000e+00 : f32
    %broadcast_in_dim3A_235 = vector.broadcast %jit3A_234 : f32 to vector<40x40xf32>
    %select_n3A_236 = arith.select %and3A_13, %log1p3A_233, %broadcast_in_dim3A_235 : vector<40x40xi1>, vector<40x40xf32>
    %reduce_sum3A_237 = vector.shape_cast %select_n3A_236 : vector<40x40xf32> to vector<1x40x40xf32>
    %reduce_sum3A_238 = arith.constant dense<0.000000e+00> : vector<1xf32>
    %reduce_sum3A_239 = vector.multi_reduction <add>, %reduce_sum3A_237, %reduce_sum3A_238 [1, 2] : vector<1x40x40xf32> to vector<1xf32>
    %reduce_sum3A_240 = vector.shape_cast %reduce_sum3A_239 : vector<1xf32> to vector<1x1x1xf32>
    %reduce_sum3A_241 = vector.extract %reduce_sum3A_240[0, 0, 0] : f32 from vector<1x1x1xf32>
    %add3A_242 = arith.addf %add3A_218, %reduce_sum3A_241 : f32
    %slice3A_243 = vector.extract_strided_slice %convert_element_type3A {offsets = [400, 0], sizes = [40, 128], strides = [1, 1]} : vector<640x128xbf16> to vector<40x128xbf16>
    %slice3A_244 = vector.extract_strided_slice %convert_element_type3A_5 {offsets = [400, 0], sizes = [40, 128], strides = [1, 1]} : vector<640x128xbf16> to vector<40x128xbf16>
    %dot_general3A_245 = arith.constant dense<0.000000e+00> : vector<40x40xf32>
    %dot_general3A_246 = tpu.matmul %slice3A_243, %slice3A_244, %dot_general3A_245 {dimension_numbers = #tpu.dot_dimension_numbers<[1], [1], [0], [0], [0, 0, 1, 0], [], []>, transpose_lhs_hint = false} : vector<40x128xbf16>, vector<40x128xbf16>, vector<40x40xf32> -> vector<40x40xf32>
    %jit3A_247 = arith.constant -6.000000e+00 : f32
    %jit3A_248 = arith.constant 6.000000e+00 : f32
    %max3A_249 = vector.broadcast %jit3A_247 : f32 to vector<40x40xf32>
    %max3A_250 = arith.maximumf %max3A_249, %dot_general3A_246 : vector<40x40xf32>
    %min3A_251 = vector.broadcast %jit3A_248 : f32 to vector<40x40xf32>
    %min3A_252 = arith.minimumf %min3A_251, %max3A_250 : vector<40x40xf32>
    %neg3A_253 = arith.constant 0.000000e+00 : f32
    %neg3A_254 = vector.broadcast %neg3A_253 : f32 to vector<40x40xf32>
    %neg3A_255 = arith.subf %neg3A_254, %min3A_252 : vector<40x40xf32>
    %exp3A_256 = math.exp %neg3A_255 : vector<40x40xf32>
    %log1p3A_257 = math.log1p %exp3A_256 : vector<40x40xf32>
    %jit3A_258 = arith.constant 0.000000e+00 : f32
    %broadcast_in_dim3A_259 = vector.broadcast %jit3A_258 : f32 to vector<40x40xf32>
    %select_n3A_260 = arith.select %and3A_13, %log1p3A_257, %broadcast_in_dim3A_259 : vector<40x40xi1>, vector<40x40xf32>
    %reduce_sum3A_261 = vector.shape_cast %select_n3A_260 : vector<40x40xf32> to vector<1x40x40xf32>
    %reduce_sum3A_262 = arith.constant dense<0.000000e+00> : vector<1xf32>
    %reduce_sum3A_263 = vector.multi_reduction <add>, %reduce_sum3A_261, %reduce_sum3A_262 [1, 2] : vector<1x40x40xf32> to vector<1xf32>
    %reduce_sum3A_264 = vector.shape_cast %reduce_sum3A_263 : vector<1xf32> to vector<1x1x1xf32>
    %reduce_sum3A_265 = vector.extract %reduce_sum3A_264[0, 0, 0] : f32 from vector<1x1x1xf32>
    %add3A_266 = arith.addf %add3A_242, %reduce_sum3A_265 : f32
    %slice3A_267 = vector.extract_strided_slice %convert_element_type3A {offsets = [440, 0], sizes = [40, 128], strides = [1, 1]} : vector<640x128xbf16> to vector<40x128xbf16>
    %slice3A_268 = vector.extract_strided_slice %convert_element_type3A_5 {offsets = [440, 0], sizes = [40, 128], strides = [1, 1]} : vector<640x128xbf16> to vector<40x128xbf16>
    %dot_general3A_269 = arith.constant dense<0.000000e+00> : vector<40x40xf32>
    %dot_general3A_270 = tpu.matmul %slice3A_267, %slice3A_268, %dot_general3A_269 {dimension_numbers = #tpu.dot_dimension_numbers<[1], [1], [0], [0], [0, 0, 1, 0], [], []>, transpose_lhs_hint = false} : vector<40x128xbf16>, vector<40x128xbf16>, vector<40x40xf32> -> vector<40x40xf32>
    %jit3A_271 = arith.constant -6.000000e+00 : f32
    %jit3A_272 = arith.constant 6.000000e+00 : f32
    %max3A_273 = vector.broadcast %jit3A_271 : f32 to vector<40x40xf32>
    %max3A_274 = arith.maximumf %max3A_273, %dot_general3A_270 : vector<40x40xf32>
    %min3A_275 = vector.broadcast %jit3A_272 : f32 to vector<40x40xf32>
    %min3A_276 = arith.minimumf %min3A_275, %max3A_274 : vector<40x40xf32>
    %neg3A_277 = arith.constant 0.000000e+00 : f32
    %neg3A_278 = vector.broadcast %neg3A_277 : f32 to vector<40x40xf32>
    %neg3A_279 = arith.subf %neg3A_278, %min3A_276 : vector<40x40xf32>
    %exp3A_280 = math.exp %neg3A_279 : vector<40x40xf32>
    %log1p3A_281 = math.log1p %exp3A_280 : vector<40x40xf32>
    %jit3A_282 = arith.constant 0.000000e+00 : f32
    %broadcast_in_dim3A_283 = vector.broadcast %jit3A_282 : f32 to vector<40x40xf32>
    %select_n3A_284 = arith.select %and3A_13, %log1p3A_281, %broadcast_in_dim3A_283 : vector<40x40xi1>, vector<40x40xf32>
    %reduce_sum3A_285 = vector.shape_cast %select_n3A_284 : vector<40x40xf32> to vector<1x40x40xf32>
    %reduce_sum3A_286 = arith.constant dense<0.000000e+00> : vector<1xf32>
    %reduce_sum3A_287 = vector.multi_reduction <add>, %reduce_sum3A_285, %reduce_sum3A_286 [1, 2] : vector<1x40x40xf32> to vector<1xf32>
    %reduce_sum3A_288 = vector.shape_cast %reduce_sum3A_287 : vector<1xf32> to vector<1x1x1xf32>
    %reduce_sum3A_289 = vector.extract %reduce_sum3A_288[0, 0, 0] : f32 from vector<1x1x1xf32>
    %add3A_290 = arith.addf %add3A_266, %reduce_sum3A_289 : f32
    %slice3A_291 = vector.extract_strided_slice %convert_element_type3A {offsets = [480, 0], sizes = [40, 128], strides = [1, 1]} : vector<640x128xbf16> to vector<40x128xbf16>
    %slice3A_292 = vector.extract_strided_slice %convert_element_type3A_5 {offsets = [480, 0], sizes = [40, 128], strides = [1, 1]} : vector<640x128xbf16> to vector<40x128xbf16>
    %dot_general3A_293 = arith.constant dense<0.000000e+00> : vector<40x40xf32>
    %dot_general3A_294 = tpu.matmul %slice3A_291, %slice3A_292, %dot_general3A_293 {dimension_numbers = #tpu.dot_dimension_numbers<[1], [1], [0], [0], [0, 0, 1, 0], [], []>, transpose_lhs_hint = false} : vector<40x128xbf16>, vector<40x128xbf16>, vector<40x40xf32> -> vector<40x40xf32>
    %jit3A_295 = arith.constant -6.000000e+00 : f32
    %jit3A_296 = arith.constant 6.000000e+00 : f32
    %max3A_297 = vector.broadcast %jit3A_295 : f32 to vector<40x40xf32>
    %max3A_298 = arith.maximumf %max3A_297, %dot_general3A_294 : vector<40x40xf32>
    %min3A_299 = vector.broadcast %jit3A_296 : f32 to vector<40x40xf32>
    %min3A_300 = arith.minimumf %min3A_299, %max3A_298 : vector<40x40xf32>
    %neg3A_301 = arith.constant 0.000000e+00 : f32
    %neg3A_302 = vector.broadcast %neg3A_301 : f32 to vector<40x40xf32>
    %neg3A_303 = arith.subf %neg3A_302, %min3A_300 : vector<40x40xf32>
    %exp3A_304 = math.exp %neg3A_303 : vector<40x40xf32>
    %log1p3A_305 = math.log1p %exp3A_304 : vector<40x40xf32>
    %jit3A_306 = arith.constant 0.000000e+00 : f32
    %broadcast_in_dim3A_307 = vector.broadcast %jit3A_306 : f32 to vector<40x40xf32>
    %select_n3A_308 = arith.select %and3A_13, %log1p3A_305, %broadcast_in_dim3A_307 : vector<40x40xi1>, vector<40x40xf32>
    %reduce_sum3A_309 = vector.shape_cast %select_n3A_308 : vector<40x40xf32> to vector<1x40x40xf32>
    %reduce_sum3A_310 = arith.constant dense<0.000000e+00> : vector<1xf32>
    %reduce_sum3A_311 = vector.multi_reduction <add>, %reduce_sum3A_309, %reduce_sum3A_310 [1, 2] : vector<1x40x40xf32> to vector<1xf32>
    %reduce_sum3A_312 = vector.shape_cast %reduce_sum3A_311 : vector<1xf32> to vector<1x1x1xf32>
    %reduce_sum3A_313 = vector.extract %reduce_sum3A_312[0, 0, 0] : f32 from vector<1x1x1xf32>
    %add3A_314 = arith.addf %add3A_290, %reduce_sum3A_313 : f32
    %slice3A_315 = vector.extract_strided_slice %convert_element_type3A {offsets = [520, 0], sizes = [40, 128], strides = [1, 1]} : vector<640x128xbf16> to vector<40x128xbf16>
    %slice3A_316 = vector.extract_strided_slice %convert_element_type3A_5 {offsets = [520, 0], sizes = [40, 128], strides = [1, 1]} : vector<640x128xbf16> to vector<40x128xbf16>
    %dot_general3A_317 = arith.constant dense<0.000000e+00> : vector<40x40xf32>
    %dot_general3A_318 = tpu.matmul %slice3A_315, %slice3A_316, %dot_general3A_317 {dimension_numbers = #tpu.dot_dimension_numbers<[1], [1], [0], [0], [0, 0, 1, 0], [], []>, transpose_lhs_hint = false} : vector<40x128xbf16>, vector<40x128xbf16>, vector<40x40xf32> -> vector<40x40xf32>
    %jit3A_319 = arith.constant -6.000000e+00 : f32
    %jit3A_320 = arith.constant 6.000000e+00 : f32
    %max3A_321 = vector.broadcast %jit3A_319 : f32 to vector<40x40xf32>
    %max3A_322 = arith.maximumf %max3A_321, %dot_general3A_318 : vector<40x40xf32>
    %min3A_323 = vector.broadcast %jit3A_320 : f32 to vector<40x40xf32>
    %min3A_324 = arith.minimumf %min3A_323, %max3A_322 : vector<40x40xf32>
    %neg3A_325 = arith.constant 0.000000e+00 : f32
    %neg3A_326 = vector.broadcast %neg3A_325 : f32 to vector<40x40xf32>
    %neg3A_327 = arith.subf %neg3A_326, %min3A_324 : vector<40x40xf32>
    %exp3A_328 = math.exp %neg3A_327 : vector<40x40xf32>
    %log1p3A_329 = math.log1p %exp3A_328 : vector<40x40xf32>
    %jit3A_330 = arith.constant 0.000000e+00 : f32
    %broadcast_in_dim3A_331 = vector.broadcast %jit3A_330 : f32 to vector<40x40xf32>
    %select_n3A_332 = arith.select %and3A_13, %log1p3A_329, %broadcast_in_dim3A_331 : vector<40x40xi1>, vector<40x40xf32>
    %reduce_sum3A_333 = vector.shape_cast %select_n3A_332 : vector<40x40xf32> to vector<1x40x40xf32>
    %reduce_sum3A_334 = arith.constant dense<0.000000e+00> : vector<1xf32>
    %reduce_sum3A_335 = vector.multi_reduction <add>, %reduce_sum3A_333, %reduce_sum3A_334 [1, 2] : vector<1x40x40xf32> to vector<1xf32>
    %reduce_sum3A_336 = vector.shape_cast %reduce_sum3A_335 : vector<1xf32> to vector<1x1x1xf32>
    %reduce_sum3A_337 = vector.extract %reduce_sum3A_336[0, 0, 0] : f32 from vector<1x1x1xf32>
    %add3A_338 = arith.addf %add3A_314, %reduce_sum3A_337 : f32
    %slice3A_339 = vector.extract_strided_slice %convert_element_type3A {offsets = [560, 0], sizes = [40, 128], strides = [1, 1]} : vector<640x128xbf16> to vector<40x128xbf16>
    %slice3A_340 = vector.extract_strided_slice %convert_element_type3A_5 {offsets = [560, 0], sizes = [40, 128], strides = [1, 1]} : vector<640x128xbf16> to vector<40x128xbf16>
    %dot_general3A_341 = arith.constant dense<0.000000e+00> : vector<40x40xf32>
    %dot_general3A_342 = tpu.matmul %slice3A_339, %slice3A_340, %dot_general3A_341 {dimension_numbers = #tpu.dot_dimension_numbers<[1], [1], [0], [0], [0, 0, 1, 0], [], []>, transpose_lhs_hint = false} : vector<40x128xbf16>, vector<40x128xbf16>, vector<40x40xf32> -> vector<40x40xf32>
    %jit3A_343 = arith.constant -6.000000e+00 : f32
    %jit3A_344 = arith.constant 6.000000e+00 : f32
    %max3A_345 = vector.broadcast %jit3A_343 : f32 to vector<40x40xf32>
    %max3A_346 = arith.maximumf %max3A_345, %dot_general3A_342 : vector<40x40xf32>
    %min3A_347 = vector.broadcast %jit3A_344 : f32 to vector<40x40xf32>
    %min3A_348 = arith.minimumf %min3A_347, %max3A_346 : vector<40x40xf32>
    %neg3A_349 = arith.constant 0.000000e+00 : f32
    %neg3A_350 = vector.broadcast %neg3A_349 : f32 to vector<40x40xf32>
    %neg3A_351 = arith.subf %neg3A_350, %min3A_348 : vector<40x40xf32>
    %exp3A_352 = math.exp %neg3A_351 : vector<40x40xf32>
    %log1p3A_353 = math.log1p %exp3A_352 : vector<40x40xf32>
    %jit3A_354 = arith.constant 0.000000e+00 : f32
    %broadcast_in_dim3A_355 = vector.broadcast %jit3A_354 : f32 to vector<40x40xf32>
    %select_n3A_356 = arith.select %and3A_13, %log1p3A_353, %broadcast_in_dim3A_355 : vector<40x40xi1>, vector<40x40xf32>
    %reduce_sum3A_357 = vector.shape_cast %select_n3A_356 : vector<40x40xf32> to vector<1x40x40xf32>
    %reduce_sum3A_358 = arith.constant dense<0.000000e+00> : vector<1xf32>
    %reduce_sum3A_359 = vector.multi_reduction <add>, %reduce_sum3A_357, %reduce_sum3A_358 [1, 2] : vector<1x40x40xf32> to vector<1xf32>
    %reduce_sum3A_360 = vector.shape_cast %reduce_sum3A_359 : vector<1xf32> to vector<1x1x1xf32>
    %reduce_sum3A_361 = vector.extract %reduce_sum3A_360[0, 0, 0] : f32 from vector<1x1x1xf32>
    %add3A_362 = arith.addf %add3A_338, %reduce_sum3A_361 : f32
    %slice3A_363 = vector.extract_strided_slice %convert_element_type3A {offsets = [600, 0], sizes = [40, 128], strides = [1, 1]} : vector<640x128xbf16> to vector<40x128xbf16>
    %slice3A_364 = vector.extract_strided_slice %convert_element_type3A_5 {offsets = [600, 0], sizes = [40, 128], strides = [1, 1]} : vector<640x128xbf16> to vector<40x128xbf16>
    %dot_general3A_365 = arith.constant dense<0.000000e+00> : vector<40x40xf32>
    %dot_general3A_366 = tpu.matmul %slice3A_363, %slice3A_364, %dot_general3A_365 {dimension_numbers = #tpu.dot_dimension_numbers<[1], [1], [0], [0], [0, 0, 1, 0], [], []>, transpose_lhs_hint = false} : vector<40x128xbf16>, vector<40x128xbf16>, vector<40x40xf32> -> vector<40x40xf32>
    %jit3A_367 = arith.constant -6.000000e+00 : f32
    %jit3A_368 = arith.constant 6.000000e+00 : f32
    %max3A_369 = vector.broadcast %jit3A_367 : f32 to vector<40x40xf32>
    %max3A_370 = arith.maximumf %max3A_369, %dot_general3A_366 : vector<40x40xf32>
    %min3A_371 = vector.broadcast %jit3A_368 : f32 to vector<40x40xf32>
    %min3A_372 = arith.minimumf %min3A_371, %max3A_370 : vector<40x40xf32>
    %neg3A_373 = arith.constant 0.000000e+00 : f32
    %neg3A_374 = vector.broadcast %neg3A_373 : f32 to vector<40x40xf32>
    %neg3A_375 = arith.subf %neg3A_374, %min3A_372 : vector<40x40xf32>
    %exp3A_376 = math.exp %neg3A_375 : vector<40x40xf32>
    %log1p3A_377 = math.log1p %exp3A_376 : vector<40x40xf32>
    %jit3A_378 = arith.constant 0.000000e+00 : f32
    %broadcast_in_dim3A_379 = vector.broadcast %jit3A_378 : f32 to vector<40x40xf32>
    %select_n3A_380 = arith.select %and3A_13, %log1p3A_377, %broadcast_in_dim3A_379 : vector<40x40xi1>, vector<40x40xf32>
    %reduce_sum3A_381 = vector.shape_cast %select_n3A_380 : vector<40x40xf32> to vector<1x40x40xf32>
    %reduce_sum3A_382 = arith.constant dense<0.000000e+00> : vector<1xf32>
    %reduce_sum3A_383 = vector.multi_reduction <add>, %reduce_sum3A_381, %reduce_sum3A_382 [1, 2] : vector<1x40x40xf32> to vector<1xf32>
    %reduce_sum3A_384 = vector.shape_cast %reduce_sum3A_383 : vector<1xf32> to vector<1x1x1xf32>
    %reduce_sum3A_385 = vector.extract %reduce_sum3A_384[0, 0, 0] : f32 from vector<1x1x1xf32>
    %add3A_386 = arith.addf %add3A_362, %reduce_sum3A_385 : f32
    %eq3A = arith.constant 0 : i32
    %eq3A_387 = arith.cmpi eq, %arg0, %eq3A : i32
    %convert_element_type3A_388 = arith.extui %eq3A_387 : i1 to i32
    %cond3A = arith.constant 0 : i32
    %cond3A_389 = arith.cmpi ne, %convert_element_type3A_388, %cond3A : i32
    scf.if %cond3A_389 {
      %swap3A_396 = arith.constant 0.000000e+00 : f32
      %swap3A_397 = arith.constant 0 : index
      %swap3A_398 = arith.constant 0 : index
      %swap3A_399 = memref.load %arg3[%swap3A_397, %swap3A_398] : memref<1x1xf32, #tpu.memory_space<smem>>
      memref.store %swap3A_396, %arg3[%swap3A_397, %swap3A_398] : memref<1x1xf32, #tpu.memory_space<smem>>
    } else {
    }
    %get3A_390 = arith.constant 0 : index
    %get3A_391 = arith.constant 0 : index
    %get3A_392 = memref.load %arg3[%get3A_390, %get3A_391] : memref<1x1xf32, #tpu.memory_space<smem>>
    %add3A_393 = arith.addf %get3A_392, %add3A_386 : f32
    %swap3A = arith.constant 0 : index
    %swap3A_394 = arith.constant 0 : index
    %swap3A_395 = memref.load %arg3[%swap3A, %swap3A_394] : memref<1x1xf32, #tpu.memory_space<smem>>
    memref.store %add3A_393, %arg3[%swap3A, %swap3A_394] : memref<1x1xf32, #tpu.memory_space<smem>>
    return
  }
  func.func @transform_0(%arg0: i32) -> (i32, i32) {
    %c0_i32 = arith.constant 0 : i32
    %c0_i32_0 = arith.constant 0 : i32
    return %arg0, %c0_i32 : i32, i32
  }
  func.func @transform_1(%arg0: i32) -> (i32, i32) {
    %c0_i32 = arith.constant 0 : i32
    %c0_i32_0 = arith.constant 0 : i32
    return %arg0, %c0_i32 : i32, i32
  }
  func.func @transform_2(%arg0: i32) -> (i32, i32) {
    %c0_i32 = arith.constant 0 : i32
    %c0_i32_0 = arith.constant 0 : i32
    %c0_i32_1 = arith.constant 0 : i32
    return %c0_i32, %c0_i32_0 : i32, i32
  }
}

module attributes {stable_mosaic.version = 14 : i64} {
  func.func @_tc_neg_body(%arg0: i32, %arg1: memref<2560x128xf32, #tpu.memory_space<vmem>>, %arg2: memref<1x1xf32, #tpu.memory_space<smem>>) attributes {dimension_semantics = [#tpu.dimension_semantics<arbitrary>], iteration_bounds = array<i64: 8>, scalar_prefetch = 0 : i64, scratch_operands = 0 : i64, tpu.core_type = #tpu.core_type<tc>, window_params = [{transform_indices = @transform_0, window_bounds = array<i64: 2560, 128>}, {transform_indices = @transform_1, window_bounds = array<i64: 1, 1>}]} {
    %iota3A = tpu.iota {dimensions = array<i32: 0>} : vector<128x8xi32>
    %jit3A = arith.constant 16 : i32
    %div3A = vector.broadcast %jit3A : i32 to vector<128x8xi32>
    %div3A_0 = arith.divsi %iota3A, %div3A : vector<128x8xi32>
    %sign3A = arith.constant 0 : i32
    %sign3A_1 = vector.broadcast %sign3A : i32 to vector<128x8xi32>
    %sign3A_2 = arith.cmpi sgt, %iota3A, %sign3A_1 : vector<128x8xi32>
    %sign3A_3 = arith.extui %sign3A_2 : vector<128x8xi1> to vector<128x8xi32>
    %sign3A_4 = arith.constant 0 : i32
    %sign3A_5 = vector.broadcast %sign3A_4 : i32 to vector<128x8xi32>
    %sign3A_6 = arith.cmpi slt, %iota3A, %sign3A_5 : vector<128x8xi32>
    %sign3A_7 = arith.extui %sign3A_6 : vector<128x8xi1> to vector<128x8xi32>
    %sign3A_8 = arith.subi %sign3A_3, %sign3A_7 : vector<128x8xi32>
    %sign3A_9 = arith.constant 0 : i32
    %sign3A_10 = arith.cmpi sgt, %jit3A, %sign3A_9 : i32
    %sign3A_11 = arith.extui %sign3A_10 : i1 to i32
    %sign3A_12 = arith.constant 0 : i32
    %sign3A_13 = arith.cmpi slt, %jit3A, %sign3A_12 : i32
    %sign3A_14 = arith.extui %sign3A_13 : i1 to i32
    %sign3A_15 = arith.subi %sign3A_11, %sign3A_14 : i32
    %ne3A = vector.broadcast %sign3A_15 : i32 to vector<128x8xi32>
    %ne3A_16 = arith.cmpi ne, %sign3A_8, %ne3A : vector<128x8xi32>
    %rem3A = vector.broadcast %jit3A : i32 to vector<128x8xi32>
    %rem3A_17 = arith.remsi %iota3A, %rem3A : vector<128x8xi32>
    %ne3A_18 = arith.constant 0 : i32
    %ne3A_19 = vector.broadcast %ne3A_18 : i32 to vector<128x8xi32>
    %ne3A_20 = arith.cmpi ne, %rem3A_17, %ne3A_19 : vector<128x8xi32>
    %and3A = arith.andi %ne3A_16, %ne3A_20 : vector<128x8xi1>
    %sub3A = arith.constant 1 : i32
    %sub3A_21 = vector.broadcast %sub3A : i32 to vector<128x8xi32>
    %sub3A_22 = arith.subi %div3A_0, %sub3A_21 : vector<128x8xi32>
    %select_n3A = arith.select %and3A, %sub3A_22, %div3A_0 : vector<128x8xi1>, vector<128x8xi32>
    %iota3A_23 = tpu.iota {dimensions = array<i32: 1>} : vector<128x8xi32>
    %eq3A = arith.cmpi eq, %select_n3A, %iota3A_23 : vector<128x8xi32>
    %convert_element_type3A = arith.extui %eq3A : vector<128x8xi1> to vector<128x8xi32>
    %convert_element_type3A_24 = arith.sitofp %convert_element_type3A : vector<128x8xi32> to vector<128x8xf32>
    %get3A = arith.constant 0 : index
    %get3A_25 = arith.constant 0 : index
    %get3A_26 = vector.load %arg1[%get3A, %get3A_25] : memref<2560x128xf32, #tpu.memory_space<vmem>>, vector<2560x128xf32>
    %dot_general3A = arith.constant dense<0.000000e+00> : vector<2560x8xf32>
    %dot_general3A_27 = tpu.matmul %get3A_26, %convert_element_type3A_24, %dot_general3A {dimension_numbers = #tpu.dot_dimension_numbers<[1], [0], [0], [1], [0, 0, 1, 1], [], []>, transpose_lhs_hint = false} : vector<2560x128xf32>, vector<128x8xf32>, vector<2560x8xf32> -> vector<2560x8xf32>
    %iota3A_28 = tpu.iota {dimensions = array<i32: 1>} : vector<2560x8xi32>
    %lt3A = arith.constant 5 : i32
    %lt3A_29 = vector.broadcast %lt3A : i32 to vector<2560x8xi32>
    %lt3A_30 = arith.cmpi slt, %iota3A_28, %lt3A_29 : vector<2560x8xi32>
    %neg3A = arith.constant 0.000000e+00 : f32
    %neg3A_31 = vector.broadcast %neg3A : f32 to vector<2560x8xf32>
    %neg3A_32 = arith.subf %neg3A_31, %dot_general3A_27 : vector<2560x8xf32>
    %jit3A_33 = arith.constant -6.000000e+00 : f32
    %jit3A_34 = arith.constant 6.000000e+00 : f32
    %max3A = vector.broadcast %jit3A_33 : f32 to vector<2560x8xf32>
    %max3A_35 = arith.maximumf %max3A, %neg3A_32 : vector<2560x8xf32>
    %min3A = vector.broadcast %jit3A_34 : f32 to vector<2560x8xf32>
    %min3A_36 = arith.minimumf %min3A, %max3A_35 : vector<2560x8xf32>
    %neg3A_37 = arith.constant 0.000000e+00 : f32
    %neg3A_38 = vector.broadcast %neg3A_37 : f32 to vector<2560x8xf32>
    %neg3A_39 = arith.subf %neg3A_38, %min3A_36 : vector<2560x8xf32>
    %exp3A = math.exp %neg3A_39 : vector<2560x8xf32>
    %log1p3A = math.log1p %exp3A : vector<2560x8xf32>
    %jit3A_40 = arith.constant 0.000000e+00 : f32
    %broadcast_in_dim3A = vector.broadcast %jit3A_40 : f32 to vector<2560x8xf32>
    %select_n3A_41 = arith.select %lt3A_30, %log1p3A, %broadcast_in_dim3A : vector<2560x8xi1>, vector<2560x8xf32>
    %reduce_sum3A = vector.shape_cast %select_n3A_41 : vector<2560x8xf32> to vector<1x2560x8xf32>
    %reduce_sum3A_42 = arith.constant dense<0.000000e+00> : vector<1xf32>
    %reduce_sum3A_43 = vector.multi_reduction <add>, %reduce_sum3A, %reduce_sum3A_42 [1, 2] : vector<1x2560x8xf32> to vector<1xf32>
    %reduce_sum3A_44 = vector.shape_cast %reduce_sum3A_43 : vector<1xf32> to vector<1x1x1xf32>
    %reduce_sum3A_45 = vector.extract %reduce_sum3A_44[0, 0, 0] : f32 from vector<1x1x1xf32>
    %eq3A_46 = arith.constant 0 : i32
    %eq3A_47 = arith.cmpi eq, %arg0, %eq3A_46 : i32
    %convert_element_type3A_48 = arith.extui %eq3A_47 : i1 to i32
    %cond3A = arith.constant 0 : i32
    %cond3A_49 = arith.cmpi ne, %convert_element_type3A_48, %cond3A : i32
    scf.if %cond3A_49 {
      %swap3A_55 = arith.constant 0.000000e+00 : f32
      %swap3A_56 = arith.constant 0 : index
      %swap3A_57 = arith.constant 0 : index
      %swap3A_58 = memref.load %arg2[%swap3A_56, %swap3A_57] : memref<1x1xf32, #tpu.memory_space<smem>>
      memref.store %swap3A_55, %arg2[%swap3A_56, %swap3A_57] : memref<1x1xf32, #tpu.memory_space<smem>>
    } else {
    }
    %get3A_50 = arith.constant 0 : index
    %get3A_51 = arith.constant 0 : index
    %get3A_52 = memref.load %arg2[%get3A_50, %get3A_51] : memref<1x1xf32, #tpu.memory_space<smem>>
    %add3A = arith.addf %get3A_52, %reduce_sum3A_45 : f32
    %swap3A = arith.constant 0 : index
    %swap3A_53 = arith.constant 0 : index
    %swap3A_54 = memref.load %arg2[%swap3A, %swap3A_53] : memref<1x1xf32, #tpu.memory_space<smem>>
    memref.store %add3A, %arg2[%swap3A, %swap3A_53] : memref<1x1xf32, #tpu.memory_space<smem>>
    return
  }
  func.func @transform_0(%arg0: i32) -> (i32, i32) {
    %c0_i32 = arith.constant 0 : i32
    %c0_i32_0 = arith.constant 0 : i32
    return %arg0, %c0_i32 : i32, i32
  }
  func.func @transform_1(%arg0: i32) -> (i32, i32) {
    %c0_i32 = arith.constant 0 : i32
    %c0_i32_0 = arith.constant 0 : i32
    %c0_i32_1 = arith.constant 0 : i32
    return %c0_i32, %c0_i32_0 : i32, i32
  }
}

</mosaic_0001>

<sc_bundles>
// kernel: kernel.6.cloned.1.call-start
scs
__scs_entry_jumppad:
0x0: {  	(pc) =	sbr.rel $0x88, $3  }
0x1: {  	(tag) =	ssettag $0x0;
	lr =	simm.s32 $0x1  }
0x2: {  	[smem:$0x3F9D] =	sst lr;
	_ =	strace $0xD0000000  }
0x3: {  	_ = 	snop  }
0x4: {  	_ = 	snop  }
0x5: {  	_ = 	snop  }
0x6: {  	_ = 	snop  }
0x7: {  	_ = 	snop  }
__scs_overlays_trampoline_lowered:
0x8: {  	[smem:$0x3FAC] =	sst s0  }
0x9: {  	[smem:$0x3FAD] =	sst s1  }
0xa: {  	[smem:$0x3FAE] =	sst s2  }
0xb: {  	[smem:$0x3FAF] =	sst s3  }
0xc: {  	[smem:$0x3FB0] =	sst s4  }
0xd: {  	[smem:$0x3FB1] =	sst s5  }
0xe: {  	[smem:$0x3FB2] =	sst s6  }
0xf: {  	[smem:$0x3FB3] =	sst s7  }
0x10: {  	[smem:$0x3FB4] =	sst s8  }
0x11: {  	[smem:$0x3FB5] =	sst s9;
	s0 =	simm.s32 @!p0 $0x0  }
0x12: {  	s1 =	sld [smem:$0x3F9B];
	s0 =	simm.s32 @p0 $0x1  }
0x13: {  	[smem:$0x3FB6] =	sst s0;
	s0 =	simm.s32 @!p1 $0x0  }
0x14: {  	s2 =	sld [smem:$0x3F9A];
	s0 =	simm.s32 @p1 $0x1  }
0x15: {  	[smem:$0x3FB7] =	sst s0;
	s0 =	simm.s32 @!p2 $0x0  }
0x16: {  	s3 =	sld [smem:$0x3FDB];
	s0 =	simm.s32 @p2 $0x1  }
0x17: {  	s4 =	simm.s32 $0x1BF5;
	[smem:$0x3FB9] =	sst s0  }
0x18: {  	s0 =	sld [smem:$0x3F9C];
	_ =	swait.ge [sflag:s4], $0x0  }
0x19: {  	s7 =	sld [smem:$0x3F9D]  }
0x1a: {  	s8 =	sadd.s32 $0xFFFFE003, lr  }
0x1b: {  	s9 =	sadd.s32 $0xFFFFFEF7, lr;
	s5 =	simm.s32 $0xFFFFFFFF;
	p2 =	slt.u32 s8, $0xFFFFF086  }
0x1c: {  	p1 =	slt.u32 s9, $0xF7A;
	s5 =	simm.s32 @!p2 $0x0  }
0x1d: {  	s5 =	simm.s32 @p1 $0x1;
	p0 =	seq.s32 s7, s2  }
0x1e: {  	s7 =	smul.u32 @!p0 $0xF7A, s2;
	p2 =	seq.s32 @!p0 s5, $0x0  }
0x1f: {  	s9 =	smul.u32 $0xF7A, s1;
	s8 =	simm.s32 @!p0 $0x1BF5;
	p2 =	por !p2, p0  }
0x20: {  	[sflag:s8] =	ssyncset.s32 @!p0 $0xFFFFF086;
	s6 =	sadd.s32 @!p0 s3, s7;
	s7 =	simm.s32 @!p0 $0x108  }
0x21: {  	s3 =	sadd.s32 s3, s9;
	s6 =	sadd.s32 @!p0 $0x88, s6;
	s7 =	simm.s32 @p2 $0x1082  }
0x22: {  	[simem:s7], [sflag:s8] =	dma.local @!p0 [hbm:s6], $0xF7A  }
0x23: {  	s9 =	sor.u32 $0xD0000000, s2;
	s6 =	simm.s32 $0x108;
	_ =	swait.ge @!p0 [sflag:s8], $0x0  }
0x24: {  	s3 =	sadd.s32 $0x88, s3;
	s6 =	simm.s32 @!p1 $0x1082;
	[sflag:s4] =	ssyncset.s32 $0xFFFFF086  }
0x25: {  	[simem:s6], [sflag:s4] =	dma.local [hbm:s3], $0xF7A  }
0x26: {  	[smem:$0x3F9D] =	sst s1;
	(tag) =	ssettag s2;
	_ =	strace s9  }
0x27: {  	s1 =	sld [smem:$0x3FAD]  }
0x28: {  	s2 =	sld [smem:$0x3FAE]  }
0x29: {  	s4 =	sld [smem:$0x3FB0]  }
0x2a: {  	p0 =	seq.s32 s5, $0x0;
	s5 =	sld [smem:$0x3FB1]  }
0x2b: {  	s6 =	sld [smem:$0x3FB2]  }
0x2c: {  	s7 =	sld [smem:$0x3FB3]  }
0x2d: {  	s3 =	simm.s32 $0x108;
	s8 =	sld [smem:$0x3FB4]  }
0x2e: {  	s3 =	simm.s32 @!p0 $0x1082;
	s9 =	sld [smem:$0x3FB5]  }
0x2f: {  	lr =	sadd.s32 s0, s3;
	s0 =	sld [smem:$0x3FAC]  }
0x30: {  	s3 =	sld [smem:$0x3FAF]  }
0x31: {  	[smem:$0x3FB8] =	sst s10  }
0x32: {  	s10 =	sld [smem:$0x3FB6];
	_ =	sdelay $0x3  }
0x33: {  	p0 =	seq.s32 s10, $0x1;
	s10 =	sld [smem:$0x3FB8];
	_ =	sdelay $0x3  }
0x34: {  	[smem:$0x3FB8] =	sst s10  }
0x35: {  	s10 =	sld [smem:$0x3FB7];
	_ =	sdelay $0x3  }
0x36: {  	p1 =	seq.s32 s10, $0x1;
	s10 =	sld [smem:$0x3FB8];
	_ =	sdelay $0x3  }
0x37: {  	[smem:$0x3FB8] =	sst s10  }
0x38: {  	s10 =	sld [smem:$0x3FB9]  }
0x39: {  	_ = 	snop;
	(pc) =	sbr.ind lr, $3  }
0x3a: {  	_ = 	snop  }
0x3b: {  	_ = 	snop  }
0x3c: {  	p2 =	seq.s32 s10, $0x1;
	s10 =	sld [smem:$0x3FB8]  }
0x3d: {  	_ =	shalt  }
0x3e: {  	_ =	shalt  }
0x3f: {  	_ =	shalt  }
0x40: {  	_ =	shalt  }
0x41: {  	_ =	shalt  }
0x42: {  	_ =	shalt  }
0x43: {  	_ =	shalt  }
0x44: {  	_ =	shalt  }
0x45: {  	_ =	shalt  }
0x46: {  	_ =	shalt  }
0x47: {  	_ =	shalt  }
0x48: {  	_ =	shalt  }
0x49: {  	_ =	shalt  }
0x4a: {  	_ =	shalt  }
0x4b: {  	_ =	shalt  }
0x4c: {  	_ =	shalt  }
0x4d: {  	_ =	shalt  }
0x4e: {  	_ =	shalt  }
0x4f: {  	_ =	shalt  }
0x50: {  	_ =	shalt  }
0x51: {  	_ =	shalt  }
0x52: {  	_ =	shalt  }
0x53: {  	_ =	shalt  }
0x54: {  	_ =	shalt  }
0x55: {  	_ =	shalt  }
0x56: {  	_ =	shalt  }
0x57: {  	_ =	shalt  }
0x58: {  	_ =	shalt  }
0x59: {  	_ =	shalt  }
0x5a: {  	_ =	shalt  }
0x5b: {  	_ =	shalt  }
0x5c: {  	_ =	shalt  }
0x5d: {  	_ =	shalt  }
0x5e: {  	_ =	shalt  }
0x5f: {  	_ =	shalt  }
0x60: {  	_ =	shalt  }
0x61: {  	_ =	shalt  }
0x62: {  	_ =	shalt  }
0x63: {  	_ =	shalt  }
0x64: {  	_ =	shalt  }
0x65: {  	_ =	shalt  }
0x66: {  	_ =	shalt  }
0x67: {  	_ =	shalt  }
0x68: {  	_ =	shalt  }
0x69: {  	_ =	shalt  }
0x6a: {  	_ =	shalt  }
0x6b: {  	_ =	shalt  }
0x6c: {  	_ =	shalt  }
0x6d: {  	_ =	shalt  }
0x6e: {  	_ =	shalt  }
0x6f: {  	_ =	shalt  }
0x70: {  	_ =	shalt  }
0x71: {  	_ =	shalt  }
0x72: {  	_ =	shalt  }
0x73: {  	_ =	shalt  }
0x74: {  	_ =	shalt  }
0x75: {  	_ =	shalt  }
0x76: {  	_ =	shalt  }
0x77: {  	_ =	shalt  }
0x78: {  	_ =	shalt  }
0x79: {  	_ =	shalt  }
0x7a: {  	_ =	shalt  }
0x7b: {  	_ =	shalt  }
0x7c: {  	_ =	shalt  }
0x7d: {  	_ =	shalt  }
0x7e: {  	_ =	shalt  }
0x7f: {  	_ =	shalt  }
0x80: {  	_ =	shalt  }
0x81: {  	_ =	shalt  }
0x82: {  	_ =	shalt  }
0x83: {  	_ =	shalt  }
0x84: {  	_ =	shalt  }
0x85: {  	_ =	shalt  }
0x86: {  	_ =	shalt  }
0x87: {  	_ =	shalt  }
.Lfunc_end0:
.L_simem_size_0:
called_computation_lowered:
.L_overlay_start_0:
0x88: {  	s2 =	sld [smem:$0x3FD9]  }
0x89: {  	s3 =	sld [smem:$0x3FFE];
	_ =	sdelay $0x1  }
0x8a: {  	s1 =	srdreg.scid  }
0x8b: {  	s0 =	sand.u32 $0x1, s1  }
0x8c: {  	s17 =	sshll.u32 s0, $0xA;
	s2 =	sadd.s32 s3, s2  }
0x8d: {  	s2 =	sadd.s32 s2, s17  }
0x8e: {  	[smem:$0x3FC4] =	sst s2  }
0x8f: {  	_ = 	snop  }
0x90: {  	s2 =	sld [smem:$0x3FC7]  }
0x91: {  	s18 =	sld [smem:$0x3FC6];
	(tm) =	ssettm $0x1  }
0x92: {  	s4 =	sld [smem:$0x3FFB];
	_ =	sdelay $0x3  }
0x93: {  	_ =	strace s4  }
0x94: {  	s4 =	sld [smem:$0x3FFC];
	_ =	sdelay $0x3  }
0x95: {  	_ =	strace s4  }
0x96: {  	s4 =	sld [smem:$0x3FFD];
	_ =	sdelay $0x3  }
0x97: {  	_ =	strace s4  }
0x98: {  	_ =	strace $0x8FFFFFFF  }
0x99: {  	s19 =	sld [smem:$0x3FDB];
	_ =	sdelay $0x1  }
0x9a: {  	s5 =	simm.s32 $_scs_section_size  }
0x9b: {  	s6 =	simm.s32 $_size__tile_overlayer_lowered;
	s7 =	simm.s32 $_tile_overlayer_lowered  }
0x9c: {  	s22 =	simm.s32 $0x1BFF;
	s21 =	sshll.u32 s7, $0x1;
	s4 =	sadd.s32 s5, s19  }
0x9d: {  	s8 =	simm.s32 $0x0;
	s20 =	sshll.u32 s6, $0x1;
	s6 =	sadd.s32 s21, s4  }
0x9e: {  	[timem:s8], [sflag:s22] =	dma.local [hbm:s6], s20  }
0x9f: {  	_ =	swait.ge [sflag:s22], s20  }
0xa0: {  	s5 =	ssub.s32 $0x0, s20;
	[sflag:s22] =	ssyncset.done $0x0  }
0xa1: {  	[sflag:s22] =	ssyncadd.s32 s5;
	_ =	sdelay $0x1  }
0xa2: {  	s23 =	simm.s32 $0x1B8B  }
0xa3: {  	_ =	swait.ge [sflag:s23], $0x1  }
0xa4: {  	[sflag:s23] =	ssyncset.done $0x0  }
0xa5: {  	s25 =	simm.s32 $0x1B8E;
	s24 =	sld [smem:$0x3FFE];
	[sflag:s23] =	ssyncadd.s32 $0xFFFFFFFF  }
0xa6: {  	s26 =	simm.s32 $execute0_lowered;
	[smem:$0x3FD2] =	sst s25  }
0xa7: {  	s6 =	sshll.u32 s26, $0x1;
	_ =	strace $0x80000046;
	[dreg:$0x1] =	wrdreg $0xFFFFFFFF  }
0xa8: {  	s28 =	simm.s32 $_size_execute0_lowered;
	s4 =	sadd.s32 s4, s6;
	[dreg:$0x0] =	wrdreg $0x0  }
0xa9: {  	s6 =	sshll.u32 s28, $0x1;
	[dreg:$0x2] =	wrdreg s4  }
0xaa: {  	[dreg:$0x3] =	wrdreg s6  }
0xab: {  	[dreg:$0x4] =	wrdreg $0xC0  }
0xac: {  	_ =	task [dreg:s8], $0x5FFFF  }
0xad: {  	[dreg:$0x1] =	wrdreg $0xFFFFFFFF  }
0xae: {  	[dreg:$0x0] =	wrdreg $0x60  }
0xaf: {  	[dreg:$0x2] =	wrdreg s24  }
0xb0: {  	[dreg:$0x3] =	wrdreg s2  }
0xb1: {  	[dreg:$0x4] =	wrdreg s18  }
0xb2: {  	[dreg:$0x5] =	wrdreg $0x9  }
0xb3: {  	_ =	task.clear_ibuf [dreg:s8], $0x6FFFF;
	_ =	strace $0x90000046  }
0xb4: {  	s29 =	simm.s32 $0x9;
	_ =	strace $0x80000048  }
0xb5: {  	_ =	swait.ge [sflag:s29], $0x1  }
0xb6: {  	[sflag:s29] =	ssyncadd.s32 $0xFFFFFFFF  }
0xb7: {  	_ =	strace $0x90000048  }
0xb8: {  	_ =	sfence  }
0xb9: {  	s30 =	sld [smem:$0x0];
	_ =	sdelay $0x2  }
0xba: {  	s31 =	sshll.u32 s1, $0xD;
	s1 =	sshrl.u32 s1, $0x2  }
0xbb: {  	s3 =	sand.u32 $0x4000, s31;
	s1 =	sadd.s32 s1, s30  }
0xbc: {  	s0 =	sor.u32 s3, s0;
	s1 =	sshll.u32 s1, $0x11  }
0xbd: {  	s0 =	sor.u32 s1, s0  }
0xbe: {  	s0 =	sadd.s32 $0x8F2B, s0  }
0xbf: {  	[sflag:s0] =	ssyncadd.remote.s32 $0x1  }
0xc0: {  	_ =	sfence.sel $0xFFFF  }
0xc1: {  	[dreg:$0x0] =	wrdreg $0xFFFFFFFF;
	(pc) =	sbr.abs _section_cstart, $3  }
0xc2: {  	[dreg:$0x1] =	wrdreg $0xFFFFFFFF  }
0xc3: {  	_ =	task.clear_ibuf [dreg:s8], $0x2FFFF;
	_ =	strace $0x9FFFFFFF  }
0xc4: {  	(tm) =	ssettm $0x7FFFFFFF  }
0xc5: {  	_ =	shalt  }
tec
execute0_lowered:
.L_overlay_start_1:
0x0: {  	(tag) =	ssettag $0x1  }
0x1: {  	s1 =	srdreg.scid;
	s0 =	stileid.u32  }
0x2: {  	s1 =	sand.u32 $0x1, s1;
	s3 =	sshll.u32 s0, $0x1  }
0x3: {  	s17 =	sor.u32 s1, s3  }
0x4: {  	s15 =	rddreg [dreg:$0x0];
	s5 =	smul.u32 $0x50, s17  }
0x5: {  	s2 =	rddreg [dreg:$0x1];
	s4 =	simm.s32 $0x0;
	s16 =	smul.u32 $0x2800, s17  }
0x6: {  	[smem:$0x7FF] =	sst s4;
	s30 =	sadd.s32 $0x1C00, s15  }
0x7: {  	s3 =	rddreg [dreg:$0x2];
	s5 =	sadd.s32 s5, s15;
	s0 =	sadd.s32 s30, s16  }
0x8: {  	_ =	strace $0x80000047;
	s5 =	sadd.s32 $0x1200, s5;
	[dreg:$0x5] =	wrdreg s0  }
0x9: {  	[dreg:$0x4] =	wrdreg s5  }
0xa: {  	s5 =	simm.s32 $0x9;
	s6 =	rddreg [dreg:$0x4]  }
0xb: {  	[tilespmem:s4], [sflag:$0x9] =	stream.linear.gather [hbm4b:s6+s4], $0x280, $0x38;
	[tilespmem:$0x10280] =	vst v63  }
0xc: {  	_ =	swait.ge [sflag:s5], $0x280  }
0xd: {  	[sflag:s5] =	ssyncset.done $0x0  }
0xe: {  	s7 =	simm.s32 $0x280;
	s6 =	simm.s32 $0x80;
	[sflag:s5] =	ssyncadd.s32 $0xFFFFFD80  }
0xf: {  	[tilespmem:s7], [sflag:$0x1] =	stream.indirect.gather [hbm4b:s2+s6], $0x80, s4, s6, $0xb8;
	[tilespmem:$0x10280] =	vst v63  }
0x10: {  	s8 =	simm.s32 $0x4280  }
0x11: {  	[tilespmem:s8], [sflag:$0x2] =	stream.indirect.gather [hbm4b:s3+s6], $0x80, s4, s6, $0xb8;
	[tilespmem:$0x10280] =	vst v63  }
0x12: {  	s9 =	simm.s32 $0x8280  }
0x13: {  	[tilespmem:s9], [sflag:$0x3] =	stream.indirect.gather [hbm4b:s2+s6], $0x80, s6, s6, $0xb8;
	[tilespmem:$0x10280] =	vst v63  }
0x14: {  	s10 =	simm.s32 $0xC280;
	s11 =	simm.s32 $0x1  }
0x15: {  	[tilespmem:s10], [sflag:$0x4] =	stream.indirect.gather [hbm4b:s3+s6], $0x80, s6, s6, $0xb8;
	[tilespmem:$0x10280] =	vst v63  }
0x16: {  	_ =	swait.ge [sflag:s11], $0x4000  }
0x17: {  	[sflag:s11] =	ssyncset.done $0x0  }
0x18: {  	s12 =	simm.s32 $0x5;
	s13 =	rddreg [dreg:$0x5];
	[sflag:s11] =	ssyncadd.s32 $0xFFFFC000  }
0x19: {  	[hbm4b:s13+s4] =	stream.linear.scatter [tilespmem:s7], [sflag:$0x5], $0x4000, $0x38;
	[tilespmem:$0x10280] =	vst v63  }
0x1a: {  	_ =	swait.ge [sflag:s12], $0x4000  }
0x1b: {  	[sflag:s12] =	ssyncset.done $0x0  }
0x1c: {  	s14 =	simm.s32 $0x2;
	s13 =	simm.s32 $0x100;
	[sflag:s12] =	ssyncadd.s32 $0xFFFFC000  }
0x1d: {  	[tilespmem:s7], [sflag:$0x1] =	stream.indirect.gather [hbm4b:s2+s6], $0x80, s13, s6, $0xb8;
	[tilespmem:$0x10280] =	vst v63  }
0x1e: {  	_ =	swait.ge [sflag:s14], $0x4000  }
0x1f: {  	s28 =	sadd.s32 $0x51C00, s15;
	[sflag:s14] =	ssyncset.done $0x0  }
0x20: {  	s16 =	sadd.s32 s28, s16;
	s15 =	simm.s32 $0x6;
	[sflag:s14] =	ssyncadd.s32 $0xFFFFC000  }
0x21: {  	[hbm4b:s16+s4] =	stream.linear.scatter [tilespmem:s8], [sflag:$0x6], $0x4000, $0x38;
	[tilespmem:$0x10280] =	vst v63  }
0x22: {  	_ =	swait.ge [sflag:s15], $0x4000  }
0x23: {  	[sflag:s15] =	ssyncset.done $0x0  }
0x24: {  	s18 =	smul.u32 $0x14000, s17;
	s17 =	simm.s32 $0x3;
	[sflag:s15] =	ssyncadd.s32 $0xFFFFC000  }
0x25: {  	[tilespmem:s8], [sflag:$0x2] =	stream.indirect.gather [hbm4b:s3+s6], $0x80, s13, s6, $0xb8;
	[tilespmem:$0x10280] =	vst v63  }
0x26: {  	s0 =	sshrl.u32 s18, $0x3;
	_ =	swait.ge [sflag:s17], $0x4000  }
0x27: {  	s22 =	sadd.s32 $0x800, s0;
	[sflag:s17] =	ssyncset.done $0x0  }
0x28: {  	s19 =	simm.s32 $0x7;
	s18 =	sadd.s32 s30, s22;
	[sflag:s17] =	ssyncadd.s32 $0xFFFFC000  }
0x29: {  	[hbm4b:s18+s4] =	stream.linear.scatter [tilespmem:s9], [sflag:$0x7], $0x4000, $0x38;
	[tilespmem:$0x10280] =	vst v63  }
0x2a: {  	_ =	swait.ge [sflag:s19], $0x4000  }
0x2b: {  	[sflag:s19] =	ssyncset.done $0x0  }
0x2c: {  	s20 =	simm.s32 $0x180;
	s21 =	simm.s32 $0x4;
	[sflag:s19] =	ssyncadd.s32 $0xFFFFC000  }
0x2d: {  	[tilespmem:s9], [sflag:$0x3] =	stream.indirect.gather [hbm4b:s2+s6], $0x80, s20, s6, $0xb8;
	[tilespmem:$0x10280] =	vst v63  }
0x2e: {  	_ =	swait.ge [sflag:s21], $0x4000  }
0x2f: {  	[sflag:s21] =	ssyncset.done $0x0  }
0x30: {  	s23 =	simm.s32 $0x8;
	s22 =	sadd.s32 s28, s22;
	[sflag:s21] =	ssyncadd.s32 $0xFFFFC000  }
0x31: {  	[hbm4b:s22+s4] =	stream.linear.scatter [tilespmem:s10], [sflag:$0x8], $0x4000, $0x38;
	[tilespmem:$0x10280] =	vst v63  }
0x32: {  	_ =	swait.ge [sflag:s23], $0x4000  }
0x33: {  	[sflag:s23] =	ssyncset.done $0x0  }
0x34: {  	[sflag:s23] =	ssyncadd.s32 $0xFFFFC000  }
0x35: {  	[tilespmem:s10], [sflag:$0x4] =	stream.indirect.gather [hbm4b:s3+s6], $0x80, s20, s6, $0xb8;
	[tilespmem:$0x10280] =	vst v63  }
0x36: {  	_ =	swait.ge [sflag:s11], $0x4000  }
0x37: {  	s26 =	sadd.s32 $0x1000, s0;
	[sflag:s11] =	ssyncset.done $0x0  }
0x38: {  	s24 =	sadd.s32 s30, s26;
	[sflag:s11] =	ssyncadd.s32 $0xFFFFC000  }
0x39: {  	[hbm4b:s24+s4] =	stream.linear.scatter [tilespmem:s7], [sflag:$0x5], $0x4000, $0x38;
	[tilespmem:$0x10280] =	vst v63  }
0x3a: {  	_ =	swait.ge [sflag:s12], $0x4000  }
0x3b: {  	[sflag:s12] =	ssyncset.done $0x0  }
0x3c: {  	s25 =	simm.s32 $0x200;
	[sflag:s12] =	ssyncadd.s32 $0xFFFFC000  }
0x3d: {  	[tilespmem:s7], [sflag:$0x1] =	stream.indirect.gather [hbm4b:s2+s6], $0x80, s25, s6, $0xb8;
	[tilespmem:$0x10280] =	vst v63  }
0x3e: {  	_ =	swait.ge [sflag:s14], $0x4000  }
0x3f: {  	s31 =	smov.u32 s28;
	[sflag:s14] =	ssyncset.done $0x0  }
0x40: {  	s26 =	sadd.s32 s28, s26;
	[dreg:$0x6] =	wrdreg s31;
	[sflag:s14] =	ssyncadd.s32 $0xFFFFC000  }
0x41: {  	[hbm4b:s26+s4] =	stream.linear.scatter [tilespmem:s8], [sflag:$0x6], $0x4000, $0x38;
	[tilespmem:$0x10280] =	vst v63  }
0x42: {  	_ =	swait.ge [sflag:s15], $0x4000  }
0x43: {  	[sflag:s15] =	ssyncset.done $0x0  }
0x44: {  	[sflag:s15] =	ssyncadd.s32 $0xFFFFC000  }
0x45: {  	[tilespmem:s8], [sflag:$0x2] =	stream.indirect.gather [hbm4b:s3+s6], $0x80, s25, s6, $0xb8;
	[tilespmem:$0x10280] =	vst v63  }
0x46: {  	_ =	swait.ge [sflag:s17], $0x4000  }
0x47: {  	s29 =	sadd.s32 $0x1800, s0;
	[sflag:s17] =	ssyncset.done $0x0  }
0x48: {  	s28 =	sadd.s32 s30, s29;
	[sflag:s17] =	ssyncadd.s32 $0xFFFFC000  }
0x49: {  	[hbm4b:s28+s4] =	stream.linear.scatter [tilespmem:s9], [sflag:$0x7], $0x4000, $0x38;
	[tilespmem:$0x10280] =	vst v63  }
0x4a: {  	_ =	swait.ge [sflag:s19], $0x4000  }
0x4b: {  	[sflag:s19] =	ssyncset.done $0x0  }
0x4c: {  	[sflag:s19] =	ssyncadd.s32 $0xFFFFC000  }
0x4d: {  	_ =	swait.ge [sflag:s21], $0x4000  }
0x4e: {  	[sflag:s21] =	ssyncset.done $0x0  }
0x4f: {  	s29 =	sadd.s32 s31, s29;
	[sflag:s21] =	ssyncadd.s32 $0xFFFFC000  }
0x50: {  	[hbm4b:s29+s4] =	stream.linear.scatter [tilespmem:s10], [sflag:$0x8], $0x4000, $0x38;
	[tilespmem:$0x10280] =	vst v63  }
0x51: {  	_ =	swait.ge [sflag:s23], $0x4000  }
0x52: {  	[sflag:s23] =	ssyncset.done $0x0  }
0x53: {  	[sflag:s23] =	ssyncadd.s32 $0xFFFFC000  }
0x54: {  	_ =	swait.ge [sflag:s11], $0x4000  }
0x55: {  	s1 =	ssub.s32 $0x2, s1;
	s0 =	sadd.s32 $0x2000, s0;
	[sflag:s11] =	ssyncset.done $0x0  }
0x56: {  	s30 =	sadd.s32 s30, s0;
	s31 =	sshrl.u32 s1, $0x1;
	[sflag:s11] =	ssyncadd.s32 $0xFFFFC000  }
0x57: {  	[hbm4b:s30+s4] =	stream.linear.scatter [tilespmem:s7], [sflag:$0x5], $0x4000, $0x38;
	[tilespmem:$0x10280] =	vst v63  }
0x58: {  	s1 =	ssub.s32 s1, s31;
	_ =	swait.ge [sflag:s12], $0x4000  }
0x59: {  	s1 =	smax.u32 s1, $0x1;
	[sflag:s12] =	ssyncset.done $0x0  }
0x5a: {  	p0 =	sne.s32 s1, $0x1;
	[sflag:s12] =	ssyncadd.s32 $0xFFFFC000  }
.Ltmp0:
0x5b: {  	_ =	swait.ge [sflag:s14], $0x4000;
	(pc) =	sbr.rel @!p0 .LBB2_2-.Ltmp0, $4  }
0x5c: {  	[sflag:s14] =	ssyncset.done $0x0;
	s31 =	rddreg [dreg:$0x6]  }
0x5d: {  	s31 =	sadd.s32 s31, s0;
	[sflag:s14] =	ssyncadd.s32 $0xFFFFC000  }
0x5e: {  	[hbm4b:s31+s4] =	stream.linear.scatter [tilespmem:s8], [sflag:$0x6], $0x4000, $0x38;
	[tilespmem:$0x10280] =	vst v63  }
0x5f: {  	s1 =	sadd.s32 $0xFFFFFFFF, s1;
	_ =	swait.ge [sflag:s15], $0x4000  }
.LBB2_1:
0x60: {  	[sflag:s15] =	ssyncset.done $0x0  }
0x61: {  	s0 =	rddreg [dreg:$0x4];
	[sflag:s15] =	ssyncadd.s32 $0xFFFFC000  }
0x62: {  	[tilespmem:s4], [sflag:$0x9] =	stream.linear.gather [hbm4b:s0+s4], $0x280, $0x38;
	[tilespmem:$0x10280] =	vst v63  }
0x63: {  	_ =	swait.ge [sflag:s5], $0x280  }
0x64: {  	[sflag:s5] =	ssyncset.done $0x0  }
0x65: {  	[sflag:s5] =	ssyncadd.s32 $0xFFFFFD80  }
0x66: {  	[tilespmem:s7], [sflag:$0x1] =	stream.indirect.gather [hbm4b:s2+s6], $0x80, s4, s6, $0xb8;
	[tilespmem:$0x10280] =	vst v63  }
0x67: {  	_ = 	snop  }
0x68: {  	[tilespmem:s8], [sflag:$0x2] =	stream.indirect.gather [hbm4b:s3+s6], $0x80, s4, s6, $0xb8;
	[tilespmem:$0x10280] =	vst v63  }
0x69: {  	_ = 	snop  }
0x6a: {  	[tilespmem:s9], [sflag:$0x3] =	stream.indirect.gather [hbm4b:s2+s6], $0x80, s6, s6, $0xb8;
	[tilespmem:$0x10280] =	vst v63  }
0x6b: {  	_ = 	snop  }
0x6c: {  	[tilespmem:s10], [sflag:$0x4] =	stream.indirect.gather [hbm4b:s3+s6], $0x80, s6, s6, $0xb8;
	[tilespmem:$0x10280] =	vst v63  }
0x6d: {  	_ =	swait.ge [sflag:s11], $0x4000  }
0x6e: {  	[sflag:s11] =	ssyncset.done $0x0  }
0x6f: {  	s0 =	rddreg [dreg:$0x5];
	[sflag:s11] =	ssyncadd.s32 $0xFFFFC000  }
0x70: {  	[hbm4b:s0+s4] =	stream.linear.scatter [tilespmem:s7], [sflag:$0x5], $0x4000, $0x38;
	[tilespmem:$0x10280] =	vst v63  }
0x71: {  	_ =	swait.ge [sflag:s12], $0x4000  }
0x72: {  	[sflag:s12] =	ssyncset.done $0x0  }
0x73: {  	[sflag:s12] =	ssyncadd.s32 $0xFFFFC000  }
0x74: {  	[tilespmem:s7], [sflag:$0x1] =	stream.indirect.gather [hbm4b:s2+s6], $0x80, s13, s6, $0xb8;
	[tilespmem:$0x10280] =	vst v63  }
0x75: {  	_ =	swait.ge [sflag:s14], $0x4000  }
0x76: {  	[sflag:s14] =	ssyncset.done $0x0  }
0x77: {  	[sflag:s14] =	ssyncadd.s32 $0xFFFFC000  }
0x78: {  	[hbm4b:s16+s4] =	stream.linear.scatter [tilespmem:s8], [sflag:$0x6], $0x4000, $0x38;
	[tilespmem:$0x10280] =	vst v63  }
0x79: {  	_ =	swait.ge [sflag:s15], $0x4000  }
0x7a: {  	[sflag:s15] =	ssyncset.done $0x0  }
0x7b: {  	[sflag:s15] =	ssyncadd.s32 $0xFFFFC000  }
0x7c: {  	[tilespmem:s8], [sflag:$0x2] =	stream.indirect.gather [hbm4b:s3+s6], $0x80, s13, s6, $0xb8;
	[tilespmem:$0x10280] =	vst v63  }
0x7d: {  	_ =	swait.ge [sflag:s17], $0x4000  }
0x7e: {  	[sflag:s17] =	ssyncset.done $0x0  }
0x7f: {  	[sflag:s17] =	ssyncadd.s32 $0xFFFFC000  }
0x80: {  	[hbm4b:s18+s4] =	stream.linear.scatter [tilespmem:s9], [sflag:$0x7], $0x4000, $0x38;
	[tilespmem:$0x10280] =	vst v63  }
0x81: {  	_ =	swait.ge [sflag:s19], $0x4000  }
0x82: {  	[sflag:s19] =	ssyncset.done $0x0  }
0x83: {  	[sflag:s19] =	ssyncadd.s32 $0xFFFFC000  }
0x84: {  	[tilespmem:s9], [sflag:$0x3] =	stream.indirect.gather [hbm4b:s2+s6], $0x80, s20, s6, $0xb8;
	[tilespmem:$0x10280] =	vst v63  }
0x85: {  	_ =	swait.ge [sflag:s21], $0x4000  }
0x86: {  	[sflag:s21] =	ssyncset.done $0x0  }
0x87: {  	[sflag:s21] =	ssyncadd.s32 $0xFFFFC000  }
0x88: {  	[hbm4b:s22+s4] =	stream.linear.scatter [tilespmem:s10], [sflag:$0x8], $0x4000, $0x38;
	[tilespmem:$0x10280] =	vst v63  }
0x89: {  	_ =	swait.ge [sflag:s23], $0x4000  }
0x8a: {  	[sflag:s23] =	ssyncset.done $0x0  }
0x8b: {  	[sflag:s23] =	ssyncadd.s32 $0xFFFFC000  }
0x8c: {  	[tilespmem:s10], [sflag:$0x4] =	stream.indirect.gather [hbm4b:s3+s6], $0x80, s20, s6, $0xb8;
	[tilespmem:$0x10280] =	vst v63  }
0x8d: {  	_ =	swait.ge [sflag:s11], $0x4000  }
0x8e: {  	[sflag:s11] =	ssyncset.done $0x0  }
0x8f: {  	[sflag:s11] =	ssyncadd.s32 $0xFFFFC000  }
0x90: {  	[hbm4b:s24+s4] =	stream.linear.scatter [tilespmem:s7], [sflag:$0x5], $0x4000, $0x38;
	[tilespmem:$0x10280] =	vst v63  }
0x91: {  	_ =	swait.ge [sflag:s12], $0x4000  }
0x92: {  	[sflag:s12] =	ssyncset.done $0x0  }
0x93: {  	[sflag:s12] =	ssyncadd.s32 $0xFFFFC000  }
0x94: {  	[tilespmem:s7], [sflag:$0x1] =	stream.indirect.gather [hbm4b:s2+s6], $0x80, s25, s6, $0xb8;
	[tilespmem:$0x10280] =	vst v63  }
0x95: {  	_ =	swait.ge [sflag:s14], $0x4000  }
0x96: {  	[sflag:s14] =	ssyncset.done $0x0  }
0x97: {  	[sflag:s14] =	ssyncadd.s32 $0xFFFFC000  }
0x98: {  	[hbm4b:s26+s4] =	stream.linear.scatter [tilespmem:s8], [sflag:$0x6], $0x4000, $0x38;
	[tilespmem:$0x10280] =	vst v63  }
0x99: {  	_ =	swait.ge [sflag:s15], $0x4000  }
0x9a: {  	[sflag:s15] =	ssyncset.done $0x0  }
0x9b: {  	[sflag:s15] =	ssyncadd.s32 $0xFFFFC000  }
0x9c: {  	[tilespmem:s8], [sflag:$0x2] =	stream.indirect.gather [hbm4b:s3+s6], $0x80, s25, s6, $0xb8;
	[tilespmem:$0x10280] =	vst v63  }
0x9d: {  	_ =	swait.ge [sflag:s17], $0x4000  }
0x9e: {  	[sflag:s17] =	ssyncset.done $0x0  }
0x9f: {  	[sflag:s17] =	ssyncadd.s32 $0xFFFFC000  }
0xa0: {  	[hbm4b:s28+s4] =	stream.linear.scatter [tilespmem:s9], [sflag:$0x7], $0x4000, $0x38;
	[tilespmem:$0x10280] =	vst v63  }
0xa1: {  	_ =	swait.ge [sflag:s19], $0x4000  }
0xa2: {  	[sflag:s19] =	ssyncset.done $0x0  }
0xa3: {  	[sflag:s19] =	ssyncadd.s32 $0xFFFFC000  }
0xa4: {  	_ =	swait.ge [sflag:s21], $0x4000  }
0xa5: {  	[sflag:s21] =	ssyncset.done $0x0  }
0xa6: {  	[sflag:s21] =	ssyncadd.s32 $0xFFFFC000  }
0xa7: {  	[hbm4b:s29+s4] =	stream.linear.scatter [tilespmem:s10], [sflag:$0x8], $0x4000, $0x38;
	[tilespmem:$0x10280] =	vst v63  }
0xa8: {  	_ =	swait.ge [sflag:s23], $0x4000  }
0xa9: {  	[sflag:s23] =	ssyncset.done $0x0  }
0xaa: {  	[sflag:s23] =	ssyncadd.s32 $0xFFFFC000  }
0xab: {  	_ =	swait.ge [sflag:s11], $0x4000  }
0xac: {  	[sflag:s11] =	ssyncset.done $0x0  }
0xad: {  	[sflag:s11] =	ssyncadd.s32 $0xFFFFC000  }
0xae: {  	[hbm4b:s30+s4] =	stream.linear.scatter [tilespmem:s7], [sflag:$0x5], $0x4000, $0x38;
	[tilespmem:$0x10280] =	vst v63  }
0xaf: {  	_ =	swait.ge [sflag:s12], $0x4000  }
0xb0: {  	[sflag:s12] =	ssyncset.done $0x0  }
0xb1: {  	p0 =	sne.s32 s1, $0x1;
	[sflag:s12] =	ssyncadd.s32 $0xFFFFC000  }
.Ltmp1:
0xb2: {  	_ =	swait.ge [sflag:s14], $0x4000;
	(pc) =	sbr.rel @p0 .LBB2_1-.Ltmp1, $4  }
0xb3: {  	[sflag:s14] =	ssyncset.done $0x0  }
0xb4: {  	[sflag:s14] =	ssyncadd.s32 $0xFFFFC000  }
0xb5: {  	[hbm4b:s31+s4] =	stream.linear.scatter [tilespmem:s8], [sflag:$0x6], $0x4000, $0x38;
	[tilespmem:$0x10280] =	vst v63  }
0xb6: {  	s1 =	sadd.s32 $0xFFFFFFFF, s1;
	_ =	swait.ge [sflag:s15], $0x4000  }
.LBB2_2:
0xb7: {  	[sflag:s15] =	ssyncset.done $0x0  }
0xb8: {  	[sflag:s15] =	ssyncadd.s32 $0xFFFFC000  }
0xb9: {  	_ =	sfence.sel $0x180000  }
0xba: {  	[bflag:$0x0] =	sbarrier.arrive $0xFFFF  }
0xbb: {  	_ =	strace $0x90000047  }
0xbc: {  	s0 =	stileid.u32;
	[bflag:$0x2] =	sbarrier.arrive $0xFFFF  }
0xbd: {  	p0 =	sne.s32 s0, $0x0;
	s0 =	rddreg [dreg:$0x3]  }
0xbe: {  	s0 =	sadd.s32 @!p0 $0x100000, s0  }
0xbf: {  	[sflag:s0] =	ssyncadd.tile.s32 @!p0 $0x1;
	_ =	shalt  }
.Lfunc_end2:
_tile_overlayer_lowered:
.L_overlay_start_2:
0xc0: {  	(tag) =	ssettag $0x2  }
0xc1: {  	s0 =	rddreg [dreg:$0x0];
	s2 =	stileid.u32  }
0xc2: {  	s1 =	rddreg [dreg:$0x1];
	p0 =	sne.s32 s2, $0x0  }
0xc3: {  	s3 =	rddreg [dreg:$0x2];
	[bflag:$0x3] =	sbarrier.arrive $0xFFFF;
	s2 =	simm.s32 @!p0 $0x1C09  }
0xc4: {  	[timem:s3], [sflag:s2] =	dma.local @!p0 [hbm:s0], s1  }
0xc5: {  	s0 =	simm.s32 @!p0 $0x9  }
0xc6: {  	_ =	swait.ge @!p0 [sflag:s0], s1  }
0xc7: {  	s1 =	ssub.s32 @!p0 $0x0, s1;
	[sflag:s0] =	ssyncset.done @!p0 $0x0  }
0xc8: {  	[sflag:s0] =	ssyncadd.s32 @!p0 s1  }
0xc9: {  	[bflag:$0x3] =	sbarrier.arrive $0xFFFF  }
0xca: {  	_ =	shalt  }

// kernel: kernel.9.cloned.1.call-start
scs
__scs_entry_jumppad:
0x0: {  	(pc) =	sbr.rel $0x88, $3  }
0x1: {  	(tag) =	ssettag $0x0;
	lr =	simm.s32 $0x1  }
0x2: {  	[smem:$0x3F9D] =	sst lr;
	_ =	strace $0xD0000000  }
0x3: {  	_ = 	snop  }
0x4: {  	_ = 	snop  }
0x5: {  	_ = 	snop  }
0x6: {  	_ = 	snop  }
0x7: {  	_ = 	snop  }
__scs_overlays_trampoline_lowered:
0x8: {  	[smem:$0x3FAC] =	sst s0  }
0x9: {  	[smem:$0x3FAD] =	sst s1  }
0xa: {  	[smem:$0x3FAE] =	sst s2  }
0xb: {  	[smem:$0x3FAF] =	sst s3  }
0xc: {  	[smem:$0x3FB0] =	sst s4  }
0xd: {  	[smem:$0x3FB1] =	sst s5  }
0xe: {  	[smem:$0x3FB2] =	sst s6  }
0xf: {  	[smem:$0x3FB3] =	sst s7  }
0x10: {  	[smem:$0x3FB4] =	sst s8  }
0x11: {  	[smem:$0x3FB5] =	sst s9;
	s0 =	simm.s32 @!p0 $0x0  }
0x12: {  	s1 =	sld [smem:$0x3F9B];
	s0 =	simm.s32 @p0 $0x1  }
0x13: {  	[smem:$0x3FB6] =	sst s0;
	s0 =	simm.s32 @!p1 $0x0  }
0x14: {  	s2 =	sld [smem:$0x3F9A];
	s0 =	simm.s32 @p1 $0x1  }
0x15: {  	[smem:$0x3FB7] =	sst s0;
	s0 =	simm.s32 @!p2 $0x0  }
0x16: {  	s3 =	sld [smem:$0x3FDB];
	s0 =	simm.s32 @p2 $0x1  }
0x17: {  	s4 =	simm.s32 $0x1BF5;
	[smem:$0x3FB9] =	sst s0  }
0x18: {  	s0 =	sld [smem:$0x3F9C];
	_ =	swait.ge [sflag:s4], $0x0  }
0x19: {  	s7 =	sld [smem:$0x3F9D]  }
0x1a: {  	s8 =	sadd.s32 $0xFFFFE003, lr  }
0x1b: {  	s9 =	sadd.s32 $0xFFFFFEF7, lr;
	s5 =	simm.s32 $0xFFFFFFFF;
	p2 =	slt.u32 s8, $0xFFFFF086  }
0x1c: {  	p1 =	slt.u32 s9, $0xF7A;
	s5 =	simm.s32 @!p2 $0x0  }
0x1d: {  	s5 =	simm.s32 @p1 $0x1;
	p0 =	seq.s32 s7, s2  }
0x1e: {  	s7 =	smul.u32 @!p0 $0xF7A, s2;
	p2 =	seq.s32 @!p0 s5, $0x0  }
0x1f: {  	s9 =	smul.u32 $0xF7A, s1;
	s8 =	simm.s32 @!p0 $0x1BF5;
	p2 =	por !p2, p0  }
0x20: {  	[sflag:s8] =	ssyncset.s32 @!p0 $0xFFFFF086;
	s6 =	sadd.s32 @!p0 s3, s7;
	s7 =	simm.s32 @!p0 $0x108  }
0x21: {  	s3 =	sadd.s32 s3, s9;
	s6 =	sadd.s32 @!p0 $0x88, s6;
	s7 =	simm.s32 @p2 $0x1082  }
0x22: {  	[simem:s7], [sflag:s8] =	dma.local @!p0 [hbm:s6], $0xF7A  }
0x23: {  	s9 =	sor.u32 $0xD0000000, s2;
	s6 =	simm.s32 $0x108;
	_ =	swait.ge @!p0 [sflag:s8], $0x0  }
0x24: {  	s3 =	sadd.s32 $0x88, s3;
	s6 =	simm.s32 @!p1 $0x1082;
	[sflag:s4] =	ssyncset.s32 $0xFFFFF086  }
0x25: {  	[simem:s6], [sflag:s4] =	dma.local [hbm:s3], $0xF7A  }
0x26: {  	[smem:$0x3F9D] =	sst s1;
	(tag) =	ssettag s2;
	_ =	strace s9  }
0x27: {  	s1 =	sld [smem:$0x3FAD]  }
0x28: {  	s2 =	sld [smem:$0x3FAE]  }
0x29: {  	s4 =	sld [smem:$0x3FB0]  }
0x2a: {  	p0 =	seq.s32 s5, $0x0;
	s5 =	sld [smem:$0x3FB1]  }
0x2b: {  	s6 =	sld [smem:$0x3FB2]  }
0x2c: {  	s7 =	sld [smem:$0x3FB3]  }
0x2d: {  	s3 =	simm.s32 $0x108;
	s8 =	sld [smem:$0x3FB4]  }
0x2e: {  	s3 =	simm.s32 @!p0 $0x1082;
	s9 =	sld [smem:$0x3FB5]  }
0x2f: {  	lr =	sadd.s32 s0, s3;
	s0 =	sld [smem:$0x3FAC]  }
0x30: {  	s3 =	sld [smem:$0x3FAF]  }
0x31: {  	[smem:$0x3FB8] =	sst s10  }
0x32: {  	s10 =	sld [smem:$0x3FB6];
	_ =	sdelay $0x3  }
0x33: {  	p0 =	seq.s32 s10, $0x1;
	s10 =	sld [smem:$0x3FB8];
	_ =	sdelay $0x3  }
0x34: {  	[smem:$0x3FB8] =	sst s10  }
0x35: {  	s10 =	sld [smem:$0x3FB7];
	_ =	sdelay $0x3  }
0x36: {  	p1 =	seq.s32 s10, $0x1;
	s10 =	sld [smem:$0x3FB8];
	_ =	sdelay $0x3  }
0x37: {  	[smem:$0x3FB8] =	sst s10  }
0x38: {  	s10 =	sld [smem:$0x3FB9]  }
0x39: {  	_ = 	snop;
	(pc) =	sbr.ind lr, $3  }
0x3a: {  	_ = 	snop  }
0x3b: {  	_ = 	snop  }
0x3c: {  	p2 =	seq.s32 s10, $0x1;
	s10 =	sld [smem:$0x3FB8]  }
0x3d: {  	_ =	shalt  }
0x3e: {  	_ =	shalt  }
0x3f: {  	_ =	shalt  }
0x40: {  	_ =	shalt  }
0x41: {  	_ =	shalt  }
0x42: {  	_ =	shalt  }
0x43: {  	_ =	shalt  }
0x44: {  	_ =	shalt  }
0x45: {  	_ =	shalt  }
0x46: {  	_ =	shalt  }
0x47: {  	_ =	shalt  }
0x48: {  	_ =	shalt  }
0x49: {  	_ =	shalt  }
0x4a: {  	_ =	shalt  }
0x4b: {  	_ =	shalt  }
0x4c: {  	_ =	shalt  }
0x4d: {  	_ =	shalt  }
0x4e: {  	_ =	shalt  }
0x4f: {  	_ =	shalt  }
0x50: {  	_ =	shalt  }
0x51: {  	_ =	shalt  }
0x52: {  	_ =	shalt  }
0x53: {  	_ =	shalt  }
0x54: {  	_ =	shalt  }
0x55: {  	_ =	shalt  }
0x56: {  	_ =	shalt  }
0x57: {  	_ =	shalt  }
0x58: {  	_ =	shalt  }
0x59: {  	_ =	shalt  }
0x5a: {  	_ =	shalt  }
0x5b: {  	_ =	shalt  }
0x5c: {  	_ =	shalt  }
0x5d: {  	_ =	shalt  }
0x5e: {  	_ =	shalt  }
0x5f: {  	_ =	shalt  }
0x60: {  	_ =	shalt  }
0x61: {  	_ =	shalt  }
0x62: {  	_ =	shalt  }
0x63: {  	_ =	shalt  }
0x64: {  	_ =	shalt  }
0x65: {  	_ =	shalt  }
0x66: {  	_ =	shalt  }
0x67: {  	_ =	shalt  }
0x68: {  	_ =	shalt  }
0x69: {  	_ =	shalt  }
0x6a: {  	_ =	shalt  }
0x6b: {  	_ =	shalt  }
0x6c: {  	_ =	shalt  }
0x6d: {  	_ =	shalt  }
0x6e: {  	_ =	shalt  }
0x6f: {  	_ =	shalt  }
0x70: {  	_ =	shalt  }
0x71: {  	_ =	shalt  }
0x72: {  	_ =	shalt  }
0x73: {  	_ =	shalt  }
0x74: {  	_ =	shalt  }
0x75: {  	_ =	shalt  }
0x76: {  	_ =	shalt  }
0x77: {  	_ =	shalt  }
0x78: {  	_ =	shalt  }
0x79: {  	_ =	shalt  }
0x7a: {  	_ =	shalt  }
0x7b: {  	_ =	shalt  }
0x7c: {  	_ =	shalt  }
0x7d: {  	_ =	shalt  }
0x7e: {  	_ =	shalt  }
0x7f: {  	_ =	shalt  }
0x80: {  	_ =	shalt  }
0x81: {  	_ =	shalt  }
0x82: {  	_ =	shalt  }
0x83: {  	_ =	shalt  }
0x84: {  	_ =	shalt  }
0x85: {  	_ =	shalt  }
0x86: {  	_ =	shalt  }
0x87: {  	_ =	shalt  }
.Lfunc_end0:
.L_simem_size_0:
called_computation.1_lowered:
.L_overlay_start_0:
0x88: {  	s2 =	sld [smem:$0x3FD9]  }
0x89: {  	s3 =	sld [smem:$0x3FFE];
	_ =	sdelay $0x1  }
0x8a: {  	s1 =	srdreg.scid  }
0x8b: {  	s0 =	sand.u32 $0x1, s1  }
0x8c: {  	s17 =	sshll.u32 s0, $0xA;
	s2 =	sadd.s32 s3, s2  }
0x8d: {  	s2 =	sadd.s32 s2, s17  }
0x8e: {  	[smem:$0x3FC4] =	sst s2  }
0x8f: {  	_ = 	snop  }
0x90: {  	s2 =	sld [smem:$0x3FC8];
	(tm) =	ssettm $0x1  }
0x91: {  	s18 =	sld [smem:$0x3FFB];
	_ =	sdelay $0x3  }
0x92: {  	_ =	strace s18  }
0x93: {  	s3 =	sld [smem:$0x3FFC];
	_ =	sdelay $0x3  }
0x94: {  	_ =	strace s3  }
0x95: {  	s3 =	sld [smem:$0x3FFD];
	_ =	sdelay $0x3  }
0x96: {  	_ =	strace s3  }
0x97: {  	_ =	strace $0x8FFFFFFF  }
0x98: {  	s19 =	sld [smem:$0x3FDB];
	_ =	sdelay $0x1  }
0x99: {  	s4 =	simm.s32 $_scs_section_size  }
0x9a: {  	s5 =	simm.s32 $_size__tile_overlayer_lowered;
	s6 =	simm.s32 $_tile_overlayer_lowered  }
0x9b: {  	s22 =	simm.s32 $0x1BFF;
	s21 =	sshll.u32 s6, $0x1;
	s3 =	sadd.s32 s4, s19  }
0x9c: {  	s7 =	simm.s32 $0x0;
	s20 =	sshll.u32 s5, $0x1;
	s5 =	sadd.s32 s21, s3  }
0x9d: {  	[timem:s7], [sflag:s22] =	dma.local [hbm:s5], s20  }
0x9e: {  	_ =	swait.ge [sflag:s22], s20  }
0x9f: {  	s4 =	ssub.s32 $0x0, s20;
	[sflag:s22] =	ssyncset.done $0x0  }
0xa0: {  	[sflag:s22] =	ssyncadd.s32 s4;
	_ =	sdelay $0x1  }
0xa1: {  	s23 =	simm.s32 $0x1B8B  }
0xa2: {  	_ =	swait.ge [sflag:s23], $0x1  }
0xa3: {  	[sflag:s23] =	ssyncset.done $0x0  }
0xa4: {  	s25 =	simm.s32 $0x1B8E;
	s24 =	sld [smem:$0x3FFE];
	[sflag:s23] =	ssyncadd.s32 $0xFFFFFFFF  }
0xa5: {  	s26 =	simm.s32 $execute0_lowered;
	[smem:$0x3FD2] =	sst s25  }
0xa6: {  	s5 =	sshll.u32 s26, $0x1;
	_ =	strace $0x80000049;
	[dreg:$0x1] =	wrdreg $0xFFFFFFFF  }
0xa7: {  	s28 =	simm.s32 $_size_execute0_lowered;
	s3 =	sadd.s32 s3, s5;
	[dreg:$0x0] =	wrdreg $0x0  }
0xa8: {  	s5 =	sshll.u32 s28, $0x1;
	[dreg:$0x2] =	wrdreg s3  }
0xa9: {  	[dreg:$0x3] =	wrdreg s5  }
0xaa: {  	[dreg:$0x4] =	wrdreg $0xC0  }
0xab: {  	_ =	task [dreg:s7], $0x5FFFF  }
0xac: {  	[dreg:$0x1] =	wrdreg $0xFFFFFFFF  }
0xad: {  	[dreg:$0x0] =	wrdreg $0x60  }
0xae: {  	[dreg:$0x2] =	wrdreg s2  }
0xaf: {  	[dreg:$0x3] =	wrdreg s24  }
0xb0: {  	[dreg:$0x4] =	wrdreg $0x9  }
0xb1: {  	_ =	task.clear_ibuf [dreg:s7], $0x5FFFF;
	_ =	strace $0x90000049  }
0xb2: {  	s29 =	simm.s32 $0x9;
	_ =	strace $0x8000004B  }
0xb3: {  	_ =	swait.ge [sflag:s29], $0x1  }
0xb4: {  	[sflag:s29] =	ssyncadd.s32 $0xFFFFFFFF  }
0xb5: {  	_ =	strace $0x9000004B  }
0xb6: {  	_ =	sfence  }
0xb7: {  	s30 =	sld [smem:$0x0];
	_ =	sdelay $0x2  }
0xb8: {  	s31 =	sshll.u32 s1, $0xD;
	s1 =	sshrl.u32 s1, $0x2  }
0xb9: {  	s3 =	sand.u32 $0x4000, s31;
	s1 =	sadd.s32 s1, s30  }
0xba: {  	s0 =	sor.u32 s3, s0;
	s1 =	sshll.u32 s1, $0x11  }
0xbb: {  	s0 =	sor.u32 s1, s0  }
0xbc: {  	s0 =	sadd.s32 $0x8F2B, s0  }
0xbd: {  	[sflag:s0] =	ssyncadd.remote.s32 $0x1  }
0xbe: {  	_ =	sfence.sel $0xFFFF  }
0xbf: {  	[dreg:$0x0] =	wrdreg $0xFFFFFFFF;
	(pc) =	sbr.abs _section_cstart, $3  }
0xc0: {  	[dreg:$0x1] =	wrdreg $0xFFFFFFFF  }
0xc1: {  	_ =	task.clear_ibuf [dreg:s7], $0x2FFFF;
	_ =	strace $0x9FFFFFFF  }
0xc2: {  	(tm) =	ssettm $0x7FFFFFFF  }
0xc3: {  	_ =	shalt  }
tec
execute0_lowered:
.L_overlay_start_1:
0x0: {  	(tag) =	ssettag $0x1  }
0x1: {  	s6 =	rddreg [dreg:$0x0]  }
0x2: {  	s4 =	rddreg [dreg:$0x1]  }
0x3: {  	s0 =	rddreg [dreg:$0x2];
	s3 =	srdreg.scid  }
0x4: {  	s1 =	stileid.u32;
	s2 =	simm.s32 $0x0;
	s11 =	simm.s32 $0x50  }
0x5: {  	s12 =	simm.s32 $0x14C80;
	s13 =	simm.s32 $0x17480;
	s14 =	simm.s32 $0x1  }
0x6: {  	s15 =	simm.s32 $0x2;
	s16 =	simm.s32 $0x19C80;
	s17 =	simm.s32 $0x3  }
0x7: {  	s18 =	simm.s32 $0x1A480;
	s5 =	sand.u32 $0x1, s3;
	s31 =	sshll.u32 s1, $0x1  }
0x8: {  	s19 =	simm.s32 $0x4;
	s20 =	simm.s32 $0x5;
	s7 =	sor.u32 s5, s31  }
0x9: {  	s21 =	simm.s32 $0x0;
	[smem:$0x7FF] =	sst s2;
	s8 =	smul.u32 $0x2800, s7  }
.Ltmp0:
0xa: {  	s3 =	sadd.s32 $0x51C00, s4;
	s5 =	ssub.s32 $0x2, s5;
	(pc) =	sbr.rel .LBB2_1-.Ltmp0, $4  }
0xb: {  	_ =	strace $0x8000004A;
	s9 =	smul.u32 $0x190, s7;
	s10 =	sshrl.u32 s5, $0x1  }
0xc: {  	s7 =	smul.u32 $0x14000, s7;
	s10 =	ssub.s32 s5, s10;
	s8 =	sadd.s32 s8, s4  }
0xd: {  	s4 =	sadd.s32 $0xA1C00, s4;
	s6 =	sadd.s32 s6, s9;
	s9 =	simm.s32 $0xC80  }
0xe: {  	s5 =	sadd.s32 $0x1C00, s8;
	s8 =	smax.u32 s10, $0x1;
	s10 =	simm.s32 $0x6  }
.LBB2_8:
0xf: {  	s21 =	sadd.s32 $0x1, s21  }
0x10: {  	_ =	swait.ge [sflag:s19], $0x800;
	p0 =	sne.s32 s21, s8  }
.Ltmp1:
0x11: {  	[sflag:s19] =	ssyncset.done $0x0;
	(pc) =	sbr.rel @!p0 .LBB2_9-.Ltmp1, $4  }
0x12: {  	[sflag:s19] =	ssyncadd.s32 $0xFFFFF800  }
0x13: {  	_ =	swait.ge [sflag:s20], $0x800  }
0x14: {  	[sflag:s20] =	ssyncset.done $0x0  }
0x15: {  	[sflag:s20] =	ssyncadd.s32 $0xFFFFF800  }
.LBB2_1:
0x16: {  	[tilespmem:s9], [sflag:$0x1] =	stream.linear.gather [hbm4b:s5+s2], $0x14000, $0x38;
	[tilespmem:$0x1AC80] =	vst v63  }
0x17: {  	_ = 	snop  }
0x18: {  	[tilespmem:s2], [sflag:$0x6] =	stream.linear.gather [hbm4b:s6+s2], $0xC80, $0x38;
	[tilespmem:$0x1AC80] =	vst v63  }
0x19: {  	_ =	swait.ge [sflag:s10], $0xC80  }
0x1a: {  	[sflag:s10] =	ssyncset.done $0x0  }
0x1b: {  	[sflag:s10] =	ssyncadd.s32 $0xFFFFF380  }
0x1c: {  	[tilespmem:s12], [sflag:$0x2] =	stream.indirect.gather [hbm4b:s3+s11], $0x80, s2, s11, $0xb8;
	[tilespmem:$0x1AC80] =	vst v63  }
0x1d: {  	_ = 	snop  }
0x1e: {  	[tilespmem:s13], [sflag:$0x3] =	stream.indirect.gather [hbm4b:s3+s11], $0x80, s11, s11, $0xb8;
	[tilespmem:$0x1AC80] =	vst v63  }
0x1f: {  	_ =	swait.ge [sflag:s14], $0x14000  }
0x20: {  	s22 =	simm.s32 $0xD00;
	[sflag:s14] =	ssyncset.done $0x0  }
0x21: {  	s23 =	simm.s32 $0x1570;
	s24 =	simm.s32 $0x0;
	[sflag:s14] =	ssyncadd.s32 $0xFFFEC000  }
.LBB2_2:
0x22: {  	_ =	swait.ge [sflag:s15], $0x2800  }
0x23: {  	p0 =	seq.s32 s24, $0x0;
	[sflag:s15] =	ssyncset.done $0x0  }
0x24: {  	s26 =	simm.s32 @!p0 $0x4;
	[sflag:s15] =	ssyncadd.s32 $0xFFFFD800  }
0x25: {  	s25 =	sshll.u32 s24, $0x1;
	_ =	swait.ge @!p0 [sflag:s26], $0x800  }
0x26: {  	s28 =	simm.s32 $0x14F00;
	s29 =	simm.s32 $0x19D00;
	[sflag:s26] =	ssyncset.done @!p0 $0x0  }
0x27: {  	s30 =	smov.u32 s22;
	[sflag:s26] =	ssyncadd.s32 @!p0 $0xFFFFF800;
	s26 =	simm.s32 $0xFFFFFFFE  }
.LBB2_3:
0x28: {  	v0 =	vld [tilespmem:s30+$0xFFFFFF80]  }
0x29: {  	v1 =	vld [tilespmem:s30+$0xFFFFFF90]  }
0x2a: {  	v2 =	vld [tilespmem:s30+$0xFFFFFFA0]  }
0x2b: {  	v3 =	vld [tilespmem:s30+$0xFFFFFFB0]  }
0x2c: {  	v4 =	vld [tilespmem:s30+$0xFFFFFFC0]  }
0x2d: {  	v5 =	vld [tilespmem:s30+$0xFFFFFFD0]  }
0x2e: {  	v6 =	vld [tilespmem:s30+$0xFFFFFFE0]  }
0x2f: {  	v7 =	vld [tilespmem:s30+$0xFFFFFFF0]  }
0x30: {  	v8 =	vld [tilespmem:s28+$0xFFFFFD80]  }
0x31: {  	v9 =	vld [tilespmem:s28+$0xFFFFFD90]  }
0x32: {  	v10 =	vld [tilespmem:s28+$0xFFFFFDA0]  }
0x33: {  	v11 =	vld [tilespmem:s28+$0xFFFFFDB0]  }
0x34: {  	v12 =	vld [tilespmem:s28+$0xFFFFFDC0]  }
0x35: {  	v13 =	vld [tilespmem:s28+$0xFFFFFDD0]  }
0x36: {  	v14 =	vld [tilespmem:s28+$0xFFFFFDE0]  }
0x37: {  	v15 =	vld [tilespmem:s28+$0xFFFFFDF0];
	v8 =	vmul.f32 v8, v0;
	v10 =	vmul.f32 v10, v2  }
0x38: {  	v9 =	vmul.f32 v9, v1;
	v11 =	vmul.f32 v11, v3  }
0x39: {  	v54 =	vmul.f32 v12, v4  }
0x3a: {  	v55 =	vmul.f32 v13, v5;
	v8 =	vadd.f32 v10, v8;
	v9 =	vadd.f32 v11, v9  }
0x3b: {  	v56 =	vmul.f32 v14, v6  }
0x3c: {  	v57 =	vmul.f32 v15, v7;
	v8 =	vadd.f32 v54, v8;
	v9 =	vadd.f32 v55, v9;
	_ =	sdelay $0x1  }
0x3d: {  	v8 =	vadd.f32 v56, v8;
	v9 =	vadd.f32 v57, v9;
	_ =	sdelay $0x1  }
0x3e: {  	v8 =	vadd.f32 v9, v8;
	_ =	sdelay $0x1  }
0x3f: {  	[tilespmem:s29+$0xFFFFFF80] =	vst v8  }
0x40: {  	v8 =	vld [tilespmem:s28+$0xFFFFFE00]  }
0x41: {  	v58 =	vld [tilespmem:s28+$0xFFFFFE10]  }
0x42: {  	v59 =	vld [tilespmem:s28+$0xFFFFFE20]  }
0x43: {  	v60 =	vld [tilespmem:s28+$0xFFFFFE30]  }
0x44: {  	v61 =	vld [tilespmem:s28+$0xFFFFFE40]  }
0x45: {  	v62 =	vld [tilespmem:s28+$0xFFFFFE50]  }
0x46: {  	v63 =	vld [tilespmem:s28+$0xFFFFFE60]  }
0x47: {  	v18 =	vld [tilespmem:s28+$0xFFFFFE70];
	v8 =	vmul.f32 v8, v0;
	v10 =	vmul.f32 v59, v2  }
0x48: {  	v9 =	vmul.f32 v58, v1;
	v11 =	vmul.f32 v60, v3  }
0x49: {  	v19 =	vmul.f32 v61, v4  }
0x4a: {  	v20 =	vmul.f32 v62, v5;
	v8 =	vadd.f32 v10, v8;
	v9 =	vadd.f32 v11, v9  }
0x4b: {  	v21 =	vmul.f32 v63, v6  }
0x4c: {  	v22 =	vmul.f32 v18, v7;
	v8 =	vadd.f32 v19, v8;
	v9 =	vadd.f32 v20, v9;
	_ =	sdelay $0x1  }
0x4d: {  	v8 =	vadd.f32 v21, v8;
	v9 =	vadd.f32 v22, v9;
	_ =	sdelay $0x1  }
0x4e: {  	v8 =	vadd.f32 v9, v8;
	_ =	sdelay $0x1  }
0x4f: {  	[tilespmem:s29+$0xFFFFFF90] =	vst v8  }
0x50: {  	v8 =	vld [tilespmem:s28+$0xFFFFFE80]  }
0x51: {  	v23 =	vld [tilespmem:s28+$0xFFFFFE90]  }
0x52: {  	v24 =	vld [tilespmem:s28+$0xFFFFFEA0]  }
0x53: {  	v25 =	vld [tilespmem:s28+$0xFFFFFEB0]  }
0x54: {  	v26 =	vld [tilespmem:s28+$0xFFFFFEC0]  }
0x55: {  	v27 =	vld [tilespmem:s28+$0xFFFFFED0]  }
0x56: {  	v28 =	vld [tilespmem:s28+$0xFFFFFEE0]  }
0x57: {  	v29 =	vld [tilespmem:s28+$0xFFFFFEF0];
	v8 =	vmul.f32 v8, v0;
	v10 =	vmul.f32 v24, v2  }
0x58: {  	v9 =	vmul.f32 v23, v1;
	v11 =	vmul.f32 v25, v3  }
0x59: {  	v30 =	vmul.f32 v26, v4  }
0x5a: {  	v31 =	vmul.f32 v27, v5;
	v8 =	vadd.f32 v10, v8;
	v9 =	vadd.f32 v11, v9  }
0x5b: {  	v32 =	vmul.f32 v28, v6  }
0x5c: {  	v33 =	vmul.f32 v29, v7;
	v8 =	vadd.f32 v30, v8;
	v9 =	vadd.f32 v31, v9;
	_ =	sdelay $0x1  }
0x5d: {  	v8 =	vadd.f32 v32, v8;
	v9 =	vadd.f32 v33, v9;
	_ =	sdelay $0x1  }
0x5e: {  	v8 =	vadd.f32 v9, v8;
	_ =	sdelay $0x1  }
0x5f: {  	[tilespmem:s29+$0xFFFFFFA0] =	vst v8  }
0x60: {  	v8 =	vld [tilespmem:s28+$0xFFFFFF00]  }
0x61: {  	v34 =	vld [tilespmem:s28+$0xFFFFFF10]  }
0x62: {  	v35 =	vld [tilespmem:s28+$0xFFFFFF20]  }
0x63: {  	v36 =	vld [tilespmem:s28+$0xFFFFFF30]  }
0x64: {  	v37 =	vld [tilespmem:s28+$0xFFFFFF40]  }
0x65: {  	v38 =	vld [tilespmem:s28+$0xFFFFFF50]  }
0x66: {  	v39 =	vld [tilespmem:s28+$0xFFFFFF60]  }
0x67: {  	v40 =	vld [tilespmem:s28+$0xFFFFFF70];
	v8 =	vmul.f32 v8, v0;
	v10 =	vmul.f32 v35, v2  }
0x68: {  	v9 =	vmul.f32 v34, v1;
	v11 =	vmul.f32 v36, v3  }
0x69: {  	v41 =	vmul.f32 v37, v4  }
0x6a: {  	v42 =	vmul.f32 v38, v5;
	v8 =	vadd.f32 v10, v8;
	v9 =	vadd.f32 v11, v9  }
0x6b: {  	v43 =	vmul.f32 v39, v6  }
0x6c: {  	v44 =	vmul.f32 v40, v7;
	v8 =	vadd.f32 v41, v8;
	v9 =	vadd.f32 v42, v9;
	_ =	sdelay $0x1  }
0x6d: {  	v8 =	vadd.f32 v43, v8;
	v9 =	vadd.f32 v44, v9;
	_ =	sdelay $0x1  }
0x6e: {  	v8 =	vadd.f32 v9, v8;
	_ =	sdelay $0x1  }
0x6f: {  	[tilespmem:s29+$0xFFFFFFB0] =	vst v8  }
0x70: {  	v8 =	vld [tilespmem:s28+$0xFFFFFF80]  }
0x71: {  	v45 =	vld [tilespmem:s28+$0xFFFFFF90]  }
0x72: {  	v46 =	vld [tilespmem:s28+$0xFFFFFFA0]  }
0x73: {  	v47 =	vld [tilespmem:s28+$0xFFFFFFB0]  }
0x74: {  	v48 =	vld [tilespmem:s28+$0xFFFFFFC0]  }
0x75: {  	v49 =	vld [tilespmem:s28+$0xFFFFFFD0]  }
0x76: {  	v50 =	vld [tilespmem:s28+$0xFFFFFFE0]  }
0x77: {  	v51 =	vld [tilespmem:s28+$0xFFFFFFF0];
	v0 =	vmul.f32 v8, v0;
	v2 =	vmul.f32 v46, v2  }
0x78: {  	v1 =	vmul.f32 v45, v1;
	v3 =	vmul.f32 v47, v3  }
0x79: {  	v52 =	vmul.f32 v48, v4  }
0x7a: {  	v53 =	vmul.f32 v49, v5;
	v0 =	vadd.f32 v2, v0;
	v1 =	vadd.f32 v3, v1  }
0x7b: {  	v54 =	vmul.f32 v50, v6  }
0x7c: {  	v55 =	vmul.f32 v51, v7;
	v0 =	vadd.f32 v52, v0;
	v1 =	vadd.f32 v53, v1;
	_ =	sdelay $0x1  }
0x7d: {  	v0 =	vadd.f32 v54, v0;
	v1 =	vadd.f32 v55, v1;
	_ =	sdelay $0x1  }
0x7e: {  	v0 =	vadd.f32 v1, v0;
	_ =	sdelay $0x1  }
0x7f: {  	[tilespmem:s29+$0xFFFFFFC0] =	vst v0  }
0x80: {  	v0 =	vld [tilespmem:s30+$0x0]  }
0x81: {  	v1 =	vld [tilespmem:s30+$0x10]  }
0x82: {  	v2 =	vld [tilespmem:s30+$0x20]  }
0x83: {  	v3 =	vld [tilespmem:s30+$0x30]  }
0x84: {  	v4 =	vld [tilespmem:s30+$0x40]  }
0x85: {  	v5 =	vld [tilespmem:s30+$0x50]  }
0x86: {  	v6 =	vld [tilespmem:s30+$0x60]  }
0x87: {  	v7 =	vld [tilespmem:s30+$0x70]  }
0x88: {  	v56 =	vld [tilespmem:s28+$0x0]  }
0x89: {  	v57 =	vld [tilespmem:s28+$0x10]  }
0x8a: {  	v58 =	vld [tilespmem:s28+$0x20]  }
0x8b: {  	v59 =	vld [tilespmem:s28+$0x30]  }
0x8c: {  	v60 =	vld [tilespmem:s28+$0x40]  }
0x8d: {  	v61 =	vld [tilespmem:s28+$0x50]  }
0x8e: {  	v62 =	vld [tilespmem:s28+$0x60]  }
0x8f: {  	v63 =	vld [tilespmem:s28+$0x70];
	v8 =	vmul.f32 v56, v0;
	v10 =	vmul.f32 v58, v2  }
0x90: {  	v9 =	vmul.f32 v57, v1;
	v11 =	vmul.f32 v59, v3  }
0x91: {  	v16 =	vmul.f32 v60, v4  }
0x92: {  	v17 =	vmul.f32 v61, v5;
	v8 =	vadd.f32 v10, v8;
	v9 =	vadd.f32 v11, v9  }
0x93: {  	v18 =	vmul.f32 v62, v6  }
0x94: {  	v19 =	vmul.f32 v63, v7;
	v8 =	vadd.f32 v16, v8;
	v9 =	vadd.f32 v17, v9;
	_ =	sdelay $0x1  }
0x95: {  	v8 =	vadd.f32 v18, v8;
	v9 =	vadd.f32 v19, v9;
	_ =	sdelay $0x1  }
0x96: {  	v8 =	vadd.f32 v9, v8;
	_ =	sdelay $0x1  }
0x97: {  	[tilespmem:s29+$0x0] =	vst v8  }
0x98: {  	v8 =	vld [tilespmem:s28+$0x80]  }
0x99: {  	v20 =	vld [tilespmem:s28+$0x90]  }
0x9a: {  	v21 =	vld [tilespmem:s28+$0xA0]  }
0x9b: {  	v22 =	vld [tilespmem:s28+$0xB0]  }
0x9c: {  	v23 =	vld [tilespmem:s28+$0xC0]  }
0x9d: {  	v24 =	vld [tilespmem:s28+$0xD0]  }
0x9e: {  	v25 =	vld [tilespmem:s28+$0xE0]  }
0x9f: {  	v26 =	vld [tilespmem:s28+$0xF0];
	v8 =	vmul.f32 v8, v0;
	v10 =	vmul.f32 v21, v2  }
0xa0: {  	v9 =	vmul.f32 v20, v1;
	v11 =	vmul.f32 v22, v3  }
0xa1: {  	v27 =	vmul.f32 v23, v4  }
0xa2: {  	v28 =	vmul.f32 v24, v5;
	v8 =	vadd.f32 v10, v8;
	v9 =	vadd.f32 v11, v9  }
0xa3: {  	v29 =	vmul.f32 v25, v6  }
0xa4: {  	v30 =	vmul.f32 v26, v7;
	v8 =	vadd.f32 v27, v8;
	v9 =	vadd.f32 v28, v9;
	_ =	sdelay $0x1  }
0xa5: {  	v8 =	vadd.f32 v29, v8;
	v9 =	vadd.f32 v30, v9;
	_ =	sdelay $0x1  }
0xa6: {  	v8 =	vadd.f32 v9, v8;
	_ =	sdelay $0x1  }
0xa7: {  	[tilespmem:s29+$0x10] =	vst v8  }
0xa8: {  	v8 =	vld [tilespmem:s28+$0x100]  }
0xa9: {  	v31 =	vld [tilespmem:s28+$0x110]  }
0xaa: {  	v32 =	vld [tilespmem:s28+$0x120]  }
0xab: {  	v33 =	vld [tilespmem:s28+$0x130]  }
0xac: {  	v34 =	vld [tilespmem:s28+$0x140]  }
0xad: {  	v35 =	vld [tilespmem:s28+$0x150]  }
0xae: {  	v36 =	vld [tilespmem:s28+$0x160]  }
0xaf: {  	v37 =	vld [tilespmem:s28+$0x170];
	v8 =	vmul.f32 v8, v0;
	v10 =	vmul.f32 v32, v2  }
0xb0: {  	v9 =	vmul.f32 v31, v1;
	v11 =	vmul.f32 v33, v3  }
0xb1: {  	v38 =	vmul.f32 v34, v4  }
0xb2: {  	v39 =	vmul.f32 v35, v5;
	v8 =	vadd.f32 v10, v8;
	v9 =	vadd.f32 v11, v9  }
0xb3: {  	v40 =	vmul.f32 v36, v6  }
0xb4: {  	v41 =	vmul.f32 v37, v7;
	v8 =	vadd.f32 v38, v8;
	v9 =	vadd.f32 v39, v9;
	_ =	sdelay $0x1  }
0xb5: {  	v8 =	vadd.f32 v40, v8;
	v9 =	vadd.f32 v41, v9;
	_ =	sdelay $0x1  }
0xb6: {  	v8 =	vadd.f32 v9, v8;
	_ =	sdelay $0x1  }
0xb7: {  	[tilespmem:s29+$0x20] =	vst v8  }
0xb8: {  	v8 =	vld [tilespmem:s28+$0x180]  }
0xb9: {  	v42 =	vld [tilespmem:s28+$0x190]  }
0xba: {  	v43 =	vld [tilespmem:s28+$0x1A0]  }
0xbb: {  	v44 =	vld [tilespmem:s28+$0x1B0]  }
0xbc: {  	v45 =	vld [tilespmem:s28+$0x1C0]  }
0xbd: {  	v46 =	vld [tilespmem:s28+$0x1D0]  }
0xbe: {  	v47 =	vld [tilespmem:s28+$0x1E0]  }
0xbf: {  	v48 =	vld [tilespmem:s28+$0x1F0];
	v8 =	vmul.f32 v8, v0;
	v10 =	vmul.f32 v43, v2  }
0xc0: {  	v9 =	vmul.f32 v42, v1;
	v11 =	vmul.f32 v44, v3  }
0xc1: {  	v49 =	vmul.f32 v45, v4  }
0xc2: {  	v50 =	vmul.f32 v46, v5;
	v8 =	vadd.f32 v10, v8;
	v9 =	vadd.f32 v11, v9  }
0xc3: {  	v51 =	vmul.f32 v47, v6  }
0xc4: {  	v52 =	vmul.f32 v48, v7;
	v8 =	vadd.f32 v49, v8;
	v9 =	vadd.f32 v50, v9;
	_ =	sdelay $0x1  }
0xc5: {  	v8 =	vadd.f32 v51, v8;
	v9 =	vadd.f32 v52, v9;
	_ =	sdelay $0x1  }
0xc6: {  	v8 =	vadd.f32 v9, v8;
	_ =	sdelay $0x1  }
0xc7: {  	[tilespmem:s29+$0x30] =	vst v8  }
0xc8: {  	v8 =	vld [tilespmem:s28+$0x200]  }
0xc9: {  	v53 =	vld [tilespmem:s28+$0x210]  }
0xca: {  	v54 =	vld [tilespmem:s28+$0x220]  }
0xcb: {  	v55 =	vld [tilespmem:s28+$0x230]  }
0xcc: {  	v56 =	vld [tilespmem:s28+$0x240]  }
0xcd: {  	v57 =	vld [tilespmem:s28+$0x250]  }
0xce: {  	v58 =	vld [tilespmem:s28+$0x260]  }
0xcf: {  	v59 =	vld [tilespmem:s28+$0x270];
	v0 =	vmul.f32 v8, v0;
	v2 =	vmul.f32 v54, v2  }
0xd0: {  	v1 =	vmul.f32 v53, v1;
	v3 =	vmul.f32 v55, v3  }
0xd1: {  	v60 =	vmul.f32 v56, v4  }
0xd2: {  	v61 =	vmul.f32 v57, v5;
	v0 =	vadd.f32 v2, v0;
	v1 =	vadd.f32 v3, v1  }
0xd3: {  	v62 =	vmul.f32 v58, v6  }
0xd4: {  	s26 =	sadd.s32 $0x2, s26;
	v63 =	vmul.f32 v59, v7;
	v0 =	vadd.f32 v60, v0;
	v1 =	vadd.f32 v61, v1  }
0xd5: {  	p1 =	slt.u32 s26, $0xE  }
.Ltmp2:
0xd6: {  	v0 =	vadd.f32 v62, v0;
	v1 =	vadd.f32 v63, v1;
	(pc) =	sbr.rel @p1 .LBB2_3-.Ltmp2, $3  }
0xd7: {  	_ = 	snop  }
0xd8: {  	v0 =	vadd.f32 v1, v0;
	_ =	sdelay $0x1  }
0xd9: {  	s30 =	sadd.s32 $0x100, s30;
	s28 =	sadd.s32 $0x500, s28;
	[tilespmem:s29+$0x40] =	vst v0;
	s29 =	sadd.s32 $0x100, s29  }
0xda: {  	s26 =	sshll.u32 s24, $0xC  }
0xdb: {  	s26 =	sadd.s32 s7, s26  }
0xdc: {  	p1 =	seq.s32 s24, $0x13;
	s26 =	sshrl.u32 s26, $0x3  }
0xdd: {  	s28 =	smul.u32 @!p1 $0x280, s24;
	s26 =	sadd.s32 s4, s26  }
0xde: {  	[hbm4b:s26+s2] =	stream.linear.scatter [tilespmem:s16], [sflag:$0x4], $0x800, $0x38;
	[tilespmem:$0x1AC80] =	vst v63  }
0xdf: {  	s26 =	sshra.s32 @!p1 s28, $0x2  }
0xe0: {  	s29 =	simm.s32 @!p1 $0x14C80;
	s28 =	simm.s32 @!p1 $0x50;
	s26 =	sadd.s32 @!p1 $0xA0, s26  }
0xe1: {  	[tilespmem:s29], [sflag:$0x2] =	stream.indirect.gather @!p1 [hbm4b:s3+s28], $0x80, s26, s28, $0xb8;
	[tilespmem:$0x1AC80] =	vst v63  }
0xe2: {  	_ =	swait.ge [sflag:s17], $0x2800  }
0xe3: {  	[sflag:s17] =	ssyncset.done $0x0  }
0xe4: {  	s26 =	simm.s32 @!p0 $0x5;
	[sflag:s17] =	ssyncadd.s32 $0xFFFFD800  }
0xe5: {  	s25 =	sor.u32 $0x1, s25;
	_ =	swait.ge @!p0 [sflag:s26], $0x800  }
0xe6: {  	s30 =	smov.u32 s23;
	s28 =	simm.s32 $0x17970;
	[sflag:s26] =	ssyncset.done @!p0 $0x0  }
0xe7: {  	s29 =	simm.s32 $0x1A540;
	[sflag:s26] =	ssyncadd.s32 @!p0 $0xFFFFF800;
	s26 =	simm.s32 $0xFFFFFFFE  }
.LBB2_5:
0xe8: {  	v0 =	vld [tilespmem:s30+$0xFFFFFF10]  }
0xe9: {  	v1 =	vld [tilespmem:s30+$0xFFFFFF20]  }
0xea: {  	v2 =	vld [tilespmem:s30+$0xFFFFFF30]  }
0xeb: {  	v3 =	vld [tilespmem:s30+$0xFFFFFF40]  }
0xec: {  	v4 =	vld [tilespmem:s30+$0xFFFFFF50]  }
0xed: {  	v5 =	vld [tilespmem:s30+$0xFFFFFF60]  }
0xee: {  	v6 =	vld [tilespmem:s30+$0xFFFFFF70]  }
0xef: {  	v7 =	vld [tilespmem:s30+$0xFFFFFF80]  }
0xf0: {  	v8 =	vld [tilespmem:s28+$0xFFFFFB10]  }
0xf1: {  	v9 =	vld [tilespmem:s28+$0xFFFFFB20]  }
0xf2: {  	v10 =	vld [tilespmem:s28+$0xFFFFFB30]  }
0xf3: {  	v11 =	vld [tilespmem:s28+$0xFFFFFB40]  }
0xf4: {  	v12 =	vld [tilespmem:s28+$0xFFFFFB50]  }
0xf5: {  	v13 =	vld [tilespmem:s28+$0xFFFFFB60]  }
0xf6: {  	v14 =	vld [tilespmem:s28+$0xFFFFFB70]  }
0xf7: {  	v15 =	vld [tilespmem:s28+$0xFFFFFB80];
	v8 =	vmul.f32 v8, v0;
	v10 =	vmul.f32 v10, v2  }
0xf8: {  	v9 =	vmul.f32 v9, v1;
	v11 =	vmul.f32 v11, v3  }
0xf9: {  	v54 =	vmul.f32 v12, v4  }
0xfa: {  	v55 =	vmul.f32 v13, v5;
	v8 =	vadd.f32 v10, v8;
	v9 =	vadd.f32 v11, v9  }
0xfb: {  	v56 =	vmul.f32 v14, v6  }
0xfc: {  	v57 =	vmul.f32 v15, v7;
	v8 =	vadd.f32 v54, v8;
	v9 =	vadd.f32 v55, v9;
	_ =	sdelay $0x1  }
0xfd: {  	v8 =	vadd.f32 v56, v8;
	v9 =	vadd.f32 v57, v9;
	_ =	sdelay $0x1  }
0xfe: {  	v8 =	vadd.f32 v9, v8;
	_ =	sdelay $0x1  }
0xff: {  	[tilespmem:s29+$0xFFFFFF40] =	vst v8  }
0x100: {  	v8 =	vld [tilespmem:s28+$0xFFFFFB90]  }
0x101: {  	v58 =	vld [tilespmem:s28+$0xFFFFFBA0]  }
0x102: {  	v59 =	vld [tilespmem:s28+$0xFFFFFBB0]  }
0x103: {  	v60 =	vld [tilespmem:s28+$0xFFFFFBC0]  }
0x104: {  	v61 =	vld [tilespmem:s28+$0xFFFFFBD0]  }
0x105: {  	v62 =	vld [tilespmem:s28+$0xFFFFFBE0]  }
0x106: {  	v63 =	vld [tilespmem:s28+$0xFFFFFBF0]  }
0x107: {  	v18 =	vld [tilespmem:s28+$0xFFFFFC00];
	v8 =	vmul.f32 v8, v0;
	v10 =	vmul.f32 v59, v2  }
0x108: {  	v9 =	vmul.f32 v58, v1;
	v11 =	vmul.f32 v60, v3  }
0x109: {  	v19 =	vmul.f32 v61, v4  }
0x10a: {  	v20 =	vmul.f32 v62, v5;
	v8 =	vadd.f32 v10, v8;
	v9 =	vadd.f32 v11, v9  }
0x10b: {  	v21 =	vmul.f32 v63, v6  }
0x10c: {  	v22 =	vmul.f32 v18, v7;
	v8 =	vadd.f32 v19, v8;
	v9 =	vadd.f32 v20, v9;
	_ =	sdelay $0x1  }
0x10d: {  	v8 =	vadd.f32 v21, v8;
	v9 =	vadd.f32 v22, v9;
	_ =	sdelay $0x1  }
0x10e: {  	v8 =	vadd.f32 v9, v8;
	_ =	sdelay $0x1  }
0x10f: {  	[tilespmem:s29+$0xFFFFFF50] =	vst v8  }
0x110: {  	v8 =	vld [tilespmem:s28+$0xFFFFFC10]  }
0x111: {  	v23 =	vld [tilespmem:s28+$0xFFFFFC20]  }
0x112: {  	v24 =	vld [tilespmem:s28+$0xFFFFFC30]  }
0x113: {  	v25 =	vld [tilespmem:s28+$0xFFFFFC40]  }
0x114: {  	v26 =	vld [tilespmem:s28+$0xFFFFFC50]  }
0x115: {  	v27 =	vld [tilespmem:s28+$0xFFFFFC60]  }
0x116: {  	v28 =	vld [tilespmem:s28+$0xFFFFFC70]  }
0x117: {  	v29 =	vld [tilespmem:s28+$0xFFFFFC80];
	v8 =	vmul.f32 v8, v0;
	v10 =	vmul.f32 v24, v2  }
0x118: {  	v9 =	vmul.f32 v23, v1;
	v11 =	vmul.f32 v25, v3  }
0x119: {  	v30 =	vmul.f32 v26, v4  }
0x11a: {  	v31 =	vmul.f32 v27, v5;
	v8 =	vadd.f32 v10, v8;
	v9 =	vadd.f32 v11, v9  }
0x11b: {  	v32 =	vmul.f32 v28, v6  }
0x11c: {  	v33 =	vmul.f32 v29, v7;
	v8 =	vadd.f32 v30, v8;
	v9 =	vadd.f32 v31, v9;
	_ =	sdelay $0x1  }
0x11d: {  	v8 =	vadd.f32 v32, v8;
	v9 =	vadd.f32 v33, v9;
	_ =	sdelay $0x1  }
0x11e: {  	v8 =	vadd.f32 v9, v8;
	_ =	sdelay $0x1  }
0x11f: {  	[tilespmem:s29+$0xFFFFFF60] =	vst v8  }
0x120: {  	v8 =	vld [tilespmem:s28+$0xFFFFFC90]  }
0x121: {  	v34 =	vld [tilespmem:s28+$0xFFFFFCA0]  }
0x122: {  	v35 =	vld [tilespmem:s28+$0xFFFFFCB0]  }
0x123: {  	v36 =	vld [tilespmem:s28+$0xFFFFFCC0]  }
0x124: {  	v37 =	vld [tilespmem:s28+$0xFFFFFCD0]  }
0x125: {  	v38 =	vld [tilespmem:s28+$0xFFFFFCE0]  }
0x126: {  	v39 =	vld [tilespmem:s28+$0xFFFFFCF0]  }
0x127: {  	v40 =	vld [tilespmem:s28+$0xFFFFFD00];
	v8 =	vmul.f32 v8, v0;
	v10 =	vmul.f32 v35, v2  }
0x128: {  	v9 =	vmul.f32 v34, v1;
	v11 =	vmul.f32 v36, v3  }
0x129: {  	v41 =	vmul.f32 v37, v4  }
0x12a: {  	v42 =	vmul.f32 v38, v5;
	v8 =	vadd.f32 v10, v8;
	v9 =	vadd.f32 v11, v9  }
0x12b: {  	v43 =	vmul.f32 v39, v6  }
0x12c: {  	v44 =	vmul.f32 v40, v7;
	v8 =	vadd.f32 v41, v8;
	v9 =	vadd.f32 v42, v9;
	_ =	sdelay $0x1  }
0x12d: {  	v8 =	vadd.f32 v43, v8;
	v9 =	vadd.f32 v44, v9;
	_ =	sdelay $0x1  }
0x12e: {  	v8 =	vadd.f32 v9, v8;
	_ =	sdelay $0x1  }
0x12f: {  	[tilespmem:s29+$0xFFFFFF70] =	vst v8  }
0x130: {  	v8 =	vld [tilespmem:s28+$0xFFFFFD10]  }
0x131: {  	v45 =	vld [tilespmem:s28+$0xFFFFFD20]  }
0x132: {  	v46 =	vld [tilespmem:s28+$0xFFFFFD30]  }
0x133: {  	v47 =	vld [tilespmem:s28+$0xFFFFFD40]  }
0x134: {  	v48 =	vld [tilespmem:s28+$0xFFFFFD50]  }
0x135: {  	v49 =	vld [tilespmem:s28+$0xFFFFFD60]  }
0x136: {  	v50 =	vld [tilespmem:s28+$0xFFFFFD70]  }
0x137: {  	v51 =	vld [tilespmem:s28+$0xFFFFFD80];
	v0 =	vmul.f32 v8, v0;
	v2 =	vmul.f32 v46, v2  }
0x138: {  	v1 =	vmul.f32 v45, v1;
	v3 =	vmul.f32 v47, v3  }
0x139: {  	v52 =	vmul.f32 v48, v4  }
0x13a: {  	v53 =	vmul.f32 v49, v5;
	v0 =	vadd.f32 v2, v0;
	v1 =	vadd.f32 v3, v1  }
0x13b: {  	v54 =	vmul.f32 v50, v6  }
0x13c: {  	v55 =	vmul.f32 v51, v7;
	v0 =	vadd.f32 v52, v0;
	v1 =	vadd.f32 v53, v1;
	_ =	sdelay $0x1  }
0x13d: {  	v0 =	vadd.f32 v54, v0;
	v1 =	vadd.f32 v55, v1;
	_ =	sdelay $0x1  }
0x13e: {  	v0 =	vadd.f32 v1, v0;
	_ =	sdelay $0x1  }
0x13f: {  	[tilespmem:s29+$0xFFFFFF80] =	vst v0  }
0x140: {  	v0 =	vld [tilespmem:s30+$0xFFFFFF90]  }
0x141: {  	v1 =	vld [tilespmem:s30+$0xFFFFFFA0]  }
0x142: {  	v2 =	vld [tilespmem:s30+$0xFFFFFFB0]  }
0x143: {  	v3 =	vld [tilespmem:s30+$0xFFFFFFC0]  }
0x144: {  	v4 =	vld [tilespmem:s30+$0xFFFFFFD0]  }
0x145: {  	v5 =	vld [tilespmem:s30+$0xFFFFFFE0]  }
0x146: {  	v6 =	vld [tilespmem:s30+$0xFFFFFFF0]  }
0x147: {  	v7 =	vld [tilespmem:s30+$0x0]  }
0x148: {  	v56 =	vld [tilespmem:s28+$0xFFFFFD90]  }
0x149: {  	v57 =	vld [tilespmem:s28+$0xFFFFFDA0]  }
0x14a: {  	v58 =	vld [tilespmem:s28+$0xFFFFFDB0]  }
0x14b: {  	v59 =	vld [tilespmem:s28+$0xFFFFFDC0]  }
0x14c: {  	v60 =	vld [tilespmem:s28+$0xFFFFFDD0]  }
0x14d: {  	v61 =	vld [tilespmem:s28+$0xFFFFFDE0]  }
0x14e: {  	v62 =	vld [tilespmem:s28+$0xFFFFFDF0]  }
0x14f: {  	v63 =	vld [tilespmem:s28+$0xFFFFFE00];
	v8 =	vmul.f32 v56, v0;
	v10 =	vmul.f32 v58, v2  }
0x150: {  	v9 =	vmul.f32 v57, v1;
	v11 =	vmul.f32 v59, v3  }
0x151: {  	v16 =	vmul.f32 v60, v4  }
0x152: {  	v17 =	vmul.f32 v61, v5;
	v8 =	vadd.f32 v10, v8;
	v9 =	vadd.f32 v11, v9  }
0x153: {  	v18 =	vmul.f32 v62, v6  }
0x154: {  	v19 =	vmul.f32 v63, v7;
	v8 =	vadd.f32 v16, v8;
	v9 =	vadd.f32 v17, v9;
	_ =	sdelay $0x1  }
0x155: {  	v8 =	vadd.f32 v18, v8;
	v9 =	vadd.f32 v19, v9;
	_ =	sdelay $0x1  }
0x156: {  	v8 =	vadd.f32 v9, v8;
	_ =	sdelay $0x1  }
0x157: {  	[tilespmem:s29+$0xFFFFFFC0] =	vst v8  }
0x158: {  	v8 =	vld [tilespmem:s28+$0xFFFFFE10]  }
0x159: {  	v20 =	vld [tilespmem:s28+$0xFFFFFE20]  }
0x15a: {  	v21 =	vld [tilespmem:s28+$0xFFFFFE30]  }
0x15b: {  	v22 =	vld [tilespmem:s28+$0xFFFFFE40]  }
0x15c: {  	v23 =	vld [tilespmem:s28+$0xFFFFFE50]  }
0x15d: {  	v24 =	vld [tilespmem:s28+$0xFFFFFE60]  }
0x15e: {  	v25 =	vld [tilespmem:s28+$0xFFFFFE70]  }
0x15f: {  	v26 =	vld [tilespmem:s28+$0xFFFFFE80];
	v8 =	vmul.f32 v8, v0;
	v10 =	vmul.f32 v21, v2  }
0x160: {  	v9 =	vmul.f32 v20, v1;
	v11 =	vmul.f32 v22, v3  }
0x161: {  	v27 =	vmul.f32 v23, v4  }
0x162: {  	v28 =	vmul.f32 v24, v5;
	v8 =	vadd.f32 v10, v8;
	v9 =	vadd.f32 v11, v9  }
0x163: {  	v29 =	vmul.f32 v25, v6  }
0x164: {  	v30 =	vmul.f32 v26, v7;
	v8 =	vadd.f32 v27, v8;
	v9 =	vadd.f32 v28, v9;
	_ =	sdelay $0x1  }
0x165: {  	v8 =	vadd.f32 v29, v8;
	v9 =	vadd.f32 v30, v9;
	_ =	sdelay $0x1  }
0x166: {  	v8 =	vadd.f32 v9, v8;
	_ =	sdelay $0x1  }
0x167: {  	[tilespmem:s29+$0xFFFFFFD0] =	vst v8  }
0x168: {  	v8 =	vld [tilespmem:s28+$0xFFFFFE90]  }
0x169: {  	v31 =	vld [tilespmem:s28+$0xFFFFFEA0]  }
0x16a: {  	v32 =	vld [tilespmem:s28+$0xFFFFFEB0]  }
0x16b: {  	v33 =	vld [tilespmem:s28+$0xFFFFFEC0]  }
0x16c: {  	v34 =	vld [tilespmem:s28+$0xFFFFFED0]  }
0x16d: {  	v35 =	vld [tilespmem:s28+$0xFFFFFEE0]  }
0x16e: {  	v36 =	vld [tilespmem:s28+$0xFFFFFEF0]  }
0x16f: {  	v37 =	vld [tilespmem:s28+$0xFFFFFF00];
	v8 =	vmul.f32 v8, v0;
	v10 =	vmul.f32 v32, v2  }
0x170: {  	v9 =	vmul.f32 v31, v1;
	v11 =	vmul.f32 v33, v3  }
0x171: {  	v38 =	vmul.f32 v34, v4  }
0x172: {  	v39 =	vmul.f32 v35, v5;
	v8 =	vadd.f32 v10, v8;
	v9 =	vadd.f32 v11, v9  }
0x173: {  	v40 =	vmul.f32 v36, v6  }
0x174: {  	v41 =	vmul.f32 v37, v7;
	v8 =	vadd.f32 v38, v8;
	v9 =	vadd.f32 v39, v9;
	_ =	sdelay $0x1  }
0x175: {  	v8 =	vadd.f32 v40, v8;
	v9 =	vadd.f32 v41, v9;
	_ =	sdelay $0x1  }
0x176: {  	v8 =	vadd.f32 v9, v8;
	_ =	sdelay $0x1  }
0x177: {  	[tilespmem:s29+$0xFFFFFFE0] =	vst v8  }
0x178: {  	v8 =	vld [tilespmem:s28+$0xFFFFFF10]  }
0x179: {  	v42 =	vld [tilespmem:s28+$0xFFFFFF20]  }
0x17a: {  	v43 =	vld [tilespmem:s28+$0xFFFFFF30]  }
0x17b: {  	v44 =	vld [tilespmem:s28+$0xFFFFFF40]  }
0x17c: {  	v45 =	vld [tilespmem:s28+$0xFFFFFF50]  }
0x17d: {  	v46 =	vld [tilespmem:s28+$0xFFFFFF60]  }
0x17e: {  	v47 =	vld [tilespmem:s28+$0xFFFFFF70]  }
0x17f: {  	v48 =	vld [tilespmem:s28+$0xFFFFFF80];
	v8 =	vmul.f32 v8, v0;
	v10 =	vmul.f32 v43, v2  }
0x180: {  	v9 =	vmul.f32 v42, v1;
	v11 =	vmul.f32 v44, v3  }
0x181: {  	v49 =	vmul.f32 v45, v4  }
0x182: {  	v50 =	vmul.f32 v46, v5;
	v8 =	vadd.f32 v10, v8;
	v9 =	vadd.f32 v11, v9  }
0x183: {  	v51 =	vmul.f32 v47, v6  }
0x184: {  	v52 =	vmul.f32 v48, v7;
	v8 =	vadd.f32 v49, v8;
	v9 =	vadd.f32 v50, v9;
	_ =	sdelay $0x1  }
0x185: {  	v8 =	vadd.f32 v51, v8;
	v9 =	vadd.f32 v52, v9;
	_ =	sdelay $0x1  }
0x186: {  	v8 =	vadd.f32 v9, v8;
	_ =	sdelay $0x1  }
0x187: {  	[tilespmem:s29+$0xFFFFFFF0] =	vst v8  }
0x188: {  	v8 =	vld [tilespmem:s28+$0xFFFFFF90]  }
0x189: {  	v53 =	vld [tilespmem:s28+$0xFFFFFFA0]  }
0x18a: {  	v54 =	vld [tilespmem:s28+$0xFFFFFFB0]  }
0x18b: {  	v55 =	vld [tilespmem:s28+$0xFFFFFFC0]  }
0x18c: {  	v56 =	vld [tilespmem:s28+$0xFFFFFFD0]  }
0x18d: {  	v57 =	vld [tilespmem:s28+$0xFFFFFFE0]  }
0x18e: {  	v58 =	vld [tilespmem:s28+$0xFFFFFFF0]  }
0x18f: {  	v59 =	vld [tilespmem:s28+$0x0];
	v0 =	vmul.f32 v8, v0;
	v2 =	vmul.f32 v54, v2  }
0x190: {  	v1 =	vmul.f32 v53, v1;
	v3 =	vmul.f32 v55, v3  }
0x191: {  	v60 =	vmul.f32 v56, v4  }
0x192: {  	v61 =	vmul.f32 v57, v5;
	v0 =	vadd.f32 v2, v0;
	v1 =	vadd.f32 v3, v1  }
0x193: {  	v62 =	vmul.f32 v58, v6  }
0x194: {  	s26 =	sadd.s32 $0x2, s26;
	v63 =	vmul.f32 v59, v7;
	v0 =	vadd.f32 v60, v0;
	v1 =	vadd.f32 v61, v1  }
0x195: {  	p0 =	slt.u32 s26, $0xE  }
.Ltmp3:
0x196: {  	v0 =	vadd.f32 v62, v0;
	v1 =	vadd.f32 v63, v1;
	(pc) =	sbr.rel @p0 .LBB2_5-.Ltmp3, $3  }
0x197: {  	_ = 	snop  }
0x198: {  	v0 =	vadd.f32 v1, v0;
	_ =	sdelay $0x1  }
0x199: {  	s30 =	sadd.s32 $0x100, s30;
	s28 =	sadd.s32 $0x500, s28;
	[tilespmem:s29+$0x0] =	vst v0;
	s29 =	sadd.s32 $0x100, s29  }
.Ltmp4:
0x19a: {  	s25 =	sshll.u32 s25, $0xB;
	(pc) =	sbr.rel @p1 .LBB2_8-.Ltmp4, $4  }
0x19b: {  	s25 =	sadd.s32 s7, s25  }
0x19c: {  	s25 =	sshrl.u32 s25, $0x3  }
0x19d: {  	s25 =	sadd.s32 s4, s25  }
0x19e: {  	[hbm4b:s25+s2] =	stream.linear.scatter [tilespmem:s18], [sflag:$0x5], $0x800, $0x38;
	[tilespmem:$0x1AC80] =	vst v63  }
0x19f: {  	s25 =	smul.u32 $0x280, s24  }
.Ltmp5:
0x1a0: {  	_ = 	snop;
	(pc) =	sbr.rel .LBB2_2-.Ltmp5, $4  }
0x1a1: {  	_ = 	snop  }
0x1a2: {  	s24 =	sadd.s32 $0x1, s24;
	s25 =	sshra.s32 s25, $0x2  }
0x1a3: {  	s22 =	sadd.s32 $0x1000, s22;
	s23 =	sadd.s32 $0x1000, s23;
	s25 =	sadd.s32 $0xF0, s25  }
0x1a4: {  	[tilespmem:s13], [sflag:$0x3] =	stream.indirect.gather [hbm4b:s3+s11], $0x80, s25, s11, $0xb8;
	[tilespmem:$0x1AC80] =	vst v63  }
.LBB2_9:
0x1a5: {  	_ =	sfence.sel $0x180000  }
0x1a6: {  	[bflag:$0x0] =	sbarrier.arrive $0xFFFF  }
0x1a7: {  	p0 =	sne.s32 s1, $0x0;
	_ =	strace $0x9000004A  }
0x1a8: {  	s0 =	sadd.s32 @!p0 $0x100000, s0;
	[bflag:$0x2] =	sbarrier.arrive $0xFFFF  }
0x1a9: {  	[sflag:s0] =	ssyncadd.tile.s32 @!p0 $0x1;
	_ =	shalt  }
.Lfunc_end2:
_tile_overlayer_lowered:
.L_overlay_start_2:
0x1aa: {  	(tag) =	ssettag $0x2  }
0x1ab: {  	s0 =	rddreg [dreg:$0x0];
	s2 =	stileid.u32  }
0x1ac: {  	s1 =	rddreg [dreg:$0x1];
	p0 =	sne.s32 s2, $0x0  }
0x1ad: {  	s3 =	rddreg [dreg:$0x2];
	[bflag:$0x3] =	sbarrier.arrive $0xFFFF;
	s2 =	simm.s32 @!p0 $0x1C06  }
0x1ae: {  	[timem:s3], [sflag:s2] =	dma.local @!p0 [hbm:s0], s1  }
0x1af: {  	s0 =	simm.s32 @!p0 $0x6  }
0x1b0: {  	_ =	swait.ge @!p0 [sflag:s0], s1  }
0x1b1: {  	s1 =	ssub.s32 @!p0 $0x0, s1;
	[sflag:s0] =	ssyncset.done @!p0 $0x0  }
0x1b2: {  	[sflag:s0] =	ssyncadd.s32 @!p0 s1  }
0x1b3: {  	[bflag:$0x3] =	sbarrier.arrive $0xFFFF  }
0x1b4: {  	_ =	shalt  }

</sc_bundles>
